<compile_context>
chip_gen: v7x
topology: tpu7x:2x2x1
jax: 0.10.2.dev20260603
libtpu: 0.0.44.dev20260713+nightly
codegen_flags: <defaults>
</compile_context>

<pallas_src>
import functools

import jax
import jax.numpy as jnp
from jax import lax
from jax.experimental import pallas as pl
from jax.experimental.pallas import tpu as pltpu
from jax.experimental.pallas import tpu_sc as plsc

N_TOK = 32768
D = 4096
BITS = 6

BM = 1024
M_SC = 1024
M_TC = N_TOK - M_SC

NW = 32
RPW = M_SC // NW
TB = 8
NB = 2
TBC = 4


def _lsh_tc_kernel(x_ref, w_ref, gates_ref, dec_ref):
    xb = x_ref[...].astype(jnp.bfloat16)
    wb = w_ref[...].astype(jnp.bfloat16)
    ht = jax.lax.dot_general(
        wb, xb, (((0,), (1,)), ((), ())),
        preferred_element_type=jnp.float32,
    )
    powers = (1 << jnp.arange(BITS - 1, -1, -1, dtype=jnp.int32)).astype(
        jnp.float32)[:, None]
    dec = jnp.sum(jnp.where(ht > 0, powers, 0.0), axis=0)
    dec_ref[...] = dec
    gates_ref[...] = jnp.ones_like(dec)


_GATHER_DNUMS = lax.GatherDimensionNumbers(
    offset_dims=(), collapsed_slice_dims=(0,), start_index_map=(0,))


def _shuffle(v, idx):
    return lax.gather(
        v, idx[:, None], _GATHER_DNUMS, slice_sizes=(1,),
        mode=lax.GatherScatterMode.PROMISE_IN_BOUNDS)


def _round_bf16(v):
    u = lax.bitcast_convert_type(v, jnp.uint32)
    rb = (u >> 16) & jnp.uint32(1)
    u = (u + jnp.uint32(0x7FFF) + rb) & jnp.uint32(0xFFFF0000)
    return lax.bitcast_convert_type(u, jnp.float32)


def _hsum(v, lane):
    for sh in (8, 4, 2, 1):
        v = v + _shuffle(v, lane ^ sh)
    return v


def _lsh_sc_body(x_hbm, wt_hbm, gates_hbm, dec_hbm,
                 wt_v, xbuf, decbuf, gbuf, sems):
    cid = lax.axis_index("c")
    sid = lax.axis_index("s")
    wid = sid * 2 + cid
    row0 = wid * RPW
    xrow0 = M_TC + row0

    pltpu.sync_copy(wt_hbm, wt_v)

    def round_w(ci, carry):
        base = ci * 16
        for j in range(BITS):
            wt_v[j, pl.ds(base, 16)] = _round_bf16(wt_v[j, pl.ds(base, 16)])
        return carry

    lax.fori_loop(0, D // 16, round_w, 0)

    ones16 = jnp.ones((16,), jnp.float32)
    for i in range(RPW // 16):
        gbuf[pl.ds(i * 16, 16)] = ones16

    def start_dma(step, b):
        pltpu.make_async_copy(
            x_hbm.at[pl.ds(xrow0 + step * TB, TB), :],
            xbuf.at[b],
            sems.at[b],
        ).start()

    def wait_dma(step, b):
        pltpu.make_async_copy(
            x_hbm.at[pl.ds(xrow0 + step * TB, TB), :],
            xbuf.at[b],
            sems.at[b],
        ).wait()

    for b in range(NB):
        start_dma(b, b)

    nsteps = RPW // TB

    lane = lax.iota(jnp.int32, 16)

    def outer(i, carry):
        g0 = i * NB
        decv = jnp.zeros((16,), jnp.float32)
        for b in range(NB):
            g = g0 + b
            wait_dma(g, b)

            for sub in range(TB // TBC):

                def chunk(ci, accs, _b=b, _sub=sub):
                    base = ci * 16
                    wvs = [wt_v[j, pl.ds(base, 16)] for j in range(BITS)]
                    out = []
                    for t in range(TBC):
                        xv = xbuf[_b, _sub * TBC + t, pl.ds(base, 16)]
                        xr = _round_bf16(xv)
                        for j in range(BITS):
                            out.append(accs[t * BITS + j] + xr * wvs[j])
                    return tuple(out)

                accs = lax.fori_loop(
                    0, D // 16, chunk,
                    tuple(jnp.zeros((16,), jnp.float32)
                          for _ in range(TBC * BITS)))

                for t in range(TBC):
                    dec = jnp.zeros((16,), jnp.float32)
                    for j in range(BITS):
                        h = _hsum(accs[t * BITS + j], lane)
                        dec = dec + jnp.where(
                            h > 0, jnp.float32(1 << (BITS - 1 - j)),
                            jnp.float32(0))
                    decv = jnp.where(
                        lane == b * TB + sub * TBC + t, dec, decv)

            @pl.when(g + NB < nsteps)
            def _(_g=g, _b=b):
                start_dma(_g + NB, _b)

        decbuf[pl.ds(i * (NB * TB), NB * TB)] = decv
        return carry

    lax.fori_loop(0, nsteps // NB, outer, 0)

    pltpu.sync_copy(decbuf, dec_hbm.at[pl.ds(row0, RPW)])
    pltpu.sync_copy(gbuf, gates_hbm.at[pl.ds(row0, RPW)])


def _tc_part(x, W):
    return pl.pallas_call(
        _lsh_tc_kernel,
        grid=(M_TC // BM,),
        in_specs=[
            pl.BlockSpec((BM, D), lambda i: (i, 0)),
            pl.BlockSpec((D, BITS), lambda i: (0, 0)),
        ],
        out_specs=[
            pl.BlockSpec((BM,), lambda i: (i,)),
            pl.BlockSpec((BM,), lambda i: (i,)),
        ],
        out_shape=[
            jax.ShapeDtypeStruct((M_TC,), jnp.float32),
            jax.ShapeDtypeStruct((M_TC,), jnp.float32),
        ],
    )(x, W)


def _sc_part(x, wt):
    mesh = plsc.VectorSubcoreMesh(core_axis_name="c", subcore_axis_name="s")
    run = pl.kernel(
        _lsh_sc_body,
        out_type=[
            jax.ShapeDtypeStruct((M_SC,), jnp.float32),
            jax.ShapeDtypeStruct((M_SC,), jnp.float32),
        ],
        mesh=mesh,
        scratch_types=[
            pltpu.VMEM((BITS, D), jnp.float32),
            pltpu.VMEM((NB, TB, D), jnp.float32),
            pltpu.VMEM((RPW,), jnp.float32),
            pltpu.VMEM((RPW,), jnp.float32),
            pltpu.SemaphoreType.DMA((NB,)),
        ],
    )
    return run(x, wt)


def _sc_part_interp(x, wt):
    mesh = plsc.VectorSubcoreMesh(core_axis_name="c", subcore_axis_name="s")
    run = pl.kernel(
        _lsh_sc_body,
        out_type=[
            jax.ShapeDtypeStruct((M_SC,), jnp.float32),
            jax.ShapeDtypeStruct((M_SC,), jnp.float32),
        ],
        mesh=mesh,
        interpret=True,
        scratch_types=[
            pltpu.VMEM((BITS, D), jnp.float32),
            pltpu.VMEM((NB, TB, D), jnp.float32),
            pltpu.VMEM((RPW,), jnp.float32),
            pltpu.VMEM((RPW,), jnp.float32),
            pltpu.SemaphoreType.DMA((NB,)),
        ],
    )
    return run(x, wt)


def kernel(x, W):
    wt = W.T
    gates_tc, dec_tc = _tc_part(x, W)
    gates_sc, dec_sc = _sc_part(x, wt)
    gates = jnp.concatenate([gates_tc, gates_sc])
    dec = jnp.concatenate([dec_tc, dec_sc])
    return gates, dec

# --- scband reference (transcript-rebuilt; emitter-appended) ---
"""Pipeline reference for scband-lshrouter-32418413150763 (READ-ONLY COPY).

The authoritative reference and input builder live on the scoring server;
editing this copy changes nothing except your own understanding.
"""

import jax, jax.numpy as jnp
import numpy as np

D_MODEL = 4096
N_TOKENS = 32768
BITS = 6


def setup_inputs(seed: int = 0) -> dict:
    key = jax.random.key(seed)
    k1, k2 = jax.random.split(key)
    x = jax.random.normal(k1, (N_TOKENS, D_MODEL), dtype=jnp.float32)
    # LSH random hyperplane projection matrix (learned/fixed parameter of the LSH submodule)
    W = jax.random.normal(k2, (D_MODEL, BITS), dtype=jnp.float32)
    return {"x": x, "W": W}


def bin2dec(b, bits):
    mask = (2 ** jnp.arange(bits - 1, -1, -1)).astype(b.dtype)
    return jnp.sum(mask * b, -1)


def reference(x, W):
    # LSH: sign-of-projection hashing -> binary codes in {0,1}
    h = (x @ W > 0).astype(x.dtype)  # [N_TOKENS, BITS]
    dec = bin2dec(h, BITS)           # [N_TOKENS] expert ids in [0, 2^BITS)
    gates = jnp.ones((x.shape[0],), dtype=x.dtype)
    return (gates, dec)

if __name__ == "__main__":
    import jax
    _d = setup_inputs()
    print(jax.jit(kernel)(*tuple(_d.values())))

</pallas_src>

<mosaic_0001>
#map = affine_map<(d0, d1) -> (0, 0)>
#map1 = affine_map<(d0, d1) -> (0)>
module attributes {stable_mosaic.version = 14 : i64} {
  func.func @_lsh_sc_body(%arg0: i32, %arg1: i32, %arg2: memref<32768x4096xf32, #tpu.memory_space<hbm>>, %arg3: memref<6x4096xf32, #tpu.memory_space<hbm>>, %arg4: memref<1024xf32, #tpu.memory_space<hbm>>, %arg5: memref<1024xf32, #tpu.memory_space<hbm>>, %arg6: memref<6x4096xf32, #tpu.memory_space<vmem>>, %arg7: memref<2x8x4096xf32, #tpu.memory_space<vmem>>, %arg8: memref<32xf32, #tpu.memory_space<vmem>>, %arg9: memref<32xf32, #tpu.memory_space<vmem>>, %arg10: memref<2x!tpu.dma_semaphore, #tpu.memory_space<semaphore_mem>>) attributes {dimension_semantics = [#tpu.dimension_semantics<core_parallel>, #tpu.dimension_semantics<subcore_parallel>], iteration_bounds = array<i64: 2, 16>, scalar_prefetch = 0 : i64, scratch_operands = 5 : i64, tpu.core_type = #tpu.core_type<sc_vector_subcore>, window_params = [{transform_indices = #map}, {transform_indices = #map}, {transform_indices = #map1}, {transform_indices = #map1}]} {
    %mul3A = arith.constant 2 : i32
    %mul3A_0 = arith.muli %arg1, %mul3A : i32
    %add3A = arith.addi %mul3A_0, %arg0 : i32
    %mul3A_1 = arith.constant 32 : i32
    %mul3A_2 = arith.muli %add3A, %mul3A_1 : i32
    %add3A_3 = arith.constant 31744 : i32
    %add3A_4 = arith.addi %add3A_3, %mul3A_2 : i32
    "tpu.region"() ({
      %run_scoped3A = tpu.sem_alloc : memref<!tpu.dma_semaphore, #tpu.memory_space<semaphore_mem>>
      tpu.enqueue_dma source(%arg3 : memref<6x4096xf32, #tpu.memory_space<hbm>>) target(%arg6 : memref<6x4096xf32, #tpu.memory_space<vmem>>) target_semaphore(%run_scoped3A : memref<!tpu.dma_semaphore, #tpu.memory_space<semaphore_mem>>)
      tpu.wait_dma2 semaphore(%run_scoped3A : memref<!tpu.dma_semaphore, #tpu.memory_space<semaphore_mem>>) src(%arg3 : memref<6x4096xf32, #tpu.memory_space<hbm>>) dst(%arg6 : memref<6x4096xf32, #tpu.memory_space<vmem>>)
      tpu.yield
    }) : () -> ()
    %scan3A = arith.constant 0 : i32
    %scan3A_5 = arith.constant 0 : i32
    %scan3A_6 = arith.constant 256 : i32
    %scan3A_7 = arith.addi %scan3A_5, %scan3A_6 : i32
    %scan3A_8 = arith.constant 1 : i32
    scf.for %scan3A_59 = %scan3A_5 to %scan3A_7 step %scan3A_8  : i32 {
      %mul3A_60 = arith.constant 16 : i32
      %mul3A_61 = arith.muli %scan3A_59, %mul3A_60 : i32
      %get3A = arith.constant 0 : i32
      %get3A_62 = arith.index_cast %get3A : i32 to index
      %get3A_63 = arith.index_cast %mul3A_61 : i32 to index
      %get3A_64 = tpu.vector_load %arg6[%get3A_62, %get3A_63] {strides = array<i32>} : memref<6x4096xf32, #tpu.memory_space<vmem>>, vector<1x16xf32>,
      %get3A_65 = vector.shape_cast %get3A_64 : vector<1x16xf32> to vector<16xf32>
      %bitcast_convert_type3A = tpu.bitcast %get3A_65 : vector<16xf32> -> vector<16xi32>
      %shift_right_logical3A = arith.constant 16 : i32
      %shift_right_logical3A_66 = vector.broadcast %shift_right_logical3A : i32 to vector<16xi32>
      %shift_right_logical3A_67 = arith.shrui %bitcast_convert_type3A, %shift_right_logical3A_66 : vector<16xi32>
      %and3A = arith.constant 1 : i32
      %and3A_68 = vector.broadcast %and3A : i32 to vector<16xi32>
      %and3A_69 = arith.andi %shift_right_logical3A_67, %and3A_68 : vector<16xi32>
      %add3A_70 = arith.constant 32767 : i32
      %add3A_71 = vector.broadcast %add3A_70 : i32 to vector<16xi32>
      %add3A_72 = arith.addi %bitcast_convert_type3A, %add3A_71 : vector<16xi32>
      %add3A_73 = arith.addi %add3A_72, %and3A_69 : vector<16xi32>
      %and3A_74 = arith.constant -65536 : i32
      %and3A_75 = vector.broadcast %and3A_74 : i32 to vector<16xi32>
      %and3A_76 = arith.andi %add3A_73, %and3A_75 : vector<16xi32>
      %bitcast_convert_type3A_77 = tpu.bitcast %and3A_76 : vector<16xi32> -> vector<16xf32>
      %swap3A_78 = arith.constant 0 : i32
      %swap3A_79 = arith.index_cast %swap3A_78 : i32 to index
      %swap3A_80 = arith.index_cast %mul3A_61 : i32 to index
      %swap3A_81 = tpu.vector_load %arg6[%swap3A_79, %swap3A_80] {strides = array<i32>} : memref<6x4096xf32, #tpu.memory_space<vmem>>, vector<1x16xf32>,
      %swap3A_82 = vector.shape_cast %swap3A_81 : vector<1x16xf32> to vector<16xf32>
      %swap3A_83 = vector.shape_cast %bitcast_convert_type3A_77 : vector<16xf32> to vector<1x16xf32>
      tpu.vector_store %arg6[%swap3A_79, %swap3A_80], %swap3A_83 {strides = array<i32>} : memref<6x4096xf32, #tpu.memory_space<vmem>>, vector<1x16xf32>,
      %get3A_84 = arith.constant 1 : i32
      %get3A_85 = arith.index_cast %get3A_84 : i32 to index
      %get3A_86 = arith.index_cast %mul3A_61 : i32 to index
      %get3A_87 = tpu.vector_load %arg6[%get3A_85, %get3A_86] {strides = array<i32>} : memref<6x4096xf32, #tpu.memory_space<vmem>>, vector<1x16xf32>,
      %get3A_88 = vector.shape_cast %get3A_87 : vector<1x16xf32> to vector<16xf32>
      %bitcast_convert_type3A_89 = tpu.bitcast %get3A_88 : vector<16xf32> -> vector<16xi32>
      %shift_right_logical3A_90 = arith.constant 16 : i32
      %shift_right_logical3A_91 = vector.broadcast %shift_right_logical3A_90 : i32 to vector<16xi32>
      %shift_right_logical3A_92 = arith.shrui %bitcast_convert_type3A_89, %shift_right_logical3A_91 : vector<16xi32>
      %and3A_93 = arith.constant 1 : i32
      %and3A_94 = vector.broadcast %and3A_93 : i32 to vector<16xi32>
      %and3A_95 = arith.andi %shift_right_logical3A_92, %and3A_94 : vector<16xi32>
      %add3A_96 = arith.constant 32767 : i32
      %add3A_97 = vector.broadcast %add3A_96 : i32 to vector<16xi32>
      %add3A_98 = arith.addi %bitcast_convert_type3A_89, %add3A_97 : vector<16xi32>
      %add3A_99 = arith.addi %add3A_98, %and3A_95 : vector<16xi32>
      %and3A_100 = arith.constant -65536 : i32
      %and3A_101 = vector.broadcast %and3A_100 : i32 to vector<16xi32>
      %and3A_102 = arith.andi %add3A_99, %and3A_101 : vector<16xi32>
      %bitcast_convert_type3A_103 = tpu.bitcast %and3A_102 : vector<16xi32> -> vector<16xf32>
      %swap3A_104 = arith.constant 1 : i32
      %swap3A_105 = arith.index_cast %swap3A_104 : i32 to index
      %swap3A_106 = arith.index_cast %mul3A_61 : i32 to index
      %swap3A_107 = tpu.vector_load %arg6[%swap3A_105, %swap3A_106] {strides = array<i32>} : memref<6x4096xf32, #tpu.memory_space<vmem>>, vector<1x16xf32>,
      %swap3A_108 = vector.shape_cast %swap3A_107 : vector<1x16xf32> to vector<16xf32>
      %swap3A_109 = vector.shape_cast %bitcast_convert_type3A_103 : vector<16xf32> to vector<1x16xf32>
      tpu.vector_store %arg6[%swap3A_105, %swap3A_106], %swap3A_109 {strides = array<i32>} : memref<6x4096xf32, #tpu.memory_space<vmem>>, vector<1x16xf32>,
      %get3A_110 = arith.constant 2 : i32
      %get3A_111 = arith.index_cast %get3A_110 : i32 to index
      %get3A_112 = arith.index_cast %mul3A_61 : i32 to index
      %get3A_113 = tpu.vector_load %arg6[%get3A_111, %get3A_112] {strides = array<i32>} : memref<6x4096xf32, #tpu.memory_space<vmem>>, vector<1x16xf32>,
      %get3A_114 = vector.shape_cast %get3A_113 : vector<1x16xf32> to vector<16xf32>
      %bitcast_convert_type3A_115 = tpu.bitcast %get3A_114 : vector<16xf32> -> vector<16xi32>
      %shift_right_logical3A_116 = arith.constant 16 : i32
      %shift_right_logical3A_117 = vector.broadcast %shift_right_logical3A_116 : i32 to vector<16xi32>
      %shift_right_logical3A_118 = arith.shrui %bitcast_convert_type3A_115, %shift_right_logical3A_117 : vector<16xi32>
      %and3A_119 = arith.constant 1 : i32
      %and3A_120 = vector.broadcast %and3A_119 : i32 to vector<16xi32>
      %and3A_121 = arith.andi %shift_right_logical3A_118, %and3A_120 : vector<16xi32>
      %add3A_122 = arith.constant 32767 : i32
      %add3A_123 = vector.broadcast %add3A_122 : i32 to vector<16xi32>
      %add3A_124 = arith.addi %bitcast_convert_type3A_115, %add3A_123 : vector<16xi32>
      %add3A_125 = arith.addi %add3A_124, %and3A_121 : vector<16xi32>
      %and3A_126 = arith.constant -65536 : i32
      %and3A_127 = vector.broadcast %and3A_126 : i32 to vector<16xi32>
      %and3A_128 = arith.andi %add3A_125, %and3A_127 : vector<16xi32>
      %bitcast_convert_type3A_129 = tpu.bitcast %and3A_128 : vector<16xi32> -> vector<16xf32>
      %swap3A_130 = arith.constant 2 : i32
      %swap3A_131 = arith.index_cast %swap3A_130 : i32 to index
      %swap3A_132 = arith.index_cast %mul3A_61 : i32 to index
      %swap3A_133 = tpu.vector_load %arg6[%swap3A_131, %swap3A_132] {strides = array<i32>} : memref<6x4096xf32, #tpu.memory_space<vmem>>, vector<1x16xf32>,
      %swap3A_134 = vector.shape_cast %swap3A_133 : vector<1x16xf32> to vector<16xf32>
      %swap3A_135 = vector.shape_cast %bitcast_convert_type3A_129 : vector<16xf32> to vector<1x16xf32>
      tpu.vector_store %arg6[%swap3A_131, %swap3A_132], %swap3A_135 {strides = array<i32>} : memref<6x4096xf32, #tpu.memory_space<vmem>>, vector<1x16xf32>,
      %get3A_136 = arith.constant 3 : i32
      %get3A_137 = arith.index_cast %get3A_136 : i32 to index
      %get3A_138 = arith.index_cast %mul3A_61 : i32 to index
      %get3A_139 = tpu.vector_load %arg6[%get3A_137, %get3A_138] {strides = array<i32>} : memref<6x4096xf32, #tpu.memory_space<vmem>>, vector<1x16xf32>,
      %get3A_140 = vector.shape_cast %get3A_139 : vector<1x16xf32> to vector<16xf32>
      %bitcast_convert_type3A_141 = tpu.bitcast %get3A_140 : vector<16xf32> -> vector<16xi32>
      %shift_right_logical3A_142 = arith.constant 16 : i32
      %shift_right_logical3A_143 = vector.broadcast %shift_right_logical3A_142 : i32 to vector<16xi32>
      %shift_right_logical3A_144 = arith.shrui %bitcast_convert_type3A_141, %shift_right_logical3A_143 : vector<16xi32>
      %and3A_145 = arith.constant 1 : i32
      %and3A_146 = vector.broadcast %and3A_145 : i32 to vector<16xi32>
      %and3A_147 = arith.andi %shift_right_logical3A_144, %and3A_146 : vector<16xi32>
      %add3A_148 = arith.constant 32767 : i32
      %add3A_149 = vector.broadcast %add3A_148 : i32 to vector<16xi32>
      %add3A_150 = arith.addi %bitcast_convert_type3A_141, %add3A_149 : vector<16xi32>
      %add3A_151 = arith.addi %add3A_150, %and3A_147 : vector<16xi32>
      %and3A_152 = arith.constant -65536 : i32
      %and3A_153 = vector.broadcast %and3A_152 : i32 to vector<16xi32>
      %and3A_154 = arith.andi %add3A_151, %and3A_153 : vector<16xi32>
      %bitcast_convert_type3A_155 = tpu.bitcast %and3A_154 : vector<16xi32> -> vector<16xf32>
      %swap3A_156 = arith.constant 3 : i32
      %swap3A_157 = arith.index_cast %swap3A_156 : i32 to index
      %swap3A_158 = arith.index_cast %mul3A_61 : i32 to index
      %swap3A_159 = tpu.vector_load %arg6[%swap3A_157, %swap3A_158] {strides = array<i32>} : memref<6x4096xf32, #tpu.memory_space<vmem>>, vector<1x16xf32>,
      %swap3A_160 = vector.shape_cast %swap3A_159 : vector<1x16xf32> to vector<16xf32>
      %swap3A_161 = vector.shape_cast %bitcast_convert_type3A_155 : vector<16xf32> to vector<1x16xf32>
      tpu.vector_store %arg6[%swap3A_157, %swap3A_158], %swap3A_161 {strides = array<i32>} : memref<6x4096xf32, #tpu.memory_space<vmem>>, vector<1x16xf32>,
      %get3A_162 = arith.constant 4 : i32
      %get3A_163 = arith.index_cast %get3A_162 : i32 to index
      %get3A_164 = arith.index_cast %mul3A_61 : i32 to index
      %get3A_165 = tpu.vector_load %arg6[%get3A_163, %get3A_164] {strides = array<i32>} : memref<6x4096xf32, #tpu.memory_space<vmem>>, vector<1x16xf32>,
      %get3A_166 = vector.shape_cast %get3A_165 : vector<1x16xf32> to vector<16xf32>
      %bitcast_convert_type3A_167 = tpu.bitcast %get3A_166 : vector<16xf32> -> vector<16xi32>
      %shift_right_logical3A_168 = arith.constant 16 : i32
      %shift_right_logical3A_169 = vector.broadcast %shift_right_logical3A_168 : i32 to vector<16xi32>
      %shift_right_logical3A_170 = arith.shrui %bitcast_convert_type3A_167, %shift_right_logical3A_169 : vector<16xi32>
      %and3A_171 = arith.constant 1 : i32
      %and3A_172 = vector.broadcast %and3A_171 : i32 to vector<16xi32>
      %and3A_173 = arith.andi %shift_right_logical3A_170, %and3A_172 : vector<16xi32>
      %add3A_174 = arith.constant 32767 : i32
      %add3A_175 = vector.broadcast %add3A_174 : i32 to vector<16xi32>
      %add3A_176 = arith.addi %bitcast_convert_type3A_167, %add3A_175 : vector<16xi32>
      %add3A_177 = arith.addi %add3A_176, %and3A_173 : vector<16xi32>
      %and3A_178 = arith.constant -65536 : i32
      %and3A_179 = vector.broadcast %and3A_178 : i32 to vector<16xi32>
      %and3A_180 = arith.andi %add3A_177, %and3A_179 : vector<16xi32>
      %bitcast_convert_type3A_181 = tpu.bitcast %and3A_180 : vector<16xi32> -> vector<16xf32>
      %swap3A_182 = arith.constant 4 : i32
      %swap3A_183 = arith.index_cast %swap3A_182 : i32 to index
      %swap3A_184 = arith.index_cast %mul3A_61 : i32 to index
      %swap3A_185 = tpu.vector_load %arg6[%swap3A_183, %swap3A_184] {strides = array<i32>} : memref<6x4096xf32, #tpu.memory_space<vmem>>, vector<1x16xf32>,
      %swap3A_186 = vector.shape_cast %swap3A_185 : vector<1x16xf32> to vector<16xf32>
      %swap3A_187 = vector.shape_cast %bitcast_convert_type3A_181 : vector<16xf32> to vector<1x16xf32>
      tpu.vector_store %arg6[%swap3A_183, %swap3A_184], %swap3A_187 {strides = array<i32>} : memref<6x4096xf32, #tpu.memory_space<vmem>>, vector<1x16xf32>,
      %get3A_188 = arith.constant 5 : i32
      %get3A_189 = arith.index_cast %get3A_188 : i32 to index
      %get3A_190 = arith.index_cast %mul3A_61 : i32 to index
      %get3A_191 = tpu.vector_load %arg6[%get3A_189, %get3A_190] {strides = array<i32>} : memref<6x4096xf32, #tpu.memory_space<vmem>>, vector<1x16xf32>,
      %get3A_192 = vector.shape_cast %get3A_191 : vector<1x16xf32> to vector<16xf32>
      %bitcast_convert_type3A_193 = tpu.bitcast %get3A_192 : vector<16xf32> -> vector<16xi32>
      %shift_right_logical3A_194 = arith.constant 16 : i32
      %shift_right_logical3A_195 = vector.broadcast %shift_right_logical3A_194 : i32 to vector<16xi32>
      %shift_right_logical3A_196 = arith.shrui %bitcast_convert_type3A_193, %shift_right_logical3A_195 : vector<16xi32>
      %and3A_197 = arith.constant 1 : i32
      %and3A_198 = vector.broadcast %and3A_197 : i32 to vector<16xi32>
      %and3A_199 = arith.andi %shift_right_logical3A_196, %and3A_198 : vector<16xi32>
      %add3A_200 = arith.constant 32767 : i32
      %add3A_201 = vector.broadcast %add3A_200 : i32 to vector<16xi32>
      %add3A_202 = arith.addi %bitcast_convert_type3A_193, %add3A_201 : vector<16xi32>
      %add3A_203 = arith.addi %add3A_202, %and3A_199 : vector<16xi32>
      %and3A_204 = arith.constant -65536 : i32
      %and3A_205 = vector.broadcast %and3A_204 : i32 to vector<16xi32>
      %and3A_206 = arith.andi %add3A_203, %and3A_205 : vector<16xi32>
      %bitcast_convert_type3A_207 = tpu.bitcast %and3A_206 : vector<16xi32> -> vector<16xf32>
      %swap3A_208 = arith.constant 5 : i32
      %swap3A_209 = arith.index_cast %swap3A_208 : i32 to index
      %swap3A_210 = arith.index_cast %mul3A_61 : i32 to index
      %swap3A_211 = tpu.vector_load %arg6[%swap3A_209, %swap3A_210] {strides = array<i32>} : memref<6x4096xf32, #tpu.memory_space<vmem>>, vector<1x16xf32>,
      %swap3A_212 = vector.shape_cast %swap3A_211 : vector<1x16xf32> to vector<16xf32>
      %swap3A_213 = vector.shape_cast %bitcast_convert_type3A_207 : vector<16xf32> to vector<1x16xf32>
      tpu.vector_store %arg6[%swap3A_209, %swap3A_210], %swap3A_213 {strides = array<i32>} : memref<6x4096xf32, #tpu.memory_space<vmem>>, vector<1x16xf32>,
    }
    %scan3A_9 = arith.constant 256 : i32
    %broadcast_in_dim3A = arith.constant 1.000000e+00 : f32
    %broadcast_in_dim3A_10 = vector.broadcast %broadcast_in_dim3A : f32 to vector<16xf32>
    %swap3A = arith.constant 0 : index
    %swap3A_11 = tpu.vector_load %arg9[%swap3A] {strides = array<i32>} : memref<32xf32, #tpu.memory_space<vmem>>, vector<16xf32>,
    %swap3A_12 = vector.shape_cast %swap3A_11 : vector<16xf32> to vector<16xf32>
    %swap3A_13 = vector.shape_cast %broadcast_in_dim3A_10 : vector<16xf32> to vector<16xf32>
    tpu.vector_store %arg9[%swap3A], %swap3A_13 {strides = array<i32>} : memref<32xf32, #tpu.memory_space<vmem>>, vector<16xf32>,
    %swap3A_14 = arith.constant 16 : index
    %swap3A_15 = tpu.vector_load %arg9[%swap3A_14] {strides = array<i32>} : memref<32xf32, #tpu.memory_space<vmem>>, vector<16xf32>,
    %swap3A_16 = vector.shape_cast %swap3A_15 : vector<16xf32> to vector<16xf32>
    %swap3A_17 = vector.shape_cast %broadcast_in_dim3A_10 : vector<16xf32> to vector<16xf32>
    tpu.vector_store %arg9[%swap3A_14], %swap3A_17 {strides = array<i32>} : memref<32xf32, #tpu.memory_space<vmem>>, vector<16xf32>,
    %add3A_18 = arith.constant 0 : i32
    %add3A_19 = arith.addi %add3A_4, %add3A_18 : i32
    %dma_start3A = arith.constant 0 : i32
    %dma_start3A_20 = arith.constant 0 : i32
    %dma_start3A_21 = arith.constant 0 : i32
    %dma_start3A_22 = arith.constant 0 : i32
    %dma_start3A_23 = tpu.memref_slice %arg7[%dma_start3A, %dma_start3A_21, %dma_start3A_22] : memref<2x8x4096xf32, #tpu.memory_space<vmem>> -> memref<1x8x4096xf32, #tpu.memory_space<vmem>>
    %dma_start3A_24 = tpu.memref_squeeze %dma_start3A_23 : memref<1x8x4096xf32, #tpu.memory_space<vmem>> -> memref<8x4096xf32, #tpu.memory_space<vmem>>
    %dma_start3A_25 = arith.constant 0 : i32
    %dma_start3A_26 = tpu.memref_slice %arg2[%add3A_19, %dma_start3A_25] : memref<32768x4096xf32, #tpu.memory_space<hbm>> -> memref<8x4096xf32, #tpu.memory_space<hbm>>
    %dma_start3A_27 = tpu.memref_slice %arg10[%dma_start3A_20] : memref<2x!tpu.dma_semaphore, #tpu.memory_space<semaphore_mem>> -> memref<1x!tpu.dma_semaphore, #tpu.memory_space<semaphore_mem>>
    %dma_start3A_28 = tpu.memref_squeeze %dma_start3A_27 : memref<1x!tpu.dma_semaphore, #tpu.memory_space<semaphore_mem>> -> memref<!tpu.dma_semaphore, #tpu.memory_space<semaphore_mem>>
    %dma_start3A_29 = arith.constant 0 : i32
    %dma_start3A_30 = arith.constant 0 : i32
    %dma_start3A_31 = tpu.memref_slice %arg7[%dma_start3A, %dma_start3A_29, %dma_start3A_30] : memref<2x8x4096xf32, #tpu.memory_space<vmem>> -> memref<1x8x4096xf32, #tpu.memory_space<vmem>>
    %dma_start3A_32 = tpu.memref_squeeze %dma_start3A_31 : memref<1x8x4096xf32, #tpu.memory_space<vmem>> -> memref<8x4096xf32, #tpu.memory_space<vmem>>
    %dma_start3A_33 = arith.constant 0 : i32
    %dma_start3A_34 = tpu.memref_slice %arg2[%add3A_19, %dma_start3A_33] : memref<32768x4096xf32, #tpu.memory_space<hbm>> -> memref<8x4096xf32, #tpu.memory_space<hbm>>
    tpu.enqueue_dma source(%dma_start3A_34 : memref<8x4096xf32, #tpu.memory_space<hbm>>) target(%dma_start3A_32 : memref<8x4096xf32, #tpu.memory_space<vmem>>) target_semaphore(%dma_start3A_28 : memref<!tpu.dma_semaphore, #tpu.memory_space<semaphore_mem>>)
    %add3A_35 = arith.constant 8 : i32
    %add3A_36 = arith.addi %add3A_4, %add3A_35 : i32
    %dma_start3A_37 = arith.constant 1 : i32
    %dma_start3A_38 = arith.constant 1 : i32
    %dma_start3A_39 = arith.constant 0 : i32
    %dma_start3A_40 = arith.constant 0 : i32
    %dma_start3A_41 = tpu.memref_slice %arg7[%dma_start3A_37, %dma_start3A_39, %dma_start3A_40] : memref<2x8x4096xf32, #tpu.memory_space<vmem>> -> memref<1x8x4096xf32, #tpu.memory_space<vmem>>
    %dma_start3A_42 = tpu.memref_squeeze %dma_start3A_41 : memref<1x8x4096xf32, #tpu.memory_space<vmem>> -> memref<8x4096xf32, #tpu.memory_space<vmem>>
    %dma_start3A_43 = arith.constant 0 : i32
    %dma_start3A_44 = tpu.memref_slice %arg2[%add3A_36, %dma_start3A_43] : memref<32768x4096xf32, #tpu.memory_space<hbm>> -> memref<8x4096xf32, #tpu.memory_space<hbm>>
    %dma_start3A_45 = tpu.memref_slice %arg10[%dma_start3A_38] : memref<2x!tpu.dma_semaphore, #tpu.memory_space<semaphore_mem>> -> memref<1x!tpu.dma_semaphore, #tpu.memory_space<semaphore_mem>>
    %dma_start3A_46 = tpu.memref_squeeze %dma_start3A_45 : memref<1x!tpu.dma_semaphore, #tpu.memory_space<semaphore_mem>> -> memref<!tpu.dma_semaphore, #tpu.memory_space<semaphore_mem>>
    %dma_start3A_47 = arith.constant 0 : i32
    %dma_start3A_48 = arith.constant 0 : i32
    %dma_start3A_49 = tpu.memref_slice %arg7[%dma_start3A_37, %dma_start3A_47, %dma_start3A_48] : memref<2x8x4096xf32, #tpu.memory_space<vmem>> -> memref<1x8x4096xf32, #tpu.memory_space<vmem>>
    %dma_start3A_50 = tpu.memref_squeeze %dma_start3A_49 : memref<1x8x4096xf32, #tpu.memory_space<vmem>> -> memref<8x4096xf32, #tpu.memory_space<vmem>>
    %dma_start3A_51 = arith.constant 0 : i32
    %dma_start3A_52 = tpu.memref_slice %arg2[%add3A_36, %dma_start3A_51] : memref<32768x4096xf32, #tpu.memory_space<hbm>> -> memref<8x4096xf32, #tpu.memory_space<hbm>>
    tpu.enqueue_dma source(%dma_start3A_52 : memref<8x4096xf32, #tpu.memory_space<hbm>>) target(%dma_start3A_50 : memref<8x4096xf32, #tpu.memory_space<vmem>>) target_semaphore(%dma_start3A_46 : memref<!tpu.dma_semaphore, #tpu.memory_space<semaphore_mem>>)
    %iota3A = tpu.iota {dimensions = array<i32: 0>} : vector<16xi32>
    %scan3A_53 = arith.constant 0 : i32
    %scan3A_54 = arith.constant 0 : i32
    %scan3A_55 = arith.constant 2 : i32
    %scan3A_56 = arith.addi %scan3A_54, %scan3A_55 : i32
    %scan3A_57 = arith.constant 1 : i32
    scf.for %scan3A_59 = %scan3A_54 to %scan3A_56 step %scan3A_57  : i32 {
      %mul3A_60 = arith.constant 2 : i32
      %mul3A_61 = arith.muli %scan3A_59, %mul3A_60 : i32
      %broadcast_in_dim3A_62 = arith.constant 0.000000e+00 : f32
      %broadcast_in_dim3A_63 = vector.broadcast %broadcast_in_dim3A_62 : f32 to vector<16xf32>
      %add3A_64 = arith.constant 0 : i32
      %add3A_65 = arith.addi %mul3A_61, %add3A_64 : i32
      %mul3A_66 = arith.constant 8 : i32
      %mul3A_67 = arith.muli %add3A_65, %mul3A_66 : i32
      %add3A_68 = arith.addi %add3A_4, %mul3A_67 : i32
      %dma_wait3A = arith.constant 0 : i32
      %dma_wait3A_69 = arith.constant 0 : i32
      %dma_wait3A_70 = arith.constant 0 : i32
      %dma_wait3A_71 = arith.constant 0 : i32
      %dma_wait3A_72 = tpu.memref_slice %arg7[%dma_wait3A, %dma_wait3A_70, %dma_wait3A_71] : memref<2x8x4096xf32, #tpu.memory_space<vmem>> -> memref<1x8x4096xf32, #tpu.memory_space<vmem>>
      %dma_wait3A_73 = tpu.memref_squeeze %dma_wait3A_72 : memref<1x8x4096xf32, #tpu.memory_space<vmem>> -> memref<8x4096xf32, #tpu.memory_space<vmem>>
      %dma_wait3A_74 = arith.constant 0 : i32
      %dma_wait3A_75 = tpu.memref_slice %arg2[%add3A_68, %dma_wait3A_74] : memref<32768x4096xf32, #tpu.memory_space<hbm>> -> memref<8x4096xf32, #tpu.memory_space<hbm>>
      %dma_wait3A_76 = tpu.memref_slice %arg10[%dma_wait3A_69] : memref<2x!tpu.dma_semaphore, #tpu.memory_space<semaphore_mem>> -> memref<1x!tpu.dma_semaphore, #tpu.memory_space<semaphore_mem>>
      %dma_wait3A_77 = tpu.memref_squeeze %dma_wait3A_76 : memref<1x!tpu.dma_semaphore, #tpu.memory_space<semaphore_mem>> -> memref<!tpu.dma_semaphore, #tpu.memory_space<semaphore_mem>>
      %dma_wait3A_78 = arith.constant 0 : i32
      %dma_wait3A_79 = arith.constant 0 : i32
      %dma_wait3A_80 = tpu.memref_slice %arg7[%dma_wait3A, %dma_wait3A_78, %dma_wait3A_79] : memref<2x8x4096xf32, #tpu.memory_space<vmem>> -> memref<1x8x4096xf32, #tpu.memory_space<vmem>>
      %dma_wait3A_81 = tpu.memref_squeeze %dma_wait3A_80 : memref<1x8x4096xf32, #tpu.memory_space<vmem>> -> memref<8x4096xf32, #tpu.memory_space<vmem>>
      %dma_wait3A_82 = arith.constant 0 : i32
      %dma_wait3A_83 = tpu.memref_slice %arg2[%add3A_68, %dma_wait3A_82] : memref<32768x4096xf32, #tpu.memory_space<hbm>> -> memref<8x4096xf32, #tpu.memory_space<hbm>>
      tpu.wait_dma2 semaphore(%dma_wait3A_77 : memref<!tpu.dma_semaphore, #tpu.memory_space<semaphore_mem>>) src(%dma_wait3A_83 : memref<8x4096xf32, #tpu.memory_space<hbm>>) dst(%dma_wait3A_81 : memref<8x4096xf32, #tpu.memory_space<vmem>>)
      %broadcast_in_dim3A_84 = arith.constant 0.000000e+00 : f32
      %broadcast_in_dim3A_85 = vector.broadcast %broadcast_in_dim3A_84 : f32 to vector<16xf32>
      %broadcast_in_dim3A_86 = arith.constant 0.000000e+00 : f32
      %broadcast_in_dim3A_87 = vector.broadcast %broadcast_in_dim3A_86 : f32 to vector<16xf32>
      %broadcast_in_dim3A_88 = arith.constant 0.000000e+00 : f32
      %broadcast_in_dim3A_89 = vector.broadcast %broadcast_in_dim3A_88 : f32 to vector<16xf32>
      %broadcast_in_dim3A_90 = arith.constant 0.000000e+00 : f32
      %broadcast_in_dim3A_91 = vector.broadcast %broadcast_in_dim3A_90 : f32 to vector<16xf32>
      %broadcast_in_dim3A_92 = arith.constant 0.000000e+00 : f32
      %broadcast_in_dim3A_93 = vector.broadcast %broadcast_in_dim3A_92 : f32 to vector<16xf32>
      %broadcast_in_dim3A_94 = arith.constant 0.000000e+00 : f32
      %broadcast_in_dim3A_95 = vector.broadcast %broadcast_in_dim3A_94 : f32 to vector<16xf32>
      %broadcast_in_dim3A_96 = arith.constant 0.000000e+00 : f32
      %broadcast_in_dim3A_97 = vector.broadcast %broadcast_in_dim3A_96 : f32 to vector<16xf32>
      %broadcast_in_dim3A_98 = arith.constant 0.000000e+00 : f32
      %broadcast_in_dim3A_99 = vector.broadcast %broadcast_in_dim3A_98 : f32 to vector<16xf32>
      %broadcast_in_dim3A_100 = arith.constant 0.000000e+00 : f32
      %broadcast_in_dim3A_101 = vector.broadcast %broadcast_in_dim3A_100 : f32 to vector<16xf32>
      %broadcast_in_dim3A_102 = arith.constant 0.000000e+00 : f32
      %broadcast_in_dim3A_103 = vector.broadcast %broadcast_in_dim3A_102 : f32 to vector<16xf32>
      %broadcast_in_dim3A_104 = arith.constant 0.000000e+00 : f32
      %broadcast_in_dim3A_105 = vector.broadcast %broadcast_in_dim3A_104 : f32 to vector<16xf32>
      %broadcast_in_dim3A_106 = arith.constant 0.000000e+00 : f32
      %broadcast_in_dim3A_107 = vector.broadcast %broadcast_in_dim3A_106 : f32 to vector<16xf32>
      %broadcast_in_dim3A_108 = arith.constant 0.000000e+00 : f32
      %broadcast_in_dim3A_109 = vector.broadcast %broadcast_in_dim3A_108 : f32 to vector<16xf32>
      %broadcast_in_dim3A_110 = arith.constant 0.000000e+00 : f32
      %broadcast_in_dim3A_111 = vector.broadcast %broadcast_in_dim3A_110 : f32 to vector<16xf32>
      %broadcast_in_dim3A_112 = arith.constant 0.000000e+00 : f32
      %broadcast_in_dim3A_113 = vector.broadcast %broadcast_in_dim3A_112 : f32 to vector<16xf32>
      %broadcast_in_dim3A_114 = arith.constant 0.000000e+00 : f32
      %broadcast_in_dim3A_115 = vector.broadcast %broadcast_in_dim3A_114 : f32 to vector<16xf32>
      %broadcast_in_dim3A_116 = arith.constant 0.000000e+00 : f32
      %broadcast_in_dim3A_117 = vector.broadcast %broadcast_in_dim3A_116 : f32 to vector<16xf32>
      %broadcast_in_dim3A_118 = arith.constant 0.000000e+00 : f32
      %broadcast_in_dim3A_119 = vector.broadcast %broadcast_in_dim3A_118 : f32 to vector<16xf32>
      %broadcast_in_dim3A_120 = arith.constant 0.000000e+00 : f32
      %broadcast_in_dim3A_121 = vector.broadcast %broadcast_in_dim3A_120 : f32 to vector<16xf32>
      %broadcast_in_dim3A_122 = arith.constant 0.000000e+00 : f32
      %broadcast_in_dim3A_123 = vector.broadcast %broadcast_in_dim3A_122 : f32 to vector<16xf32>
      %broadcast_in_dim3A_124 = arith.constant 0.000000e+00 : f32
      %broadcast_in_dim3A_125 = vector.broadcast %broadcast_in_dim3A_124 : f32 to vector<16xf32>
      %broadcast_in_dim3A_126 = arith.constant 0.000000e+00 : f32
      %broadcast_in_dim3A_127 = vector.broadcast %broadcast_in_dim3A_126 : f32 to vector<16xf32>
      %broadcast_in_dim3A_128 = arith.constant 0.000000e+00 : f32
      %broadcast_in_dim3A_129 = vector.broadcast %broadcast_in_dim3A_128 : f32 to vector<16xf32>
      %broadcast_in_dim3A_130 = arith.constant 0.000000e+00 : f32
      %broadcast_in_dim3A_131 = vector.broadcast %broadcast_in_dim3A_130 : f32 to vector<16xf32>
      %scan3A_132 = arith.constant 0 : i32
      %scan3A_133 = arith.constant 256 : i32
      %scan3A_134 = arith.addi %scan3A_132, %scan3A_133 : i32
      %scan3A_135 = arith.constant 1 : i32
      %scan3A_136:24 = scf.for %scan3A_3980 = %scan3A_132 to %scan3A_134 step %scan3A_135 iter_args(%scan3A_3981 = %broadcast_in_dim3A_85, %scan3A_3982 = %broadcast_in_dim3A_87, %scan3A_3983 = %broadcast_in_dim3A_89, %scan3A_3984 = %broadcast_in_dim3A_91, %scan3A_3985 = %broadcast_in_dim3A_93, %scan3A_3986 = %broadcast_in_dim3A_95, %scan3A_3987 = %broadcast_in_dim3A_97, %scan3A_3988 = %broadcast_in_dim3A_99, %scan3A_3989 = %broadcast_in_dim3A_101, %scan3A_3990 = %broadcast_in_dim3A_103, %scan3A_3991 = %broadcast_in_dim3A_105, %scan3A_3992 = %broadcast_in_dim3A_107, %scan3A_3993 = %broadcast_in_dim3A_109, %scan3A_3994 = %broadcast_in_dim3A_111, %scan3A_3995 = %broadcast_in_dim3A_113, %scan3A_3996 = %broadcast_in_dim3A_115, %scan3A_3997 = %broadcast_in_dim3A_117, %scan3A_3998 = %broadcast_in_dim3A_119, %scan3A_3999 = %broadcast_in_dim3A_121, %scan3A_4000 = %broadcast_in_dim3A_123, %scan3A_4001 = %broadcast_in_dim3A_125, %scan3A_4002 = %broadcast_in_dim3A_127, %scan3A_4003 = %broadcast_in_dim3A_129, %scan3A_4004 = %broadcast_in_dim3A_131) -> (vector<16xf32>, vector<16xf32>, vector<16xf32>, vector<16xf32>, vector<16xf32>, vector<16xf32>, vector<16xf32>, vector<16xf32>, vector<16xf32>, vector<16xf32>, vector<16xf32>, vector<16xf32>, vector<16xf32>, vector<16xf32>, vector<16xf32>, vector<16xf32>, vector<16xf32>, vector<16xf32>, vector<16xf32>, vector<16xf32>, vector<16xf32>, vector<16xf32>, vector<16xf32>, vector<16xf32>)  : i32 {
        %mul3A_4005 = arith.constant 16 : i32
        %mul3A_4006 = arith.muli %scan3A_3980, %mul3A_4005 : i32
        %get3A = arith.constant 0 : i32
        %get3A_4007 = arith.index_cast %get3A : i32 to index
        %get3A_4008 = arith.index_cast %mul3A_4006 : i32 to index
        %get3A_4009 = tpu.vector_load %arg6[%get3A_4007, %get3A_4008] {strides = array<i32>} : memref<6x4096xf32, #tpu.memory_space<vmem>>, vector<1x16xf32>,
        %get3A_4010 = vector.shape_cast %get3A_4009 : vector<1x16xf32> to vector<16xf32>
        %get3A_4011 = arith.constant 1 : i32
        %get3A_4012 = arith.index_cast %get3A_4011 : i32 to index
        %get3A_4013 = arith.index_cast %mul3A_4006 : i32 to index
        %get3A_4014 = tpu.vector_load %arg6[%get3A_4012, %get3A_4013] {strides = array<i32>} : memref<6x4096xf32, #tpu.memory_space<vmem>>, vector<1x16xf32>,
        %get3A_4015 = vector.shape_cast %get3A_4014 : vector<1x16xf32> to vector<16xf32>
        %get3A_4016 = arith.constant 2 : i32
        %get3A_4017 = arith.index_cast %get3A_4016 : i32 to index
        %get3A_4018 = arith.index_cast %mul3A_4006 : i32 to index
        %get3A_4019 = tpu.vector_load %arg6[%get3A_4017, %get3A_4018] {strides = array<i32>} : memref<6x4096xf32, #tpu.memory_space<vmem>>, vector<1x16xf32>,
        %get3A_4020 = vector.shape_cast %get3A_4019 : vector<1x16xf32> to vector<16xf32>
        %get3A_4021 = arith.constant 3 : i32
        %get3A_4022 = arith.index_cast %get3A_4021 : i32 to index
        %get3A_4023 = arith.index_cast %mul3A_4006 : i32 to index
        %get3A_4024 = tpu.vector_load %arg6[%get3A_4022, %get3A_4023] {strides = array<i32>} : memref<6x4096xf32, #tpu.memory_space<vmem>>, vector<1x16xf32>,
        %get3A_4025 = vector.shape_cast %get3A_4024 : vector<1x16xf32> to vector<16xf32>
        %get3A_4026 = arith.constant 4 : i32
        %get3A_4027 = arith.index_cast %get3A_4026 : i32 to index
        %get3A_4028 = arith.index_cast %mul3A_4006 : i32 to index
        %get3A_4029 = tpu.vector_load %arg6[%get3A_4027, %get3A_4028] {strides = array<i32>} : memref<6x4096xf32, #tpu.memory_space<vmem>>, vector<1x16xf32>,
        %get3A_4030 = vector.shape_cast %get3A_4029 : vector<1x16xf32> to vector<16xf32>
        %get3A_4031 = arith.constant 5 : i32
        %get3A_4032 = arith.index_cast %get3A_4031 : i32 to index
        %get3A_4033 = arith.index_cast %mul3A_4006 : i32 to index
        %get3A_4034 = tpu.vector_load %arg6[%get3A_4032, %get3A_4033] {strides = array<i32>} : memref<6x4096xf32, #tpu.memory_space<vmem>>, vector<1x16xf32>,
        %get3A_4035 = vector.shape_cast %get3A_4034 : vector<1x16xf32> to vector<16xf32>
        %get3A_4036 = arith.constant 0 : i32
        %get3A_4037 = arith.constant 0 : i32
        %get3A_4038 = arith.index_cast %get3A_4036 : i32 to index
        %get3A_4039 = arith.index_cast %get3A_4037 : i32 to index
        %get3A_4040 = arith.index_cast %mul3A_4006 : i32 to index
        %get3A_4041 = tpu.vector_load %arg7[%get3A_4038, %get3A_4039, %get3A_4040] {strides = array<i32>} : memref<2x8x4096xf32, #tpu.memory_space<vmem>>, vector<1x1x16xf32>,
        %get3A_4042 = vector.shape_cast %get3A_4041 : vector<1x1x16xf32> to vector<16xf32>
        %bitcast_convert_type3A = tpu.bitcast %get3A_4042 : vector<16xf32> -> vector<16xi32>
        %shift_right_logical3A = arith.constant 16 : i32
        %shift_right_logical3A_4043 = vector.broadcast %shift_right_logical3A : i32 to vector<16xi32>
        %shift_right_logical3A_4044 = arith.shrui %bitcast_convert_type3A, %shift_right_logical3A_4043 : vector<16xi32>
        %and3A = arith.constant 1 : i32
        %and3A_4045 = vector.broadcast %and3A : i32 to vector<16xi32>
        %and3A_4046 = arith.andi %shift_right_logical3A_4044, %and3A_4045 : vector<16xi32>
        %add3A_4047 = arith.constant 32767 : i32
        %add3A_4048 = vector.broadcast %add3A_4047 : i32 to vector<16xi32>
        %add3A_4049 = arith.addi %bitcast_convert_type3A, %add3A_4048 : vector<16xi32>
        %add3A_4050 = arith.addi %add3A_4049, %and3A_4046 : vector<16xi32>
        %and3A_4051 = arith.constant -65536 : i32
        %and3A_4052 = vector.broadcast %and3A_4051 : i32 to vector<16xi32>
        %and3A_4053 = arith.andi %add3A_4050, %and3A_4052 : vector<16xi32>
        %bitcast_convert_type3A_4054 = tpu.bitcast %and3A_4053 : vector<16xi32> -> vector<16xf32>
        %mul3A_4055 = arith.mulf %bitcast_convert_type3A_4054, %get3A_4010 : vector<16xf32>
        %add3A_4056 = arith.addf %scan3A_3981, %mul3A_4055 : vector<16xf32>
        %mul3A_4057 = arith.mulf %bitcast_convert_type3A_4054, %get3A_4015 : vector<16xf32>
        %add3A_4058 = arith.addf %scan3A_3982, %mul3A_4057 : vector<16xf32>
        %mul3A_4059 = arith.mulf %bitcast_convert_type3A_4054, %get3A_4020 : vector<16xf32>
        %add3A_4060 = arith.addf %scan3A_3983, %mul3A_4059 : vector<16xf32>
        %mul3A_4061 = arith.mulf %bitcast_convert_type3A_4054, %get3A_4025 : vector<16xf32>
        %add3A_4062 = arith.addf %scan3A_3984, %mul3A_4061 : vector<16xf32>
        %mul3A_4063 = arith.mulf %bitcast_convert_type3A_4054, %get3A_4030 : vector<16xf32>
        %add3A_4064 = arith.addf %scan3A_3985, %mul3A_4063 : vector<16xf32>
        %mul3A_4065 = arith.mulf %bitcast_convert_type3A_4054, %get3A_4035 : vector<16xf32>
        %add3A_4066 = arith.addf %scan3A_3986, %mul3A_4065 : vector<16xf32>
        %get3A_4067 = arith.constant 0 : i32
        %get3A_4068 = arith.constant 1 : i32
        %get3A_4069 = arith.index_cast %get3A_4067 : i32 to index
        %get3A_4070 = arith.index_cast %get3A_4068 : i32 to index
        %get3A_4071 = arith.index_cast %mul3A_4006 : i32 to index
        %get3A_4072 = tpu.vector_load %arg7[%get3A_4069, %get3A_4070, %get3A_4071] {strides = array<i32>} : memref<2x8x4096xf32, #tpu.memory_space<vmem>>, vector<1x1x16xf32>,
        %get3A_4073 = vector.shape_cast %get3A_4072 : vector<1x1x16xf32> to vector<16xf32>
        %bitcast_convert_type3A_4074 = tpu.bitcast %get3A_4073 : vector<16xf32> -> vector<16xi32>
        %shift_right_logical3A_4075 = arith.constant 16 : i32
        %shift_right_logical3A_4076 = vector.broadcast %shift_right_logical3A_4075 : i32 to vector<16xi32>
        %shift_right_logical3A_4077 = arith.shrui %bitcast_convert_type3A_4074, %shift_right_logical3A_4076 : vector<16xi32>
        %and3A_4078 = arith.constant 1 : i32
        %and3A_4079 = vector.broadcast %and3A_4078 : i32 to vector<16xi32>
        %and3A_4080 = arith.andi %shift_right_logical3A_4077, %and3A_4079 : vector<16xi32>
        %add3A_4081 = arith.constant 32767 : i32
        %add3A_4082 = vector.broadcast %add3A_4081 : i32 to vector<16xi32>
        %add3A_4083 = arith.addi %bitcast_convert_type3A_4074, %add3A_4082 : vector<16xi32>
        %add3A_4084 = arith.addi %add3A_4083, %and3A_4080 : vector<16xi32>
        %and3A_4085 = arith.constant -65536 : i32
        %and3A_4086 = vector.broadcast %and3A_4085 : i32 to vector<16xi32>
        %and3A_4087 = arith.andi %add3A_4084, %and3A_4086 : vector<16xi32>
        %bitcast_convert_type3A_4088 = tpu.bitcast %and3A_4087 : vector<16xi32> -> vector<16xf32>
        %mul3A_4089 = arith.mulf %bitcast_convert_type3A_4088, %get3A_4010 : vector<16xf32>
        %add3A_4090 = arith.addf %scan3A_3987, %mul3A_4089 : vector<16xf32>
        %mul3A_4091 = arith.mulf %bitcast_convert_type3A_4088, %get3A_4015 : vector<16xf32>
        %add3A_4092 = arith.addf %scan3A_3988, %mul3A_4091 : vector<16xf32>
        %mul3A_4093 = arith.mulf %bitcast_convert_type3A_4088, %get3A_4020 : vector<16xf32>
        %add3A_4094 = arith.addf %scan3A_3989, %mul3A_4093 : vector<16xf32>
        %mul3A_4095 = arith.mulf %bitcast_convert_type3A_4088, %get3A_4025 : vector<16xf32>
        %add3A_4096 = arith.addf %scan3A_3990, %mul3A_4095 : vector<16xf32>
        %mul3A_4097 = arith.mulf %bitcast_convert_type3A_4088, %get3A_4030 : vector<16xf32>
        %add3A_4098 = arith.addf %scan3A_3991, %mul3A_4097 : vector<16xf32>
        %mul3A_4099 = arith.mulf %bitcast_convert_type3A_4088, %get3A_4035 : vector<16xf32>
        %add3A_4100 = arith.addf %scan3A_3992, %mul3A_4099 : vector<16xf32>
        %get3A_4101 = arith.constant 0 : i32
        %get3A_4102 = arith.constant 2 : i32
        %get3A_4103 = arith.index_cast %get3A_4101 : i32 to index
        %get3A_4104 = arith.index_cast %get3A_4102 : i32 to index
        %get3A_4105 = arith.index_cast %mul3A_4006 : i32 to index
        %get3A_4106 = tpu.vector_load %arg7[%get3A_4103, %get3A_4104, %get3A_4105] {strides = array<i32>} : memref<2x8x4096xf32, #tpu.memory_space<vmem>>, vector<1x1x16xf32>,
        %get3A_4107 = vector.shape_cast %get3A_4106 : vector<1x1x16xf32> to vector<16xf32>
        %bitcast_convert_type3A_4108 = tpu.bitcast %get3A_4107 : vector<16xf32> -> vector<16xi32>
        %shift_right_logical3A_4109 = arith.constant 16 : i32
        %shift_right_logical3A_4110 = vector.broadcast %shift_right_logical3A_4109 : i32 to vector<16xi32>
        %shift_right_logical3A_4111 = arith.shrui %bitcast_convert_type3A_4108, %shift_right_logical3A_4110 : vector<16xi32>
        %and3A_4112 = arith.constant 1 : i32
        %and3A_4113 = vector.broadcast %and3A_4112 : i32 to vector<16xi32>
        %and3A_4114 = arith.andi %shift_right_logical3A_4111, %and3A_4113 : vector<16xi32>
        %add3A_4115 = arith.constant 32767 : i32
        %add3A_4116 = vector.broadcast %add3A_4115 : i32 to vector<16xi32>
        %add3A_4117 = arith.addi %bitcast_convert_type3A_4108, %add3A_4116 : vector<16xi32>
        %add3A_4118 = arith.addi %add3A_4117, %and3A_4114 : vector<16xi32>
        %and3A_4119 = arith.constant -65536 : i32
        %and3A_4120 = vector.broadcast %and3A_4119 : i32 to vector<16xi32>
        %and3A_4121 = arith.andi %add3A_4118, %and3A_4120 : vector<16xi32>
        %bitcast_convert_type3A_4122 = tpu.bitcast %and3A_4121 : vector<16xi32> -> vector<16xf32>
        %mul3A_4123 = arith.mulf %bitcast_convert_type3A_4122, %get3A_4010 : vector<16xf32>
        %add3A_4124 = arith.addf %scan3A_3993, %mul3A_4123 : vector<16xf32>
        %mul3A_4125 = arith.mulf %bitcast_convert_type3A_4122, %get3A_4015 : vector<16xf32>
        %add3A_4126 = arith.addf %scan3A_3994, %mul3A_4125 : vector<16xf32>
        %mul3A_4127 = arith.mulf %bitcast_convert_type3A_4122, %get3A_4020 : vector<16xf32>
        %add3A_4128 = arith.addf %scan3A_3995, %mul3A_4127 : vector<16xf32>
        %mul3A_4129 = arith.mulf %bitcast_convert_type3A_4122, %get3A_4025 : vector<16xf32>
        %add3A_4130 = arith.addf %scan3A_3996, %mul3A_4129 : vector<16xf32>
        %mul3A_4131 = arith.mulf %bitcast_convert_type3A_4122, %get3A_4030 : vector<16xf32>
        %add3A_4132 = arith.addf %scan3A_3997, %mul3A_4131 : vector<16xf32>
        %mul3A_4133 = arith.mulf %bitcast_convert_type3A_4122, %get3A_4035 : vector<16xf32>
        %add3A_4134 = arith.addf %scan3A_3998, %mul3A_4133 : vector<16xf32>
        %get3A_4135 = arith.constant 0 : i32
        %get3A_4136 = arith.constant 3 : i32
        %get3A_4137 = arith.index_cast %get3A_4135 : i32 to index
        %get3A_4138 = arith.index_cast %get3A_4136 : i32 to index
        %get3A_4139 = arith.index_cast %mul3A_4006 : i32 to index
        %get3A_4140 = tpu.vector_load %arg7[%get3A_4137, %get3A_4138, %get3A_4139] {strides = array<i32>} : memref<2x8x4096xf32, #tpu.memory_space<vmem>>, vector<1x1x16xf32>,
        %get3A_4141 = vector.shape_cast %get3A_4140 : vector<1x1x16xf32> to vector<16xf32>
        %bitcast_convert_type3A_4142 = tpu.bitcast %get3A_4141 : vector<16xf32> -> vector<16xi32>
        %shift_right_logical3A_4143 = arith.constant 16 : i32
        %shift_right_logical3A_4144 = vector.broadcast %shift_right_logical3A_4143 : i32 to vector<16xi32>
        %shift_right_logical3A_4145 = arith.shrui %bitcast_convert_type3A_4142, %shift_right_logical3A_4144 : vector<16xi32>
        %and3A_4146 = arith.constant 1 : i32
        %and3A_4147 = vector.broadcast %and3A_4146 : i32 to vector<16xi32>
        %and3A_4148 = arith.andi %shift_right_logical3A_4145, %and3A_4147 : vector<16xi32>
        %add3A_4149 = arith.constant 32767 : i32
        %add3A_4150 = vector.broadcast %add3A_4149 : i32 to vector<16xi32>
        %add3A_4151 = arith.addi %bitcast_convert_type3A_4142, %add3A_4150 : vector<16xi32>
        %add3A_4152 = arith.addi %add3A_4151, %and3A_4148 : vector<16xi32>
        %and3A_4153 = arith.constant -65536 : i32
        %and3A_4154 = vector.broadcast %and3A_4153 : i32 to vector<16xi32>
        %and3A_4155 = arith.andi %add3A_4152, %and3A_4154 : vector<16xi32>
        %bitcast_convert_type3A_4156 = tpu.bitcast %and3A_4155 : vector<16xi32> -> vector<16xf32>
        %mul3A_4157 = arith.mulf %bitcast_convert_type3A_4156, %get3A_4010 : vector<16xf32>
        %add3A_4158 = arith.addf %scan3A_3999, %mul3A_4157 : vector<16xf32>
        %mul3A_4159 = arith.mulf %bitcast_convert_type3A_4156, %get3A_4015 : vector<16xf32>
        %add3A_4160 = arith.addf %scan3A_4000, %mul3A_4159 : vector<16xf32>
        %mul3A_4161 = arith.mulf %bitcast_convert_type3A_4156, %get3A_4020 : vector<16xf32>
        %add3A_4162 = arith.addf %scan3A_4001, %mul3A_4161 : vector<16xf32>
        %mul3A_4163 = arith.mulf %bitcast_convert_type3A_4156, %get3A_4025 : vector<16xf32>
        %add3A_4164 = arith.addf %scan3A_4002, %mul3A_4163 : vector<16xf32>
        %mul3A_4165 = arith.mulf %bitcast_convert_type3A_4156, %get3A_4030 : vector<16xf32>
        %add3A_4166 = arith.addf %scan3A_4003, %mul3A_4165 : vector<16xf32>
        %mul3A_4167 = arith.mulf %bitcast_convert_type3A_4156, %get3A_4035 : vector<16xf32>
        %add3A_4168 = arith.addf %scan3A_4004, %mul3A_4167 : vector<16xf32>
        scf.yield %add3A_4056, %add3A_4058, %add3A_4060, %add3A_4062, %add3A_4064, %add3A_4066, %add3A_4090, %add3A_4092, %add3A_4094, %add3A_4096, %add3A_4098, %add3A_4100, %add3A_4124, %add3A_4126, %add3A_4128, %add3A_4130, %add3A_4132, %add3A_4134, %add3A_4158, %add3A_4160, %add3A_4162, %add3A_4164, %add3A_4166, %add3A_4168 : vector<16xf32>, vector<16xf32>, vector<16xf32>, vector<16xf32>, vector<16xf32>, vector<16xf32>, vector<16xf32>, vector<16xf32>, vector<16xf32>, vector<16xf32>, vector<16xf32>, vector<16xf32>, vector<16xf32>, vector<16xf32>, vector<16xf32>, vector<16xf32>, vector<16xf32>, vector<16xf32>, vector<16xf32>, vector<16xf32>, vector<16xf32>, vector<16xf32>, vector<16xf32>, vector<16xf32>
      }
      %scan3A_137 = arith.constant 256 : i32
      %broadcast_in_dim3A_138 = arith.constant 0.000000e+00 : f32
      %broadcast_in_dim3A_139 = vector.broadcast %broadcast_in_dim3A_138 : f32 to vector<16xf32>
      %xor3A = arith.constant 8 : i32
      %xor3A_140 = vector.broadcast %xor3A : i32 to vector<16xi32>
      %xor3A_141 = arith.xori %iota3A, %xor3A_140 : vector<16xi32>
      %broadcast_in_dim3A_142 = vector.shape_cast %xor3A_141 : vector<16xi32> to vector<16x1xi32>
      %gather3A = vector.shape_cast %broadcast_in_dim3A_142 : vector<16x1xi32> to vector<16xi32>
      %gather3A_143 = tpu.dynamic_gather %scan3A_136#0[%gather3A] in [0] : vector<16xf32>, vector<16xi32> -> vector<16xf32>
      %add3A_144 = arith.addf %scan3A_136#0, %gather3A_143 : vector<16xf32>
      %xor3A_145 = arith.constant 4 : i32
      %xor3A_146 = vector.broadcast %xor3A_145 : i32 to vector<16xi32>
      %xor3A_147 = arith.xori %iota3A, %xor3A_146 : vector<16xi32>
      %broadcast_in_dim3A_148 = vector.shape_cast %xor3A_147 : vector<16xi32> to vector<16x1xi32>
      %gather3A_149 = vector.shape_cast %broadcast_in_dim3A_148 : vector<16x1xi32> to vector<16xi32>
      %gather3A_150 = tpu.dynamic_gather %add3A_144[%gather3A_149] in [0] : vector<16xf32>, vector<16xi32> -> vector<16xf32>
      %add3A_151 = arith.addf %add3A_144, %gather3A_150 : vector<16xf32>
      %xor3A_152 = arith.constant 2 : i32
      %xor3A_153 = vector.broadcast %xor3A_152 : i32 to vector<16xi32>
      %xor3A_154 = arith.xori %iota3A, %xor3A_153 : vector<16xi32>
      %broadcast_in_dim3A_155 = vector.shape_cast %xor3A_154 : vector<16xi32> to vector<16x1xi32>
      %gather3A_156 = vector.shape_cast %broadcast_in_dim3A_155 : vector<16x1xi32> to vector<16xi32>
      %gather3A_157 = tpu.dynamic_gather %add3A_151[%gather3A_156] in [0] : vector<16xf32>, vector<16xi32> -> vector<16xf32>
      %add3A_158 = arith.addf %add3A_151, %gather3A_157 : vector<16xf32>
      %xor3A_159 = arith.constant 1 : i32
      %xor3A_160 = vector.broadcast %xor3A_159 : i32 to vector<16xi32>
      %xor3A_161 = arith.xori %iota3A, %xor3A_160 : vector<16xi32>
      %broadcast_in_dim3A_162 = vector.shape_cast %xor3A_161 : vector<16xi32> to vector<16x1xi32>
      %gather3A_163 = vector.shape_cast %broadcast_in_dim3A_162 : vector<16x1xi32> to vector<16xi32>
      %gather3A_164 = tpu.dynamic_gather %add3A_158[%gather3A_163] in [0] : vector<16xf32>, vector<16xi32> -> vector<16xf32>
      %add3A_165 = arith.addf %add3A_158, %gather3A_164 : vector<16xf32>
      %gt3A = arith.constant 0.000000e+00 : f32
      %gt3A_166 = vector.broadcast %gt3A : f32 to vector<16xf32>
      %gt3A_167 = arith.cmpf ogt, %add3A_165, %gt3A_166 : vector<16xf32>
      %jit3A = arith.constant 3.200000e+01 : f32
      %jit3A_168 = arith.constant 0.000000e+00 : f32
      %broadcast_in_dim3A_169 = vector.broadcast %jit3A : f32 to vector<16xf32>
      %broadcast_in_dim3A_170 = vector.broadcast %jit3A_168 : f32 to vector<16xf32>
      %select_n3A = arith.select %gt3A_167, %broadcast_in_dim3A_169, %broadcast_in_dim3A_170 : vector<16xi1>, vector<16xf32>
      %add3A_171 = arith.addf %broadcast_in_dim3A_139, %select_n3A : vector<16xf32>
      %xor3A_172 = arith.constant 8 : i32
      %xor3A_173 = vector.broadcast %xor3A_172 : i32 to vector<16xi32>
      %xor3A_174 = arith.xori %iota3A, %xor3A_173 : vector<16xi32>
      %broadcast_in_dim3A_175 = vector.shape_cast %xor3A_174 : vector<16xi32> to vector<16x1xi32>
      %gather3A_176 = vector.shape_cast %broadcast_in_dim3A_175 : vector<16x1xi32> to vector<16xi32>
      %gather3A_177 = tpu.dynamic_gather %scan3A_136#1[%gather3A_176] in [0] : vector<16xf32>, vector<16xi32> -> vector<16xf32>
      %add3A_178 = arith.addf %scan3A_136#1, %gather3A_177 : vector<16xf32>
      %xor3A_179 = arith.constant 4 : i32
      %xor3A_180 = vector.broadcast %xor3A_179 : i32 to vector<16xi32>
      %xor3A_181 = arith.xori %iota3A, %xor3A_180 : vector<16xi32>
      %broadcast_in_dim3A_182 = vector.shape_cast %xor3A_181 : vector<16xi32> to vector<16x1xi32>
      %gather3A_183 = vector.shape_cast %broadcast_in_dim3A_182 : vector<16x1xi32> to vector<16xi32>
      %gather3A_184 = tpu.dynamic_gather %add3A_178[%gather3A_183] in [0] : vector<16xf32>, vector<16xi32> -> vector<16xf32>
      %add3A_185 = arith.addf %add3A_178, %gather3A_184 : vector<16xf32>
      %xor3A_186 = arith.constant 2 : i32
      %xor3A_187 = vector.broadcast %xor3A_186 : i32 to vector<16xi32>
      %xor3A_188 = arith.xori %iota3A, %xor3A_187 : vector<16xi32>
      %broadcast_in_dim3A_189 = vector.shape_cast %xor3A_188 : vector<16xi32> to vector<16x1xi32>
      %gather3A_190 = vector.shape_cast %broadcast_in_dim3A_189 : vector<16x1xi32> to vector<16xi32>
      %gather3A_191 = tpu.dynamic_gather %add3A_185[%gather3A_190] in [0] : vector<16xf32>, vector<16xi32> -> vector<16xf32>
      %add3A_192 = arith.addf %add3A_185, %gather3A_191 : vector<16xf32>
      %xor3A_193 = arith.constant 1 : i32
      %xor3A_194 = vector.broadcast %xor3A_193 : i32 to vector<16xi32>
      %xor3A_195 = arith.xori %iota3A, %xor3A_194 : vector<16xi32>
      %broadcast_in_dim3A_196 = vector.shape_cast %xor3A_195 : vector<16xi32> to vector<16x1xi32>
      %gather3A_197 = vector.shape_cast %broadcast_in_dim3A_196 : vector<16x1xi32> to vector<16xi32>
      %gather3A_198 = tpu.dynamic_gather %add3A_192[%gather3A_197] in [0] : vector<16xf32>, vector<16xi32> -> vector<16xf32>
      %add3A_199 = arith.addf %add3A_192, %gather3A_198 : vector<16xf32>
      %gt3A_200 = arith.constant 0.000000e+00 : f32
      %gt3A_201 = vector.broadcast %gt3A_200 : f32 to vector<16xf32>
      %gt3A_202 = arith.cmpf ogt, %add3A_199, %gt3A_201 : vector<16xf32>
      %jit3A_203 = arith.constant 1.600000e+01 : f32
      %jit3A_204 = arith.constant 0.000000e+00 : f32
      %broadcast_in_dim3A_205 = vector.broadcast %jit3A_203 : f32 to vector<16xf32>
      %broadcast_in_dim3A_206 = vector.broadcast %jit3A_204 : f32 to vector<16xf32>
      %select_n3A_207 = arith.select %gt3A_202, %broadcast_in_dim3A_205, %broadcast_in_dim3A_206 : vector<16xi1>, vector<16xf32>
      %add3A_208 = arith.addf %add3A_171, %select_n3A_207 : vector<16xf32>
      %xor3A_209 = arith.constant 8 : i32
      %xor3A_210 = vector.broadcast %xor3A_209 : i32 to vector<16xi32>
      %xor3A_211 = arith.xori %iota3A, %xor3A_210 : vector<16xi32>
      %broadcast_in_dim3A_212 = vector.shape_cast %xor3A_211 : vector<16xi32> to vector<16x1xi32>
      %gather3A_213 = vector.shape_cast %broadcast_in_dim3A_212 : vector<16x1xi32> to vector<16xi32>
      %gather3A_214 = tpu.dynamic_gather %scan3A_136#2[%gather3A_213] in [0] : vector<16xf32>, vector<16xi32> -> vector<16xf32>
      %add3A_215 = arith.addf %scan3A_136#2, %gather3A_214 : vector<16xf32>
      %xor3A_216 = arith.constant 4 : i32
      %xor3A_217 = vector.broadcast %xor3A_216 : i32 to vector<16xi32>
      %xor3A_218 = arith.xori %iota3A, %xor3A_217 : vector<16xi32>
      %broadcast_in_dim3A_219 = vector.shape_cast %xor3A_218 : vector<16xi32> to vector<16x1xi32>
      %gather3A_220 = vector.shape_cast %broadcast_in_dim3A_219 : vector<16x1xi32> to vector<16xi32>
      %gather3A_221 = tpu.dynamic_gather %add3A_215[%gather3A_220] in [0] : vector<16xf32>, vector<16xi32> -> vector<16xf32>
      %add3A_222 = arith.addf %add3A_215, %gather3A_221 : vector<16xf32>
      %xor3A_223 = arith.constant 2 : i32
      %xor3A_224 = vector.broadcast %xor3A_223 : i32 to vector<16xi32>
      %xor3A_225 = arith.xori %iota3A, %xor3A_224 : vector<16xi32>
      %broadcast_in_dim3A_226 = vector.shape_cast %xor3A_225 : vector<16xi32> to vector<16x1xi32>
      %gather3A_227 = vector.shape_cast %broadcast_in_dim3A_226 : vector<16x1xi32> to vector<16xi32>
      %gather3A_228 = tpu.dynamic_gather %add3A_222[%gather3A_227] in [0] : vector<16xf32>, vector<16xi32> -> vector<16xf32>
      %add3A_229 = arith.addf %add3A_222, %gather3A_228 : vector<16xf32>
      %xor3A_230 = arith.constant 1 : i32
      %xor3A_231 = vector.broadcast %xor3A_230 : i32 to vector<16xi32>
      %xor3A_232 = arith.xori %iota3A, %xor3A_231 : vector<16xi32>
      %broadcast_in_dim3A_233 = vector.shape_cast %xor3A_232 : vector<16xi32> to vector<16x1xi32>
      %gather3A_234 = vector.shape_cast %broadcast_in_dim3A_233 : vector<16x1xi32> to vector<16xi32>
      %gather3A_235 = tpu.dynamic_gather %add3A_229[%gather3A_234] in [0] : vector<16xf32>, vector<16xi32> -> vector<16xf32>
      %add3A_236 = arith.addf %add3A_229, %gather3A_235 : vector<16xf32>
      %gt3A_237 = arith.constant 0.000000e+00 : f32
      %gt3A_238 = vector.broadcast %gt3A_237 : f32 to vector<16xf32>
      %gt3A_239 = arith.cmpf ogt, %add3A_236, %gt3A_238 : vector<16xf32>
      %jit3A_240 = arith.constant 8.000000e+00 : f32
      %jit3A_241 = arith.constant 0.000000e+00 : f32
      %broadcast_in_dim3A_242 = vector.broadcast %jit3A_240 : f32 to vector<16xf32>
      %broadcast_in_dim3A_243 = vector.broadcast %jit3A_241 : f32 to vector<16xf32>
      %select_n3A_244 = arith.select %gt3A_239, %broadcast_in_dim3A_242, %broadcast_in_dim3A_243 : vector<16xi1>, vector<16xf32>
      %add3A_245 = arith.addf %add3A_208, %select_n3A_244 : vector<16xf32>
      %xor3A_246 = arith.constant 8 : i32
      %xor3A_247 = vector.broadcast %xor3A_246 : i32 to vector<16xi32>
      %xor3A_248 = arith.xori %iota3A, %xor3A_247 : vector<16xi32>
      %broadcast_in_dim3A_249 = vector.shape_cast %xor3A_248 : vector<16xi32> to vector<16x1xi32>
      %gather3A_250 = vector.shape_cast %broadcast_in_dim3A_249 : vector<16x1xi32> to vector<16xi32>
      %gather3A_251 = tpu.dynamic_gather %scan3A_136#3[%gather3A_250] in [0] : vector<16xf32>, vector<16xi32> -> vector<16xf32>
      %add3A_252 = arith.addf %scan3A_136#3, %gather3A_251 : vector<16xf32>
      %xor3A_253 = arith.constant 4 : i32
      %xor3A_254 = vector.broadcast %xor3A_253 : i32 to vector<16xi32>
      %xor3A_255 = arith.xori %iota3A, %xor3A_254 : vector<16xi32>
      %broadcast_in_dim3A_256 = vector.shape_cast %xor3A_255 : vector<16xi32> to vector<16x1xi32>
      %gather3A_257 = vector.shape_cast %broadcast_in_dim3A_256 : vector<16x1xi32> to vector<16xi32>
      %gather3A_258 = tpu.dynamic_gather %add3A_252[%gather3A_257] in [0] : vector<16xf32>, vector<16xi32> -> vector<16xf32>
      %add3A_259 = arith.addf %add3A_252, %gather3A_258 : vector<16xf32>
      %xor3A_260 = arith.constant 2 : i32
      %xor3A_261 = vector.broadcast %xor3A_260 : i32 to vector<16xi32>
      %xor3A_262 = arith.xori %iota3A, %xor3A_261 : vector<16xi32>
      %broadcast_in_dim3A_263 = vector.shape_cast %xor3A_262 : vector<16xi32> to vector<16x1xi32>
      %gather3A_264 = vector.shape_cast %broadcast_in_dim3A_263 : vector<16x1xi32> to vector<16xi32>
      %gather3A_265 = tpu.dynamic_gather %add3A_259[%gather3A_264] in [0] : vector<16xf32>, vector<16xi32> -> vector<16xf32>
      %add3A_266 = arith.addf %add3A_259, %gather3A_265 : vector<16xf32>
      %xor3A_267 = arith.constant 1 : i32
      %xor3A_268 = vector.broadcast %xor3A_267 : i32 to vector<16xi32>
      %xor3A_269 = arith.xori %iota3A, %xor3A_268 : vector<16xi32>
      %broadcast_in_dim3A_270 = vector.shape_cast %xor3A_269 : vector<16xi32> to vector<16x1xi32>
      %gather3A_271 = vector.shape_cast %broadcast_in_dim3A_270 : vector<16x1xi32> to vector<16xi32>
      %gather3A_272 = tpu.dynamic_gather %add3A_266[%gather3A_271] in [0] : vector<16xf32>, vector<16xi32> -> vector<16xf32>
      %add3A_273 = arith.addf %add3A_266, %gather3A_272 : vector<16xf32>
      %gt3A_274 = arith.constant 0.000000e+00 : f32
      %gt3A_275 = vector.broadcast %gt3A_274 : f32 to vector<16xf32>
      %gt3A_276 = arith.cmpf ogt, %add3A_273, %gt3A_275 : vector<16xf32>
      %jit3A_277 = arith.constant 4.000000e+00 : f32
      %jit3A_278 = arith.constant 0.000000e+00 : f32
      %broadcast_in_dim3A_279 = vector.broadcast %jit3A_277 : f32 to vector<16xf32>
      %broadcast_in_dim3A_280 = vector.broadcast %jit3A_278 : f32 to vector<16xf32>
      %select_n3A_281 = arith.select %gt3A_276, %broadcast_in_dim3A_279, %broadcast_in_dim3A_280 : vector<16xi1>, vector<16xf32>
      %add3A_282 = arith.addf %add3A_245, %select_n3A_281 : vector<16xf32>
      %xor3A_283 = arith.constant 8 : i32
      %xor3A_284 = vector.broadcast %xor3A_283 : i32 to vector<16xi32>
      %xor3A_285 = arith.xori %iota3A, %xor3A_284 : vector<16xi32>
      %broadcast_in_dim3A_286 = vector.shape_cast %xor3A_285 : vector<16xi32> to vector<16x1xi32>
      %gather3A_287 = vector.shape_cast %broadcast_in_dim3A_286 : vector<16x1xi32> to vector<16xi32>
      %gather3A_288 = tpu.dynamic_gather %scan3A_136#4[%gather3A_287] in [0] : vector<16xf32>, vector<16xi32> -> vector<16xf32>
      %add3A_289 = arith.addf %scan3A_136#4, %gather3A_288 : vector<16xf32>
      %xor3A_290 = arith.constant 4 : i32
      %xor3A_291 = vector.broadcast %xor3A_290 : i32 to vector<16xi32>
      %xor3A_292 = arith.xori %iota3A, %xor3A_291 : vector<16xi32>
      %broadcast_in_dim3A_293 = vector.shape_cast %xor3A_292 : vector<16xi32> to vector<16x1xi32>
      %gather3A_294 = vector.shape_cast %broadcast_in_dim3A_293 : vector<16x1xi32> to vector<16xi32>
      %gather3A_295 = tpu.dynamic_gather %add3A_289[%gather3A_294] in [0] : vector<16xf32>, vector<16xi32> -> vector<16xf32>
      %add3A_296 = arith.addf %add3A_289, %gather3A_295 : vector<16xf32>
      %xor3A_297 = arith.constant 2 : i32
      %xor3A_298 = vector.broadcast %xor3A_297 : i32 to vector<16xi32>
      %xor3A_299 = arith.xori %iota3A, %xor3A_298 : vector<16xi32>
      %broadcast_in_dim3A_300 = vector.shape_cast %xor3A_299 : vector<16xi32> to vector<16x1xi32>
      %gather3A_301 = vector.shape_cast %broadcast_in_dim3A_300 : vector<16x1xi32> to vector<16xi32>
      %gather3A_302 = tpu.dynamic_gather %add3A_296[%gather3A_301] in [0] : vector<16xf32>, vector<16xi32> -> vector<16xf32>
      %add3A_303 = arith.addf %add3A_296, %gather3A_302 : vector<16xf32>
      %xor3A_304 = arith.constant 1 : i32
      %xor3A_305 = vector.broadcast %xor3A_304 : i32 to vector<16xi32>
      %xor3A_306 = arith.xori %iota3A, %xor3A_305 : vector<16xi32>
      %broadcast_in_dim3A_307 = vector.shape_cast %xor3A_306 : vector<16xi32> to vector<16x1xi32>
      %gather3A_308 = vector.shape_cast %broadcast_in_dim3A_307 : vector<16x1xi32> to vector<16xi32>
      %gather3A_309 = tpu.dynamic_gather %add3A_303[%gather3A_308] in [0] : vector<16xf32>, vector<16xi32> -> vector<16xf32>
      %add3A_310 = arith.addf %add3A_303, %gather3A_309 : vector<16xf32>
      %gt3A_311 = arith.constant 0.000000e+00 : f32
      %gt3A_312 = vector.broadcast %gt3A_311 : f32 to vector<16xf32>
      %gt3A_313 = arith.cmpf ogt, %add3A_310, %gt3A_312 : vector<16xf32>
      %jit3A_314 = arith.constant 2.000000e+00 : f32
      %jit3A_315 = arith.constant 0.000000e+00 : f32
      %broadcast_in_dim3A_316 = vector.broadcast %jit3A_314 : f32 to vector<16xf32>
      %broadcast_in_dim3A_317 = vector.broadcast %jit3A_315 : f32 to vector<16xf32>
      %select_n3A_318 = arith.select %gt3A_313, %broadcast_in_dim3A_316, %broadcast_in_dim3A_317 : vector<16xi1>, vector<16xf32>
      %add3A_319 = arith.addf %add3A_282, %select_n3A_318 : vector<16xf32>
      %xor3A_320 = arith.constant 8 : i32
      %xor3A_321 = vector.broadcast %xor3A_320 : i32 to vector<16xi32>
      %xor3A_322 = arith.xori %iota3A, %xor3A_321 : vector<16xi32>
      %broadcast_in_dim3A_323 = vector.shape_cast %xor3A_322 : vector<16xi32> to vector<16x1xi32>
      %gather3A_324 = vector.shape_cast %broadcast_in_dim3A_323 : vector<16x1xi32> to vector<16xi32>
      %gather3A_325 = tpu.dynamic_gather %scan3A_136#5[%gather3A_324] in [0] : vector<16xf32>, vector<16xi32> -> vector<16xf32>
      %add3A_326 = arith.addf %scan3A_136#5, %gather3A_325 : vector<16xf32>
      %xor3A_327 = arith.constant 4 : i32
      %xor3A_328 = vector.broadcast %xor3A_327 : i32 to vector<16xi32>
      %xor3A_329 = arith.xori %iota3A, %xor3A_328 : vector<16xi32>
      %broadcast_in_dim3A_330 = vector.shape_cast %xor3A_329 : vector<16xi32> to vector<16x1xi32>
      %gather3A_331 = vector.shape_cast %broadcast_in_dim3A_330 : vector<16x1xi32> to vector<16xi32>
      %gather3A_332 = tpu.dynamic_gather %add3A_326[%gather3A_331] in [0] : vector<16xf32>, vector<16xi32> -> vector<16xf32>
      %add3A_333 = arith.addf %add3A_326, %gather3A_332 : vector<16xf32>
      %xor3A_334 = arith.constant 2 : i32
      %xor3A_335 = vector.broadcast %xor3A_334 : i32 to vector<16xi32>
      %xor3A_336 = arith.xori %iota3A, %xor3A_335 : vector<16xi32>
      %broadcast_in_dim3A_337 = vector.shape_cast %xor3A_336 : vector<16xi32> to vector<16x1xi32>
      %gather3A_338 = vector.shape_cast %broadcast_in_dim3A_337 : vector<16x1xi32> to vector<16xi32>
      %gather3A_339 = tpu.dynamic_gather %add3A_333[%gather3A_338] in [0] : vector<16xf32>, vector<16xi32> -> vector<16xf32>
      %add3A_340 = arith.addf %add3A_333, %gather3A_339 : vector<16xf32>
      %xor3A_341 = arith.constant 1 : i32
      %xor3A_342 = vector.broadcast %xor3A_341 : i32 to vector<16xi32>
      %xor3A_343 = arith.xori %iota3A, %xor3A_342 : vector<16xi32>
      %broadcast_in_dim3A_344 = vector.shape_cast %xor3A_343 : vector<16xi32> to vector<16x1xi32>
      %gather3A_345 = vector.shape_cast %broadcast_in_dim3A_344 : vector<16x1xi32> to vector<16xi32>
      %gather3A_346 = tpu.dynamic_gather %add3A_340[%gather3A_345] in [0] : vector<16xf32>, vector<16xi32> -> vector<16xf32>
      %add3A_347 = arith.addf %add3A_340, %gather3A_346 : vector<16xf32>
      %gt3A_348 = arith.constant 0.000000e+00 : f32
      %gt3A_349 = vector.broadcast %gt3A_348 : f32 to vector<16xf32>
      %gt3A_350 = arith.cmpf ogt, %add3A_347, %gt3A_349 : vector<16xf32>
      %jit3A_351 = arith.constant 1.000000e+00 : f32
      %jit3A_352 = arith.constant 0.000000e+00 : f32
      %broadcast_in_dim3A_353 = vector.broadcast %jit3A_351 : f32 to vector<16xf32>
      %broadcast_in_dim3A_354 = vector.broadcast %jit3A_352 : f32 to vector<16xf32>
      %select_n3A_355 = arith.select %gt3A_350, %broadcast_in_dim3A_353, %broadcast_in_dim3A_354 : vector<16xi1>, vector<16xf32>
      %add3A_356 = arith.addf %add3A_319, %select_n3A_355 : vector<16xf32>
      %eq3A = arith.constant 0 : i32
      %eq3A_357 = vector.broadcast %eq3A : i32 to vector<16xi32>
      %eq3A_358 = arith.cmpi eq, %iota3A, %eq3A_357 : vector<16xi32>
      %select_n3A_359 = arith.select %eq3A_358, %add3A_356, %broadcast_in_dim3A_63 : vector<16xi1>, vector<16xf32>
      %broadcast_in_dim3A_360 = arith.constant 0.000000e+00 : f32
      %broadcast_in_dim3A_361 = vector.broadcast %broadcast_in_dim3A_360 : f32 to vector<16xf32>
      %xor3A_362 = arith.constant 8 : i32
      %xor3A_363 = vector.broadcast %xor3A_362 : i32 to vector<16xi32>
      %xor3A_364 = arith.xori %iota3A, %xor3A_363 : vector<16xi32>
      %broadcast_in_dim3A_365 = vector.shape_cast %xor3A_364 : vector<16xi32> to vector<16x1xi32>
      %gather3A_366 = vector.shape_cast %broadcast_in_dim3A_365 : vector<16x1xi32> to vector<16xi32>
      %gather3A_367 = tpu.dynamic_gather %scan3A_136#6[%gather3A_366] in [0] : vector<16xf32>, vector<16xi32> -> vector<16xf32>
      %add3A_368 = arith.addf %scan3A_136#6, %gather3A_367 : vector<16xf32>
      %xor3A_369 = arith.constant 4 : i32
      %xor3A_370 = vector.broadcast %xor3A_369 : i32 to vector<16xi32>
      %xor3A_371 = arith.xori %iota3A, %xor3A_370 : vector<16xi32>
      %broadcast_in_dim3A_372 = vector.shape_cast %xor3A_371 : vector<16xi32> to vector<16x1xi32>
      %gather3A_373 = vector.shape_cast %broadcast_in_dim3A_372 : vector<16x1xi32> to vector<16xi32>
      %gather3A_374 = tpu.dynamic_gather %add3A_368[%gather3A_373] in [0] : vector<16xf32>, vector<16xi32> -> vector<16xf32>
      %add3A_375 = arith.addf %add3A_368, %gather3A_374 : vector<16xf32>
      %xor3A_376 = arith.constant 2 : i32
      %xor3A_377 = vector.broadcast %xor3A_376 : i32 to vector<16xi32>
      %xor3A_378 = arith.xori %iota3A, %xor3A_377 : vector<16xi32>
      %broadcast_in_dim3A_379 = vector.shape_cast %xor3A_378 : vector<16xi32> to vector<16x1xi32>
      %gather3A_380 = vector.shape_cast %broadcast_in_dim3A_379 : vector<16x1xi32> to vector<16xi32>
      %gather3A_381 = tpu.dynamic_gather %add3A_375[%gather3A_380] in [0] : vector<16xf32>, vector<16xi32> -> vector<16xf32>
      %add3A_382 = arith.addf %add3A_375, %gather3A_381 : vector<16xf32>
      %xor3A_383 = arith.constant 1 : i32
      %xor3A_384 = vector.broadcast %xor3A_383 : i32 to vector<16xi32>
      %xor3A_385 = arith.xori %iota3A, %xor3A_384 : vector<16xi32>
      %broadcast_in_dim3A_386 = vector.shape_cast %xor3A_385 : vector<16xi32> to vector<16x1xi32>
      %gather3A_387 = vector.shape_cast %broadcast_in_dim3A_386 : vector<16x1xi32> to vector<16xi32>
      %gather3A_388 = tpu.dynamic_gather %add3A_382[%gather3A_387] in [0] : vector<16xf32>, vector<16xi32> -> vector<16xf32>
      %add3A_389 = arith.addf %add3A_382, %gather3A_388 : vector<16xf32>
      %gt3A_390 = arith.constant 0.000000e+00 : f32
      %gt3A_391 = vector.broadcast %gt3A_390 : f32 to vector<16xf32>
      %gt3A_392 = arith.cmpf ogt, %add3A_389, %gt3A_391 : vector<16xf32>
      %jit3A_393 = arith.constant 3.200000e+01 : f32
      %jit3A_394 = arith.constant 0.000000e+00 : f32
      %broadcast_in_dim3A_395 = vector.broadcast %jit3A_393 : f32 to vector<16xf32>
      %broadcast_in_dim3A_396 = vector.broadcast %jit3A_394 : f32 to vector<16xf32>
      %select_n3A_397 = arith.select %gt3A_392, %broadcast_in_dim3A_395, %broadcast_in_dim3A_396 : vector<16xi1>, vector<16xf32>
      %add3A_398 = arith.addf %broadcast_in_dim3A_361, %select_n3A_397 : vector<16xf32>
      %xor3A_399 = arith.constant 8 : i32
      %xor3A_400 = vector.broadcast %xor3A_399 : i32 to vector<16xi32>
      %xor3A_401 = arith.xori %iota3A, %xor3A_400 : vector<16xi32>
      %broadcast_in_dim3A_402 = vector.shape_cast %xor3A_401 : vector<16xi32> to vector<16x1xi32>
      %gather3A_403 = vector.shape_cast %broadcast_in_dim3A_402 : vector<16x1xi32> to vector<16xi32>
      %gather3A_404 = tpu.dynamic_gather %scan3A_136#7[%gather3A_403] in [0] : vector<16xf32>, vector<16xi32> -> vector<16xf32>
      %add3A_405 = arith.addf %scan3A_136#7, %gather3A_404 : vector<16xf32>
      %xor3A_406 = arith.constant 4 : i32
      %xor3A_407 = vector.broadcast %xor3A_406 : i32 to vector<16xi32>
      %xor3A_408 = arith.xori %iota3A, %xor3A_407 : vector<16xi32>
      %broadcast_in_dim3A_409 = vector.shape_cast %xor3A_408 : vector<16xi32> to vector<16x1xi32>
      %gather3A_410 = vector.shape_cast %broadcast_in_dim3A_409 : vector<16x1xi32> to vector<16xi32>
      %gather3A_411 = tpu.dynamic_gather %add3A_405[%gather3A_410] in [0] : vector<16xf32>, vector<16xi32> -> vector<16xf32>
      %add3A_412 = arith.addf %add3A_405, %gather3A_411 : vector<16xf32>
      %xor3A_413 = arith.constant 2 : i32
      %xor3A_414 = vector.broadcast %xor3A_413 : i32 to vector<16xi32>
      %xor3A_415 = arith.xori %iota3A, %xor3A_414 : vector<16xi32>
      %broadcast_in_dim3A_416 = vector.shape_cast %xor3A_415 : vector<16xi32> to vector<16x1xi32>
      %gather3A_417 = vector.shape_cast %broadcast_in_dim3A_416 : vector<16x1xi32> to vector<16xi32>
      %gather3A_418 = tpu.dynamic_gather %add3A_412[%gather3A_417] in [0] : vector<16xf32>, vector<16xi32> -> vector<16xf32>
      %add3A_419 = arith.addf %add3A_412, %gather3A_418 : vector<16xf32>
      %xor3A_420 = arith.constant 1 : i32
      %xor3A_421 = vector.broadcast %xor3A_420 : i32 to vector<16xi32>
      %xor3A_422 = arith.xori %iota3A, %xor3A_421 : vector<16xi32>
      %broadcast_in_dim3A_423 = vector.shape_cast %xor3A_422 : vector<16xi32> to vector<16x1xi32>
      %gather3A_424 = vector.shape_cast %broadcast_in_dim3A_423 : vector<16x1xi32> to vector<16xi32>
      %gather3A_425 = tpu.dynamic_gather %add3A_419[%gather3A_424] in [0] : vector<16xf32>, vector<16xi32> -> vector<16xf32>
      %add3A_426 = arith.addf %add3A_419, %gather3A_425 : vector<16xf32>
      %gt3A_427 = arith.constant 0.000000e+00 : f32
      %gt3A_428 = vector.broadcast %gt3A_427 : f32 to vector<16xf32>
      %gt3A_429 = arith.cmpf ogt, %add3A_426, %gt3A_428 : vector<16xf32>
      %jit3A_430 = arith.constant 1.600000e+01 : f32
      %jit3A_431 = arith.constant 0.000000e+00 : f32
      %broadcast_in_dim3A_432 = vector.broadcast %jit3A_430 : f32 to vector<16xf32>
      %broadcast_in_dim3A_433 = vector.broadcast %jit3A_431 : f32 to vector<16xf32>
      %select_n3A_434 = arith.select %gt3A_429, %broadcast_in_dim3A_432, %broadcast_in_dim3A_433 : vector<16xi1>, vector<16xf32>
      %add3A_435 = arith.addf %add3A_398, %select_n3A_434 : vector<16xf32>
      %xor3A_436 = arith.constant 8 : i32
      %xor3A_437 = vector.broadcast %xor3A_436 : i32 to vector<16xi32>
      %xor3A_438 = arith.xori %iota3A, %xor3A_437 : vector<16xi32>
      %broadcast_in_dim3A_439 = vector.shape_cast %xor3A_438 : vector<16xi32> to vector<16x1xi32>
      %gather3A_440 = vector.shape_cast %broadcast_in_dim3A_439 : vector<16x1xi32> to vector<16xi32>
      %gather3A_441 = tpu.dynamic_gather %scan3A_136#8[%gather3A_440] in [0] : vector<16xf32>, vector<16xi32> -> vector<16xf32>
      %add3A_442 = arith.addf %scan3A_136#8, %gather3A_441 : vector<16xf32>
      %xor3A_443 = arith.constant 4 : i32
      %xor3A_444 = vector.broadcast %xor3A_443 : i32 to vector<16xi32>
      %xor3A_445 = arith.xori %iota3A, %xor3A_444 : vector<16xi32>
      %broadcast_in_dim3A_446 = vector.shape_cast %xor3A_445 : vector<16xi32> to vector<16x1xi32>
      %gather3A_447 = vector.shape_cast %broadcast_in_dim3A_446 : vector<16x1xi32> to vector<16xi32>
      %gather3A_448 = tpu.dynamic_gather %add3A_442[%gather3A_447] in [0] : vector<16xf32>, vector<16xi32> -> vector<16xf32>
      %add3A_449 = arith.addf %add3A_442, %gather3A_448 : vector<16xf32>
      %xor3A_450 = arith.constant 2 : i32
      %xor3A_451 = vector.broadcast %xor3A_450 : i32 to vector<16xi32>
      %xor3A_452 = arith.xori %iota3A, %xor3A_451 : vector<16xi32>
      %broadcast_in_dim3A_453 = vector.shape_cast %xor3A_452 : vector<16xi32> to vector<16x1xi32>
      %gather3A_454 = vector.shape_cast %broadcast_in_dim3A_453 : vector<16x1xi32> to vector<16xi32>
      %gather3A_455 = tpu.dynamic_gather %add3A_449[%gather3A_454] in [0] : vector<16xf32>, vector<16xi32> -> vector<16xf32>
      %add3A_456 = arith.addf %add3A_449, %gather3A_455 : vector<16xf32>
      %xor3A_457 = arith.constant 1 : i32
      %xor3A_458 = vector.broadcast %xor3A_457 : i32 to vector<16xi32>
      %xor3A_459 = arith.xori %iota3A, %xor3A_458 : vector<16xi32>
      %broadcast_in_dim3A_460 = vector.shape_cast %xor3A_459 : vector<16xi32> to vector<16x1xi32>
      %gather3A_461 = vector.shape_cast %broadcast_in_dim3A_460 : vector<16x1xi32> to vector<16xi32>
      %gather3A_462 = tpu.dynamic_gather %add3A_456[%gather3A_461] in [0] : vector<16xf32>, vector<16xi32> -> vector<16xf32>
      %add3A_463 = arith.addf %add3A_456, %gather3A_462 : vector<16xf32>
      %gt3A_464 = arith.constant 0.000000e+00 : f32
      %gt3A_465 = vector.broadcast %gt3A_464 : f32 to vector<16xf32>
      %gt3A_466 = arith.cmpf ogt, %add3A_463, %gt3A_465 : vector<16xf32>
      %jit3A_467 = arith.constant 8.000000e+00 : f32
      %jit3A_468 = arith.constant 0.000000e+00 : f32
      %broadcast_in_dim3A_469 = vector.broadcast %jit3A_467 : f32 to vector<16xf32>
      %broadcast_in_dim3A_470 = vector.broadcast %jit3A_468 : f32 to vector<16xf32>
      %select_n3A_471 = arith.select %gt3A_466, %broadcast_in_dim3A_469, %broadcast_in_dim3A_470 : vector<16xi1>, vector<16xf32>
      %add3A_472 = arith.addf %add3A_435, %select_n3A_471 : vector<16xf32>
      %xor3A_473 = arith.constant 8 : i32
      %xor3A_474 = vector.broadcast %xor3A_473 : i32 to vector<16xi32>
      %xor3A_475 = arith.xori %iota3A, %xor3A_474 : vector<16xi32>
      %broadcast_in_dim3A_476 = vector.shape_cast %xor3A_475 : vector<16xi32> to vector<16x1xi32>
      %gather3A_477 = vector.shape_cast %broadcast_in_dim3A_476 : vector<16x1xi32> to vector<16xi32>
      %gather3A_478 = tpu.dynamic_gather %scan3A_136#9[%gather3A_477] in [0] : vector<16xf32>, vector<16xi32> -> vector<16xf32>
      %add3A_479 = arith.addf %scan3A_136#9, %gather3A_478 : vector<16xf32>
      %xor3A_480 = arith.constant 4 : i32
      %xor3A_481 = vector.broadcast %xor3A_480 : i32 to vector<16xi32>
      %xor3A_482 = arith.xori %iota3A, %xor3A_481 : vector<16xi32>
      %broadcast_in_dim3A_483 = vector.shape_cast %xor3A_482 : vector<16xi32> to vector<16x1xi32>
      %gather3A_484 = vector.shape_cast %broadcast_in_dim3A_483 : vector<16x1xi32> to vector<16xi32>
      %gather3A_485 = tpu.dynamic_gather %add3A_479[%gather3A_484] in [0] : vector<16xf32>, vector<16xi32> -> vector<16xf32>
      %add3A_486 = arith.addf %add3A_479, %gather3A_485 : vector<16xf32>
      %xor3A_487 = arith.constant 2 : i32
      %xor3A_488 = vector.broadcast %xor3A_487 : i32 to vector<16xi32>
      %xor3A_489 = arith.xori %iota3A, %xor3A_488 : vector<16xi32>
      %broadcast_in_dim3A_490 = vector.shape_cast %xor3A_489 : vector<16xi32> to vector<16x1xi32>
      %gather3A_491 = vector.shape_cast %broadcast_in_dim3A_490 : vector<16x1xi32> to vector<16xi32>
      %gather3A_492 = tpu.dynamic_gather %add3A_486[%gather3A_491] in [0] : vector<16xf32>, vector<16xi32> -> vector<16xf32>
      %add3A_493 = arith.addf %add3A_486, %gather3A_492 : vector<16xf32>
      %xor3A_494 = arith.constant 1 : i32
      %xor3A_495 = vector.broadcast %xor3A_494 : i32 to vector<16xi32>
      %xor3A_496 = arith.xori %iota3A, %xor3A_495 : vector<16xi32>
      %broadcast_in_dim3A_497 = vector.shape_cast %xor3A_496 : vector<16xi32> to vector<16x1xi32>
      %gather3A_498 = vector.shape_cast %broadcast_in_dim3A_497 : vector<16x1xi32> to vector<16xi32>
      %gather3A_499 = tpu.dynamic_gather %add3A_493[%gather3A_498] in [0] : vector<16xf32>, vector<16xi32> -> vector<16xf32>
      %add3A_500 = arith.addf %add3A_493, %gather3A_499 : vector<16xf32>
      %gt3A_501 = arith.constant 0.000000e+00 : f32
      %gt3A_502 = vector.broadcast %gt3A_501 : f32 to vector<16xf32>
      %gt3A_503 = arith.cmpf ogt, %add3A_500, %gt3A_502 : vector<16xf32>
      %jit3A_504 = arith.constant 4.000000e+00 : f32
      %jit3A_505 = arith.constant 0.000000e+00 : f32
      %broadcast_in_dim3A_506 = vector.broadcast %jit3A_504 : f32 to vector<16xf32>
      %broadcast_in_dim3A_507 = vector.broadcast %jit3A_505 : f32 to vector<16xf32>
      %select_n3A_508 = arith.select %gt3A_503, %broadcast_in_dim3A_506, %broadcast_in_dim3A_507 : vector<16xi1>, vector<16xf32>
      %add3A_509 = arith.addf %add3A_472, %select_n3A_508 : vector<16xf32>
      %xor3A_510 = arith.constant 8 : i32
      %xor3A_511 = vector.broadcast %xor3A_510 : i32 to vector<16xi32>
      %xor3A_512 = arith.xori %iota3A, %xor3A_511 : vector<16xi32>
      %broadcast_in_dim3A_513 = vector.shape_cast %xor3A_512 : vector<16xi32> to vector<16x1xi32>
      %gather3A_514 = vector.shape_cast %broadcast_in_dim3A_513 : vector<16x1xi32> to vector<16xi32>
      %gather3A_515 = tpu.dynamic_gather %scan3A_136#10[%gather3A_514] in [0] : vector<16xf32>, vector<16xi32> -> vector<16xf32>
      %add3A_516 = arith.addf %scan3A_136#10, %gather3A_515 : vector<16xf32>
      %xor3A_517 = arith.constant 4 : i32
      %xor3A_518 = vector.broadcast %xor3A_517 : i32 to vector<16xi32>
      %xor3A_519 = arith.xori %iota3A, %xor3A_518 : vector<16xi32>
      %broadcast_in_dim3A_520 = vector.shape_cast %xor3A_519 : vector<16xi32> to vector<16x1xi32>
      %gather3A_521 = vector.shape_cast %broadcast_in_dim3A_520 : vector<16x1xi32> to vector<16xi32>
      %gather3A_522 = tpu.dynamic_gather %add3A_516[%gather3A_521] in [0] : vector<16xf32>, vector<16xi32> -> vector<16xf32>
      %add3A_523 = arith.addf %add3A_516, %gather3A_522 : vector<16xf32>
      %xor3A_524 = arith.constant 2 : i32
      %xor3A_525 = vector.broadcast %xor3A_524 : i32 to vector<16xi32>
      %xor3A_526 = arith.xori %iota3A, %xor3A_525 : vector<16xi32>
      %broadcast_in_dim3A_527 = vector.shape_cast %xor3A_526 : vector<16xi32> to vector<16x1xi32>
      %gather3A_528 = vector.shape_cast %broadcast_in_dim3A_527 : vector<16x1xi32> to vector<16xi32>
      %gather3A_529 = tpu.dynamic_gather %add3A_523[%gather3A_528] in [0] : vector<16xf32>, vector<16xi32> -> vector<16xf32>
      %add3A_530 = arith.addf %add3A_523, %gather3A_529 : vector<16xf32>
      %xor3A_531 = arith.constant 1 : i32
      %xor3A_532 = vector.broadcast %xor3A_531 : i32 to vector<16xi32>
      %xor3A_533 = arith.xori %iota3A, %xor3A_532 : vector<16xi32>
      %broadcast_in_dim3A_534 = vector.shape_cast %xor3A_533 : vector<16xi32> to vector<16x1xi32>
      %gather3A_535 = vector.shape_cast %broadcast_in_dim3A_534 : vector<16x1xi32> to vector<16xi32>
      %gather3A_536 = tpu.dynamic_gather %add3A_530[%gather3A_535] in [0] : vector<16xf32>, vector<16xi32> -> vector<16xf32>
      %add3A_537 = arith.addf %add3A_530, %gather3A_536 : vector<16xf32>
      %gt3A_538 = arith.constant 0.000000e+00 : f32
      %gt3A_539 = vector.broadcast %gt3A_538 : f32 to vector<16xf32>
      %gt3A_540 = arith.cmpf ogt, %add3A_537, %gt3A_539 : vector<16xf32>
      %jit3A_541 = arith.constant 2.000000e+00 : f32
      %jit3A_542 = arith.constant 0.000000e+00 : f32
      %broadcast_in_dim3A_543 = vector.broadcast %jit3A_541 : f32 to vector<16xf32>
      %broadcast_in_dim3A_544 = vector.broadcast %jit3A_542 : f32 to vector<16xf32>
      %select_n3A_545 = arith.select %gt3A_540, %broadcast_in_dim3A_543, %broadcast_in_dim3A_544 : vector<16xi1>, vector<16xf32>
      %add3A_546 = arith.addf %add3A_509, %select_n3A_545 : vector<16xf32>
      %xor3A_547 = arith.constant 8 : i32
      %xor3A_548 = vector.broadcast %xor3A_547 : i32 to vector<16xi32>
      %xor3A_549 = arith.xori %iota3A, %xor3A_548 : vector<16xi32>
      %broadcast_in_dim3A_550 = vector.shape_cast %xor3A_549 : vector<16xi32> to vector<16x1xi32>
      %gather3A_551 = vector.shape_cast %broadcast_in_dim3A_550 : vector<16x1xi32> to vector<16xi32>
      %gather3A_552 = tpu.dynamic_gather %scan3A_136#11[%gather3A_551] in [0] : vector<16xf32>, vector<16xi32> -> vector<16xf32>
      %add3A_553 = arith.addf %scan3A_136#11, %gather3A_552 : vector<16xf32>
      %xor3A_554 = arith.constant 4 : i32
      %xor3A_555 = vector.broadcast %xor3A_554 : i32 to vector<16xi32>
      %xor3A_556 = arith.xori %iota3A, %xor3A_555 : vector<16xi32>
      %broadcast_in_dim3A_557 = vector.shape_cast %xor3A_556 : vector<16xi32> to vector<16x1xi32>
      %gather3A_558 = vector.shape_cast %broadcast_in_dim3A_557 : vector<16x1xi32> to vector<16xi32>
      %gather3A_559 = tpu.dynamic_gather %add3A_553[%gather3A_558] in [0] : vector<16xf32>, vector<16xi32> -> vector<16xf32>
      %add3A_560 = arith.addf %add3A_553, %gather3A_559 : vector<16xf32>
      %xor3A_561 = arith.constant 2 : i32
      %xor3A_562 = vector.broadcast %xor3A_561 : i32 to vector<16xi32>
      %xor3A_563 = arith.xori %iota3A, %xor3A_562 : vector<16xi32>
      %broadcast_in_dim3A_564 = vector.shape_cast %xor3A_563 : vector<16xi32> to vector<16x1xi32>
      %gather3A_565 = vector.shape_cast %broadcast_in_dim3A_564 : vector<16x1xi32> to vector<16xi32>
      %gather3A_566 = tpu.dynamic_gather %add3A_560[%gather3A_565] in [0] : vector<16xf32>, vector<16xi32> -> vector<16xf32>
      %add3A_567 = arith.addf %add3A_560, %gather3A_566 : vector<16xf32>
      %xor3A_568 = arith.constant 1 : i32
      %xor3A_569 = vector.broadcast %xor3A_568 : i32 to vector<16xi32>
      %xor3A_570 = arith.xori %iota3A, %xor3A_569 : vector<16xi32>
      %broadcast_in_dim3A_571 = vector.shape_cast %xor3A_570 : vector<16xi32> to vector<16x1xi32>
      %gather3A_572 = vector.shape_cast %broadcast_in_dim3A_571 : vector<16x1xi32> to vector<16xi32>
      %gather3A_573 = tpu.dynamic_gather %add3A_567[%gather3A_572] in [0] : vector<16xf32>, vector<16xi32> -> vector<16xf32>
      %add3A_574 = arith.addf %add3A_567, %gather3A_573 : vector<16xf32>
      %gt3A_575 = arith.constant 0.000000e+00 : f32
      %gt3A_576 = vector.broadcast %gt3A_575 : f32 to vector<16xf32>
      %gt3A_577 = arith.cmpf ogt, %add3A_574, %gt3A_576 : vector<16xf32>
      %jit3A_578 = arith.constant 1.000000e+00 : f32
      %jit3A_579 = arith.constant 0.000000e+00 : f32
      %broadcast_in_dim3A_580 = vector.broadcast %jit3A_578 : f32 to vector<16xf32>
      %broadcast_in_dim3A_581 = vector.broadcast %jit3A_579 : f32 to vector<16xf32>
      %select_n3A_582 = arith.select %gt3A_577, %broadcast_in_dim3A_580, %broadcast_in_dim3A_581 : vector<16xi1>, vector<16xf32>
      %add3A_583 = arith.addf %add3A_546, %select_n3A_582 : vector<16xf32>
      %eq3A_584 = arith.constant 1 : i32
      %eq3A_585 = vector.broadcast %eq3A_584 : i32 to vector<16xi32>
      %eq3A_586 = arith.cmpi eq, %iota3A, %eq3A_585 : vector<16xi32>
      %select_n3A_587 = arith.select %eq3A_586, %add3A_583, %select_n3A_359 : vector<16xi1>, vector<16xf32>
      %broadcast_in_dim3A_588 = arith.constant 0.000000e+00 : f32
      %broadcast_in_dim3A_589 = vector.broadcast %broadcast_in_dim3A_588 : f32 to vector<16xf32>
      %xor3A_590 = arith.constant 8 : i32
      %xor3A_591 = vector.broadcast %xor3A_590 : i32 to vector<16xi32>
      %xor3A_592 = arith.xori %iota3A, %xor3A_591 : vector<16xi32>
      %broadcast_in_dim3A_593 = vector.shape_cast %xor3A_592 : vector<16xi32> to vector<16x1xi32>
      %gather3A_594 = vector.shape_cast %broadcast_in_dim3A_593 : vector<16x1xi32> to vector<16xi32>
      %gather3A_595 = tpu.dynamic_gather %scan3A_136#12[%gather3A_594] in [0] : vector<16xf32>, vector<16xi32> -> vector<16xf32>
      %add3A_596 = arith.addf %scan3A_136#12, %gather3A_595 : vector<16xf32>
      %xor3A_597 = arith.constant 4 : i32
      %xor3A_598 = vector.broadcast %xor3A_597 : i32 to vector<16xi32>
      %xor3A_599 = arith.xori %iota3A, %xor3A_598 : vector<16xi32>
      %broadcast_in_dim3A_600 = vector.shape_cast %xor3A_599 : vector<16xi32> to vector<16x1xi32>
      %gather3A_601 = vector.shape_cast %broadcast_in_dim3A_600 : vector<16x1xi32> to vector<16xi32>
      %gather3A_602 = tpu.dynamic_gather %add3A_596[%gather3A_601] in [0] : vector<16xf32>, vector<16xi32> -> vector<16xf32>
      %add3A_603 = arith.addf %add3A_596, %gather3A_602 : vector<16xf32>
      %xor3A_604 = arith.constant 2 : i32
      %xor3A_605 = vector.broadcast %xor3A_604 : i32 to vector<16xi32>
      %xor3A_606 = arith.xori %iota3A, %xor3A_605 : vector<16xi32>
      %broadcast_in_dim3A_607 = vector.shape_cast %xor3A_606 : vector<16xi32> to vector<16x1xi32>
      %gather3A_608 = vector.shape_cast %broadcast_in_dim3A_607 : vector<16x1xi32> to vector<16xi32>
      %gather3A_609 = tpu.dynamic_gather %add3A_603[%gather3A_608] in [0] : vector<16xf32>, vector<16xi32> -> vector<16xf32>
      %add3A_610 = arith.addf %add3A_603, %gather3A_609 : vector<16xf32>
      %xor3A_611 = arith.constant 1 : i32
      %xor3A_612 = vector.broadcast %xor3A_611 : i32 to vector<16xi32>
      %xor3A_613 = arith.xori %iota3A, %xor3A_612 : vector<16xi32>
      %broadcast_in_dim3A_614 = vector.shape_cast %xor3A_613 : vector<16xi32> to vector<16x1xi32>
      %gather3A_615 = vector.shape_cast %broadcast_in_dim3A_614 : vector<16x1xi32> to vector<16xi32>
      %gather3A_616 = tpu.dynamic_gather %add3A_610[%gather3A_615] in [0] : vector<16xf32>, vector<16xi32> -> vector<16xf32>
      %add3A_617 = arith.addf %add3A_610, %gather3A_616 : vector<16xf32>
      %gt3A_618 = arith.constant 0.000000e+00 : f32
      %gt3A_619 = vector.broadcast %gt3A_618 : f32 to vector<16xf32>
      %gt3A_620 = arith.cmpf ogt, %add3A_617, %gt3A_619 : vector<16xf32>
      %jit3A_621 = arith.constant 3.200000e+01 : f32
      %jit3A_622 = arith.constant 0.000000e+00 : f32
      %broadcast_in_dim3A_623 = vector.broadcast %jit3A_621 : f32 to vector<16xf32>
      %broadcast_in_dim3A_624 = vector.broadcast %jit3A_622 : f32 to vector<16xf32>
      %select_n3A_625 = arith.select %gt3A_620, %broadcast_in_dim3A_623, %broadcast_in_dim3A_624 : vector<16xi1>, vector<16xf32>
      %add3A_626 = arith.addf %broadcast_in_dim3A_589, %select_n3A_625 : vector<16xf32>
      %xor3A_627 = arith.constant 8 : i32
      %xor3A_628 = vector.broadcast %xor3A_627 : i32 to vector<16xi32>
      %xor3A_629 = arith.xori %iota3A, %xor3A_628 : vector<16xi32>
      %broadcast_in_dim3A_630 = vector.shape_cast %xor3A_629 : vector<16xi32> to vector<16x1xi32>
      %gather3A_631 = vector.shape_cast %broadcast_in_dim3A_630 : vector<16x1xi32> to vector<16xi32>
      %gather3A_632 = tpu.dynamic_gather %scan3A_136#13[%gather3A_631] in [0] : vector<16xf32>, vector<16xi32> -> vector<16xf32>
      %add3A_633 = arith.addf %scan3A_136#13, %gather3A_632 : vector<16xf32>
      %xor3A_634 = arith.constant 4 : i32
      %xor3A_635 = vector.broadcast %xor3A_634 : i32 to vector<16xi32>
      %xor3A_636 = arith.xori %iota3A, %xor3A_635 : vector<16xi32>
      %broadcast_in_dim3A_637 = vector.shape_cast %xor3A_636 : vector<16xi32> to vector<16x1xi32>
      %gather3A_638 = vector.shape_cast %broadcast_in_dim3A_637 : vector<16x1xi32> to vector<16xi32>
      %gather3A_639 = tpu.dynamic_gather %add3A_633[%gather3A_638] in [0] : vector<16xf32>, vector<16xi32> -> vector<16xf32>
      %add3A_640 = arith.addf %add3A_633, %gather3A_639 : vector<16xf32>
      %xor3A_641 = arith.constant 2 : i32
      %xor3A_642 = vector.broadcast %xor3A_641 : i32 to vector<16xi32>
      %xor3A_643 = arith.xori %iota3A, %xor3A_642 : vector<16xi32>
      %broadcast_in_dim3A_644 = vector.shape_cast %xor3A_643 : vector<16xi32> to vector<16x1xi32>
      %gather3A_645 = vector.shape_cast %broadcast_in_dim3A_644 : vector<16x1xi32> to vector<16xi32>
      %gather3A_646 = tpu.dynamic_gather %add3A_640[%gather3A_645] in [0] : vector<16xf32>, vector<16xi32> -> vector<16xf32>
      %add3A_647 = arith.addf %add3A_640, %gather3A_646 : vector<16xf32>
      %xor3A_648 = arith.constant 1 : i32
      %xor3A_649 = vector.broadcast %xor3A_648 : i32 to vector<16xi32>
      %xor3A_650 = arith.xori %iota3A, %xor3A_649 : vector<16xi32>
      %broadcast_in_dim3A_651 = vector.shape_cast %xor3A_650 : vector<16xi32> to vector<16x1xi32>
      %gather3A_652 = vector.shape_cast %broadcast_in_dim3A_651 : vector<16x1xi32> to vector<16xi32>
      %gather3A_653 = tpu.dynamic_gather %add3A_647[%gather3A_652] in [0] : vector<16xf32>, vector<16xi32> -> vector<16xf32>
      %add3A_654 = arith.addf %add3A_647, %gather3A_653 : vector<16xf32>
      %gt3A_655 = arith.constant 0.000000e+00 : f32
      %gt3A_656 = vector.broadcast %gt3A_655 : f32 to vector<16xf32>
      %gt3A_657 = arith.cmpf ogt, %add3A_654, %gt3A_656 : vector<16xf32>
      %jit3A_658 = arith.constant 1.600000e+01 : f32
      %jit3A_659 = arith.constant 0.000000e+00 : f32
      %broadcast_in_dim3A_660 = vector.broadcast %jit3A_658 : f32 to vector<16xf32>
      %broadcast_in_dim3A_661 = vector.broadcast %jit3A_659 : f32 to vector<16xf32>
      %select_n3A_662 = arith.select %gt3A_657, %broadcast_in_dim3A_660, %broadcast_in_dim3A_661 : vector<16xi1>, vector<16xf32>
      %add3A_663 = arith.addf %add3A_626, %select_n3A_662 : vector<16xf32>
      %xor3A_664 = arith.constant 8 : i32
      %xor3A_665 = vector.broadcast %xor3A_664 : i32 to vector<16xi32>
      %xor3A_666 = arith.xori %iota3A, %xor3A_665 : vector<16xi32>
      %broadcast_in_dim3A_667 = vector.shape_cast %xor3A_666 : vector<16xi32> to vector<16x1xi32>
      %gather3A_668 = vector.shape_cast %broadcast_in_dim3A_667 : vector<16x1xi32> to vector<16xi32>
      %gather3A_669 = tpu.dynamic_gather %scan3A_136#14[%gather3A_668] in [0] : vector<16xf32>, vector<16xi32> -> vector<16xf32>
      %add3A_670 = arith.addf %scan3A_136#14, %gather3A_669 : vector<16xf32>
      %xor3A_671 = arith.constant 4 : i32
      %xor3A_672 = vector.broadcast %xor3A_671 : i32 to vector<16xi32>
      %xor3A_673 = arith.xori %iota3A, %xor3A_672 : vector<16xi32>
      %broadcast_in_dim3A_674 = vector.shape_cast %xor3A_673 : vector<16xi32> to vector<16x1xi32>
      %gather3A_675 = vector.shape_cast %broadcast_in_dim3A_674 : vector<16x1xi32> to vector<16xi32>
      %gather3A_676 = tpu.dynamic_gather %add3A_670[%gather3A_675] in [0] : vector<16xf32>, vector<16xi32> -> vector<16xf32>
      %add3A_677 = arith.addf %add3A_670, %gather3A_676 : vector<16xf32>
      %xor3A_678 = arith.constant 2 : i32
      %xor3A_679 = vector.broadcast %xor3A_678 : i32 to vector<16xi32>
      %xor3A_680 = arith.xori %iota3A, %xor3A_679 : vector<16xi32>
      %broadcast_in_dim3A_681 = vector.shape_cast %xor3A_680 : vector<16xi32> to vector<16x1xi32>
      %gather3A_682 = vector.shape_cast %broadcast_in_dim3A_681 : vector<16x1xi32> to vector<16xi32>
      %gather3A_683 = tpu.dynamic_gather %add3A_677[%gather3A_682] in [0] : vector<16xf32>, vector<16xi32> -> vector<16xf32>
      %add3A_684 = arith.addf %add3A_677, %gather3A_683 : vector<16xf32>
      %xor3A_685 = arith.constant 1 : i32
      %xor3A_686 = vector.broadcast %xor3A_685 : i32 to vector<16xi32>
      %xor3A_687 = arith.xori %iota3A, %xor3A_686 : vector<16xi32>
      %broadcast_in_dim3A_688 = vector.shape_cast %xor3A_687 : vector<16xi32> to vector<16x1xi32>
      %gather3A_689 = vector.shape_cast %broadcast_in_dim3A_688 : vector<16x1xi32> to vector<16xi32>
      %gather3A_690 = tpu.dynamic_gather %add3A_684[%gather3A_689] in [0] : vector<16xf32>, vector<16xi32> -> vector<16xf32>
      %add3A_691 = arith.addf %add3A_684, %gather3A_690 : vector<16xf32>
      %gt3A_692 = arith.constant 0.000000e+00 : f32
      %gt3A_693 = vector.broadcast %gt3A_692 : f32 to vector<16xf32>
      %gt3A_694 = arith.cmpf ogt, %add3A_691, %gt3A_693 : vector<16xf32>
      %jit3A_695 = arith.constant 8.000000e+00 : f32
      %jit3A_696 = arith.constant 0.000000e+00 : f32
      %broadcast_in_dim3A_697 = vector.broadcast %jit3A_695 : f32 to vector<16xf32>
      %broadcast_in_dim3A_698 = vector.broadcast %jit3A_696 : f32 to vector<16xf32>
      %select_n3A_699 = arith.select %gt3A_694, %broadcast_in_dim3A_697, %broadcast_in_dim3A_698 : vector<16xi1>, vector<16xf32>
      %add3A_700 = arith.addf %add3A_663, %select_n3A_699 : vector<16xf32>
      %xor3A_701 = arith.constant 8 : i32
      %xor3A_702 = vector.broadcast %xor3A_701 : i32 to vector<16xi32>
      %xor3A_703 = arith.xori %iota3A, %xor3A_702 : vector<16xi32>
      %broadcast_in_dim3A_704 = vector.shape_cast %xor3A_703 : vector<16xi32> to vector<16x1xi32>
      %gather3A_705 = vector.shape_cast %broadcast_in_dim3A_704 : vector<16x1xi32> to vector<16xi32>
      %gather3A_706 = tpu.dynamic_gather %scan3A_136#15[%gather3A_705] in [0] : vector<16xf32>, vector<16xi32> -> vector<16xf32>
      %add3A_707 = arith.addf %scan3A_136#15, %gather3A_706 : vector<16xf32>
      %xor3A_708 = arith.constant 4 : i32
      %xor3A_709 = vector.broadcast %xor3A_708 : i32 to vector<16xi32>
      %xor3A_710 = arith.xori %iota3A, %xor3A_709 : vector<16xi32>
      %broadcast_in_dim3A_711 = vector.shape_cast %xor3A_710 : vector<16xi32> to vector<16x1xi32>
      %gather3A_712 = vector.shape_cast %broadcast_in_dim3A_711 : vector<16x1xi32> to vector<16xi32>
      %gather3A_713 = tpu.dynamic_gather %add3A_707[%gather3A_712] in [0] : vector<16xf32>, vector<16xi32> -> vector<16xf32>
      %add3A_714 = arith.addf %add3A_707, %gather3A_713 : vector<16xf32>
      %xor3A_715 = arith.constant 2 : i32
      %xor3A_716 = vector.broadcast %xor3A_715 : i32 to vector<16xi32>
      %xor3A_717 = arith.xori %iota3A, %xor3A_716 : vector<16xi32>
      %broadcast_in_dim3A_718 = vector.shape_cast %xor3A_717 : vector<16xi32> to vector<16x1xi32>
      %gather3A_719 = vector.shape_cast %broadcast_in_dim3A_718 : vector<16x1xi32> to vector<16xi32>
      %gather3A_720 = tpu.dynamic_gather %add3A_714[%gather3A_719] in [0] : vector<16xf32>, vector<16xi32> -> vector<16xf32>
      %add3A_721 = arith.addf %add3A_714, %gather3A_720 : vector<16xf32>
      %xor3A_722 = arith.constant 1 : i32
      %xor3A_723 = vector.broadcast %xor3A_722 : i32 to vector<16xi32>
      %xor3A_724 = arith.xori %iota3A, %xor3A_723 : vector<16xi32>
      %broadcast_in_dim3A_725 = vector.shape_cast %xor3A_724 : vector<16xi32> to vector<16x1xi32>
      %gather3A_726 = vector.shape_cast %broadcast_in_dim3A_725 : vector<16x1xi32> to vector<16xi32>
      %gather3A_727 = tpu.dynamic_gather %add3A_721[%gather3A_726] in [0] : vector<16xf32>, vector<16xi32> -> vector<16xf32>
      %add3A_728 = arith.addf %add3A_721, %gather3A_727 : vector<16xf32>
      %gt3A_729 = arith.constant 0.000000e+00 : f32
      %gt3A_730 = vector.broadcast %gt3A_729 : f32 to vector<16xf32>
      %gt3A_731 = arith.cmpf ogt, %add3A_728, %gt3A_730 : vector<16xf32>
      %jit3A_732 = arith.constant 4.000000e+00 : f32
      %jit3A_733 = arith.constant 0.000000e+00 : f32
      %broadcast_in_dim3A_734 = vector.broadcast %jit3A_732 : f32 to vector<16xf32>
      %broadcast_in_dim3A_735 = vector.broadcast %jit3A_733 : f32 to vector<16xf32>
      %select_n3A_736 = arith.select %gt3A_731, %broadcast_in_dim3A_734, %broadcast_in_dim3A_735 : vector<16xi1>, vector<16xf32>
      %add3A_737 = arith.addf %add3A_700, %select_n3A_736 : vector<16xf32>
      %xor3A_738 = arith.constant 8 : i32
      %xor3A_739 = vector.broadcast %xor3A_738 : i32 to vector<16xi32>
      %xor3A_740 = arith.xori %iota3A, %xor3A_739 : vector<16xi32>
      %broadcast_in_dim3A_741 = vector.shape_cast %xor3A_740 : vector<16xi32> to vector<16x1xi32>
      %gather3A_742 = vector.shape_cast %broadcast_in_dim3A_741 : vector<16x1xi32> to vector<16xi32>
      %gather3A_743 = tpu.dynamic_gather %scan3A_136#16[%gather3A_742] in [0] : vector<16xf32>, vector<16xi32> -> vector<16xf32>
      %add3A_744 = arith.addf %scan3A_136#16, %gather3A_743 : vector<16xf32>
      %xor3A_745 = arith.constant 4 : i32
      %xor3A_746 = vector.broadcast %xor3A_745 : i32 to vector<16xi32>
      %xor3A_747 = arith.xori %iota3A, %xor3A_746 : vector<16xi32>
      %broadcast_in_dim3A_748 = vector.shape_cast %xor3A_747 : vector<16xi32> to vector<16x1xi32>
      %gather3A_749 = vector.shape_cast %broadcast_in_dim3A_748 : vector<16x1xi32> to vector<16xi32>
      %gather3A_750 = tpu.dynamic_gather %add3A_744[%gather3A_749] in [0] : vector<16xf32>, vector<16xi32> -> vector<16xf32>
      %add3A_751 = arith.addf %add3A_744, %gather3A_750 : vector<16xf32>
      %xor3A_752 = arith.constant 2 : i32
      %xor3A_753 = vector.broadcast %xor3A_752 : i32 to vector<16xi32>
      %xor3A_754 = arith.xori %iota3A, %xor3A_753 : vector<16xi32>
      %broadcast_in_dim3A_755 = vector.shape_cast %xor3A_754 : vector<16xi32> to vector<16x1xi32>
      %gather3A_756 = vector.shape_cast %broadcast_in_dim3A_755 : vector<16x1xi32> to vector<16xi32>
      %gather3A_757 = tpu.dynamic_gather %add3A_751[%gather3A_756] in [0] : vector<16xf32>, vector<16xi32> -> vector<16xf32>
      %add3A_758 = arith.addf %add3A_751, %gather3A_757 : vector<16xf32>
      %xor3A_759 = arith.constant 1 : i32
      %xor3A_760 = vector.broadcast %xor3A_759 : i32 to vector<16xi32>
      %xor3A_761 = arith.xori %iota3A, %xor3A_760 : vector<16xi32>
      %broadcast_in_dim3A_762 = vector.shape_cast %xor3A_761 : vector<16xi32> to vector<16x1xi32>
      %gather3A_763 = vector.shape_cast %broadcast_in_dim3A_762 : vector<16x1xi32> to vector<16xi32>
      %gather3A_764 = tpu.dynamic_gather %add3A_758[%gather3A_763] in [0] : vector<16xf32>, vector<16xi32> -> vector<16xf32>
      %add3A_765 = arith.addf %add3A_758, %gather3A_764 : vector<16xf32>
      %gt3A_766 = arith.constant 0.000000e+00 : f32
      %gt3A_767 = vector.broadcast %gt3A_766 : f32 to vector<16xf32>
      %gt3A_768 = arith.cmpf ogt, %add3A_765, %gt3A_767 : vector<16xf32>
      %jit3A_769 = arith.constant 2.000000e+00 : f32
      %jit3A_770 = arith.constant 0.000000e+00 : f32
      %broadcast_in_dim3A_771 = vector.broadcast %jit3A_769 : f32 to vector<16xf32>
      %broadcast_in_dim3A_772 = vector.broadcast %jit3A_770 : f32 to vector<16xf32>
      %select_n3A_773 = arith.select %gt3A_768, %broadcast_in_dim3A_771, %broadcast_in_dim3A_772 : vector<16xi1>, vector<16xf32>
      %add3A_774 = arith.addf %add3A_737, %select_n3A_773 : vector<16xf32>
      %xor3A_775 = arith.constant 8 : i32
      %xor3A_776 = vector.broadcast %xor3A_775 : i32 to vector<16xi32>
      %xor3A_777 = arith.xori %iota3A, %xor3A_776 : vector<16xi32>
      %broadcast_in_dim3A_778 = vector.shape_cast %xor3A_777 : vector<16xi32> to vector<16x1xi32>
      %gather3A_779 = vector.shape_cast %broadcast_in_dim3A_778 : vector<16x1xi32> to vector<16xi32>
      %gather3A_780 = tpu.dynamic_gather %scan3A_136#17[%gather3A_779] in [0] : vector<16xf32>, vector<16xi32> -> vector<16xf32>
      %add3A_781 = arith.addf %scan3A_136#17, %gather3A_780 : vector<16xf32>
      %xor3A_782 = arith.constant 4 : i32
      %xor3A_783 = vector.broadcast %xor3A_782 : i32 to vector<16xi32>
      %xor3A_784 = arith.xori %iota3A, %xor3A_783 : vector<16xi32>
      %broadcast_in_dim3A_785 = vector.shape_cast %xor3A_784 : vector<16xi32> to vector<16x1xi32>
      %gather3A_786 = vector.shape_cast %broadcast_in_dim3A_785 : vector<16x1xi32> to vector<16xi32>
      %gather3A_787 = tpu.dynamic_gather %add3A_781[%gather3A_786] in [0] : vector<16xf32>, vector<16xi32> -> vector<16xf32>
      %add3A_788 = arith.addf %add3A_781, %gather3A_787 : vector<16xf32>
      %xor3A_789 = arith.constant 2 : i32
      %xor3A_790 = vector.broadcast %xor3A_789 : i32 to vector<16xi32>
      %xor3A_791 = arith.xori %iota3A, %xor3A_790 : vector<16xi32>
      %broadcast_in_dim3A_792 = vector.shape_cast %xor3A_791 : vector<16xi32> to vector<16x1xi32>
      %gather3A_793 = vector.shape_cast %broadcast_in_dim3A_792 : vector<16x1xi32> to vector<16xi32>
      %gather3A_794 = tpu.dynamic_gather %add3A_788[%gather3A_793] in [0] : vector<16xf32>, vector<16xi32> -> vector<16xf32>
      %add3A_795 = arith.addf %add3A_788, %gather3A_794 : vector<16xf32>
      %xor3A_796 = arith.constant 1 : i32
      %xor3A_797 = vector.broadcast %xor3A_796 : i32 to vector<16xi32>
      %xor3A_798 = arith.xori %iota3A, %xor3A_797 : vector<16xi32>
      %broadcast_in_dim3A_799 = vector.shape_cast %xor3A_798 : vector<16xi32> to vector<16x1xi32>
      %gather3A_800 = vector.shape_cast %broadcast_in_dim3A_799 : vector<16x1xi32> to vector<16xi32>
      %gather3A_801 = tpu.dynamic_gather %add3A_795[%gather3A_800] in [0] : vector<16xf32>, vector<16xi32> -> vector<16xf32>
      %add3A_802 = arith.addf %add3A_795, %gather3A_801 : vector<16xf32>
      %gt3A_803 = arith.constant 0.000000e+00 : f32
      %gt3A_804 = vector.broadcast %gt3A_803 : f32 to vector<16xf32>
      %gt3A_805 = arith.cmpf ogt, %add3A_802, %gt3A_804 : vector<16xf32>
      %jit3A_806 = arith.constant 1.000000e+00 : f32
      %jit3A_807 = arith.constant 0.000000e+00 : f32
      %broadcast_in_dim3A_808 = vector.broadcast %jit3A_806 : f32 to vector<16xf32>
      %broadcast_in_dim3A_809 = vector.broadcast %jit3A_807 : f32 to vector<16xf32>
      %select_n3A_810 = arith.select %gt3A_805, %broadcast_in_dim3A_808, %broadcast_in_dim3A_809 : vector<16xi1>, vector<16xf32>
      %add3A_811 = arith.addf %add3A_774, %select_n3A_810 : vector<16xf32>
      %eq3A_812 = arith.constant 2 : i32
      %eq3A_813 = vector.broadcast %eq3A_812 : i32 to vector<16xi32>
      %eq3A_814 = arith.cmpi eq, %iota3A, %eq3A_813 : vector<16xi32>
      %select_n3A_815 = arith.select %eq3A_814, %add3A_811, %select_n3A_587 : vector<16xi1>, vector<16xf32>
      %broadcast_in_dim3A_816 = arith.constant 0.000000e+00 : f32
      %broadcast_in_dim3A_817 = vector.broadcast %broadcast_in_dim3A_816 : f32 to vector<16xf32>
      %xor3A_818 = arith.constant 8 : i32
      %xor3A_819 = vector.broadcast %xor3A_818 : i32 to vector<16xi32>
      %xor3A_820 = arith.xori %iota3A, %xor3A_819 : vector<16xi32>
      %broadcast_in_dim3A_821 = vector.shape_cast %xor3A_820 : vector<16xi32> to vector<16x1xi32>
      %gather3A_822 = vector.shape_cast %broadcast_in_dim3A_821 : vector<16x1xi32> to vector<16xi32>
      %gather3A_823 = tpu.dynamic_gather %scan3A_136#18[%gather3A_822] in [0] : vector<16xf32>, vector<16xi32> -> vector<16xf32>
      %add3A_824 = arith.addf %scan3A_136#18, %gather3A_823 : vector<16xf32>
      %xor3A_825 = arith.constant 4 : i32
      %xor3A_826 = vector.broadcast %xor3A_825 : i32 to vector<16xi32>
      %xor3A_827 = arith.xori %iota3A, %xor3A_826 : vector<16xi32>
      %broadcast_in_dim3A_828 = vector.shape_cast %xor3A_827 : vector<16xi32> to vector<16x1xi32>
      %gather3A_829 = vector.shape_cast %broadcast_in_dim3A_828 : vector<16x1xi32> to vector<16xi32>
      %gather3A_830 = tpu.dynamic_gather %add3A_824[%gather3A_829] in [0] : vector<16xf32>, vector<16xi32> -> vector<16xf32>
      %add3A_831 = arith.addf %add3A_824, %gather3A_830 : vector<16xf32>
      %xor3A_832 = arith.constant 2 : i32
      %xor3A_833 = vector.broadcast %xor3A_832 : i32 to vector<16xi32>
      %xor3A_834 = arith.xori %iota3A, %xor3A_833 : vector<16xi32>
      %broadcast_in_dim3A_835 = vector.shape_cast %xor3A_834 : vector<16xi32> to vector<16x1xi32>
      %gather3A_836 = vector.shape_cast %broadcast_in_dim3A_835 : vector<16x1xi32> to vector<16xi32>
      %gather3A_837 = tpu.dynamic_gather %add3A_831[%gather3A_836] in [0] : vector<16xf32>, vector<16xi32> -> vector<16xf32>
      %add3A_838 = arith.addf %add3A_831, %gather3A_837 : vector<16xf32>
      %xor3A_839 = arith.constant 1 : i32
      %xor3A_840 = vector.broadcast %xor3A_839 : i32 to vector<16xi32>
      %xor3A_841 = arith.xori %iota3A, %xor3A_840 : vector<16xi32>
      %broadcast_in_dim3A_842 = vector.shape_cast %xor3A_841 : vector<16xi32> to vector<16x1xi32>
      %gather3A_843 = vector.shape_cast %broadcast_in_dim3A_842 : vector<16x1xi32> to vector<16xi32>
      %gather3A_844 = tpu.dynamic_gather %add3A_838[%gather3A_843] in [0] : vector<16xf32>, vector<16xi32> -> vector<16xf32>
      %add3A_845 = arith.addf %add3A_838, %gather3A_844 : vector<16xf32>
      %gt3A_846 = arith.constant 0.000000e+00 : f32
      %gt3A_847 = vector.broadcast %gt3A_846 : f32 to vector<16xf32>
      %gt3A_848 = arith.cmpf ogt, %add3A_845, %gt3A_847 : vector<16xf32>
      %jit3A_849 = arith.constant 3.200000e+01 : f32
      %jit3A_850 = arith.constant 0.000000e+00 : f32
      %broadcast_in_dim3A_851 = vector.broadcast %jit3A_849 : f32 to vector<16xf32>
      %broadcast_in_dim3A_852 = vector.broadcast %jit3A_850 : f32 to vector<16xf32>
      %select_n3A_853 = arith.select %gt3A_848, %broadcast_in_dim3A_851, %broadcast_in_dim3A_852 : vector<16xi1>, vector<16xf32>
      %add3A_854 = arith.addf %broadcast_in_dim3A_817, %select_n3A_853 : vector<16xf32>
      %xor3A_855 = arith.constant 8 : i32
      %xor3A_856 = vector.broadcast %xor3A_855 : i32 to vector<16xi32>
      %xor3A_857 = arith.xori %iota3A, %xor3A_856 : vector<16xi32>
      %broadcast_in_dim3A_858 = vector.shape_cast %xor3A_857 : vector<16xi32> to vector<16x1xi32>
      %gather3A_859 = vector.shape_cast %broadcast_in_dim3A_858 : vector<16x1xi32> to vector<16xi32>
      %gather3A_860 = tpu.dynamic_gather %scan3A_136#19[%gather3A_859] in [0] : vector<16xf32>, vector<16xi32> -> vector<16xf32>
      %add3A_861 = arith.addf %scan3A_136#19, %gather3A_860 : vector<16xf32>
      %xor3A_862 = arith.constant 4 : i32
      %xor3A_863 = vector.broadcast %xor3A_862 : i32 to vector<16xi32>
      %xor3A_864 = arith.xori %iota3A, %xor3A_863 : vector<16xi32>
      %broadcast_in_dim3A_865 = vector.shape_cast %xor3A_864 : vector<16xi32> to vector<16x1xi32>
      %gather3A_866 = vector.shape_cast %broadcast_in_dim3A_865 : vector<16x1xi32> to vector<16xi32>
      %gather3A_867 = tpu.dynamic_gather %add3A_861[%gather3A_866] in [0] : vector<16xf32>, vector<16xi32> -> vector<16xf32>
      %add3A_868 = arith.addf %add3A_861, %gather3A_867 : vector<16xf32>
      %xor3A_869 = arith.constant 2 : i32
      %xor3A_870 = vector.broadcast %xor3A_869 : i32 to vector<16xi32>
      %xor3A_871 = arith.xori %iota3A, %xor3A_870 : vector<16xi32>
      %broadcast_in_dim3A_872 = vector.shape_cast %xor3A_871 : vector<16xi32> to vector<16x1xi32>
      %gather3A_873 = vector.shape_cast %broadcast_in_dim3A_872 : vector<16x1xi32> to vector<16xi32>
      %gather3A_874 = tpu.dynamic_gather %add3A_868[%gather3A_873] in [0] : vector<16xf32>, vector<16xi32> -> vector<16xf32>
      %add3A_875 = arith.addf %add3A_868, %gather3A_874 : vector<16xf32>
      %xor3A_876 = arith.constant 1 : i32
      %xor3A_877 = vector.broadcast %xor3A_876 : i32 to vector<16xi32>
      %xor3A_878 = arith.xori %iota3A, %xor3A_877 : vector<16xi32>
      %broadcast_in_dim3A_879 = vector.shape_cast %xor3A_878 : vector<16xi32> to vector<16x1xi32>
      %gather3A_880 = vector.shape_cast %broadcast_in_dim3A_879 : vector<16x1xi32> to vector<16xi32>
      %gather3A_881 = tpu.dynamic_gather %add3A_875[%gather3A_880] in [0] : vector<16xf32>, vector<16xi32> -> vector<16xf32>
      %add3A_882 = arith.addf %add3A_875, %gather3A_881 : vector<16xf32>
      %gt3A_883 = arith.constant 0.000000e+00 : f32
      %gt3A_884 = vector.broadcast %gt3A_883 : f32 to vector<16xf32>
      %gt3A_885 = arith.cmpf ogt, %add3A_882, %gt3A_884 : vector<16xf32>
      %jit3A_886 = arith.constant 1.600000e+01 : f32
      %jit3A_887 = arith.constant 0.000000e+00 : f32
      %broadcast_in_dim3A_888 = vector.broadcast %jit3A_886 : f32 to vector<16xf32>
      %broadcast_in_dim3A_889 = vector.broadcast %jit3A_887 : f32 to vector<16xf32>
      %select_n3A_890 = arith.select %gt3A_885, %broadcast_in_dim3A_888, %broadcast_in_dim3A_889 : vector<16xi1>, vector<16xf32>
      %add3A_891 = arith.addf %add3A_854, %select_n3A_890 : vector<16xf32>
      %xor3A_892 = arith.constant 8 : i32
      %xor3A_893 = vector.broadcast %xor3A_892 : i32 to vector<16xi32>
      %xor3A_894 = arith.xori %iota3A, %xor3A_893 : vector<16xi32>
      %broadcast_in_dim3A_895 = vector.shape_cast %xor3A_894 : vector<16xi32> to vector<16x1xi32>
      %gather3A_896 = vector.shape_cast %broadcast_in_dim3A_895 : vector<16x1xi32> to vector<16xi32>
      %gather3A_897 = tpu.dynamic_gather %scan3A_136#20[%gather3A_896] in [0] : vector<16xf32>, vector<16xi32> -> vector<16xf32>
      %add3A_898 = arith.addf %scan3A_136#20, %gather3A_897 : vector<16xf32>
      %xor3A_899 = arith.constant 4 : i32
      %xor3A_900 = vector.broadcast %xor3A_899 : i32 to vector<16xi32>
      %xor3A_901 = arith.xori %iota3A, %xor3A_900 : vector<16xi32>
      %broadcast_in_dim3A_902 = vector.shape_cast %xor3A_901 : vector<16xi32> to vector<16x1xi32>
      %gather3A_903 = vector.shape_cast %broadcast_in_dim3A_902 : vector<16x1xi32> to vector<16xi32>
      %gather3A_904 = tpu.dynamic_gather %add3A_898[%gather3A_903] in [0] : vector<16xf32>, vector<16xi32> -> vector<16xf32>
      %add3A_905 = arith.addf %add3A_898, %gather3A_904 : vector<16xf32>
      %xor3A_906 = arith.constant 2 : i32
      %xor3A_907 = vector.broadcast %xor3A_906 : i32 to vector<16xi32>
      %xor3A_908 = arith.xori %iota3A, %xor3A_907 : vector<16xi32>
      %broadcast_in_dim3A_909 = vector.shape_cast %xor3A_908 : vector<16xi32> to vector<16x1xi32>
      %gather3A_910 = vector.shape_cast %broadcast_in_dim3A_909 : vector<16x1xi32> to vector<16xi32>
      %gather3A_911 = tpu.dynamic_gather %add3A_905[%gather3A_910] in [0] : vector<16xf32>, vector<16xi32> -> vector<16xf32>
      %add3A_912 = arith.addf %add3A_905, %gather3A_911 : vector<16xf32>
      %xor3A_913 = arith.constant 1 : i32
      %xor3A_914 = vector.broadcast %xor3A_913 : i32 to vector<16xi32>
      %xor3A_915 = arith.xori %iota3A, %xor3A_914 : vector<16xi32>
      %broadcast_in_dim3A_916 = vector.shape_cast %xor3A_915 : vector<16xi32> to vector<16x1xi32>
      %gather3A_917 = vector.shape_cast %broadcast_in_dim3A_916 : vector<16x1xi32> to vector<16xi32>
      %gather3A_918 = tpu.dynamic_gather %add3A_912[%gather3A_917] in [0] : vector<16xf32>, vector<16xi32> -> vector<16xf32>
      %add3A_919 = arith.addf %add3A_912, %gather3A_918 : vector<16xf32>
      %gt3A_920 = arith.constant 0.000000e+00 : f32
      %gt3A_921 = vector.broadcast %gt3A_920 : f32 to vector<16xf32>
      %gt3A_922 = arith.cmpf ogt, %add3A_919, %gt3A_921 : vector<16xf32>
      %jit3A_923 = arith.constant 8.000000e+00 : f32
      %jit3A_924 = arith.constant 0.000000e+00 : f32
      %broadcast_in_dim3A_925 = vector.broadcast %jit3A_923 : f32 to vector<16xf32>
      %broadcast_in_dim3A_926 = vector.broadcast %jit3A_924 : f32 to vector<16xf32>
      %select_n3A_927 = arith.select %gt3A_922, %broadcast_in_dim3A_925, %broadcast_in_dim3A_926 : vector<16xi1>, vector<16xf32>
      %add3A_928 = arith.addf %add3A_891, %select_n3A_927 : vector<16xf32>
      %xor3A_929 = arith.constant 8 : i32
      %xor3A_930 = vector.broadcast %xor3A_929 : i32 to vector<16xi32>
      %xor3A_931 = arith.xori %iota3A, %xor3A_930 : vector<16xi32>
      %broadcast_in_dim3A_932 = vector.shape_cast %xor3A_931 : vector<16xi32> to vector<16x1xi32>
      %gather3A_933 = vector.shape_cast %broadcast_in_dim3A_932 : vector<16x1xi32> to vector<16xi32>
      %gather3A_934 = tpu.dynamic_gather %scan3A_136#21[%gather3A_933] in [0] : vector<16xf32>, vector<16xi32> -> vector<16xf32>
      %add3A_935 = arith.addf %scan3A_136#21, %gather3A_934 : vector<16xf32>
      %xor3A_936 = arith.constant 4 : i32
      %xor3A_937 = vector.broadcast %xor3A_936 : i32 to vector<16xi32>
      %xor3A_938 = arith.xori %iota3A, %xor3A_937 : vector<16xi32>
      %broadcast_in_dim3A_939 = vector.shape_cast %xor3A_938 : vector<16xi32> to vector<16x1xi32>
      %gather3A_940 = vector.shape_cast %broadcast_in_dim3A_939 : vector<16x1xi32> to vector<16xi32>
      %gather3A_941 = tpu.dynamic_gather %add3A_935[%gather3A_940] in [0] : vector<16xf32>, vector<16xi32> -> vector<16xf32>
      %add3A_942 = arith.addf %add3A_935, %gather3A_941 : vector<16xf32>
      %xor3A_943 = arith.constant 2 : i32
      %xor3A_944 = vector.broadcast %xor3A_943 : i32 to vector<16xi32>
      %xor3A_945 = arith.xori %iota3A, %xor3A_944 : vector<16xi32>
      %broadcast_in_dim3A_946 = vector.shape_cast %xor3A_945 : vector<16xi32> to vector<16x1xi32>
      %gather3A_947 = vector.shape_cast %broadcast_in_dim3A_946 : vector<16x1xi32> to vector<16xi32>
      %gather3A_948 = tpu.dynamic_gather %add3A_942[%gather3A_947] in [0] : vector<16xf32>, vector<16xi32> -> vector<16xf32>
      %add3A_949 = arith.addf %add3A_942, %gather3A_948 : vector<16xf32>
      %xor3A_950 = arith.constant 1 : i32
      %xor3A_951 = vector.broadcast %xor3A_950 : i32 to vector<16xi32>
      %xor3A_952 = arith.xori %iota3A, %xor3A_951 : vector<16xi32>
      %broadcast_in_dim3A_953 = vector.shape_cast %xor3A_952 : vector<16xi32> to vector<16x1xi32>
      %gather3A_954 = vector.shape_cast %broadcast_in_dim3A_953 : vector<16x1xi32> to vector<16xi32>
      %gather3A_955 = tpu.dynamic_gather %add3A_949[%gather3A_954] in [0] : vector<16xf32>, vector<16xi32> -> vector<16xf32>
      %add3A_956 = arith.addf %add3A_949, %gather3A_955 : vector<16xf32>
      %gt3A_957 = arith.constant 0.000000e+00 : f32
      %gt3A_958 = vector.broadcast %gt3A_957 : f32 to vector<16xf32>
      %gt3A_959 = arith.cmpf ogt, %add3A_956, %gt3A_958 : vector<16xf32>
      %jit3A_960 = arith.constant 4.000000e+00 : f32
      %jit3A_961 = arith.constant 0.000000e+00 : f32
      %broadcast_in_dim3A_962 = vector.broadcast %jit3A_960 : f32 to vector<16xf32>
      %broadcast_in_dim3A_963 = vector.broadcast %jit3A_961 : f32 to vector<16xf32>
      %select_n3A_964 = arith.select %gt3A_959, %broadcast_in_dim3A_962, %broadcast_in_dim3A_963 : vector<16xi1>, vector<16xf32>
      %add3A_965 = arith.addf %add3A_928, %select_n3A_964 : vector<16xf32>
      %xor3A_966 = arith.constant 8 : i32
      %xor3A_967 = vector.broadcast %xor3A_966 : i32 to vector<16xi32>
      %xor3A_968 = arith.xori %iota3A, %xor3A_967 : vector<16xi32>
      %broadcast_in_dim3A_969 = vector.shape_cast %xor3A_968 : vector<16xi32> to vector<16x1xi32>
      %gather3A_970 = vector.shape_cast %broadcast_in_dim3A_969 : vector<16x1xi32> to vector<16xi32>
      %gather3A_971 = tpu.dynamic_gather %scan3A_136#22[%gather3A_970] in [0] : vector<16xf32>, vector<16xi32> -> vector<16xf32>
      %add3A_972 = arith.addf %scan3A_136#22, %gather3A_971 : vector<16xf32>
      %xor3A_973 = arith.constant 4 : i32
      %xor3A_974 = vector.broadcast %xor3A_973 : i32 to vector<16xi32>
      %xor3A_975 = arith.xori %iota3A, %xor3A_974 : vector<16xi32>
      %broadcast_in_dim3A_976 = vector.shape_cast %xor3A_975 : vector<16xi32> to vector<16x1xi32>
      %gather3A_977 = vector.shape_cast %broadcast_in_dim3A_976 : vector<16x1xi32> to vector<16xi32>
      %gather3A_978 = tpu.dynamic_gather %add3A_972[%gather3A_977] in [0] : vector<16xf32>, vector<16xi32> -> vector<16xf32>
      %add3A_979 = arith.addf %add3A_972, %gather3A_978 : vector<16xf32>
      %xor3A_980 = arith.constant 2 : i32
      %xor3A_981 = vector.broadcast %xor3A_980 : i32 to vector<16xi32>
      %xor3A_982 = arith.xori %iota3A, %xor3A_981 : vector<16xi32>
      %broadcast_in_dim3A_983 = vector.shape_cast %xor3A_982 : vector<16xi32> to vector<16x1xi32>
      %gather3A_984 = vector.shape_cast %broadcast_in_dim3A_983 : vector<16x1xi32> to vector<16xi32>
      %gather3A_985 = tpu.dynamic_gather %add3A_979[%gather3A_984] in [0] : vector<16xf32>, vector<16xi32> -> vector<16xf32>
      %add3A_986 = arith.addf %add3A_979, %gather3A_985 : vector<16xf32>
      %xor3A_987 = arith.constant 1 : i32
      %xor3A_988 = vector.broadcast %xor3A_987 : i32 to vector<16xi32>
      %xor3A_989 = arith.xori %iota3A, %xor3A_988 : vector<16xi32>
      %broadcast_in_dim3A_990 = vector.shape_cast %xor3A_989 : vector<16xi32> to vector<16x1xi32>
      %gather3A_991 = vector.shape_cast %broadcast_in_dim3A_990 : vector<16x1xi32> to vector<16xi32>
      %gather3A_992 = tpu.dynamic_gather %add3A_986[%gather3A_991] in [0] : vector<16xf32>, vector<16xi32> -> vector<16xf32>
      %add3A_993 = arith.addf %add3A_986, %gather3A_992 : vector<16xf32>
      %gt3A_994 = arith.constant 0.000000e+00 : f32
      %gt3A_995 = vector.broadcast %gt3A_994 : f32 to vector<16xf32>
      %gt3A_996 = arith.cmpf ogt, %add3A_993, %gt3A_995 : vector<16xf32>
      %jit3A_997 = arith.constant 2.000000e+00 : f32
      %jit3A_998 = arith.constant 0.000000e+00 : f32
      %broadcast_in_dim3A_999 = vector.broadcast %jit3A_997 : f32 to vector<16xf32>
      %broadcast_in_dim3A_1000 = vector.broadcast %jit3A_998 : f32 to vector<16xf32>
      %select_n3A_1001 = arith.select %gt3A_996, %broadcast_in_dim3A_999, %broadcast_in_dim3A_1000 : vector<16xi1>, vector<16xf32>
      %add3A_1002 = arith.addf %add3A_965, %select_n3A_1001 : vector<16xf32>
      %xor3A_1003 = arith.constant 8 : i32
      %xor3A_1004 = vector.broadcast %xor3A_1003 : i32 to vector<16xi32>
      %xor3A_1005 = arith.xori %iota3A, %xor3A_1004 : vector<16xi32>
      %broadcast_in_dim3A_1006 = vector.shape_cast %xor3A_1005 : vector<16xi32> to vector<16x1xi32>
      %gather3A_1007 = vector.shape_cast %broadcast_in_dim3A_1006 : vector<16x1xi32> to vector<16xi32>
      %gather3A_1008 = tpu.dynamic_gather %scan3A_136#23[%gather3A_1007] in [0] : vector<16xf32>, vector<16xi32> -> vector<16xf32>
      %add3A_1009 = arith.addf %scan3A_136#23, %gather3A_1008 : vector<16xf32>
      %xor3A_1010 = arith.constant 4 : i32
      %xor3A_1011 = vector.broadcast %xor3A_1010 : i32 to vector<16xi32>
      %xor3A_1012 = arith.xori %iota3A, %xor3A_1011 : vector<16xi32>
      %broadcast_in_dim3A_1013 = vector.shape_cast %xor3A_1012 : vector<16xi32> to vector<16x1xi32>
      %gather3A_1014 = vector.shape_cast %broadcast_in_dim3A_1013 : vector<16x1xi32> to vector<16xi32>
      %gather3A_1015 = tpu.dynamic_gather %add3A_1009[%gather3A_1014] in [0] : vector<16xf32>, vector<16xi32> -> vector<16xf32>
      %add3A_1016 = arith.addf %add3A_1009, %gather3A_1015 : vector<16xf32>
      %xor3A_1017 = arith.constant 2 : i32
      %xor3A_1018 = vector.broadcast %xor3A_1017 : i32 to vector<16xi32>
      %xor3A_1019 = arith.xori %iota3A, %xor3A_1018 : vector<16xi32>
      %broadcast_in_dim3A_1020 = vector.shape_cast %xor3A_1019 : vector<16xi32> to vector<16x1xi32>
      %gather3A_1021 = vector.shape_cast %broadcast_in_dim3A_1020 : vector<16x1xi32> to vector<16xi32>
      %gather3A_1022 = tpu.dynamic_gather %add3A_1016[%gather3A_1021] in [0] : vector<16xf32>, vector<16xi32> -> vector<16xf32>
      %add3A_1023 = arith.addf %add3A_1016, %gather3A_1022 : vector<16xf32>
      %xor3A_1024 = arith.constant 1 : i32
      %xor3A_1025 = vector.broadcast %xor3A_1024 : i32 to vector<16xi32>
      %xor3A_1026 = arith.xori %iota3A, %xor3A_1025 : vector<16xi32>
      %broadcast_in_dim3A_1027 = vector.shape_cast %xor3A_1026 : vector<16xi32> to vector<16x1xi32>
      %gather3A_1028 = vector.shape_cast %broadcast_in_dim3A_1027 : vector<16x1xi32> to vector<16xi32>
      %gather3A_1029 = tpu.dynamic_gather %add3A_1023[%gather3A_1028] in [0] : vector<16xf32>, vector<16xi32> -> vector<16xf32>
      %add3A_1030 = arith.addf %add3A_1023, %gather3A_1029 : vector<16xf32>
      %gt3A_1031 = arith.constant 0.000000e+00 : f32
      %gt3A_1032 = vector.broadcast %gt3A_1031 : f32 to vector<16xf32>
      %gt3A_1033 = arith.cmpf ogt, %add3A_1030, %gt3A_1032 : vector<16xf32>
      %jit3A_1034 = arith.constant 1.000000e+00 : f32
      %jit3A_1035 = arith.constant 0.000000e+00 : f32
      %broadcast_in_dim3A_1036 = vector.broadcast %jit3A_1034 : f32 to vector<16xf32>
      %broadcast_in_dim3A_1037 = vector.broadcast %jit3A_1035 : f32 to vector<16xf32>
      %select_n3A_1038 = arith.select %gt3A_1033, %broadcast_in_dim3A_1036, %broadcast_in_dim3A_1037 : vector<16xi1>, vector<16xf32>
      %add3A_1039 = arith.addf %add3A_1002, %select_n3A_1038 : vector<16xf32>
      %eq3A_1040 = arith.constant 3 : i32
      %eq3A_1041 = vector.broadcast %eq3A_1040 : i32 to vector<16xi32>
      %eq3A_1042 = arith.cmpi eq, %iota3A, %eq3A_1041 : vector<16xi32>
      %select_n3A_1043 = arith.select %eq3A_1042, %add3A_1039, %select_n3A_815 : vector<16xi1>, vector<16xf32>
      %broadcast_in_dim3A_1044 = arith.constant 0.000000e+00 : f32
      %broadcast_in_dim3A_1045 = vector.broadcast %broadcast_in_dim3A_1044 : f32 to vector<16xf32>
      %broadcast_in_dim3A_1046 = arith.constant 0.000000e+00 : f32
      %broadcast_in_dim3A_1047 = vector.broadcast %broadcast_in_dim3A_1046 : f32 to vector<16xf32>
      %broadcast_in_dim3A_1048 = arith.constant 0.000000e+00 : f32
      %broadcast_in_dim3A_1049 = vector.broadcast %broadcast_in_dim3A_1048 : f32 to vector<16xf32>
      %broadcast_in_dim3A_1050 = arith.constant 0.000000e+00 : f32
      %broadcast_in_dim3A_1051 = vector.broadcast %broadcast_in_dim3A_1050 : f32 to vector<16xf32>
      %broadcast_in_dim3A_1052 = arith.constant 0.000000e+00 : f32
      %broadcast_in_dim3A_1053 = vector.broadcast %broadcast_in_dim3A_1052 : f32 to vector<16xf32>
      %broadcast_in_dim3A_1054 = arith.constant 0.000000e+00 : f32
      %broadcast_in_dim3A_1055 = vector.broadcast %broadcast_in_dim3A_1054 : f32 to vector<16xf32>
      %broadcast_in_dim3A_1056 = arith.constant 0.000000e+00 : f32
      %broadcast_in_dim3A_1057 = vector.broadcast %broadcast_in_dim3A_1056 : f32 to vector<16xf32>
      %broadcast_in_dim3A_1058 = arith.constant 0.000000e+00 : f32
      %broadcast_in_dim3A_1059 = vector.broadcast %broadcast_in_dim3A_1058 : f32 to vector<16xf32>
      %broadcast_in_dim3A_1060 = arith.constant 0.000000e+00 : f32
      %broadcast_in_dim3A_1061 = vector.broadcast %broadcast_in_dim3A_1060 : f32 to vector<16xf32>
      %broadcast_in_dim3A_1062 = arith.constant 0.000000e+00 : f32
      %broadcast_in_dim3A_1063 = vector.broadcast %broadcast_in_dim3A_1062 : f32 to vector<16xf32>
      %broadcast_in_dim3A_1064 = arith.constant 0.000000e+00 : f32
      %broadcast_in_dim3A_1065 = vector.broadcast %broadcast_in_dim3A_1064 : f32 to vector<16xf32>
      %broadcast_in_dim3A_1066 = arith.constant 0.000000e+00 : f32
      %broadcast_in_dim3A_1067 = vector.broadcast %broadcast_in_dim3A_1066 : f32 to vector<16xf32>
      %broadcast_in_dim3A_1068 = arith.constant 0.000000e+00 : f32
      %broadcast_in_dim3A_1069 = vector.broadcast %broadcast_in_dim3A_1068 : f32 to vector<16xf32>
      %broadcast_in_dim3A_1070 = arith.constant 0.000000e+00 : f32
      %broadcast_in_dim3A_1071 = vector.broadcast %broadcast_in_dim3A_1070 : f32 to vector<16xf32>
      %broadcast_in_dim3A_1072 = arith.constant 0.000000e+00 : f32
      %broadcast_in_dim3A_1073 = vector.broadcast %broadcast_in_dim3A_1072 : f32 to vector<16xf32>
      %broadcast_in_dim3A_1074 = arith.constant 0.000000e+00 : f32
      %broadcast_in_dim3A_1075 = vector.broadcast %broadcast_in_dim3A_1074 : f32 to vector<16xf32>
      %broadcast_in_dim3A_1076 = arith.constant 0.000000e+00 : f32
      %broadcast_in_dim3A_1077 = vector.broadcast %broadcast_in_dim3A_1076 : f32 to vector<16xf32>
      %broadcast_in_dim3A_1078 = arith.constant 0.000000e+00 : f32
      %broadcast_in_dim3A_1079 = vector.broadcast %broadcast_in_dim3A_1078 : f32 to vector<16xf32>
      %broadcast_in_dim3A_1080 = arith.constant 0.000000e+00 : f32
      %broadcast_in_dim3A_1081 = vector.broadcast %broadcast_in_dim3A_1080 : f32 to vector<16xf32>
      %broadcast_in_dim3A_1082 = arith.constant 0.000000e+00 : f32
      %broadcast_in_dim3A_1083 = vector.broadcast %broadcast_in_dim3A_1082 : f32 to vector<16xf32>
      %broadcast_in_dim3A_1084 = arith.constant 0.000000e+00 : f32
      %broadcast_in_dim3A_1085 = vector.broadcast %broadcast_in_dim3A_1084 : f32 to vector<16xf32>
      %broadcast_in_dim3A_1086 = arith.constant 0.000000e+00 : f32
      %broadcast_in_dim3A_1087 = vector.broadcast %broadcast_in_dim3A_1086 : f32 to vector<16xf32>
      %broadcast_in_dim3A_1088 = arith.constant 0.000000e+00 : f32
      %broadcast_in_dim3A_1089 = vector.broadcast %broadcast_in_dim3A_1088 : f32 to vector<16xf32>
      %broadcast_in_dim3A_1090 = arith.constant 0.000000e+00 : f32
      %broadcast_in_dim3A_1091 = vector.broadcast %broadcast_in_dim3A_1090 : f32 to vector<16xf32>
      %scan3A_1092 = arith.constant 0 : i32
      %scan3A_1093 = arith.constant 256 : i32
      %scan3A_1094 = arith.addi %scan3A_1092, %scan3A_1093 : i32
      %scan3A_1095 = arith.constant 1 : i32
      %scan3A_1096:24 = scf.for %scan3A_3980 = %scan3A_1092 to %scan3A_1094 step %scan3A_1095 iter_args(%scan3A_3981 = %broadcast_in_dim3A_1045, %scan3A_3982 = %broadcast_in_dim3A_1047, %scan3A_3983 = %broadcast_in_dim3A_1049, %scan3A_3984 = %broadcast_in_dim3A_1051, %scan3A_3985 = %broadcast_in_dim3A_1053, %scan3A_3986 = %broadcast_in_dim3A_1055, %scan3A_3987 = %broadcast_in_dim3A_1057, %scan3A_3988 = %broadcast_in_dim3A_1059, %scan3A_3989 = %broadcast_in_dim3A_1061, %scan3A_3990 = %broadcast_in_dim3A_1063, %scan3A_3991 = %broadcast_in_dim3A_1065, %scan3A_3992 = %broadcast_in_dim3A_1067, %scan3A_3993 = %broadcast_in_dim3A_1069, %scan3A_3994 = %broadcast_in_dim3A_1071, %scan3A_3995 = %broadcast_in_dim3A_1073, %scan3A_3996 = %broadcast_in_dim3A_1075, %scan3A_3997 = %broadcast_in_dim3A_1077, %scan3A_3998 = %broadcast_in_dim3A_1079, %scan3A_3999 = %broadcast_in_dim3A_1081, %scan3A_4000 = %broadcast_in_dim3A_1083, %scan3A_4001 = %broadcast_in_dim3A_1085, %scan3A_4002 = %broadcast_in_dim3A_1087, %scan3A_4003 = %broadcast_in_dim3A_1089, %scan3A_4004 = %broadcast_in_dim3A_1091) -> (vector<16xf32>, vector<16xf32>, vector<16xf32>, vector<16xf32>, vector<16xf32>, vector<16xf32>, vector<16xf32>, vector<16xf32>, vector<16xf32>, vector<16xf32>, vector<16xf32>, vector<16xf32>, vector<16xf32>, vector<16xf32>, vector<16xf32>, vector<16xf32>, vector<16xf32>, vector<16xf32>, vector<16xf32>, vector<16xf32>, vector<16xf32>, vector<16xf32>, vector<16xf32>, vector<16xf32>)  : i32 {
        %mul3A_4005 = arith.constant 16 : i32
        %mul3A_4006 = arith.muli %scan3A_3980, %mul3A_4005 : i32
        %get3A = arith.constant 0 : i32
        %get3A_4007 = arith.index_cast %get3A : i32 to index
        %get3A_4008 = arith.index_cast %mul3A_4006 : i32 to index
        %get3A_4009 = tpu.vector_load %arg6[%get3A_4007, %get3A_4008] {strides = array<i32>} : memref<6x4096xf32, #tpu.memory_space<vmem>>, vector<1x16xf32>,
        %get3A_4010 = vector.shape_cast %get3A_4009 : vector<1x16xf32> to vector<16xf32>
        %get3A_4011 = arith.constant 1 : i32
        %get3A_4012 = arith.index_cast %get3A_4011 : i32 to index
        %get3A_4013 = arith.index_cast %mul3A_4006 : i32 to index
        %get3A_4014 = tpu.vector_load %arg6[%get3A_4012, %get3A_4013] {strides = array<i32>} : memref<6x4096xf32, #tpu.memory_space<vmem>>, vector<1x16xf32>,
        %get3A_4015 = vector.shape_cast %get3A_4014 : vector<1x16xf32> to vector<16xf32>
        %get3A_4016 = arith.constant 2 : i32
        %get3A_4017 = arith.index_cast %get3A_4016 : i32 to index
        %get3A_4018 = arith.index_cast %mul3A_4006 : i32 to index
        %get3A_4019 = tpu.vector_load %arg6[%get3A_4017, %get3A_4018] {strides = array<i32>} : memref<6x4096xf32, #tpu.memory_space<vmem>>, vector<1x16xf32>,
        %get3A_4020 = vector.shape_cast %get3A_4019 : vector<1x16xf32> to vector<16xf32>
        %get3A_4021 = arith.constant 3 : i32
        %get3A_4022 = arith.index_cast %get3A_4021 : i32 to index
        %get3A_4023 = arith.index_cast %mul3A_4006 : i32 to index
        %get3A_4024 = tpu.vector_load %arg6[%get3A_4022, %get3A_4023] {strides = array<i32>} : memref<6x4096xf32, #tpu.memory_space<vmem>>, vector<1x16xf32>,
        %get3A_4025 = vector.shape_cast %get3A_4024 : vector<1x16xf32> to vector<16xf32>
        %get3A_4026 = arith.constant 4 : i32
        %get3A_4027 = arith.index_cast %get3A_4026 : i32 to index
        %get3A_4028 = arith.index_cast %mul3A_4006 : i32 to index
        %get3A_4029 = tpu.vector_load %arg6[%get3A_4027, %get3A_4028] {strides = array<i32>} : memref<6x4096xf32, #tpu.memory_space<vmem>>, vector<1x16xf32>,
        %get3A_4030 = vector.shape_cast %get3A_4029 : vector<1x16xf32> to vector<16xf32>
        %get3A_4031 = arith.constant 5 : i32
        %get3A_4032 = arith.index_cast %get3A_4031 : i32 to index
        %get3A_4033 = arith.index_cast %mul3A_4006 : i32 to index
        %get3A_4034 = tpu.vector_load %arg6[%get3A_4032, %get3A_4033] {strides = array<i32>} : memref<6x4096xf32, #tpu.memory_space<vmem>>, vector<1x16xf32>,
        %get3A_4035 = vector.shape_cast %get3A_4034 : vector<1x16xf32> to vector<16xf32>
        %get3A_4036 = arith.constant 0 : i32
        %get3A_4037 = arith.constant 4 : i32
        %get3A_4038 = arith.index_cast %get3A_4036 : i32 to index
        %get3A_4039 = arith.index_cast %get3A_4037 : i32 to index
        %get3A_4040 = arith.index_cast %mul3A_4006 : i32 to index
        %get3A_4041 = tpu.vector_load %arg7[%get3A_4038, %get3A_4039, %get3A_4040] {strides = array<i32>} : memref<2x8x4096xf32, #tpu.memory_space<vmem>>, vector<1x1x16xf32>,
        %get3A_4042 = vector.shape_cast %get3A_4041 : vector<1x1x16xf32> to vector<16xf32>
        %bitcast_convert_type3A = tpu.bitcast %get3A_4042 : vector<16xf32> -> vector<16xi32>
        %shift_right_logical3A = arith.constant 16 : i32
        %shift_right_logical3A_4043 = vector.broadcast %shift_right_logical3A : i32 to vector<16xi32>
        %shift_right_logical3A_4044 = arith.shrui %bitcast_convert_type3A, %shift_right_logical3A_4043 : vector<16xi32>
        %and3A = arith.constant 1 : i32
        %and3A_4045 = vector.broadcast %and3A : i32 to vector<16xi32>
        %and3A_4046 = arith.andi %shift_right_logical3A_4044, %and3A_4045 : vector<16xi32>
        %add3A_4047 = arith.constant 32767 : i32
        %add3A_4048 = vector.broadcast %add3A_4047 : i32 to vector<16xi32>
        %add3A_4049 = arith.addi %bitcast_convert_type3A, %add3A_4048 : vector<16xi32>
        %add3A_4050 = arith.addi %add3A_4049, %and3A_4046 : vector<16xi32>
        %and3A_4051 = arith.constant -65536 : i32
        %and3A_4052 = vector.broadcast %and3A_4051 : i32 to vector<16xi32>
        %and3A_4053 = arith.andi %add3A_4050, %and3A_4052 : vector<16xi32>
        %bitcast_convert_type3A_4054 = tpu.bitcast %and3A_4053 : vector<16xi32> -> vector<16xf32>
        %mul3A_4055 = arith.mulf %bitcast_convert_type3A_4054, %get3A_4010 : vector<16xf32>
        %add3A_4056 = arith.addf %scan3A_3981, %mul3A_4055 : vector<16xf32>
        %mul3A_4057 = arith.mulf %bitcast_convert_type3A_4054, %get3A_4015 : vector<16xf32>
        %add3A_4058 = arith.addf %scan3A_3982, %mul3A_4057 : vector<16xf32>
        %mul3A_4059 = arith.mulf %bitcast_convert_type3A_4054, %get3A_4020 : vector<16xf32>
        %add3A_4060 = arith.addf %scan3A_3983, %mul3A_4059 : vector<16xf32>
        %mul3A_4061 = arith.mulf %bitcast_convert_type3A_4054, %get3A_4025 : vector<16xf32>
        %add3A_4062 = arith.addf %scan3A_3984, %mul3A_4061 : vector<16xf32>
        %mul3A_4063 = arith.mulf %bitcast_convert_type3A_4054, %get3A_4030 : vector<16xf32>
        %add3A_4064 = arith.addf %scan3A_3985, %mul3A_4063 : vector<16xf32>
        %mul3A_4065 = arith.mulf %bitcast_convert_type3A_4054, %get3A_4035 : vector<16xf32>
        %add3A_4066 = arith.addf %scan3A_3986, %mul3A_4065 : vector<16xf32>
        %get3A_4067 = arith.constant 0 : i32
        %get3A_4068 = arith.constant 5 : i32
        %get3A_4069 = arith.index_cast %get3A_4067 : i32 to index
        %get3A_4070 = arith.index_cast %get3A_4068 : i32 to index
        %get3A_4071 = arith.index_cast %mul3A_4006 : i32 to index
        %get3A_4072 = tpu.vector_load %arg7[%get3A_4069, %get3A_4070, %get3A_4071] {strides = array<i32>} : memref<2x8x4096xf32, #tpu.memory_space<vmem>>, vector<1x1x16xf32>,
        %get3A_4073 = vector.shape_cast %get3A_4072 : vector<1x1x16xf32> to vector<16xf32>
        %bitcast_convert_type3A_4074 = tpu.bitcast %get3A_4073 : vector<16xf32> -> vector<16xi32>
        %shift_right_logical3A_4075 = arith.constant 16 : i32
        %shift_right_logical3A_4076 = vector.broadcast %shift_right_logical3A_4075 : i32 to vector<16xi32>
        %shift_right_logical3A_4077 = arith.shrui %bitcast_convert_type3A_4074, %shift_right_logical3A_4076 : vector<16xi32>
        %and3A_4078 = arith.constant 1 : i32
        %and3A_4079 = vector.broadcast %and3A_4078 : i32 to vector<16xi32>
        %and3A_4080 = arith.andi %shift_right_logical3A_4077, %and3A_4079 : vector<16xi32>
        %add3A_4081 = arith.constant 32767 : i32
        %add3A_4082 = vector.broadcast %add3A_4081 : i32 to vector<16xi32>
        %add3A_4083 = arith.addi %bitcast_convert_type3A_4074, %add3A_4082 : vector<16xi32>
        %add3A_4084 = arith.addi %add3A_4083, %and3A_4080 : vector<16xi32>
        %and3A_4085 = arith.constant -65536 : i32
        %and3A_4086 = vector.broadcast %and3A_4085 : i32 to vector<16xi32>
        %and3A_4087 = arith.andi %add3A_4084, %and3A_4086 : vector<16xi32>
        %bitcast_convert_type3A_4088 = tpu.bitcast %and3A_4087 : vector<16xi32> -> vector<16xf32>
        %mul3A_4089 = arith.mulf %bitcast_convert_type3A_4088, %get3A_4010 : vector<16xf32>
        %add3A_4090 = arith.addf %scan3A_3987, %mul3A_4089 : vector<16xf32>
        %mul3A_4091 = arith.mulf %bitcast_convert_type3A_4088, %get3A_4015 : vector<16xf32>
        %add3A_4092 = arith.addf %scan3A_3988, %mul3A_4091 : vector<16xf32>
        %mul3A_4093 = arith.mulf %bitcast_convert_type3A_4088, %get3A_4020 : vector<16xf32>
        %add3A_4094 = arith.addf %scan3A_3989, %mul3A_4093 : vector<16xf32>
        %mul3A_4095 = arith.mulf %bitcast_convert_type3A_4088, %get3A_4025 : vector<16xf32>
        %add3A_4096 = arith.addf %scan3A_3990, %mul3A_4095 : vector<16xf32>
        %mul3A_4097 = arith.mulf %bitcast_convert_type3A_4088, %get3A_4030 : vector<16xf32>
        %add3A_4098 = arith.addf %scan3A_3991, %mul3A_4097 : vector<16xf32>
        %mul3A_4099 = arith.mulf %bitcast_convert_type3A_4088, %get3A_4035 : vector<16xf32>
        %add3A_4100 = arith.addf %scan3A_3992, %mul3A_4099 : vector<16xf32>
        %get3A_4101 = arith.constant 0 : i32
        %get3A_4102 = arith.constant 6 : i32
        %get3A_4103 = arith.index_cast %get3A_4101 : i32 to index
        %get3A_4104 = arith.index_cast %get3A_4102 : i32 to index
        %get3A_4105 = arith.index_cast %mul3A_4006 : i32 to index
        %get3A_4106 = tpu.vector_load %arg7[%get3A_4103, %get3A_4104, %get3A_4105] {strides = array<i32>} : memref<2x8x4096xf32, #tpu.memory_space<vmem>>, vector<1x1x16xf32>,
        %get3A_4107 = vector.shape_cast %get3A_4106 : vector<1x1x16xf32> to vector<16xf32>
        %bitcast_convert_type3A_4108 = tpu.bitcast %get3A_4107 : vector<16xf32> -> vector<16xi32>
        %shift_right_logical3A_4109 = arith.constant 16 : i32
        %shift_right_logical3A_4110 = vector.broadcast %shift_right_logical3A_4109 : i32 to vector<16xi32>
        %shift_right_logical3A_4111 = arith.shrui %bitcast_convert_type3A_4108, %shift_right_logical3A_4110 : vector<16xi32>
        %and3A_4112 = arith.constant 1 : i32
        %and3A_4113 = vector.broadcast %and3A_4112 : i32 to vector<16xi32>
        %and3A_4114 = arith.andi %shift_right_logical3A_4111, %and3A_4113 : vector<16xi32>
        %add3A_4115 = arith.constant 32767 : i32
        %add3A_4116 = vector.broadcast %add3A_4115 : i32 to vector<16xi32>
        %add3A_4117 = arith.addi %bitcast_convert_type3A_4108, %add3A_4116 : vector<16xi32>
        %add3A_4118 = arith.addi %add3A_4117, %and3A_4114 : vector<16xi32>
        %and3A_4119 = arith.constant -65536 : i32
        %and3A_4120 = vector.broadcast %and3A_4119 : i32 to vector<16xi32>
        %and3A_4121 = arith.andi %add3A_4118, %and3A_4120 : vector<16xi32>
        %bitcast_convert_type3A_4122 = tpu.bitcast %and3A_4121 : vector<16xi32> -> vector<16xf32>
        %mul3A_4123 = arith.mulf %bitcast_convert_type3A_4122, %get3A_4010 : vector<16xf32>
        %add3A_4124 = arith.addf %scan3A_3993, %mul3A_4123 : vector<16xf32>
        %mul3A_4125 = arith.mulf %bitcast_convert_type3A_4122, %get3A_4015 : vector<16xf32>
        %add3A_4126 = arith.addf %scan3A_3994, %mul3A_4125 : vector<16xf32>
        %mul3A_4127 = arith.mulf %bitcast_convert_type3A_4122, %get3A_4020 : vector<16xf32>
        %add3A_4128 = arith.addf %scan3A_3995, %mul3A_4127 : vector<16xf32>
        %mul3A_4129 = arith.mulf %bitcast_convert_type3A_4122, %get3A_4025 : vector<16xf32>
        %add3A_4130 = arith.addf %scan3A_3996, %mul3A_4129 : vector<16xf32>
        %mul3A_4131 = arith.mulf %bitcast_convert_type3A_4122, %get3A_4030 : vector<16xf32>
        %add3A_4132 = arith.addf %scan3A_3997, %mul3A_4131 : vector<16xf32>
        %mul3A_4133 = arith.mulf %bitcast_convert_type3A_4122, %get3A_4035 : vector<16xf32>
        %add3A_4134 = arith.addf %scan3A_3998, %mul3A_4133 : vector<16xf32>
        %get3A_4135 = arith.constant 0 : i32
        %get3A_4136 = arith.constant 7 : i32
        %get3A_4137 = arith.index_cast %get3A_4135 : i32 to index
        %get3A_4138 = arith.index_cast %get3A_4136 : i32 to index
        %get3A_4139 = arith.index_cast %mul3A_4006 : i32 to index
        %get3A_4140 = tpu.vector_load %arg7[%get3A_4137, %get3A_4138, %get3A_4139] {strides = array<i32>} : memref<2x8x4096xf32, #tpu.memory_space<vmem>>, vector<1x1x16xf32>,
        %get3A_4141 = vector.shape_cast %get3A_4140 : vector<1x1x16xf32> to vector<16xf32>
        %bitcast_convert_type3A_4142 = tpu.bitcast %get3A_4141 : vector<16xf32> -> vector<16xi32>
        %shift_right_logical3A_4143 = arith.constant 16 : i32
        %shift_right_logical3A_4144 = vector.broadcast %shift_right_logical3A_4143 : i32 to vector<16xi32>
        %shift_right_logical3A_4145 = arith.shrui %bitcast_convert_type3A_4142, %shift_right_logical3A_4144 : vector<16xi32>
        %and3A_4146 = arith.constant 1 : i32
        %and3A_4147 = vector.broadcast %and3A_4146 : i32 to vector<16xi32>
        %and3A_4148 = arith.andi %shift_right_logical3A_4145, %and3A_4147 : vector<16xi32>
        %add3A_4149 = arith.constant 32767 : i32
        %add3A_4150 = vector.broadcast %add3A_4149 : i32 to vector<16xi32>
        %add3A_4151 = arith.addi %bitcast_convert_type3A_4142, %add3A_4150 : vector<16xi32>
        %add3A_4152 = arith.addi %add3A_4151, %and3A_4148 : vector<16xi32>
        %and3A_4153 = arith.constant -65536 : i32
        %and3A_4154 = vector.broadcast %and3A_4153 : i32 to vector<16xi32>
        %and3A_4155 = arith.andi %add3A_4152, %and3A_4154 : vector<16xi32>
        %bitcast_convert_type3A_4156 = tpu.bitcast %and3A_4155 : vector<16xi32> -> vector<16xf32>
        %mul3A_4157 = arith.mulf %bitcast_convert_type3A_4156, %get3A_4010 : vector<16xf32>
        %add3A_4158 = arith.addf %scan3A_3999, %mul3A_4157 : vector<16xf32>
        %mul3A_4159 = arith.mulf %bitcast_convert_type3A_4156, %get3A_4015 : vector<16xf32>
        %add3A_4160 = arith.addf %scan3A_4000, %mul3A_4159 : vector<16xf32>
        %mul3A_4161 = arith.mulf %bitcast_convert_type3A_4156, %get3A_4020 : vector<16xf32>
        %add3A_4162 = arith.addf %scan3A_4001, %mul3A_4161 : vector<16xf32>
        %mul3A_4163 = arith.mulf %bitcast_convert_type3A_4156, %get3A_4025 : vector<16xf32>
        %add3A_4164 = arith.addf %scan3A_4002, %mul3A_4163 : vector<16xf32>
        %mul3A_4165 = arith.mulf %bitcast_convert_type3A_4156, %get3A_4030 : vector<16xf32>
        %add3A_4166 = arith.addf %scan3A_4003, %mul3A_4165 : vector<16xf32>
        %mul3A_4167 = arith.mulf %bitcast_convert_type3A_4156, %get3A_4035 : vector<16xf32>
        %add3A_4168 = arith.addf %scan3A_4004, %mul3A_4167 : vector<16xf32>
        scf.yield %add3A_4056, %add3A_4058, %add3A_4060, %add3A_4062, %add3A_4064, %add3A_4066, %add3A_4090, %add3A_4092, %add3A_4094, %add3A_4096, %add3A_4098, %add3A_4100, %add3A_4124, %add3A_4126, %add3A_4128, %add3A_4130, %add3A_4132, %add3A_4134, %add3A_4158, %add3A_4160, %add3A_4162, %add3A_4164, %add3A_4166, %add3A_4168 : vector<16xf32>, vector<16xf32>, vector<16xf32>, vector<16xf32>, vector<16xf32>, vector<16xf32>, vector<16xf32>, vector<16xf32>, vector<16xf32>, vector<16xf32>, vector<16xf32>, vector<16xf32>, vector<16xf32>, vector<16xf32>, vector<16xf32>, vector<16xf32>, vector<16xf32>, vector<16xf32>, vector<16xf32>, vector<16xf32>, vector<16xf32>, vector<16xf32>, vector<16xf32>, vector<16xf32>
      }
      %scan3A_1097 = arith.constant 256 : i32
      %broadcast_in_dim3A_1098 = arith.constant 0.000000e+00 : f32
      %broadcast_in_dim3A_1099 = vector.broadcast %broadcast_in_dim3A_1098 : f32 to vector<16xf32>
      %xor3A_1100 = arith.constant 8 : i32
      %xor3A_1101 = vector.broadcast %xor3A_1100 : i32 to vector<16xi32>
      %xor3A_1102 = arith.xori %iota3A, %xor3A_1101 : vector<16xi32>
      %broadcast_in_dim3A_1103 = vector.shape_cast %xor3A_1102 : vector<16xi32> to vector<16x1xi32>
      %gather3A_1104 = vector.shape_cast %broadcast_in_dim3A_1103 : vector<16x1xi32> to vector<16xi32>
      %gather3A_1105 = tpu.dynamic_gather %scan3A_1096#0[%gather3A_1104] in [0] : vector<16xf32>, vector<16xi32> -> vector<16xf32>
      %add3A_1106 = arith.addf %scan3A_1096#0, %gather3A_1105 : vector<16xf32>
      %xor3A_1107 = arith.constant 4 : i32
      %xor3A_1108 = vector.broadcast %xor3A_1107 : i32 to vector<16xi32>
      %xor3A_1109 = arith.xori %iota3A, %xor3A_1108 : vector<16xi32>
      %broadcast_in_dim3A_1110 = vector.shape_cast %xor3A_1109 : vector<16xi32> to vector<16x1xi32>
      %gather3A_1111 = vector.shape_cast %broadcast_in_dim3A_1110 : vector<16x1xi32> to vector<16xi32>
      %gather3A_1112 = tpu.dynamic_gather %add3A_1106[%gather3A_1111] in [0] : vector<16xf32>, vector<16xi32> -> vector<16xf32>
      %add3A_1113 = arith.addf %add3A_1106, %gather3A_1112 : vector<16xf32>
      %xor3A_1114 = arith.constant 2 : i32
      %xor3A_1115 = vector.broadcast %xor3A_1114 : i32 to vector<16xi32>
      %xor3A_1116 = arith.xori %iota3A, %xor3A_1115 : vector<16xi32>
      %broadcast_in_dim3A_1117 = vector.shape_cast %xor3A_1116 : vector<16xi32> to vector<16x1xi32>
      %gather3A_1118 = vector.shape_cast %broadcast_in_dim3A_1117 : vector<16x1xi32> to vector<16xi32>
      %gather3A_1119 = tpu.dynamic_gather %add3A_1113[%gather3A_1118] in [0] : vector<16xf32>, vector<16xi32> -> vector<16xf32>
      %add3A_1120 = arith.addf %add3A_1113, %gather3A_1119 : vector<16xf32>
      %xor3A_1121 = arith.constant 1 : i32
      %xor3A_1122 = vector.broadcast %xor3A_1121 : i32 to vector<16xi32>
      %xor3A_1123 = arith.xori %iota3A, %xor3A_1122 : vector<16xi32>
      %broadcast_in_dim3A_1124 = vector.shape_cast %xor3A_1123 : vector<16xi32> to vector<16x1xi32>
      %gather3A_1125 = vector.shape_cast %broadcast_in_dim3A_1124 : vector<16x1xi32> to vector<16xi32>
      %gather3A_1126 = tpu.dynamic_gather %add3A_1120[%gather3A_1125] in [0] : vector<16xf32>, vector<16xi32> -> vector<16xf32>
      %add3A_1127 = arith.addf %add3A_1120, %gather3A_1126 : vector<16xf32>
      %gt3A_1128 = arith.constant 0.000000e+00 : f32
      %gt3A_1129 = vector.broadcast %gt3A_1128 : f32 to vector<16xf32>
      %gt3A_1130 = arith.cmpf ogt, %add3A_1127, %gt3A_1129 : vector<16xf32>
      %jit3A_1131 = arith.constant 3.200000e+01 : f32
      %jit3A_1132 = arith.constant 0.000000e+00 : f32
      %broadcast_in_dim3A_1133 = vector.broadcast %jit3A_1131 : f32 to vector<16xf32>
      %broadcast_in_dim3A_1134 = vector.broadcast %jit3A_1132 : f32 to vector<16xf32>
      %select_n3A_1135 = arith.select %gt3A_1130, %broadcast_in_dim3A_1133, %broadcast_in_dim3A_1134 : vector<16xi1>, vector<16xf32>
      %add3A_1136 = arith.addf %broadcast_in_dim3A_1099, %select_n3A_1135 : vector<16xf32>
      %xor3A_1137 = arith.constant 8 : i32
      %xor3A_1138 = vector.broadcast %xor3A_1137 : i32 to vector<16xi32>
      %xor3A_1139 = arith.xori %iota3A, %xor3A_1138 : vector<16xi32>
      %broadcast_in_dim3A_1140 = vector.shape_cast %xor3A_1139 : vector<16xi32> to vector<16x1xi32>
      %gather3A_1141 = vector.shape_cast %broadcast_in_dim3A_1140 : vector<16x1xi32> to vector<16xi32>
      %gather3A_1142 = tpu.dynamic_gather %scan3A_1096#1[%gather3A_1141] in [0] : vector<16xf32>, vector<16xi32> -> vector<16xf32>
      %add3A_1143 = arith.addf %scan3A_1096#1, %gather3A_1142 : vector<16xf32>
      %xor3A_1144 = arith.constant 4 : i32
      %xor3A_1145 = vector.broadcast %xor3A_1144 : i32 to vector<16xi32>
      %xor3A_1146 = arith.xori %iota3A, %xor3A_1145 : vector<16xi32>
      %broadcast_in_dim3A_1147 = vector.shape_cast %xor3A_1146 : vector<16xi32> to vector<16x1xi32>
      %gather3A_1148 = vector.shape_cast %broadcast_in_dim3A_1147 : vector<16x1xi32> to vector<16xi32>
      %gather3A_1149 = tpu.dynamic_gather %add3A_1143[%gather3A_1148] in [0] : vector<16xf32>, vector<16xi32> -> vector<16xf32>
      %add3A_1150 = arith.addf %add3A_1143, %gather3A_1149 : vector<16xf32>
      %xor3A_1151 = arith.constant 2 : i32
      %xor3A_1152 = vector.broadcast %xor3A_1151 : i32 to vector<16xi32>
      %xor3A_1153 = arith.xori %iota3A, %xor3A_1152 : vector<16xi32>
      %broadcast_in_dim3A_1154 = vector.shape_cast %xor3A_1153 : vector<16xi32> to vector<16x1xi32>
      %gather3A_1155 = vector.shape_cast %broadcast_in_dim3A_1154 : vector<16x1xi32> to vector<16xi32>
      %gather3A_1156 = tpu.dynamic_gather %add3A_1150[%gather3A_1155] in [0] : vector<16xf32>, vector<16xi32> -> vector<16xf32>
      %add3A_1157 = arith.addf %add3A_1150, %gather3A_1156 : vector<16xf32>
      %xor3A_1158 = arith.constant 1 : i32
      %xor3A_1159 = vector.broadcast %xor3A_1158 : i32 to vector<16xi32>
      %xor3A_1160 = arith.xori %iota3A, %xor3A_1159 : vector<16xi32>
      %broadcast_in_dim3A_1161 = vector.shape_cast %xor3A_1160 : vector<16xi32> to vector<16x1xi32>
      %gather3A_1162 = vector.shape_cast %broadcast_in_dim3A_1161 : vector<16x1xi32> to vector<16xi32>
      %gather3A_1163 = tpu.dynamic_gather %add3A_1157[%gather3A_1162] in [0] : vector<16xf32>, vector<16xi32> -> vector<16xf32>
      %add3A_1164 = arith.addf %add3A_1157, %gather3A_1163 : vector<16xf32>
      %gt3A_1165 = arith.constant 0.000000e+00 : f32
      %gt3A_1166 = vector.broadcast %gt3A_1165 : f32 to vector<16xf32>
      %gt3A_1167 = arith.cmpf ogt, %add3A_1164, %gt3A_1166 : vector<16xf32>
      %jit3A_1168 = arith.constant 1.600000e+01 : f32
      %jit3A_1169 = arith.constant 0.000000e+00 : f32
      %broadcast_in_dim3A_1170 = vector.broadcast %jit3A_1168 : f32 to vector<16xf32>
      %broadcast_in_dim3A_1171 = vector.broadcast %jit3A_1169 : f32 to vector<16xf32>
      %select_n3A_1172 = arith.select %gt3A_1167, %broadcast_in_dim3A_1170, %broadcast_in_dim3A_1171 : vector<16xi1>, vector<16xf32>
      %add3A_1173 = arith.addf %add3A_1136, %select_n3A_1172 : vector<16xf32>
      %xor3A_1174 = arith.constant 8 : i32
      %xor3A_1175 = vector.broadcast %xor3A_1174 : i32 to vector<16xi32>
      %xor3A_1176 = arith.xori %iota3A, %xor3A_1175 : vector<16xi32>
      %broadcast_in_dim3A_1177 = vector.shape_cast %xor3A_1176 : vector<16xi32> to vector<16x1xi32>
      %gather3A_1178 = vector.shape_cast %broadcast_in_dim3A_1177 : vector<16x1xi32> to vector<16xi32>
      %gather3A_1179 = tpu.dynamic_gather %scan3A_1096#2[%gather3A_1178] in [0] : vector<16xf32>, vector<16xi32> -> vector<16xf32>
      %add3A_1180 = arith.addf %scan3A_1096#2, %gather3A_1179 : vector<16xf32>
      %xor3A_1181 = arith.constant 4 : i32
      %xor3A_1182 = vector.broadcast %xor3A_1181 : i32 to vector<16xi32>
      %xor3A_1183 = arith.xori %iota3A, %xor3A_1182 : vector<16xi32>
      %broadcast_in_dim3A_1184 = vector.shape_cast %xor3A_1183 : vector<16xi32> to vector<16x1xi32>
      %gather3A_1185 = vector.shape_cast %broadcast_in_dim3A_1184 : vector<16x1xi32> to vector<16xi32>
      %gather3A_1186 = tpu.dynamic_gather %add3A_1180[%gather3A_1185] in [0] : vector<16xf32>, vector<16xi32> -> vector<16xf32>
      %add3A_1187 = arith.addf %add3A_1180, %gather3A_1186 : vector<16xf32>
      %xor3A_1188 = arith.constant 2 : i32
      %xor3A_1189 = vector.broadcast %xor3A_1188 : i32 to vector<16xi32>
      %xor3A_1190 = arith.xori %iota3A, %xor3A_1189 : vector<16xi32>
      %broadcast_in_dim3A_1191 = vector.shape_cast %xor3A_1190 : vector<16xi32> to vector<16x1xi32>
      %gather3A_1192 = vector.shape_cast %broadcast_in_dim3A_1191 : vector<16x1xi32> to vector<16xi32>
      %gather3A_1193 = tpu.dynamic_gather %add3A_1187[%gather3A_1192] in [0] : vector<16xf32>, vector<16xi32> -> vector<16xf32>
      %add3A_1194 = arith.addf %add3A_1187, %gather3A_1193 : vector<16xf32>
      %xor3A_1195 = arith.constant 1 : i32
      %xor3A_1196 = vector.broadcast %xor3A_1195 : i32 to vector<16xi32>
      %xor3A_1197 = arith.xori %iota3A, %xor3A_1196 : vector<16xi32>
      %broadcast_in_dim3A_1198 = vector.shape_cast %xor3A_1197 : vector<16xi32> to vector<16x1xi32>
      %gather3A_1199 = vector.shape_cast %broadcast_in_dim3A_1198 : vector<16x1xi32> to vector<16xi32>
      %gather3A_1200 = tpu.dynamic_gather %add3A_1194[%gather3A_1199] in [0] : vector<16xf32>, vector<16xi32> -> vector<16xf32>
      %add3A_1201 = arith.addf %add3A_1194, %gather3A_1200 : vector<16xf32>
      %gt3A_1202 = arith.constant 0.000000e+00 : f32
      %gt3A_1203 = vector.broadcast %gt3A_1202 : f32 to vector<16xf32>
      %gt3A_1204 = arith.cmpf ogt, %add3A_1201, %gt3A_1203 : vector<16xf32>
      %jit3A_1205 = arith.constant 8.000000e+00 : f32
      %jit3A_1206 = arith.constant 0.000000e+00 : f32
      %broadcast_in_dim3A_1207 = vector.broadcast %jit3A_1205 : f32 to vector<16xf32>
      %broadcast_in_dim3A_1208 = vector.broadcast %jit3A_1206 : f32 to vector<16xf32>
      %select_n3A_1209 = arith.select %gt3A_1204, %broadcast_in_dim3A_1207, %broadcast_in_dim3A_1208 : vector<16xi1>, vector<16xf32>
      %add3A_1210 = arith.addf %add3A_1173, %select_n3A_1209 : vector<16xf32>
      %xor3A_1211 = arith.constant 8 : i32
      %xor3A_1212 = vector.broadcast %xor3A_1211 : i32 to vector<16xi32>
      %xor3A_1213 = arith.xori %iota3A, %xor3A_1212 : vector<16xi32>
      %broadcast_in_dim3A_1214 = vector.shape_cast %xor3A_1213 : vector<16xi32> to vector<16x1xi32>
      %gather3A_1215 = vector.shape_cast %broadcast_in_dim3A_1214 : vector<16x1xi32> to vector<16xi32>
      %gather3A_1216 = tpu.dynamic_gather %scan3A_1096#3[%gather3A_1215] in [0] : vector<16xf32>, vector<16xi32> -> vector<16xf32>
      %add3A_1217 = arith.addf %scan3A_1096#3, %gather3A_1216 : vector<16xf32>
      %xor3A_1218 = arith.constant 4 : i32
      %xor3A_1219 = vector.broadcast %xor3A_1218 : i32 to vector<16xi32>
      %xor3A_1220 = arith.xori %iota3A, %xor3A_1219 : vector<16xi32>
      %broadcast_in_dim3A_1221 = vector.shape_cast %xor3A_1220 : vector<16xi32> to vector<16x1xi32>
      %gather3A_1222 = vector.shape_cast %broadcast_in_dim3A_1221 : vector<16x1xi32> to vector<16xi32>
      %gather3A_1223 = tpu.dynamic_gather %add3A_1217[%gather3A_1222] in [0] : vector<16xf32>, vector<16xi32> -> vector<16xf32>
      %add3A_1224 = arith.addf %add3A_1217, %gather3A_1223 : vector<16xf32>
      %xor3A_1225 = arith.constant 2 : i32
      %xor3A_1226 = vector.broadcast %xor3A_1225 : i32 to vector<16xi32>
      %xor3A_1227 = arith.xori %iota3A, %xor3A_1226 : vector<16xi32>
      %broadcast_in_dim3A_1228 = vector.shape_cast %xor3A_1227 : vector<16xi32> to vector<16x1xi32>
      %gather3A_1229 = vector.shape_cast %broadcast_in_dim3A_1228 : vector<16x1xi32> to vector<16xi32>
      %gather3A_1230 = tpu.dynamic_gather %add3A_1224[%gather3A_1229] in [0] : vector<16xf32>, vector<16xi32> -> vector<16xf32>
      %add3A_1231 = arith.addf %add3A_1224, %gather3A_1230 : vector<16xf32>
      %xor3A_1232 = arith.constant 1 : i32
      %xor3A_1233 = vector.broadcast %xor3A_1232 : i32 to vector<16xi32>
      %xor3A_1234 = arith.xori %iota3A, %xor3A_1233 : vector<16xi32>
      %broadcast_in_dim3A_1235 = vector.shape_cast %xor3A_1234 : vector<16xi32> to vector<16x1xi32>
      %gather3A_1236 = vector.shape_cast %broadcast_in_dim3A_1235 : vector<16x1xi32> to vector<16xi32>
      %gather3A_1237 = tpu.dynamic_gather %add3A_1231[%gather3A_1236] in [0] : vector<16xf32>, vector<16xi32> -> vector<16xf32>
      %add3A_1238 = arith.addf %add3A_1231, %gather3A_1237 : vector<16xf32>
      %gt3A_1239 = arith.constant 0.000000e+00 : f32
      %gt3A_1240 = vector.broadcast %gt3A_1239 : f32 to vector<16xf32>
      %gt3A_1241 = arith.cmpf ogt, %add3A_1238, %gt3A_1240 : vector<16xf32>
      %jit3A_1242 = arith.constant 4.000000e+00 : f32
      %jit3A_1243 = arith.constant 0.000000e+00 : f32
      %broadcast_in_dim3A_1244 = vector.broadcast %jit3A_1242 : f32 to vector<16xf32>
      %broadcast_in_dim3A_1245 = vector.broadcast %jit3A_1243 : f32 to vector<16xf32>
      %select_n3A_1246 = arith.select %gt3A_1241, %broadcast_in_dim3A_1244, %broadcast_in_dim3A_1245 : vector<16xi1>, vector<16xf32>
      %add3A_1247 = arith.addf %add3A_1210, %select_n3A_1246 : vector<16xf32>
      %xor3A_1248 = arith.constant 8 : i32
      %xor3A_1249 = vector.broadcast %xor3A_1248 : i32 to vector<16xi32>
      %xor3A_1250 = arith.xori %iota3A, %xor3A_1249 : vector<16xi32>
      %broadcast_in_dim3A_1251 = vector.shape_cast %xor3A_1250 : vector<16xi32> to vector<16x1xi32>
      %gather3A_1252 = vector.shape_cast %broadcast_in_dim3A_1251 : vector<16x1xi32> to vector<16xi32>
      %gather3A_1253 = tpu.dynamic_gather %scan3A_1096#4[%gather3A_1252] in [0] : vector<16xf32>, vector<16xi32> -> vector<16xf32>
      %add3A_1254 = arith.addf %scan3A_1096#4, %gather3A_1253 : vector<16xf32>
      %xor3A_1255 = arith.constant 4 : i32
      %xor3A_1256 = vector.broadcast %xor3A_1255 : i32 to vector<16xi32>
      %xor3A_1257 = arith.xori %iota3A, %xor3A_1256 : vector<16xi32>
      %broadcast_in_dim3A_1258 = vector.shape_cast %xor3A_1257 : vector<16xi32> to vector<16x1xi32>
      %gather3A_1259 = vector.shape_cast %broadcast_in_dim3A_1258 : vector<16x1xi32> to vector<16xi32>
      %gather3A_1260 = tpu.dynamic_gather %add3A_1254[%gather3A_1259] in [0] : vector<16xf32>, vector<16xi32> -> vector<16xf32>
      %add3A_1261 = arith.addf %add3A_1254, %gather3A_1260 : vector<16xf32>
      %xor3A_1262 = arith.constant 2 : i32
      %xor3A_1263 = vector.broadcast %xor3A_1262 : i32 to vector<16xi32>
      %xor3A_1264 = arith.xori %iota3A, %xor3A_1263 : vector<16xi32>
      %broadcast_in_dim3A_1265 = vector.shape_cast %xor3A_1264 : vector<16xi32> to vector<16x1xi32>
      %gather3A_1266 = vector.shape_cast %broadcast_in_dim3A_1265 : vector<16x1xi32> to vector<16xi32>
      %gather3A_1267 = tpu.dynamic_gather %add3A_1261[%gather3A_1266] in [0] : vector<16xf32>, vector<16xi32> -> vector<16xf32>
      %add3A_1268 = arith.addf %add3A_1261, %gather3A_1267 : vector<16xf32>
      %xor3A_1269 = arith.constant 1 : i32
      %xor3A_1270 = vector.broadcast %xor3A_1269 : i32 to vector<16xi32>
      %xor3A_1271 = arith.xori %iota3A, %xor3A_1270 : vector<16xi32>
      %broadcast_in_dim3A_1272 = vector.shape_cast %xor3A_1271 : vector<16xi32> to vector<16x1xi32>
      %gather3A_1273 = vector.shape_cast %broadcast_in_dim3A_1272 : vector<16x1xi32> to vector<16xi32>
      %gather3A_1274 = tpu.dynamic_gather %add3A_1268[%gather3A_1273] in [0] : vector<16xf32>, vector<16xi32> -> vector<16xf32>
      %add3A_1275 = arith.addf %add3A_1268, %gather3A_1274 : vector<16xf32>
      %gt3A_1276 = arith.constant 0.000000e+00 : f32
      %gt3A_1277 = vector.broadcast %gt3A_1276 : f32 to vector<16xf32>
      %gt3A_1278 = arith.cmpf ogt, %add3A_1275, %gt3A_1277 : vector<16xf32>
      %jit3A_1279 = arith.constant 2.000000e+00 : f32
      %jit3A_1280 = arith.constant 0.000000e+00 : f32
      %broadcast_in_dim3A_1281 = vector.broadcast %jit3A_1279 : f32 to vector<16xf32>
      %broadcast_in_dim3A_1282 = vector.broadcast %jit3A_1280 : f32 to vector<16xf32>
      %select_n3A_1283 = arith.select %gt3A_1278, %broadcast_in_dim3A_1281, %broadcast_in_dim3A_1282 : vector<16xi1>, vector<16xf32>
      %add3A_1284 = arith.addf %add3A_1247, %select_n3A_1283 : vector<16xf32>
      %xor3A_1285 = arith.constant 8 : i32
      %xor3A_1286 = vector.broadcast %xor3A_1285 : i32 to vector<16xi32>
      %xor3A_1287 = arith.xori %iota3A, %xor3A_1286 : vector<16xi32>
      %broadcast_in_dim3A_1288 = vector.shape_cast %xor3A_1287 : vector<16xi32> to vector<16x1xi32>
      %gather3A_1289 = vector.shape_cast %broadcast_in_dim3A_1288 : vector<16x1xi32> to vector<16xi32>
      %gather3A_1290 = tpu.dynamic_gather %scan3A_1096#5[%gather3A_1289] in [0] : vector<16xf32>, vector<16xi32> -> vector<16xf32>
      %add3A_1291 = arith.addf %scan3A_1096#5, %gather3A_1290 : vector<16xf32>
      %xor3A_1292 = arith.constant 4 : i32
      %xor3A_1293 = vector.broadcast %xor3A_1292 : i32 to vector<16xi32>
      %xor3A_1294 = arith.xori %iota3A, %xor3A_1293 : vector<16xi32>
      %broadcast_in_dim3A_1295 = vector.shape_cast %xor3A_1294 : vector<16xi32> to vector<16x1xi32>
      %gather3A_1296 = vector.shape_cast %broadcast_in_dim3A_1295 : vector<16x1xi32> to vector<16xi32>
      %gather3A_1297 = tpu.dynamic_gather %add3A_1291[%gather3A_1296] in [0] : vector<16xf32>, vector<16xi32> -> vector<16xf32>
      %add3A_1298 = arith.addf %add3A_1291, %gather3A_1297 : vector<16xf32>
      %xor3A_1299 = arith.constant 2 : i32
      %xor3A_1300 = vector.broadcast %xor3A_1299 : i32 to vector<16xi32>
      %xor3A_1301 = arith.xori %iota3A, %xor3A_1300 : vector<16xi32>
      %broadcast_in_dim3A_1302 = vector.shape_cast %xor3A_1301 : vector<16xi32> to vector<16x1xi32>
      %gather3A_1303 = vector.shape_cast %broadcast_in_dim3A_1302 : vector<16x1xi32> to vector<16xi32>
      %gather3A_1304 = tpu.dynamic_gather %add3A_1298[%gather3A_1303] in [0] : vector<16xf32>, vector<16xi32> -> vector<16xf32>
      %add3A_1305 = arith.addf %add3A_1298, %gather3A_1304 : vector<16xf32>
      %xor3A_1306 = arith.constant 1 : i32
      %xor3A_1307 = vector.broadcast %xor3A_1306 : i32 to vector<16xi32>
      %xor3A_1308 = arith.xori %iota3A, %xor3A_1307 : vector<16xi32>
      %broadcast_in_dim3A_1309 = vector.shape_cast %xor3A_1308 : vector<16xi32> to vector<16x1xi32>
      %gather3A_1310 = vector.shape_cast %broadcast_in_dim3A_1309 : vector<16x1xi32> to vector<16xi32>
      %gather3A_1311 = tpu.dynamic_gather %add3A_1305[%gather3A_1310] in [0] : vector<16xf32>, vector<16xi32> -> vector<16xf32>
      %add3A_1312 = arith.addf %add3A_1305, %gather3A_1311 : vector<16xf32>
      %gt3A_1313 = arith.constant 0.000000e+00 : f32
      %gt3A_1314 = vector.broadcast %gt3A_1313 : f32 to vector<16xf32>
      %gt3A_1315 = arith.cmpf ogt, %add3A_1312, %gt3A_1314 : vector<16xf32>
      %jit3A_1316 = arith.constant 1.000000e+00 : f32
      %jit3A_1317 = arith.constant 0.000000e+00 : f32
      %broadcast_in_dim3A_1318 = vector.broadcast %jit3A_1316 : f32 to vector<16xf32>
      %broadcast_in_dim3A_1319 = vector.broadcast %jit3A_1317 : f32 to vector<16xf32>
      %select_n3A_1320 = arith.select %gt3A_1315, %broadcast_in_dim3A_1318, %broadcast_in_dim3A_1319 : vector<16xi1>, vector<16xf32>
      %add3A_1321 = arith.addf %add3A_1284, %select_n3A_1320 : vector<16xf32>
      %eq3A_1322 = arith.constant 4 : i32
      %eq3A_1323 = vector.broadcast %eq3A_1322 : i32 to vector<16xi32>
      %eq3A_1324 = arith.cmpi eq, %iota3A, %eq3A_1323 : vector<16xi32>
      %select_n3A_1325 = arith.select %eq3A_1324, %add3A_1321, %select_n3A_1043 : vector<16xi1>, vector<16xf32>
      %broadcast_in_dim3A_1326 = arith.constant 0.000000e+00 : f32
      %broadcast_in_dim3A_1327 = vector.broadcast %broadcast_in_dim3A_1326 : f32 to vector<16xf32>
      %xor3A_1328 = arith.constant 8 : i32
      %xor3A_1329 = vector.broadcast %xor3A_1328 : i32 to vector<16xi32>
      %xor3A_1330 = arith.xori %iota3A, %xor3A_1329 : vector<16xi32>
      %broadcast_in_dim3A_1331 = vector.shape_cast %xor3A_1330 : vector<16xi32> to vector<16x1xi32>
      %gather3A_1332 = vector.shape_cast %broadcast_in_dim3A_1331 : vector<16x1xi32> to vector<16xi32>
      %gather3A_1333 = tpu.dynamic_gather %scan3A_1096#6[%gather3A_1332] in [0] : vector<16xf32>, vector<16xi32> -> vector<16xf32>
      %add3A_1334 = arith.addf %scan3A_1096#6, %gather3A_1333 : vector<16xf32>
      %xor3A_1335 = arith.constant 4 : i32
      %xor3A_1336 = vector.broadcast %xor3A_1335 : i32 to vector<16xi32>
      %xor3A_1337 = arith.xori %iota3A, %xor3A_1336 : vector<16xi32>
      %broadcast_in_dim3A_1338 = vector.shape_cast %xor3A_1337 : vector<16xi32> to vector<16x1xi32>
      %gather3A_1339 = vector.shape_cast %broadcast_in_dim3A_1338 : vector<16x1xi32> to vector<16xi32>
      %gather3A_1340 = tpu.dynamic_gather %add3A_1334[%gather3A_1339] in [0] : vector<16xf32>, vector<16xi32> -> vector<16xf32>
      %add3A_1341 = arith.addf %add3A_1334, %gather3A_1340 : vector<16xf32>
      %xor3A_1342 = arith.constant 2 : i32
      %xor3A_1343 = vector.broadcast %xor3A_1342 : i32 to vector<16xi32>
      %xor3A_1344 = arith.xori %iota3A, %xor3A_1343 : vector<16xi32>
      %broadcast_in_dim3A_1345 = vector.shape_cast %xor3A_1344 : vector<16xi32> to vector<16x1xi32>
      %gather3A_1346 = vector.shape_cast %broadcast_in_dim3A_1345 : vector<16x1xi32> to vector<16xi32>
      %gather3A_1347 = tpu.dynamic_gather %add3A_1341[%gather3A_1346] in [0] : vector<16xf32>, vector<16xi32> -> vector<16xf32>
      %add3A_1348 = arith.addf %add3A_1341, %gather3A_1347 : vector<16xf32>
      %xor3A_1349 = arith.constant 1 : i32
      %xor3A_1350 = vector.broadcast %xor3A_1349 : i32 to vector<16xi32>
      %xor3A_1351 = arith.xori %iota3A, %xor3A_1350 : vector<16xi32>
      %broadcast_in_dim3A_1352 = vector.shape_cast %xor3A_1351 : vector<16xi32> to vector<16x1xi32>
      %gather3A_1353 = vector.shape_cast %broadcast_in_dim3A_1352 : vector<16x1xi32> to vector<16xi32>
      %gather3A_1354 = tpu.dynamic_gather %add3A_1348[%gather3A_1353] in [0] : vector<16xf32>, vector<16xi32> -> vector<16xf32>
      %add3A_1355 = arith.addf %add3A_1348, %gather3A_1354 : vector<16xf32>
      %gt3A_1356 = arith.constant 0.000000e+00 : f32
      %gt3A_1357 = vector.broadcast %gt3A_1356 : f32 to vector<16xf32>
      %gt3A_1358 = arith.cmpf ogt, %add3A_1355, %gt3A_1357 : vector<16xf32>
      %jit3A_1359 = arith.constant 3.200000e+01 : f32
      %jit3A_1360 = arith.constant 0.000000e+00 : f32
      %broadcast_in_dim3A_1361 = vector.broadcast %jit3A_1359 : f32 to vector<16xf32>
      %broadcast_in_dim3A_1362 = vector.broadcast %jit3A_1360 : f32 to vector<16xf32>
      %select_n3A_1363 = arith.select %gt3A_1358, %broadcast_in_dim3A_1361, %broadcast_in_dim3A_1362 : vector<16xi1>, vector<16xf32>
      %add3A_1364 = arith.addf %broadcast_in_dim3A_1327, %select_n3A_1363 : vector<16xf32>
      %xor3A_1365 = arith.constant 8 : i32
      %xor3A_1366 = vector.broadcast %xor3A_1365 : i32 to vector<16xi32>
      %xor3A_1367 = arith.xori %iota3A, %xor3A_1366 : vector<16xi32>
      %broadcast_in_dim3A_1368 = vector.shape_cast %xor3A_1367 : vector<16xi32> to vector<16x1xi32>
      %gather3A_1369 = vector.shape_cast %broadcast_in_dim3A_1368 : vector<16x1xi32> to vector<16xi32>
      %gather3A_1370 = tpu.dynamic_gather %scan3A_1096#7[%gather3A_1369] in [0] : vector<16xf32>, vector<16xi32> -> vector<16xf32>
      %add3A_1371 = arith.addf %scan3A_1096#7, %gather3A_1370 : vector<16xf32>
      %xor3A_1372 = arith.constant 4 : i32
      %xor3A_1373 = vector.broadcast %xor3A_1372 : i32 to vector<16xi32>
      %xor3A_1374 = arith.xori %iota3A, %xor3A_1373 : vector<16xi32>
      %broadcast_in_dim3A_1375 = vector.shape_cast %xor3A_1374 : vector<16xi32> to vector<16x1xi32>
      %gather3A_1376 = vector.shape_cast %broadcast_in_dim3A_1375 : vector<16x1xi32> to vector<16xi32>
      %gather3A_1377 = tpu.dynamic_gather %add3A_1371[%gather3A_1376] in [0] : vector<16xf32>, vector<16xi32> -> vector<16xf32>
      %add3A_1378 = arith.addf %add3A_1371, %gather3A_1377 : vector<16xf32>
      %xor3A_1379 = arith.constant 2 : i32
      %xor3A_1380 = vector.broadcast %xor3A_1379 : i32 to vector<16xi32>
      %xor3A_1381 = arith.xori %iota3A, %xor3A_1380 : vector<16xi32>
      %broadcast_in_dim3A_1382 = vector.shape_cast %xor3A_1381 : vector<16xi32> to vector<16x1xi32>
      %gather3A_1383 = vector.shape_cast %broadcast_in_dim3A_1382 : vector<16x1xi32> to vector<16xi32>
      %gather3A_1384 = tpu.dynamic_gather %add3A_1378[%gather3A_1383] in [0] : vector<16xf32>, vector<16xi32> -> vector<16xf32>
      %add3A_1385 = arith.addf %add3A_1378, %gather3A_1384 : vector<16xf32>
      %xor3A_1386 = arith.constant 1 : i32
      %xor3A_1387 = vector.broadcast %xor3A_1386 : i32 to vector<16xi32>
      %xor3A_1388 = arith.xori %iota3A, %xor3A_1387 : vector<16xi32>
      %broadcast_in_dim3A_1389 = vector.shape_cast %xor3A_1388 : vector<16xi32> to vector<16x1xi32>
      %gather3A_1390 = vector.shape_cast %broadcast_in_dim3A_1389 : vector<16x1xi32> to vector<16xi32>
      %gather3A_1391 = tpu.dynamic_gather %add3A_1385[%gather3A_1390] in [0] : vector<16xf32>, vector<16xi32> -> vector<16xf32>
      %add3A_1392 = arith.addf %add3A_1385, %gather3A_1391 : vector<16xf32>
      %gt3A_1393 = arith.constant 0.000000e+00 : f32
      %gt3A_1394 = vector.broadcast %gt3A_1393 : f32 to vector<16xf32>
      %gt3A_1395 = arith.cmpf ogt, %add3A_1392, %gt3A_1394 : vector<16xf32>
      %jit3A_1396 = arith.constant 1.600000e+01 : f32
      %jit3A_1397 = arith.constant 0.000000e+00 : f32
      %broadcast_in_dim3A_1398 = vector.broadcast %jit3A_1396 : f32 to vector<16xf32>
      %broadcast_in_dim3A_1399 = vector.broadcast %jit3A_1397 : f32 to vector<16xf32>
      %select_n3A_1400 = arith.select %gt3A_1395, %broadcast_in_dim3A_1398, %broadcast_in_dim3A_1399 : vector<16xi1>, vector<16xf32>
      %add3A_1401 = arith.addf %add3A_1364, %select_n3A_1400 : vector<16xf32>
      %xor3A_1402 = arith.constant 8 : i32
      %xor3A_1403 = vector.broadcast %xor3A_1402 : i32 to vector<16xi32>
      %xor3A_1404 = arith.xori %iota3A, %xor3A_1403 : vector<16xi32>
      %broadcast_in_dim3A_1405 = vector.shape_cast %xor3A_1404 : vector<16xi32> to vector<16x1xi32>
      %gather3A_1406 = vector.shape_cast %broadcast_in_dim3A_1405 : vector<16x1xi32> to vector<16xi32>
      %gather3A_1407 = tpu.dynamic_gather %scan3A_1096#8[%gather3A_1406] in [0] : vector<16xf32>, vector<16xi32> -> vector<16xf32>
      %add3A_1408 = arith.addf %scan3A_1096#8, %gather3A_1407 : vector<16xf32>
      %xor3A_1409 = arith.constant 4 : i32
      %xor3A_1410 = vector.broadcast %xor3A_1409 : i32 to vector<16xi32>
      %xor3A_1411 = arith.xori %iota3A, %xor3A_1410 : vector<16xi32>
      %broadcast_in_dim3A_1412 = vector.shape_cast %xor3A_1411 : vector<16xi32> to vector<16x1xi32>
      %gather3A_1413 = vector.shape_cast %broadcast_in_dim3A_1412 : vector<16x1xi32> to vector<16xi32>
      %gather3A_1414 = tpu.dynamic_gather %add3A_1408[%gather3A_1413] in [0] : vector<16xf32>, vector<16xi32> -> vector<16xf32>
      %add3A_1415 = arith.addf %add3A_1408, %gather3A_1414 : vector<16xf32>
      %xor3A_1416 = arith.constant 2 : i32
      %xor3A_1417 = vector.broadcast %xor3A_1416 : i32 to vector<16xi32>
      %xor3A_1418 = arith.xori %iota3A, %xor3A_1417 : vector<16xi32>
      %broadcast_in_dim3A_1419 = vector.shape_cast %xor3A_1418 : vector<16xi32> to vector<16x1xi32>
      %gather3A_1420 = vector.shape_cast %broadcast_in_dim3A_1419 : vector<16x1xi32> to vector<16xi32>
      %gather3A_1421 = tpu.dynamic_gather %add3A_1415[%gather3A_1420] in [0] : vector<16xf32>, vector<16xi32> -> vector<16xf32>
      %add3A_1422 = arith.addf %add3A_1415, %gather3A_1421 : vector<16xf32>
      %xor3A_1423 = arith.constant 1 : i32
      %xor3A_1424 = vector.broadcast %xor3A_1423 : i32 to vector<16xi32>
      %xor3A_1425 = arith.xori %iota3A, %xor3A_1424 : vector<16xi32>
      %broadcast_in_dim3A_1426 = vector.shape_cast %xor3A_1425 : vector<16xi32> to vector<16x1xi32>
      %gather3A_1427 = vector.shape_cast %broadcast_in_dim3A_1426 : vector<16x1xi32> to vector<16xi32>
      %gather3A_1428 = tpu.dynamic_gather %add3A_1422[%gather3A_1427] in [0] : vector<16xf32>, vector<16xi32> -> vector<16xf32>
      %add3A_1429 = arith.addf %add3A_1422, %gather3A_1428 : vector<16xf32>
      %gt3A_1430 = arith.constant 0.000000e+00 : f32
      %gt3A_1431 = vector.broadcast %gt3A_1430 : f32 to vector<16xf32>
      %gt3A_1432 = arith.cmpf ogt, %add3A_1429, %gt3A_1431 : vector<16xf32>
      %jit3A_1433 = arith.constant 8.000000e+00 : f32
      %jit3A_1434 = arith.constant 0.000000e+00 : f32
      %broadcast_in_dim3A_1435 = vector.broadcast %jit3A_1433 : f32 to vector<16xf32>
      %broadcast_in_dim3A_1436 = vector.broadcast %jit3A_1434 : f32 to vector<16xf32>
      %select_n3A_1437 = arith.select %gt3A_1432, %broadcast_in_dim3A_1435, %broadcast_in_dim3A_1436 : vector<16xi1>, vector<16xf32>
      %add3A_1438 = arith.addf %add3A_1401, %select_n3A_1437 : vector<16xf32>
      %xor3A_1439 = arith.constant 8 : i32
      %xor3A_1440 = vector.broadcast %xor3A_1439 : i32 to vector<16xi32>
      %xor3A_1441 = arith.xori %iota3A, %xor3A_1440 : vector<16xi32>
      %broadcast_in_dim3A_1442 = vector.shape_cast %xor3A_1441 : vector<16xi32> to vector<16x1xi32>
      %gather3A_1443 = vector.shape_cast %broadcast_in_dim3A_1442 : vector<16x1xi32> to vector<16xi32>
      %gather3A_1444 = tpu.dynamic_gather %scan3A_1096#9[%gather3A_1443] in [0] : vector<16xf32>, vector<16xi32> -> vector<16xf32>
      %add3A_1445 = arith.addf %scan3A_1096#9, %gather3A_1444 : vector<16xf32>
      %xor3A_1446 = arith.constant 4 : i32
      %xor3A_1447 = vector.broadcast %xor3A_1446 : i32 to vector<16xi32>
      %xor3A_1448 = arith.xori %iota3A, %xor3A_1447 : vector<16xi32>
      %broadcast_in_dim3A_1449 = vector.shape_cast %xor3A_1448 : vector<16xi32> to vector<16x1xi32>
      %gather3A_1450 = vector.shape_cast %broadcast_in_dim3A_1449 : vector<16x1xi32> to vector<16xi32>
      %gather3A_1451 = tpu.dynamic_gather %add3A_1445[%gather3A_1450] in [0] : vector<16xf32>, vector<16xi32> -> vector<16xf32>
      %add3A_1452 = arith.addf %add3A_1445, %gather3A_1451 : vector<16xf32>
      %xor3A_1453 = arith.constant 2 : i32
      %xor3A_1454 = vector.broadcast %xor3A_1453 : i32 to vector<16xi32>
      %xor3A_1455 = arith.xori %iota3A, %xor3A_1454 : vector<16xi32>
      %broadcast_in_dim3A_1456 = vector.shape_cast %xor3A_1455 : vector<16xi32> to vector<16x1xi32>
      %gather3A_1457 = vector.shape_cast %broadcast_in_dim3A_1456 : vector<16x1xi32> to vector<16xi32>
      %gather3A_1458 = tpu.dynamic_gather %add3A_1452[%gather3A_1457] in [0] : vector<16xf32>, vector<16xi32> -> vector<16xf32>
      %add3A_1459 = arith.addf %add3A_1452, %gather3A_1458 : vector<16xf32>
      %xor3A_1460 = arith.constant 1 : i32
      %xor3A_1461 = vector.broadcast %xor3A_1460 : i32 to vector<16xi32>
      %xor3A_1462 = arith.xori %iota3A, %xor3A_1461 : vector<16xi32>
      %broadcast_in_dim3A_1463 = vector.shape_cast %xor3A_1462 : vector<16xi32> to vector<16x1xi32>
      %gather3A_1464 = vector.shape_cast %broadcast_in_dim3A_1463 : vector<16x1xi32> to vector<16xi32>
      %gather3A_1465 = tpu.dynamic_gather %add3A_1459[%gather3A_1464] in [0] : vector<16xf32>, vector<16xi32> -> vector<16xf32>
      %add3A_1466 = arith.addf %add3A_1459, %gather3A_1465 : vector<16xf32>
      %gt3A_1467 = arith.constant 0.000000e+00 : f32
      %gt3A_1468 = vector.broadcast %gt3A_1467 : f32 to vector<16xf32>
      %gt3A_1469 = arith.cmpf ogt, %add3A_1466, %gt3A_1468 : vector<16xf32>
      %jit3A_1470 = arith.constant 4.000000e+00 : f32
      %jit3A_1471 = arith.constant 0.000000e+00 : f32
      %broadcast_in_dim3A_1472 = vector.broadcast %jit3A_1470 : f32 to vector<16xf32>
      %broadcast_in_dim3A_1473 = vector.broadcast %jit3A_1471 : f32 to vector<16xf32>
      %select_n3A_1474 = arith.select %gt3A_1469, %broadcast_in_dim3A_1472, %broadcast_in_dim3A_1473 : vector<16xi1>, vector<16xf32>
      %add3A_1475 = arith.addf %add3A_1438, %select_n3A_1474 : vector<16xf32>
      %xor3A_1476 = arith.constant 8 : i32
      %xor3A_1477 = vector.broadcast %xor3A_1476 : i32 to vector<16xi32>
      %xor3A_1478 = arith.xori %iota3A, %xor3A_1477 : vector<16xi32>
      %broadcast_in_dim3A_1479 = vector.shape_cast %xor3A_1478 : vector<16xi32> to vector<16x1xi32>
      %gather3A_1480 = vector.shape_cast %broadcast_in_dim3A_1479 : vector<16x1xi32> to vector<16xi32>
      %gather3A_1481 = tpu.dynamic_gather %scan3A_1096#10[%gather3A_1480] in [0] : vector<16xf32>, vector<16xi32> -> vector<16xf32>
      %add3A_1482 = arith.addf %scan3A_1096#10, %gather3A_1481 : vector<16xf32>
      %xor3A_1483 = arith.constant 4 : i32
      %xor3A_1484 = vector.broadcast %xor3A_1483 : i32 to vector<16xi32>
      %xor3A_1485 = arith.xori %iota3A, %xor3A_1484 : vector<16xi32>
      %broadcast_in_dim3A_1486 = vector.shape_cast %xor3A_1485 : vector<16xi32> to vector<16x1xi32>
      %gather3A_1487 = vector.shape_cast %broadcast_in_dim3A_1486 : vector<16x1xi32> to vector<16xi32>
      %gather3A_1488 = tpu.dynamic_gather %add3A_1482[%gather3A_1487] in [0] : vector<16xf32>, vector<16xi32> -> vector<16xf32>
      %add3A_1489 = arith.addf %add3A_1482, %gather3A_1488 : vector<16xf32>
      %xor3A_1490 = arith.constant 2 : i32
      %xor3A_1491 = vector.broadcast %xor3A_1490 : i32 to vector<16xi32>
      %xor3A_1492 = arith.xori %iota3A, %xor3A_1491 : vector<16xi32>
      %broadcast_in_dim3A_1493 = vector.shape_cast %xor3A_1492 : vector<16xi32> to vector<16x1xi32>
      %gather3A_1494 = vector.shape_cast %broadcast_in_dim3A_1493 : vector<16x1xi32> to vector<16xi32>
      %gather3A_1495 = tpu.dynamic_gather %add3A_1489[%gather3A_1494] in [0] : vector<16xf32>, vector<16xi32> -> vector<16xf32>
      %add3A_1496 = arith.addf %add3A_1489, %gather3A_1495 : vector<16xf32>
      %xor3A_1497 = arith.constant 1 : i32
      %xor3A_1498 = vector.broadcast %xor3A_1497 : i32 to vector<16xi32>
      %xor3A_1499 = arith.xori %iota3A, %xor3A_1498 : vector<16xi32>
      %broadcast_in_dim3A_1500 = vector.shape_cast %xor3A_1499 : vector<16xi32> to vector<16x1xi32>
      %gather3A_1501 = vector.shape_cast %broadcast_in_dim3A_1500 : vector<16x1xi32> to vector<16xi32>
      %gather3A_1502 = tpu.dynamic_gather %add3A_1496[%gather3A_1501] in [0] : vector<16xf32>, vector<16xi32> -> vector<16xf32>
      %add3A_1503 = arith.addf %add3A_1496, %gather3A_1502 : vector<16xf32>
      %gt3A_1504 = arith.constant 0.000000e+00 : f32
      %gt3A_1505 = vector.broadcast %gt3A_1504 : f32 to vector<16xf32>
      %gt3A_1506 = arith.cmpf ogt, %add3A_1503, %gt3A_1505 : vector<16xf32>
      %jit3A_1507 = arith.constant 2.000000e+00 : f32
      %jit3A_1508 = arith.constant 0.000000e+00 : f32
      %broadcast_in_dim3A_1509 = vector.broadcast %jit3A_1507 : f32 to vector<16xf32>
      %broadcast_in_dim3A_1510 = vector.broadcast %jit3A_1508 : f32 to vector<16xf32>
      %select_n3A_1511 = arith.select %gt3A_1506, %broadcast_in_dim3A_1509, %broadcast_in_dim3A_1510 : vector<16xi1>, vector<16xf32>
      %add3A_1512 = arith.addf %add3A_1475, %select_n3A_1511 : vector<16xf32>
      %xor3A_1513 = arith.constant 8 : i32
      %xor3A_1514 = vector.broadcast %xor3A_1513 : i32 to vector<16xi32>
      %xor3A_1515 = arith.xori %iota3A, %xor3A_1514 : vector<16xi32>
      %broadcast_in_dim3A_1516 = vector.shape_cast %xor3A_1515 : vector<16xi32> to vector<16x1xi32>
      %gather3A_1517 = vector.shape_cast %broadcast_in_dim3A_1516 : vector<16x1xi32> to vector<16xi32>
      %gather3A_1518 = tpu.dynamic_gather %scan3A_1096#11[%gather3A_1517] in [0] : vector<16xf32>, vector<16xi32> -> vector<16xf32>
      %add3A_1519 = arith.addf %scan3A_1096#11, %gather3A_1518 : vector<16xf32>
      %xor3A_1520 = arith.constant 4 : i32
      %xor3A_1521 = vector.broadcast %xor3A_1520 : i32 to vector<16xi32>
      %xor3A_1522 = arith.xori %iota3A, %xor3A_1521 : vector<16xi32>
      %broadcast_in_dim3A_1523 = vector.shape_cast %xor3A_1522 : vector<16xi32> to vector<16x1xi32>
      %gather3A_1524 = vector.shape_cast %broadcast_in_dim3A_1523 : vector<16x1xi32> to vector<16xi32>
      %gather3A_1525 = tpu.dynamic_gather %add3A_1519[%gather3A_1524] in [0] : vector<16xf32>, vector<16xi32> -> vector<16xf32>
      %add3A_1526 = arith.addf %add3A_1519, %gather3A_1525 : vector<16xf32>
      %xor3A_1527 = arith.constant 2 : i32
      %xor3A_1528 = vector.broadcast %xor3A_1527 : i32 to vector<16xi32>
      %xor3A_1529 = arith.xori %iota3A, %xor3A_1528 : vector<16xi32>
      %broadcast_in_dim3A_1530 = vector.shape_cast %xor3A_1529 : vector<16xi32> to vector<16x1xi32>
      %gather3A_1531 = vector.shape_cast %broadcast_in_dim3A_1530 : vector<16x1xi32> to vector<16xi32>
      %gather3A_1532 = tpu.dynamic_gather %add3A_1526[%gather3A_1531] in [0] : vector<16xf32>, vector<16xi32> -> vector<16xf32>
      %add3A_1533 = arith.addf %add3A_1526, %gather3A_1532 : vector<16xf32>
      %xor3A_1534 = arith.constant 1 : i32
      %xor3A_1535 = vector.broadcast %xor3A_1534 : i32 to vector<16xi32>
      %xor3A_1536 = arith.xori %iota3A, %xor3A_1535 : vector<16xi32>
      %broadcast_in_dim3A_1537 = vector.shape_cast %xor3A_1536 : vector<16xi32> to vector<16x1xi32>
      %gather3A_1538 = vector.shape_cast %broadcast_in_dim3A_1537 : vector<16x1xi32> to vector<16xi32>
      %gather3A_1539 = tpu.dynamic_gather %add3A_1533[%gather3A_1538] in [0] : vector<16xf32>, vector<16xi32> -> vector<16xf32>
      %add3A_1540 = arith.addf %add3A_1533, %gather3A_1539 : vector<16xf32>
      %gt3A_1541 = arith.constant 0.000000e+00 : f32
      %gt3A_1542 = vector.broadcast %gt3A_1541 : f32 to vector<16xf32>
      %gt3A_1543 = arith.cmpf ogt, %add3A_1540, %gt3A_1542 : vector<16xf32>
      %jit3A_1544 = arith.constant 1.000000e+00 : f32
      %jit3A_1545 = arith.constant 0.000000e+00 : f32
      %broadcast_in_dim3A_1546 = vector.broadcast %jit3A_1544 : f32 to vector<16xf32>
      %broadcast_in_dim3A_1547 = vector.broadcast %jit3A_1545 : f32 to vector<16xf32>
      %select_n3A_1548 = arith.select %gt3A_1543, %broadcast_in_dim3A_1546, %broadcast_in_dim3A_1547 : vector<16xi1>, vector<16xf32>
      %add3A_1549 = arith.addf %add3A_1512, %select_n3A_1548 : vector<16xf32>
      %eq3A_1550 = arith.constant 5 : i32
      %eq3A_1551 = vector.broadcast %eq3A_1550 : i32 to vector<16xi32>
      %eq3A_1552 = arith.cmpi eq, %iota3A, %eq3A_1551 : vector<16xi32>
      %select_n3A_1553 = arith.select %eq3A_1552, %add3A_1549, %select_n3A_1325 : vector<16xi1>, vector<16xf32>
      %broadcast_in_dim3A_1554 = arith.constant 0.000000e+00 : f32
      %broadcast_in_dim3A_1555 = vector.broadcast %broadcast_in_dim3A_1554 : f32 to vector<16xf32>
      %xor3A_1556 = arith.constant 8 : i32
      %xor3A_1557 = vector.broadcast %xor3A_1556 : i32 to vector<16xi32>
      %xor3A_1558 = arith.xori %iota3A, %xor3A_1557 : vector<16xi32>
      %broadcast_in_dim3A_1559 = vector.shape_cast %xor3A_1558 : vector<16xi32> to vector<16x1xi32>
      %gather3A_1560 = vector.shape_cast %broadcast_in_dim3A_1559 : vector<16x1xi32> to vector<16xi32>
      %gather3A_1561 = tpu.dynamic_gather %scan3A_1096#12[%gather3A_1560] in [0] : vector<16xf32>, vector<16xi32> -> vector<16xf32>
      %add3A_1562 = arith.addf %scan3A_1096#12, %gather3A_1561 : vector<16xf32>
      %xor3A_1563 = arith.constant 4 : i32
      %xor3A_1564 = vector.broadcast %xor3A_1563 : i32 to vector<16xi32>
      %xor3A_1565 = arith.xori %iota3A, %xor3A_1564 : vector<16xi32>
      %broadcast_in_dim3A_1566 = vector.shape_cast %xor3A_1565 : vector<16xi32> to vector<16x1xi32>
      %gather3A_1567 = vector.shape_cast %broadcast_in_dim3A_1566 : vector<16x1xi32> to vector<16xi32>
      %gather3A_1568 = tpu.dynamic_gather %add3A_1562[%gather3A_1567] in [0] : vector<16xf32>, vector<16xi32> -> vector<16xf32>
      %add3A_1569 = arith.addf %add3A_1562, %gather3A_1568 : vector<16xf32>
      %xor3A_1570 = arith.constant 2 : i32
      %xor3A_1571 = vector.broadcast %xor3A_1570 : i32 to vector<16xi32>
      %xor3A_1572 = arith.xori %iota3A, %xor3A_1571 : vector<16xi32>
      %broadcast_in_dim3A_1573 = vector.shape_cast %xor3A_1572 : vector<16xi32> to vector<16x1xi32>
      %gather3A_1574 = vector.shape_cast %broadcast_in_dim3A_1573 : vector<16x1xi32> to vector<16xi32>
      %gather3A_1575 = tpu.dynamic_gather %add3A_1569[%gather3A_1574] in [0] : vector<16xf32>, vector<16xi32> -> vector<16xf32>
      %add3A_1576 = arith.addf %add3A_1569, %gather3A_1575 : vector<16xf32>
      %xor3A_1577 = arith.constant 1 : i32
      %xor3A_1578 = vector.broadcast %xor3A_1577 : i32 to vector<16xi32>
      %xor3A_1579 = arith.xori %iota3A, %xor3A_1578 : vector<16xi32>
      %broadcast_in_dim3A_1580 = vector.shape_cast %xor3A_1579 : vector<16xi32> to vector<16x1xi32>
      %gather3A_1581 = vector.shape_cast %broadcast_in_dim3A_1580 : vector<16x1xi32> to vector<16xi32>
      %gather3A_1582 = tpu.dynamic_gather %add3A_1576[%gather3A_1581] in [0] : vector<16xf32>, vector<16xi32> -> vector<16xf32>
      %add3A_1583 = arith.addf %add3A_1576, %gather3A_1582 : vector<16xf32>
      %gt3A_1584 = arith.constant 0.000000e+00 : f32
      %gt3A_1585 = vector.broadcast %gt3A_1584 : f32 to vector<16xf32>
      %gt3A_1586 = arith.cmpf ogt, %add3A_1583, %gt3A_1585 : vector<16xf32>
      %jit3A_1587 = arith.constant 3.200000e+01 : f32
      %jit3A_1588 = arith.constant 0.000000e+00 : f32
      %broadcast_in_dim3A_1589 = vector.broadcast %jit3A_1587 : f32 to vector<16xf32>
      %broadcast_in_dim3A_1590 = vector.broadcast %jit3A_1588 : f32 to vector<16xf32>
      %select_n3A_1591 = arith.select %gt3A_1586, %broadcast_in_dim3A_1589, %broadcast_in_dim3A_1590 : vector<16xi1>, vector<16xf32>
      %add3A_1592 = arith.addf %broadcast_in_dim3A_1555, %select_n3A_1591 : vector<16xf32>
      %xor3A_1593 = arith.constant 8 : i32
      %xor3A_1594 = vector.broadcast %xor3A_1593 : i32 to vector<16xi32>
      %xor3A_1595 = arith.xori %iota3A, %xor3A_1594 : vector<16xi32>
      %broadcast_in_dim3A_1596 = vector.shape_cast %xor3A_1595 : vector<16xi32> to vector<16x1xi32>
      %gather3A_1597 = vector.shape_cast %broadcast_in_dim3A_1596 : vector<16x1xi32> to vector<16xi32>
      %gather3A_1598 = tpu.dynamic_gather %scan3A_1096#13[%gather3A_1597] in [0] : vector<16xf32>, vector<16xi32> -> vector<16xf32>
      %add3A_1599 = arith.addf %scan3A_1096#13, %gather3A_1598 : vector<16xf32>
      %xor3A_1600 = arith.constant 4 : i32
      %xor3A_1601 = vector.broadcast %xor3A_1600 : i32 to vector<16xi32>
      %xor3A_1602 = arith.xori %iota3A, %xor3A_1601 : vector<16xi32>
      %broadcast_in_dim3A_1603 = vector.shape_cast %xor3A_1602 : vector<16xi32> to vector<16x1xi32>
      %gather3A_1604 = vector.shape_cast %broadcast_in_dim3A_1603 : vector<16x1xi32> to vector<16xi32>
      %gather3A_1605 = tpu.dynamic_gather %add3A_1599[%gather3A_1604] in [0] : vector<16xf32>, vector<16xi32> -> vector<16xf32>
      %add3A_1606 = arith.addf %add3A_1599, %gather3A_1605 : vector<16xf32>
      %xor3A_1607 = arith.constant 2 : i32
      %xor3A_1608 = vector.broadcast %xor3A_1607 : i32 to vector<16xi32>
      %xor3A_1609 = arith.xori %iota3A, %xor3A_1608 : vector<16xi32>
      %broadcast_in_dim3A_1610 = vector.shape_cast %xor3A_1609 : vector<16xi32> to vector<16x1xi32>
      %gather3A_1611 = vector.shape_cast %broadcast_in_dim3A_1610 : vector<16x1xi32> to vector<16xi32>
      %gather3A_1612 = tpu.dynamic_gather %add3A_1606[%gather3A_1611] in [0] : vector<16xf32>, vector<16xi32> -> vector<16xf32>
      %add3A_1613 = arith.addf %add3A_1606, %gather3A_1612 : vector<16xf32>
      %xor3A_1614 = arith.constant 1 : i32
      %xor3A_1615 = vector.broadcast %xor3A_1614 : i32 to vector<16xi32>
      %xor3A_1616 = arith.xori %iota3A, %xor3A_1615 : vector<16xi32>
      %broadcast_in_dim3A_1617 = vector.shape_cast %xor3A_1616 : vector<16xi32> to vector<16x1xi32>
      %gather3A_1618 = vector.shape_cast %broadcast_in_dim3A_1617 : vector<16x1xi32> to vector<16xi32>
      %gather3A_1619 = tpu.dynamic_gather %add3A_1613[%gather3A_1618] in [0] : vector<16xf32>, vector<16xi32> -> vector<16xf32>
      %add3A_1620 = arith.addf %add3A_1613, %gather3A_1619 : vector<16xf32>
      %gt3A_1621 = arith.constant 0.000000e+00 : f32
      %gt3A_1622 = vector.broadcast %gt3A_1621 : f32 to vector<16xf32>
      %gt3A_1623 = arith.cmpf ogt, %add3A_1620, %gt3A_1622 : vector<16xf32>
      %jit3A_1624 = arith.constant 1.600000e+01 : f32
      %jit3A_1625 = arith.constant 0.000000e+00 : f32
      %broadcast_in_dim3A_1626 = vector.broadcast %jit3A_1624 : f32 to vector<16xf32>
      %broadcast_in_dim3A_1627 = vector.broadcast %jit3A_1625 : f32 to vector<16xf32>
      %select_n3A_1628 = arith.select %gt3A_1623, %broadcast_in_dim3A_1626, %broadcast_in_dim3A_1627 : vector<16xi1>, vector<16xf32>
      %add3A_1629 = arith.addf %add3A_1592, %select_n3A_1628 : vector<16xf32>
      %xor3A_1630 = arith.constant 8 : i32
      %xor3A_1631 = vector.broadcast %xor3A_1630 : i32 to vector<16xi32>
      %xor3A_1632 = arith.xori %iota3A, %xor3A_1631 : vector<16xi32>
      %broadcast_in_dim3A_1633 = vector.shape_cast %xor3A_1632 : vector<16xi32> to vector<16x1xi32>
      %gather3A_1634 = vector.shape_cast %broadcast_in_dim3A_1633 : vector<16x1xi32> to vector<16xi32>
      %gather3A_1635 = tpu.dynamic_gather %scan3A_1096#14[%gather3A_1634] in [0] : vector<16xf32>, vector<16xi32> -> vector<16xf32>
      %add3A_1636 = arith.addf %scan3A_1096#14, %gather3A_1635 : vector<16xf32>
      %xor3A_1637 = arith.constant 4 : i32
      %xor3A_1638 = vector.broadcast %xor3A_1637 : i32 to vector<16xi32>
      %xor3A_1639 = arith.xori %iota3A, %xor3A_1638 : vector<16xi32>
      %broadcast_in_dim3A_1640 = vector.shape_cast %xor3A_1639 : vector<16xi32> to vector<16x1xi32>
      %gather3A_1641 = vector.shape_cast %broadcast_in_dim3A_1640 : vector<16x1xi32> to vector<16xi32>
      %gather3A_1642 = tpu.dynamic_gather %add3A_1636[%gather3A_1641] in [0] : vector<16xf32>, vector<16xi32> -> vector<16xf32>
      %add3A_1643 = arith.addf %add3A_1636, %gather3A_1642 : vector<16xf32>
      %xor3A_1644 = arith.constant 2 : i32
      %xor3A_1645 = vector.broadcast %xor3A_1644 : i32 to vector<16xi32>
      %xor3A_1646 = arith.xori %iota3A, %xor3A_1645 : vector<16xi32>
      %broadcast_in_dim3A_1647 = vector.shape_cast %xor3A_1646 : vector<16xi32> to vector<16x1xi32>
      %gather3A_1648 = vector.shape_cast %broadcast_in_dim3A_1647 : vector<16x1xi32> to vector<16xi32>
      %gather3A_1649 = tpu.dynamic_gather %add3A_1643[%gather3A_1648] in [0] : vector<16xf32>, vector<16xi32> -> vector<16xf32>
      %add3A_1650 = arith.addf %add3A_1643, %gather3A_1649 : vector<16xf32>
      %xor3A_1651 = arith.constant 1 : i32
      %xor3A_1652 = vector.broadcast %xor3A_1651 : i32 to vector<16xi32>
      %xor3A_1653 = arith.xori %iota3A, %xor3A_1652 : vector<16xi32>
      %broadcast_in_dim3A_1654 = vector.shape_cast %xor3A_1653 : vector<16xi32> to vector<16x1xi32>
      %gather3A_1655 = vector.shape_cast %broadcast_in_dim3A_1654 : vector<16x1xi32> to vector<16xi32>
      %gather3A_1656 = tpu.dynamic_gather %add3A_1650[%gather3A_1655] in [0] : vector<16xf32>, vector<16xi32> -> vector<16xf32>
      %add3A_1657 = arith.addf %add3A_1650, %gather3A_1656 : vector<16xf32>
      %gt3A_1658 = arith.constant 0.000000e+00 : f32
      %gt3A_1659 = vector.broadcast %gt3A_1658 : f32 to vector<16xf32>
      %gt3A_1660 = arith.cmpf ogt, %add3A_1657, %gt3A_1659 : vector<16xf32>
      %jit3A_1661 = arith.constant 8.000000e+00 : f32
      %jit3A_1662 = arith.constant 0.000000e+00 : f32
      %broadcast_in_dim3A_1663 = vector.broadcast %jit3A_1661 : f32 to vector<16xf32>
      %broadcast_in_dim3A_1664 = vector.broadcast %jit3A_1662 : f32 to vector<16xf32>
      %select_n3A_1665 = arith.select %gt3A_1660, %broadcast_in_dim3A_1663, %broadcast_in_dim3A_1664 : vector<16xi1>, vector<16xf32>
      %add3A_1666 = arith.addf %add3A_1629, %select_n3A_1665 : vector<16xf32>
      %xor3A_1667 = arith.constant 8 : i32
      %xor3A_1668 = vector.broadcast %xor3A_1667 : i32 to vector<16xi32>
      %xor3A_1669 = arith.xori %iota3A, %xor3A_1668 : vector<16xi32>
      %broadcast_in_dim3A_1670 = vector.shape_cast %xor3A_1669 : vector<16xi32> to vector<16x1xi32>
      %gather3A_1671 = vector.shape_cast %broadcast_in_dim3A_1670 : vector<16x1xi32> to vector<16xi32>
      %gather3A_1672 = tpu.dynamic_gather %scan3A_1096#15[%gather3A_1671] in [0] : vector<16xf32>, vector<16xi32> -> vector<16xf32>
      %add3A_1673 = arith.addf %scan3A_1096#15, %gather3A_1672 : vector<16xf32>
      %xor3A_1674 = arith.constant 4 : i32
      %xor3A_1675 = vector.broadcast %xor3A_1674 : i32 to vector<16xi32>
      %xor3A_1676 = arith.xori %iota3A, %xor3A_1675 : vector<16xi32>
      %broadcast_in_dim3A_1677 = vector.shape_cast %xor3A_1676 : vector<16xi32> to vector<16x1xi32>
      %gather3A_1678 = vector.shape_cast %broadcast_in_dim3A_1677 : vector<16x1xi32> to vector<16xi32>
      %gather3A_1679 = tpu.dynamic_gather %add3A_1673[%gather3A_1678] in [0] : vector<16xf32>, vector<16xi32> -> vector<16xf32>
      %add3A_1680 = arith.addf %add3A_1673, %gather3A_1679 : vector<16xf32>
      %xor3A_1681 = arith.constant 2 : i32
      %xor3A_1682 = vector.broadcast %xor3A_1681 : i32 to vector<16xi32>
      %xor3A_1683 = arith.xori %iota3A, %xor3A_1682 : vector<16xi32>
      %broadcast_in_dim3A_1684 = vector.shape_cast %xor3A_1683 : vector<16xi32> to vector<16x1xi32>
      %gather3A_1685 = vector.shape_cast %broadcast_in_dim3A_1684 : vector<16x1xi32> to vector<16xi32>
      %gather3A_1686 = tpu.dynamic_gather %add3A_1680[%gather3A_1685] in [0] : vector<16xf32>, vector<16xi32> -> vector<16xf32>
      %add3A_1687 = arith.addf %add3A_1680, %gather3A_1686 : vector<16xf32>
      %xor3A_1688 = arith.constant 1 : i32
      %xor3A_1689 = vector.broadcast %xor3A_1688 : i32 to vector<16xi32>
      %xor3A_1690 = arith.xori %iota3A, %xor3A_1689 : vector<16xi32>
      %broadcast_in_dim3A_1691 = vector.shape_cast %xor3A_1690 : vector<16xi32> to vector<16x1xi32>
      %gather3A_1692 = vector.shape_cast %broadcast_in_dim3A_1691 : vector<16x1xi32> to vector<16xi32>
      %gather3A_1693 = tpu.dynamic_gather %add3A_1687[%gather3A_1692] in [0] : vector<16xf32>, vector<16xi32> -> vector<16xf32>
      %add3A_1694 = arith.addf %add3A_1687, %gather3A_1693 : vector<16xf32>
      %gt3A_1695 = arith.constant 0.000000e+00 : f32
      %gt3A_1696 = vector.broadcast %gt3A_1695 : f32 to vector<16xf32>
      %gt3A_1697 = arith.cmpf ogt, %add3A_1694, %gt3A_1696 : vector<16xf32>
      %jit3A_1698 = arith.constant 4.000000e+00 : f32
      %jit3A_1699 = arith.constant 0.000000e+00 : f32
      %broadcast_in_dim3A_1700 = vector.broadcast %jit3A_1698 : f32 to vector<16xf32>
      %broadcast_in_dim3A_1701 = vector.broadcast %jit3A_1699 : f32 to vector<16xf32>
      %select_n3A_1702 = arith.select %gt3A_1697, %broadcast_in_dim3A_1700, %broadcast_in_dim3A_1701 : vector<16xi1>, vector<16xf32>
      %add3A_1703 = arith.addf %add3A_1666, %select_n3A_1702 : vector<16xf32>
      %xor3A_1704 = arith.constant 8 : i32
      %xor3A_1705 = vector.broadcast %xor3A_1704 : i32 to vector<16xi32>
      %xor3A_1706 = arith.xori %iota3A, %xor3A_1705 : vector<16xi32>
      %broadcast_in_dim3A_1707 = vector.shape_cast %xor3A_1706 : vector<16xi32> to vector<16x1xi32>
      %gather3A_1708 = vector.shape_cast %broadcast_in_dim3A_1707 : vector<16x1xi32> to vector<16xi32>
      %gather3A_1709 = tpu.dynamic_gather %scan3A_1096#16[%gather3A_1708] in [0] : vector<16xf32>, vector<16xi32> -> vector<16xf32>
      %add3A_1710 = arith.addf %scan3A_1096#16, %gather3A_1709 : vector<16xf32>
      %xor3A_1711 = arith.constant 4 : i32
      %xor3A_1712 = vector.broadcast %xor3A_1711 : i32 to vector<16xi32>
      %xor3A_1713 = arith.xori %iota3A, %xor3A_1712 : vector<16xi32>
      %broadcast_in_dim3A_1714 = vector.shape_cast %xor3A_1713 : vector<16xi32> to vector<16x1xi32>
      %gather3A_1715 = vector.shape_cast %broadcast_in_dim3A_1714 : vector<16x1xi32> to vector<16xi32>
      %gather3A_1716 = tpu.dynamic_gather %add3A_1710[%gather3A_1715] in [0] : vector<16xf32>, vector<16xi32> -> vector<16xf32>
      %add3A_1717 = arith.addf %add3A_1710, %gather3A_1716 : vector<16xf32>
      %xor3A_1718 = arith.constant 2 : i32
      %xor3A_1719 = vector.broadcast %xor3A_1718 : i32 to vector<16xi32>
      %xor3A_1720 = arith.xori %iota3A, %xor3A_1719 : vector<16xi32>
      %broadcast_in_dim3A_1721 = vector.shape_cast %xor3A_1720 : vector<16xi32> to vector<16x1xi32>
      %gather3A_1722 = vector.shape_cast %broadcast_in_dim3A_1721 : vector<16x1xi32> to vector<16xi32>
      %gather3A_1723 = tpu.dynamic_gather %add3A_1717[%gather3A_1722] in [0] : vector<16xf32>, vector<16xi32> -> vector<16xf32>
      %add3A_1724 = arith.addf %add3A_1717, %gather3A_1723 : vector<16xf32>
      %xor3A_1725 = arith.constant 1 : i32
      %xor3A_1726 = vector.broadcast %xor3A_1725 : i32 to vector<16xi32>
      %xor3A_1727 = arith.xori %iota3A, %xor3A_1726 : vector<16xi32>
      %broadcast_in_dim3A_1728 = vector.shape_cast %xor3A_1727 : vector<16xi32> to vector<16x1xi32>
      %gather3A_1729 = vector.shape_cast %broadcast_in_dim3A_1728 : vector<16x1xi32> to vector<16xi32>
      %gather3A_1730 = tpu.dynamic_gather %add3A_1724[%gather3A_1729] in [0] : vector<16xf32>, vector<16xi32> -> vector<16xf32>
      %add3A_1731 = arith.addf %add3A_1724, %gather3A_1730 : vector<16xf32>
      %gt3A_1732 = arith.constant 0.000000e+00 : f32
      %gt3A_1733 = vector.broadcast %gt3A_1732 : f32 to vector<16xf32>
      %gt3A_1734 = arith.cmpf ogt, %add3A_1731, %gt3A_1733 : vector<16xf32>
      %jit3A_1735 = arith.constant 2.000000e+00 : f32
      %jit3A_1736 = arith.constant 0.000000e+00 : f32
      %broadcast_in_dim3A_1737 = vector.broadcast %jit3A_1735 : f32 to vector<16xf32>
      %broadcast_in_dim3A_1738 = vector.broadcast %jit3A_1736 : f32 to vector<16xf32>
      %select_n3A_1739 = arith.select %gt3A_1734, %broadcast_in_dim3A_1737, %broadcast_in_dim3A_1738 : vector<16xi1>, vector<16xf32>
      %add3A_1740 = arith.addf %add3A_1703, %select_n3A_1739 : vector<16xf32>
      %xor3A_1741 = arith.constant 8 : i32
      %xor3A_1742 = vector.broadcast %xor3A_1741 : i32 to vector<16xi32>
      %xor3A_1743 = arith.xori %iota3A, %xor3A_1742 : vector<16xi32>
      %broadcast_in_dim3A_1744 = vector.shape_cast %xor3A_1743 : vector<16xi32> to vector<16x1xi32>
      %gather3A_1745 = vector.shape_cast %broadcast_in_dim3A_1744 : vector<16x1xi32> to vector<16xi32>
      %gather3A_1746 = tpu.dynamic_gather %scan3A_1096#17[%gather3A_1745] in [0] : vector<16xf32>, vector<16xi32> -> vector<16xf32>
      %add3A_1747 = arith.addf %scan3A_1096#17, %gather3A_1746 : vector<16xf32>
      %xor3A_1748 = arith.constant 4 : i32
      %xor3A_1749 = vector.broadcast %xor3A_1748 : i32 to vector<16xi32>
      %xor3A_1750 = arith.xori %iota3A, %xor3A_1749 : vector<16xi32>
      %broadcast_in_dim3A_1751 = vector.shape_cast %xor3A_1750 : vector<16xi32> to vector<16x1xi32>
      %gather3A_1752 = vector.shape_cast %broadcast_in_dim3A_1751 : vector<16x1xi32> to vector<16xi32>
      %gather3A_1753 = tpu.dynamic_gather %add3A_1747[%gather3A_1752] in [0] : vector<16xf32>, vector<16xi32> -> vector<16xf32>
      %add3A_1754 = arith.addf %add3A_1747, %gather3A_1753 : vector<16xf32>
      %xor3A_1755 = arith.constant 2 : i32
      %xor3A_1756 = vector.broadcast %xor3A_1755 : i32 to vector<16xi32>
      %xor3A_1757 = arith.xori %iota3A, %xor3A_1756 : vector<16xi32>
      %broadcast_in_dim3A_1758 = vector.shape_cast %xor3A_1757 : vector<16xi32> to vector<16x1xi32>
      %gather3A_1759 = vector.shape_cast %broadcast_in_dim3A_1758 : vector<16x1xi32> to vector<16xi32>
      %gather3A_1760 = tpu.dynamic_gather %add3A_1754[%gather3A_1759] in [0] : vector<16xf32>, vector<16xi32> -> vector<16xf32>
      %add3A_1761 = arith.addf %add3A_1754, %gather3A_1760 : vector<16xf32>
      %xor3A_1762 = arith.constant 1 : i32
      %xor3A_1763 = vector.broadcast %xor3A_1762 : i32 to vector<16xi32>
      %xor3A_1764 = arith.xori %iota3A, %xor3A_1763 : vector<16xi32>
      %broadcast_in_dim3A_1765 = vector.shape_cast %xor3A_1764 : vector<16xi32> to vector<16x1xi32>
      %gather3A_1766 = vector.shape_cast %broadcast_in_dim3A_1765 : vector<16x1xi32> to vector<16xi32>
      %gather3A_1767 = tpu.dynamic_gather %add3A_1761[%gather3A_1766] in [0] : vector<16xf32>, vector<16xi32> -> vector<16xf32>
      %add3A_1768 = arith.addf %add3A_1761, %gather3A_1767 : vector<16xf32>
      %gt3A_1769 = arith.constant 0.000000e+00 : f32
      %gt3A_1770 = vector.broadcast %gt3A_1769 : f32 to vector<16xf32>
      %gt3A_1771 = arith.cmpf ogt, %add3A_1768, %gt3A_1770 : vector<16xf32>
      %jit3A_1772 = arith.constant 1.000000e+00 : f32
      %jit3A_1773 = arith.constant 0.000000e+00 : f32
      %broadcast_in_dim3A_1774 = vector.broadcast %jit3A_1772 : f32 to vector<16xf32>
      %broadcast_in_dim3A_1775 = vector.broadcast %jit3A_1773 : f32 to vector<16xf32>
      %select_n3A_1776 = arith.select %gt3A_1771, %broadcast_in_dim3A_1774, %broadcast_in_dim3A_1775 : vector<16xi1>, vector<16xf32>
      %add3A_1777 = arith.addf %add3A_1740, %select_n3A_1776 : vector<16xf32>
      %eq3A_1778 = arith.constant 6 : i32
      %eq3A_1779 = vector.broadcast %eq3A_1778 : i32 to vector<16xi32>
      %eq3A_1780 = arith.cmpi eq, %iota3A, %eq3A_1779 : vector<16xi32>
      %select_n3A_1781 = arith.select %eq3A_1780, %add3A_1777, %select_n3A_1553 : vector<16xi1>, vector<16xf32>
      %broadcast_in_dim3A_1782 = arith.constant 0.000000e+00 : f32
      %broadcast_in_dim3A_1783 = vector.broadcast %broadcast_in_dim3A_1782 : f32 to vector<16xf32>
      %xor3A_1784 = arith.constant 8 : i32
      %xor3A_1785 = vector.broadcast %xor3A_1784 : i32 to vector<16xi32>
      %xor3A_1786 = arith.xori %iota3A, %xor3A_1785 : vector<16xi32>
      %broadcast_in_dim3A_1787 = vector.shape_cast %xor3A_1786 : vector<16xi32> to vector<16x1xi32>
      %gather3A_1788 = vector.shape_cast %broadcast_in_dim3A_1787 : vector<16x1xi32> to vector<16xi32>
      %gather3A_1789 = tpu.dynamic_gather %scan3A_1096#18[%gather3A_1788] in [0] : vector<16xf32>, vector<16xi32> -> vector<16xf32>
      %add3A_1790 = arith.addf %scan3A_1096#18, %gather3A_1789 : vector<16xf32>
      %xor3A_1791 = arith.constant 4 : i32
      %xor3A_1792 = vector.broadcast %xor3A_1791 : i32 to vector<16xi32>
      %xor3A_1793 = arith.xori %iota3A, %xor3A_1792 : vector<16xi32>
      %broadcast_in_dim3A_1794 = vector.shape_cast %xor3A_1793 : vector<16xi32> to vector<16x1xi32>
      %gather3A_1795 = vector.shape_cast %broadcast_in_dim3A_1794 : vector<16x1xi32> to vector<16xi32>
      %gather3A_1796 = tpu.dynamic_gather %add3A_1790[%gather3A_1795] in [0] : vector<16xf32>, vector<16xi32> -> vector<16xf32>
      %add3A_1797 = arith.addf %add3A_1790, %gather3A_1796 : vector<16xf32>
      %xor3A_1798 = arith.constant 2 : i32
      %xor3A_1799 = vector.broadcast %xor3A_1798 : i32 to vector<16xi32>
      %xor3A_1800 = arith.xori %iota3A, %xor3A_1799 : vector<16xi32>
      %broadcast_in_dim3A_1801 = vector.shape_cast %xor3A_1800 : vector<16xi32> to vector<16x1xi32>
      %gather3A_1802 = vector.shape_cast %broadcast_in_dim3A_1801 : vector<16x1xi32> to vector<16xi32>
      %gather3A_1803 = tpu.dynamic_gather %add3A_1797[%gather3A_1802] in [0] : vector<16xf32>, vector<16xi32> -> vector<16xf32>
      %add3A_1804 = arith.addf %add3A_1797, %gather3A_1803 : vector<16xf32>
      %xor3A_1805 = arith.constant 1 : i32
      %xor3A_1806 = vector.broadcast %xor3A_1805 : i32 to vector<16xi32>
      %xor3A_1807 = arith.xori %iota3A, %xor3A_1806 : vector<16xi32>
      %broadcast_in_dim3A_1808 = vector.shape_cast %xor3A_1807 : vector<16xi32> to vector<16x1xi32>
      %gather3A_1809 = vector.shape_cast %broadcast_in_dim3A_1808 : vector<16x1xi32> to vector<16xi32>
      %gather3A_1810 = tpu.dynamic_gather %add3A_1804[%gather3A_1809] in [0] : vector<16xf32>, vector<16xi32> -> vector<16xf32>
      %add3A_1811 = arith.addf %add3A_1804, %gather3A_1810 : vector<16xf32>
      %gt3A_1812 = arith.constant 0.000000e+00 : f32
      %gt3A_1813 = vector.broadcast %gt3A_1812 : f32 to vector<16xf32>
      %gt3A_1814 = arith.cmpf ogt, %add3A_1811, %gt3A_1813 : vector<16xf32>
      %jit3A_1815 = arith.constant 3.200000e+01 : f32
      %jit3A_1816 = arith.constant 0.000000e+00 : f32
      %broadcast_in_dim3A_1817 = vector.broadcast %jit3A_1815 : f32 to vector<16xf32>
      %broadcast_in_dim3A_1818 = vector.broadcast %jit3A_1816 : f32 to vector<16xf32>
      %select_n3A_1819 = arith.select %gt3A_1814, %broadcast_in_dim3A_1817, %broadcast_in_dim3A_1818 : vector<16xi1>, vector<16xf32>
      %add3A_1820 = arith.addf %broadcast_in_dim3A_1783, %select_n3A_1819 : vector<16xf32>
      %xor3A_1821 = arith.constant 8 : i32
      %xor3A_1822 = vector.broadcast %xor3A_1821 : i32 to vector<16xi32>
      %xor3A_1823 = arith.xori %iota3A, %xor3A_1822 : vector<16xi32>
      %broadcast_in_dim3A_1824 = vector.shape_cast %xor3A_1823 : vector<16xi32> to vector<16x1xi32>
      %gather3A_1825 = vector.shape_cast %broadcast_in_dim3A_1824 : vector<16x1xi32> to vector<16xi32>
      %gather3A_1826 = tpu.dynamic_gather %scan3A_1096#19[%gather3A_1825] in [0] : vector<16xf32>, vector<16xi32> -> vector<16xf32>
      %add3A_1827 = arith.addf %scan3A_1096#19, %gather3A_1826 : vector<16xf32>
      %xor3A_1828 = arith.constant 4 : i32
      %xor3A_1829 = vector.broadcast %xor3A_1828 : i32 to vector<16xi32>
      %xor3A_1830 = arith.xori %iota3A, %xor3A_1829 : vector<16xi32>
      %broadcast_in_dim3A_1831 = vector.shape_cast %xor3A_1830 : vector<16xi32> to vector<16x1xi32>
      %gather3A_1832 = vector.shape_cast %broadcast_in_dim3A_1831 : vector<16x1xi32> to vector<16xi32>
      %gather3A_1833 = tpu.dynamic_gather %add3A_1827[%gather3A_1832] in [0] : vector<16xf32>, vector<16xi32> -> vector<16xf32>
      %add3A_1834 = arith.addf %add3A_1827, %gather3A_1833 : vector<16xf32>
      %xor3A_1835 = arith.constant 2 : i32
      %xor3A_1836 = vector.broadcast %xor3A_1835 : i32 to vector<16xi32>
      %xor3A_1837 = arith.xori %iota3A, %xor3A_1836 : vector<16xi32>
      %broadcast_in_dim3A_1838 = vector.shape_cast %xor3A_1837 : vector<16xi32> to vector<16x1xi32>
      %gather3A_1839 = vector.shape_cast %broadcast_in_dim3A_1838 : vector<16x1xi32> to vector<16xi32>
      %gather3A_1840 = tpu.dynamic_gather %add3A_1834[%gather3A_1839] in [0] : vector<16xf32>, vector<16xi32> -> vector<16xf32>
      %add3A_1841 = arith.addf %add3A_1834, %gather3A_1840 : vector<16xf32>
      %xor3A_1842 = arith.constant 1 : i32
      %xor3A_1843 = vector.broadcast %xor3A_1842 : i32 to vector<16xi32>
      %xor3A_1844 = arith.xori %iota3A, %xor3A_1843 : vector<16xi32>
      %broadcast_in_dim3A_1845 = vector.shape_cast %xor3A_1844 : vector<16xi32> to vector<16x1xi32>
      %gather3A_1846 = vector.shape_cast %broadcast_in_dim3A_1845 : vector<16x1xi32> to vector<16xi32>
      %gather3A_1847 = tpu.dynamic_gather %add3A_1841[%gather3A_1846] in [0] : vector<16xf32>, vector<16xi32> -> vector<16xf32>
      %add3A_1848 = arith.addf %add3A_1841, %gather3A_1847 : vector<16xf32>
      %gt3A_1849 = arith.constant 0.000000e+00 : f32
      %gt3A_1850 = vector.broadcast %gt3A_1849 : f32 to vector<16xf32>
      %gt3A_1851 = arith.cmpf ogt, %add3A_1848, %gt3A_1850 : vector<16xf32>
      %jit3A_1852 = arith.constant 1.600000e+01 : f32
      %jit3A_1853 = arith.constant 0.000000e+00 : f32
      %broadcast_in_dim3A_1854 = vector.broadcast %jit3A_1852 : f32 to vector<16xf32>
      %broadcast_in_dim3A_1855 = vector.broadcast %jit3A_1853 : f32 to vector<16xf32>
      %select_n3A_1856 = arith.select %gt3A_1851, %broadcast_in_dim3A_1854, %broadcast_in_dim3A_1855 : vector<16xi1>, vector<16xf32>
      %add3A_1857 = arith.addf %add3A_1820, %select_n3A_1856 : vector<16xf32>
      %xor3A_1858 = arith.constant 8 : i32
      %xor3A_1859 = vector.broadcast %xor3A_1858 : i32 to vector<16xi32>
      %xor3A_1860 = arith.xori %iota3A, %xor3A_1859 : vector<16xi32>
      %broadcast_in_dim3A_1861 = vector.shape_cast %xor3A_1860 : vector<16xi32> to vector<16x1xi32>
      %gather3A_1862 = vector.shape_cast %broadcast_in_dim3A_1861 : vector<16x1xi32> to vector<16xi32>
      %gather3A_1863 = tpu.dynamic_gather %scan3A_1096#20[%gather3A_1862] in [0] : vector<16xf32>, vector<16xi32> -> vector<16xf32>
      %add3A_1864 = arith.addf %scan3A_1096#20, %gather3A_1863 : vector<16xf32>
      %xor3A_1865 = arith.constant 4 : i32
      %xor3A_1866 = vector.broadcast %xor3A_1865 : i32 to vector<16xi32>
      %xor3A_1867 = arith.xori %iota3A, %xor3A_1866 : vector<16xi32>
      %broadcast_in_dim3A_1868 = vector.shape_cast %xor3A_1867 : vector<16xi32> to vector<16x1xi32>
      %gather3A_1869 = vector.shape_cast %broadcast_in_dim3A_1868 : vector<16x1xi32> to vector<16xi32>
      %gather3A_1870 = tpu.dynamic_gather %add3A_1864[%gather3A_1869] in [0] : vector<16xf32>, vector<16xi32> -> vector<16xf32>
      %add3A_1871 = arith.addf %add3A_1864, %gather3A_1870 : vector<16xf32>
      %xor3A_1872 = arith.constant 2 : i32
      %xor3A_1873 = vector.broadcast %xor3A_1872 : i32 to vector<16xi32>
      %xor3A_1874 = arith.xori %iota3A, %xor3A_1873 : vector<16xi32>
      %broadcast_in_dim3A_1875 = vector.shape_cast %xor3A_1874 : vector<16xi32> to vector<16x1xi32>
      %gather3A_1876 = vector.shape_cast %broadcast_in_dim3A_1875 : vector<16x1xi32> to vector<16xi32>
      %gather3A_1877 = tpu.dynamic_gather %add3A_1871[%gather3A_1876] in [0] : vector<16xf32>, vector<16xi32> -> vector<16xf32>
      %add3A_1878 = arith.addf %add3A_1871, %gather3A_1877 : vector<16xf32>
      %xor3A_1879 = arith.constant 1 : i32
      %xor3A_1880 = vector.broadcast %xor3A_1879 : i32 to vector<16xi32>
      %xor3A_1881 = arith.xori %iota3A, %xor3A_1880 : vector<16xi32>
      %broadcast_in_dim3A_1882 = vector.shape_cast %xor3A_1881 : vector<16xi32> to vector<16x1xi32>
      %gather3A_1883 = vector.shape_cast %broadcast_in_dim3A_1882 : vector<16x1xi32> to vector<16xi32>
      %gather3A_1884 = tpu.dynamic_gather %add3A_1878[%gather3A_1883] in [0] : vector<16xf32>, vector<16xi32> -> vector<16xf32>
      %add3A_1885 = arith.addf %add3A_1878, %gather3A_1884 : vector<16xf32>
      %gt3A_1886 = arith.constant 0.000000e+00 : f32
      %gt3A_1887 = vector.broadcast %gt3A_1886 : f32 to vector<16xf32>
      %gt3A_1888 = arith.cmpf ogt, %add3A_1885, %gt3A_1887 : vector<16xf32>
      %jit3A_1889 = arith.constant 8.000000e+00 : f32
      %jit3A_1890 = arith.constant 0.000000e+00 : f32
      %broadcast_in_dim3A_1891 = vector.broadcast %jit3A_1889 : f32 to vector<16xf32>
      %broadcast_in_dim3A_1892 = vector.broadcast %jit3A_1890 : f32 to vector<16xf32>
      %select_n3A_1893 = arith.select %gt3A_1888, %broadcast_in_dim3A_1891, %broadcast_in_dim3A_1892 : vector<16xi1>, vector<16xf32>
      %add3A_1894 = arith.addf %add3A_1857, %select_n3A_1893 : vector<16xf32>
      %xor3A_1895 = arith.constant 8 : i32
      %xor3A_1896 = vector.broadcast %xor3A_1895 : i32 to vector<16xi32>
      %xor3A_1897 = arith.xori %iota3A, %xor3A_1896 : vector<16xi32>
      %broadcast_in_dim3A_1898 = vector.shape_cast %xor3A_1897 : vector<16xi32> to vector<16x1xi32>
      %gather3A_1899 = vector.shape_cast %broadcast_in_dim3A_1898 : vector<16x1xi32> to vector<16xi32>
      %gather3A_1900 = tpu.dynamic_gather %scan3A_1096#21[%gather3A_1899] in [0] : vector<16xf32>, vector<16xi32> -> vector<16xf32>
      %add3A_1901 = arith.addf %scan3A_1096#21, %gather3A_1900 : vector<16xf32>
      %xor3A_1902 = arith.constant 4 : i32
      %xor3A_1903 = vector.broadcast %xor3A_1902 : i32 to vector<16xi32>
      %xor3A_1904 = arith.xori %iota3A, %xor3A_1903 : vector<16xi32>
      %broadcast_in_dim3A_1905 = vector.shape_cast %xor3A_1904 : vector<16xi32> to vector<16x1xi32>
      %gather3A_1906 = vector.shape_cast %broadcast_in_dim3A_1905 : vector<16x1xi32> to vector<16xi32>
      %gather3A_1907 = tpu.dynamic_gather %add3A_1901[%gather3A_1906] in [0] : vector<16xf32>, vector<16xi32> -> vector<16xf32>
      %add3A_1908 = arith.addf %add3A_1901, %gather3A_1907 : vector<16xf32>
      %xor3A_1909 = arith.constant 2 : i32
      %xor3A_1910 = vector.broadcast %xor3A_1909 : i32 to vector<16xi32>
      %xor3A_1911 = arith.xori %iota3A, %xor3A_1910 : vector<16xi32>
      %broadcast_in_dim3A_1912 = vector.shape_cast %xor3A_1911 : vector<16xi32> to vector<16x1xi32>
      %gather3A_1913 = vector.shape_cast %broadcast_in_dim3A_1912 : vector<16x1xi32> to vector<16xi32>
      %gather3A_1914 = tpu.dynamic_gather %add3A_1908[%gather3A_1913] in [0] : vector<16xf32>, vector<16xi32> -> vector<16xf32>
      %add3A_1915 = arith.addf %add3A_1908, %gather3A_1914 : vector<16xf32>
      %xor3A_1916 = arith.constant 1 : i32
      %xor3A_1917 = vector.broadcast %xor3A_1916 : i32 to vector<16xi32>
      %xor3A_1918 = arith.xori %iota3A, %xor3A_1917 : vector<16xi32>
      %broadcast_in_dim3A_1919 = vector.shape_cast %xor3A_1918 : vector<16xi32> to vector<16x1xi32>
      %gather3A_1920 = vector.shape_cast %broadcast_in_dim3A_1919 : vector<16x1xi32> to vector<16xi32>
      %gather3A_1921 = tpu.dynamic_gather %add3A_1915[%gather3A_1920] in [0] : vector<16xf32>, vector<16xi32> -> vector<16xf32>
      %add3A_1922 = arith.addf %add3A_1915, %gather3A_1921 : vector<16xf32>
      %gt3A_1923 = arith.constant 0.000000e+00 : f32
      %gt3A_1924 = vector.broadcast %gt3A_1923 : f32 to vector<16xf32>
      %gt3A_1925 = arith.cmpf ogt, %add3A_1922, %gt3A_1924 : vector<16xf32>
      %jit3A_1926 = arith.constant 4.000000e+00 : f32
      %jit3A_1927 = arith.constant 0.000000e+00 : f32
      %broadcast_in_dim3A_1928 = vector.broadcast %jit3A_1926 : f32 to vector<16xf32>
      %broadcast_in_dim3A_1929 = vector.broadcast %jit3A_1927 : f32 to vector<16xf32>
      %select_n3A_1930 = arith.select %gt3A_1925, %broadcast_in_dim3A_1928, %broadcast_in_dim3A_1929 : vector<16xi1>, vector<16xf32>
      %add3A_1931 = arith.addf %add3A_1894, %select_n3A_1930 : vector<16xf32>
      %xor3A_1932 = arith.constant 8 : i32
      %xor3A_1933 = vector.broadcast %xor3A_1932 : i32 to vector<16xi32>
      %xor3A_1934 = arith.xori %iota3A, %xor3A_1933 : vector<16xi32>
      %broadcast_in_dim3A_1935 = vector.shape_cast %xor3A_1934 : vector<16xi32> to vector<16x1xi32>
      %gather3A_1936 = vector.shape_cast %broadcast_in_dim3A_1935 : vector<16x1xi32> to vector<16xi32>
      %gather3A_1937 = tpu.dynamic_gather %scan3A_1096#22[%gather3A_1936] in [0] : vector<16xf32>, vector<16xi32> -> vector<16xf32>
      %add3A_1938 = arith.addf %scan3A_1096#22, %gather3A_1937 : vector<16xf32>
      %xor3A_1939 = arith.constant 4 : i32
      %xor3A_1940 = vector.broadcast %xor3A_1939 : i32 to vector<16xi32>
      %xor3A_1941 = arith.xori %iota3A, %xor3A_1940 : vector<16xi32>
      %broadcast_in_dim3A_1942 = vector.shape_cast %xor3A_1941 : vector<16xi32> to vector<16x1xi32>
      %gather3A_1943 = vector.shape_cast %broadcast_in_dim3A_1942 : vector<16x1xi32> to vector<16xi32>
      %gather3A_1944 = tpu.dynamic_gather %add3A_1938[%gather3A_1943] in [0] : vector<16xf32>, vector<16xi32> -> vector<16xf32>
      %add3A_1945 = arith.addf %add3A_1938, %gather3A_1944 : vector<16xf32>
      %xor3A_1946 = arith.constant 2 : i32
      %xor3A_1947 = vector.broadcast %xor3A_1946 : i32 to vector<16xi32>
      %xor3A_1948 = arith.xori %iota3A, %xor3A_1947 : vector<16xi32>
      %broadcast_in_dim3A_1949 = vector.shape_cast %xor3A_1948 : vector<16xi32> to vector<16x1xi32>
      %gather3A_1950 = vector.shape_cast %broadcast_in_dim3A_1949 : vector<16x1xi32> to vector<16xi32>
      %gather3A_1951 = tpu.dynamic_gather %add3A_1945[%gather3A_1950] in [0] : vector<16xf32>, vector<16xi32> -> vector<16xf32>
      %add3A_1952 = arith.addf %add3A_1945, %gather3A_1951 : vector<16xf32>
      %xor3A_1953 = arith.constant 1 : i32
      %xor3A_1954 = vector.broadcast %xor3A_1953 : i32 to vector<16xi32>
      %xor3A_1955 = arith.xori %iota3A, %xor3A_1954 : vector<16xi32>
      %broadcast_in_dim3A_1956 = vector.shape_cast %xor3A_1955 : vector<16xi32> to vector<16x1xi32>
      %gather3A_1957 = vector.shape_cast %broadcast_in_dim3A_1956 : vector<16x1xi32> to vector<16xi32>
      %gather3A_1958 = tpu.dynamic_gather %add3A_1952[%gather3A_1957] in [0] : vector<16xf32>, vector<16xi32> -> vector<16xf32>
      %add3A_1959 = arith.addf %add3A_1952, %gather3A_1958 : vector<16xf32>
      %gt3A_1960 = arith.constant 0.000000e+00 : f32
      %gt3A_1961 = vector.broadcast %gt3A_1960 : f32 to vector<16xf32>
      %gt3A_1962 = arith.cmpf ogt, %add3A_1959, %gt3A_1961 : vector<16xf32>
      %jit3A_1963 = arith.constant 2.000000e+00 : f32
      %jit3A_1964 = arith.constant 0.000000e+00 : f32
      %broadcast_in_dim3A_1965 = vector.broadcast %jit3A_1963 : f32 to vector<16xf32>
      %broadcast_in_dim3A_1966 = vector.broadcast %jit3A_1964 : f32 to vector<16xf32>
      %select_n3A_1967 = arith.select %gt3A_1962, %broadcast_in_dim3A_1965, %broadcast_in_dim3A_1966 : vector<16xi1>, vector<16xf32>
      %add3A_1968 = arith.addf %add3A_1931, %select_n3A_1967 : vector<16xf32>
      %xor3A_1969 = arith.constant 8 : i32
      %xor3A_1970 = vector.broadcast %xor3A_1969 : i32 to vector<16xi32>
      %xor3A_1971 = arith.xori %iota3A, %xor3A_1970 : vector<16xi32>
      %broadcast_in_dim3A_1972 = vector.shape_cast %xor3A_1971 : vector<16xi32> to vector<16x1xi32>
      %gather3A_1973 = vector.shape_cast %broadcast_in_dim3A_1972 : vector<16x1xi32> to vector<16xi32>
      %gather3A_1974 = tpu.dynamic_gather %scan3A_1096#23[%gather3A_1973] in [0] : vector<16xf32>, vector<16xi32> -> vector<16xf32>
      %add3A_1975 = arith.addf %scan3A_1096#23, %gather3A_1974 : vector<16xf32>
      %xor3A_1976 = arith.constant 4 : i32
      %xor3A_1977 = vector.broadcast %xor3A_1976 : i32 to vector<16xi32>
      %xor3A_1978 = arith.xori %iota3A, %xor3A_1977 : vector<16xi32>
      %broadcast_in_dim3A_1979 = vector.shape_cast %xor3A_1978 : vector<16xi32> to vector<16x1xi32>
      %gather3A_1980 = vector.shape_cast %broadcast_in_dim3A_1979 : vector<16x1xi32> to vector<16xi32>
      %gather3A_1981 = tpu.dynamic_gather %add3A_1975[%gather3A_1980] in [0] : vector<16xf32>, vector<16xi32> -> vector<16xf32>
      %add3A_1982 = arith.addf %add3A_1975, %gather3A_1981 : vector<16xf32>
      %xor3A_1983 = arith.constant 2 : i32
      %xor3A_1984 = vector.broadcast %xor3A_1983 : i32 to vector<16xi32>
      %xor3A_1985 = arith.xori %iota3A, %xor3A_1984 : vector<16xi32>
      %broadcast_in_dim3A_1986 = vector.shape_cast %xor3A_1985 : vector<16xi32> to vector<16x1xi32>
      %gather3A_1987 = vector.shape_cast %broadcast_in_dim3A_1986 : vector<16x1xi32> to vector<16xi32>
      %gather3A_1988 = tpu.dynamic_gather %add3A_1982[%gather3A_1987] in [0] : vector<16xf32>, vector<16xi32> -> vector<16xf32>
      %add3A_1989 = arith.addf %add3A_1982, %gather3A_1988 : vector<16xf32>
      %xor3A_1990 = arith.constant 1 : i32
      %xor3A_1991 = vector.broadcast %xor3A_1990 : i32 to vector<16xi32>
      %xor3A_1992 = arith.xori %iota3A, %xor3A_1991 : vector<16xi32>
      %broadcast_in_dim3A_1993 = vector.shape_cast %xor3A_1992 : vector<16xi32> to vector<16x1xi32>
      %gather3A_1994 = vector.shape_cast %broadcast_in_dim3A_1993 : vector<16x1xi32> to vector<16xi32>
      %gather3A_1995 = tpu.dynamic_gather %add3A_1989[%gather3A_1994] in [0] : vector<16xf32>, vector<16xi32> -> vector<16xf32>
      %add3A_1996 = arith.addf %add3A_1989, %gather3A_1995 : vector<16xf32>
      %gt3A_1997 = arith.constant 0.000000e+00 : f32
      %gt3A_1998 = vector.broadcast %gt3A_1997 : f32 to vector<16xf32>
      %gt3A_1999 = arith.cmpf ogt, %add3A_1996, %gt3A_1998 : vector<16xf32>
      %jit3A_2000 = arith.constant 1.000000e+00 : f32
      %jit3A_2001 = arith.constant 0.000000e+00 : f32
      %broadcast_in_dim3A_2002 = vector.broadcast %jit3A_2000 : f32 to vector<16xf32>
      %broadcast_in_dim3A_2003 = vector.broadcast %jit3A_2001 : f32 to vector<16xf32>
      %select_n3A_2004 = arith.select %gt3A_1999, %broadcast_in_dim3A_2002, %broadcast_in_dim3A_2003 : vector<16xi1>, vector<16xf32>
      %add3A_2005 = arith.addf %add3A_1968, %select_n3A_2004 : vector<16xf32>
      %eq3A_2006 = arith.constant 7 : i32
      %eq3A_2007 = vector.broadcast %eq3A_2006 : i32 to vector<16xi32>
      %eq3A_2008 = arith.cmpi eq, %iota3A, %eq3A_2007 : vector<16xi32>
      %select_n3A_2009 = arith.select %eq3A_2008, %add3A_2005, %select_n3A_1781 : vector<16xi1>, vector<16xf32>
      %add3A_2010 = arith.constant 2 : i32
      %add3A_2011 = arith.addi %add3A_65, %add3A_2010 : i32
      %lt3A = arith.constant 4 : i32
      %lt3A_2012 = arith.cmpi slt, %add3A_2011, %lt3A : i32
      %convert_element_type3A = arith.extui %lt3A_2012 : i1 to i32
      %cond3A = arith.constant 0 : i32
      %cond3A_2013 = arith.cmpi ne, %convert_element_type3A, %cond3A : i32
      scf.if %cond3A_2013 {
        %add3A_3980 = arith.constant 2 : i32
        %add3A_3981 = arith.addi %add3A_65, %add3A_3980 : i32
        %mul3A_3982 = arith.constant 8 : i32
        %mul3A_3983 = arith.muli %add3A_3981, %mul3A_3982 : i32
        %add3A_3984 = arith.addi %add3A_4, %mul3A_3983 : i32
        %dma_start3A_3985 = arith.constant 0 : i32
        %dma_start3A_3986 = arith.constant 0 : i32
        %dma_start3A_3987 = arith.constant 0 : i32
        %dma_start3A_3988 = arith.constant 0 : i32
        %dma_start3A_3989 = tpu.memref_slice %arg7[%dma_start3A_3985, %dma_start3A_3987, %dma_start3A_3988] : memref<2x8x4096xf32, #tpu.memory_space<vmem>> -> memref<1x8x4096xf32, #tpu.memory_space<vmem>>
        %dma_start3A_3990 = tpu.memref_squeeze %dma_start3A_3989 : memref<1x8x4096xf32, #tpu.memory_space<vmem>> -> memref<8x4096xf32, #tpu.memory_space<vmem>>
        %dma_start3A_3991 = arith.constant 0 : i32
        %dma_start3A_3992 = tpu.memref_slice %arg2[%add3A_3984, %dma_start3A_3991] : memref<32768x4096xf32, #tpu.memory_space<hbm>> -> memref<8x4096xf32, #tpu.memory_space<hbm>>
        %dma_start3A_3993 = tpu.memref_slice %arg10[%dma_start3A_3986] : memref<2x!tpu.dma_semaphore, #tpu.memory_space<semaphore_mem>> -> memref<1x!tpu.dma_semaphore, #tpu.memory_space<semaphore_mem>>
        %dma_start3A_3994 = tpu.memref_squeeze %dma_start3A_3993 : memref<1x!tpu.dma_semaphore, #tpu.memory_space<semaphore_mem>> -> memref<!tpu.dma_semaphore, #tpu.memory_space<semaphore_mem>>
        %dma_start3A_3995 = arith.constant 0 : i32
        %dma_start3A_3996 = arith.constant 0 : i32
        %dma_start3A_3997 = tpu.memref_slice %arg7[%dma_start3A_3985, %dma_start3A_3995, %dma_start3A_3996] : memref<2x8x4096xf32, #tpu.memory_space<vmem>> -> memref<1x8x4096xf32, #tpu.memory_space<vmem>>
        %dma_start3A_3998 = tpu.memref_squeeze %dma_start3A_3997 : memref<1x8x4096xf32, #tpu.memory_space<vmem>> -> memref<8x4096xf32, #tpu.memory_space<vmem>>
        %dma_start3A_3999 = arith.constant 0 : i32
        %dma_start3A_4000 = tpu.memref_slice %arg2[%add3A_3984, %dma_start3A_3999] : memref<32768x4096xf32, #tpu.memory_space<hbm>> -> memref<8x4096xf32, #tpu.memory_space<hbm>>
        tpu.enqueue_dma source(%dma_start3A_4000 : memref<8x4096xf32, #tpu.memory_space<hbm>>) target(%dma_start3A_3998 : memref<8x4096xf32, #tpu.memory_space<vmem>>) target_semaphore(%dma_start3A_3994 : memref<!tpu.dma_semaphore, #tpu.memory_space<semaphore_mem>>)
      } else {
      }
      %add3A_2014 = arith.constant 1 : i32
      %add3A_2015 = arith.addi %mul3A_61, %add3A_2014 : i32
      %mul3A_2016 = arith.constant 8 : i32
      %mul3A_2017 = arith.muli %add3A_2015, %mul3A_2016 : i32
      %add3A_2018 = arith.addi %add3A_4, %mul3A_2017 : i32
      %dma_wait3A_2019 = arith.constant 1 : i32
      %dma_wait3A_2020 = arith.constant 1 : i32
      %dma_wait3A_2021 = arith.constant 0 : i32
      %dma_wait3A_2022 = arith.constant 0 : i32
      %dma_wait3A_2023 = tpu.memref_slice %arg7[%dma_wait3A_2019, %dma_wait3A_2021, %dma_wait3A_2022] : memref<2x8x4096xf32, #tpu.memory_space<vmem>> -> memref<1x8x4096xf32, #tpu.memory_space<vmem>>
      %dma_wait3A_2024 = tpu.memref_squeeze %dma_wait3A_2023 : memref<1x8x4096xf32, #tpu.memory_space<vmem>> -> memref<8x4096xf32, #tpu.memory_space<vmem>>
      %dma_wait3A_2025 = arith.constant 0 : i32
      %dma_wait3A_2026 = tpu.memref_slice %arg2[%add3A_2018, %dma_wait3A_2025] : memref<32768x4096xf32, #tpu.memory_space<hbm>> -> memref<8x4096xf32, #tpu.memory_space<hbm>>
      %dma_wait3A_2027 = tpu.memref_slice %arg10[%dma_wait3A_2020] : memref<2x!tpu.dma_semaphore, #tpu.memory_space<semaphore_mem>> -> memref<1x!tpu.dma_semaphore, #tpu.memory_space<semaphore_mem>>
      %dma_wait3A_2028 = tpu.memref_squeeze %dma_wait3A_2027 : memref<1x!tpu.dma_semaphore, #tpu.memory_space<semaphore_mem>> -> memref<!tpu.dma_semaphore, #tpu.memory_space<semaphore_mem>>
      %dma_wait3A_2029 = arith.constant 0 : i32
      %dma_wait3A_2030 = arith.constant 0 : i32
      %dma_wait3A_2031 = tpu.memref_slice %arg7[%dma_wait3A_2019, %dma_wait3A_2029, %dma_wait3A_2030] : memref<2x8x4096xf32, #tpu.memory_space<vmem>> -> memref<1x8x4096xf32, #tpu.memory_space<vmem>>
      %dma_wait3A_2032 = tpu.memref_squeeze %dma_wait3A_2031 : memref<1x8x4096xf32, #tpu.memory_space<vmem>> -> memref<8x4096xf32, #tpu.memory_space<vmem>>
      %dma_wait3A_2033 = arith.constant 0 : i32
      %dma_wait3A_2034 = tpu.memref_slice %arg2[%add3A_2018, %dma_wait3A_2033] : memref<32768x4096xf32, #tpu.memory_space<hbm>> -> memref<8x4096xf32, #tpu.memory_space<hbm>>
      tpu.wait_dma2 semaphore(%dma_wait3A_2028 : memref<!tpu.dma_semaphore, #tpu.memory_space<semaphore_mem>>) src(%dma_wait3A_2034 : memref<8x4096xf32, #tpu.memory_space<hbm>>) dst(%dma_wait3A_2032 : memref<8x4096xf32, #tpu.memory_space<vmem>>)
      %broadcast_in_dim3A_2035 = arith.constant 0.000000e+00 : f32
      %broadcast_in_dim3A_2036 = vector.broadcast %broadcast_in_dim3A_2035 : f32 to vector<16xf32>
      %broadcast_in_dim3A_2037 = arith.constant 0.000000e+00 : f32
      %broadcast_in_dim3A_2038 = vector.broadcast %broadcast_in_dim3A_2037 : f32 to vector<16xf32>
      %broadcast_in_dim3A_2039 = arith.constant 0.000000e+00 : f32
      %broadcast_in_dim3A_2040 = vector.broadcast %broadcast_in_dim3A_2039 : f32 to vector<16xf32>
      %broadcast_in_dim3A_2041 = arith.constant 0.000000e+00 : f32
      %broadcast_in_dim3A_2042 = vector.broadcast %broadcast_in_dim3A_2041 : f32 to vector<16xf32>
      %broadcast_in_dim3A_2043 = arith.constant 0.000000e+00 : f32
      %broadcast_in_dim3A_2044 = vector.broadcast %broadcast_in_dim3A_2043 : f32 to vector<16xf32>
      %broadcast_in_dim3A_2045 = arith.constant 0.000000e+00 : f32
      %broadcast_in_dim3A_2046 = vector.broadcast %broadcast_in_dim3A_2045 : f32 to vector<16xf32>
      %broadcast_in_dim3A_2047 = arith.constant 0.000000e+00 : f32
      %broadcast_in_dim3A_2048 = vector.broadcast %broadcast_in_dim3A_2047 : f32 to vector<16xf32>
      %broadcast_in_dim3A_2049 = arith.constant 0.000000e+00 : f32
      %broadcast_in_dim3A_2050 = vector.broadcast %broadcast_in_dim3A_2049 : f32 to vector<16xf32>
      %broadcast_in_dim3A_2051 = arith.constant 0.000000e+00 : f32
      %broadcast_in_dim3A_2052 = vector.broadcast %broadcast_in_dim3A_2051 : f32 to vector<16xf32>
      %broadcast_in_dim3A_2053 = arith.constant 0.000000e+00 : f32
      %broadcast_in_dim3A_2054 = vector.broadcast %broadcast_in_dim3A_2053 : f32 to vector<16xf32>
      %broadcast_in_dim3A_2055 = arith.constant 0.000000e+00 : f32
      %broadcast_in_dim3A_2056 = vector.broadcast %broadcast_in_dim3A_2055 : f32 to vector<16xf32>
      %broadcast_in_dim3A_2057 = arith.constant 0.000000e+00 : f32
      %broadcast_in_dim3A_2058 = vector.broadcast %broadcast_in_dim3A_2057 : f32 to vector<16xf32>
      %broadcast_in_dim3A_2059 = arith.constant 0.000000e+00 : f32
      %broadcast_in_dim3A_2060 = vector.broadcast %broadcast_in_dim3A_2059 : f32 to vector<16xf32>
      %broadcast_in_dim3A_2061 = arith.constant 0.000000e+00 : f32
      %broadcast_in_dim3A_2062 = vector.broadcast %broadcast_in_dim3A_2061 : f32 to vector<16xf32>
      %broadcast_in_dim3A_2063 = arith.constant 0.000000e+00 : f32
      %broadcast_in_dim3A_2064 = vector.broadcast %broadcast_in_dim3A_2063 : f32 to vector<16xf32>
      %broadcast_in_dim3A_2065 = arith.constant 0.000000e+00 : f32
      %broadcast_in_dim3A_2066 = vector.broadcast %broadcast_in_dim3A_2065 : f32 to vector<16xf32>
      %broadcast_in_dim3A_2067 = arith.constant 0.000000e+00 : f32
      %broadcast_in_dim3A_2068 = vector.broadcast %broadcast_in_dim3A_2067 : f32 to vector<16xf32>
      %broadcast_in_dim3A_2069 = arith.constant 0.000000e+00 : f32
      %broadcast_in_dim3A_2070 = vector.broadcast %broadcast_in_dim3A_2069 : f32 to vector<16xf32>
      %broadcast_in_dim3A_2071 = arith.constant 0.000000e+00 : f32
      %broadcast_in_dim3A_2072 = vector.broadcast %broadcast_in_dim3A_2071 : f32 to vector<16xf32>
      %broadcast_in_dim3A_2073 = arith.constant 0.000000e+00 : f32
      %broadcast_in_dim3A_2074 = vector.broadcast %broadcast_in_dim3A_2073 : f32 to vector<16xf32>
      %broadcast_in_dim3A_2075 = arith.constant 0.000000e+00 : f32
      %broadcast_in_dim3A_2076 = vector.broadcast %broadcast_in_dim3A_2075 : f32 to vector<16xf32>
      %broadcast_in_dim3A_2077 = arith.constant 0.000000e+00 : f32
      %broadcast_in_dim3A_2078 = vector.broadcast %broadcast_in_dim3A_2077 : f32 to vector<16xf32>
      %broadcast_in_dim3A_2079 = arith.constant 0.000000e+00 : f32
      %broadcast_in_dim3A_2080 = vector.broadcast %broadcast_in_dim3A_2079 : f32 to vector<16xf32>
      %broadcast_in_dim3A_2081 = arith.constant 0.000000e+00 : f32
      %broadcast_in_dim3A_2082 = vector.broadcast %broadcast_in_dim3A_2081 : f32 to vector<16xf32>
      %scan3A_2083 = arith.constant 0 : i32
      %scan3A_2084 = arith.constant 256 : i32
      %scan3A_2085 = arith.addi %scan3A_2083, %scan3A_2084 : i32
      %scan3A_2086 = arith.constant 1 : i32
      %scan3A_2087:24 = scf.for %scan3A_3980 = %scan3A_2083 to %scan3A_2085 step %scan3A_2086 iter_args(%scan3A_3981 = %broadcast_in_dim3A_2036, %scan3A_3982 = %broadcast_in_dim3A_2038, %scan3A_3983 = %broadcast_in_dim3A_2040, %scan3A_3984 = %broadcast_in_dim3A_2042, %scan3A_3985 = %broadcast_in_dim3A_2044, %scan3A_3986 = %broadcast_in_dim3A_2046, %scan3A_3987 = %broadcast_in_dim3A_2048, %scan3A_3988 = %broadcast_in_dim3A_2050, %scan3A_3989 = %broadcast_in_dim3A_2052, %scan3A_3990 = %broadcast_in_dim3A_2054, %scan3A_3991 = %broadcast_in_dim3A_2056, %scan3A_3992 = %broadcast_in_dim3A_2058, %scan3A_3993 = %broadcast_in_dim3A_2060, %scan3A_3994 = %broadcast_in_dim3A_2062, %scan3A_3995 = %broadcast_in_dim3A_2064, %scan3A_3996 = %broadcast_in_dim3A_2066, %scan3A_3997 = %broadcast_in_dim3A_2068, %scan3A_3998 = %broadcast_in_dim3A_2070, %scan3A_3999 = %broadcast_in_dim3A_2072, %scan3A_4000 = %broadcast_in_dim3A_2074, %scan3A_4001 = %broadcast_in_dim3A_2076, %scan3A_4002 = %broadcast_in_dim3A_2078, %scan3A_4003 = %broadcast_in_dim3A_2080, %scan3A_4004 = %broadcast_in_dim3A_2082) -> (vector<16xf32>, vector<16xf32>, vector<16xf32>, vector<16xf32>, vector<16xf32>, vector<16xf32>, vector<16xf32>, vector<16xf32>, vector<16xf32>, vector<16xf32>, vector<16xf32>, vector<16xf32>, vector<16xf32>, vector<16xf32>, vector<16xf32>, vector<16xf32>, vector<16xf32>, vector<16xf32>, vector<16xf32>, vector<16xf32>, vector<16xf32>, vector<16xf32>, vector<16xf32>, vector<16xf32>)  : i32 {
        %mul3A_4005 = arith.constant 16 : i32
        %mul3A_4006 = arith.muli %scan3A_3980, %mul3A_4005 : i32
        %get3A = arith.constant 0 : i32
        %get3A_4007 = arith.index_cast %get3A : i32 to index
        %get3A_4008 = arith.index_cast %mul3A_4006 : i32 to index
        %get3A_4009 = tpu.vector_load %arg6[%get3A_4007, %get3A_4008] {strides = array<i32>} : memref<6x4096xf32, #tpu.memory_space<vmem>>, vector<1x16xf32>,
        %get3A_4010 = vector.shape_cast %get3A_4009 : vector<1x16xf32> to vector<16xf32>
        %get3A_4011 = arith.constant 1 : i32
        %get3A_4012 = arith.index_cast %get3A_4011 : i32 to index
        %get3A_4013 = arith.index_cast %mul3A_4006 : i32 to index
        %get3A_4014 = tpu.vector_load %arg6[%get3A_4012, %get3A_4013] {strides = array<i32>} : memref<6x4096xf32, #tpu.memory_space<vmem>>, vector<1x16xf32>,
        %get3A_4015 = vector.shape_cast %get3A_4014 : vector<1x16xf32> to vector<16xf32>
        %get3A_4016 = arith.constant 2 : i32
        %get3A_4017 = arith.index_cast %get3A_4016 : i32 to index
        %get3A_4018 = arith.index_cast %mul3A_4006 : i32 to index
        %get3A_4019 = tpu.vector_load %arg6[%get3A_4017, %get3A_4018] {strides = array<i32>} : memref<6x4096xf32, #tpu.memory_space<vmem>>, vector<1x16xf32>,
        %get3A_4020 = vector.shape_cast %get3A_4019 : vector<1x16xf32> to vector<16xf32>
        %get3A_4021 = arith.constant 3 : i32
        %get3A_4022 = arith.index_cast %get3A_4021 : i32 to index
        %get3A_4023 = arith.index_cast %mul3A_4006 : i32 to index
        %get3A_4024 = tpu.vector_load %arg6[%get3A_4022, %get3A_4023] {strides = array<i32>} : memref<6x4096xf32, #tpu.memory_space<vmem>>, vector<1x16xf32>,
        %get3A_4025 = vector.shape_cast %get3A_4024 : vector<1x16xf32> to vector<16xf32>
        %get3A_4026 = arith.constant 4 : i32
        %get3A_4027 = arith.index_cast %get3A_4026 : i32 to index
        %get3A_4028 = arith.index_cast %mul3A_4006 : i32 to index
        %get3A_4029 = tpu.vector_load %arg6[%get3A_4027, %get3A_4028] {strides = array<i32>} : memref<6x4096xf32, #tpu.memory_space<vmem>>, vector<1x16xf32>,
        %get3A_4030 = vector.shape_cast %get3A_4029 : vector<1x16xf32> to vector<16xf32>
        %get3A_4031 = arith.constant 5 : i32
        %get3A_4032 = arith.index_cast %get3A_4031 : i32 to index
        %get3A_4033 = arith.index_cast %mul3A_4006 : i32 to index
        %get3A_4034 = tpu.vector_load %arg6[%get3A_4032, %get3A_4033] {strides = array<i32>} : memref<6x4096xf32, #tpu.memory_space<vmem>>, vector<1x16xf32>,
        %get3A_4035 = vector.shape_cast %get3A_4034 : vector<1x16xf32> to vector<16xf32>
        %get3A_4036 = arith.constant 1 : i32
        %get3A_4037 = arith.constant 0 : i32
        %get3A_4038 = arith.index_cast %get3A_4036 : i32 to index
        %get3A_4039 = arith.index_cast %get3A_4037 : i32 to index
        %get3A_4040 = arith.index_cast %mul3A_4006 : i32 to index
        %get3A_4041 = tpu.vector_load %arg7[%get3A_4038, %get3A_4039, %get3A_4040] {strides = array<i32>} : memref<2x8x4096xf32, #tpu.memory_space<vmem>>, vector<1x1x16xf32>,
        %get3A_4042 = vector.shape_cast %get3A_4041 : vector<1x1x16xf32> to vector<16xf32>
        %bitcast_convert_type3A = tpu.bitcast %get3A_4042 : vector<16xf32> -> vector<16xi32>
        %shift_right_logical3A = arith.constant 16 : i32
        %shift_right_logical3A_4043 = vector.broadcast %shift_right_logical3A : i32 to vector<16xi32>
        %shift_right_logical3A_4044 = arith.shrui %bitcast_convert_type3A, %shift_right_logical3A_4043 : vector<16xi32>
        %and3A = arith.constant 1 : i32
        %and3A_4045 = vector.broadcast %and3A : i32 to vector<16xi32>
        %and3A_4046 = arith.andi %shift_right_logical3A_4044, %and3A_4045 : vector<16xi32>
        %add3A_4047 = arith.constant 32767 : i32
        %add3A_4048 = vector.broadcast %add3A_4047 : i32 to vector<16xi32>
        %add3A_4049 = arith.addi %bitcast_convert_type3A, %add3A_4048 : vector<16xi32>
        %add3A_4050 = arith.addi %add3A_4049, %and3A_4046 : vector<16xi32>
        %and3A_4051 = arith.constant -65536 : i32
        %and3A_4052 = vector.broadcast %and3A_4051 : i32 to vector<16xi32>
        %and3A_4053 = arith.andi %add3A_4050, %and3A_4052 : vector<16xi32>
        %bitcast_convert_type3A_4054 = tpu.bitcast %and3A_4053 : vector<16xi32> -> vector<16xf32>
        %mul3A_4055 = arith.mulf %bitcast_convert_type3A_4054, %get3A_4010 : vector<16xf32>
        %add3A_4056 = arith.addf %scan3A_3981, %mul3A_4055 : vector<16xf32>
        %mul3A_4057 = arith.mulf %bitcast_convert_type3A_4054, %get3A_4015 : vector<16xf32>
        %add3A_4058 = arith.addf %scan3A_3982, %mul3A_4057 : vector<16xf32>
        %mul3A_4059 = arith.mulf %bitcast_convert_type3A_4054, %get3A_4020 : vector<16xf32>
        %add3A_4060 = arith.addf %scan3A_3983, %mul3A_4059 : vector<16xf32>
        %mul3A_4061 = arith.mulf %bitcast_convert_type3A_4054, %get3A_4025 : vector<16xf32>
        %add3A_4062 = arith.addf %scan3A_3984, %mul3A_4061 : vector<16xf32>
        %mul3A_4063 = arith.mulf %bitcast_convert_type3A_4054, %get3A_4030 : vector<16xf32>
        %add3A_4064 = arith.addf %scan3A_3985, %mul3A_4063 : vector<16xf32>
        %mul3A_4065 = arith.mulf %bitcast_convert_type3A_4054, %get3A_4035 : vector<16xf32>
        %add3A_4066 = arith.addf %scan3A_3986, %mul3A_4065 : vector<16xf32>
        %get3A_4067 = arith.constant 1 : i32
        %get3A_4068 = arith.constant 1 : i32
        %get3A_4069 = arith.index_cast %get3A_4067 : i32 to index
        %get3A_4070 = arith.index_cast %get3A_4068 : i32 to index
        %get3A_4071 = arith.index_cast %mul3A_4006 : i32 to index
        %get3A_4072 = tpu.vector_load %arg7[%get3A_4069, %get3A_4070, %get3A_4071] {strides = array<i32>} : memref<2x8x4096xf32, #tpu.memory_space<vmem>>, vector<1x1x16xf32>,
        %get3A_4073 = vector.shape_cast %get3A_4072 : vector<1x1x16xf32> to vector<16xf32>
        %bitcast_convert_type3A_4074 = tpu.bitcast %get3A_4073 : vector<16xf32> -> vector<16xi32>
        %shift_right_logical3A_4075 = arith.constant 16 : i32
        %shift_right_logical3A_4076 = vector.broadcast %shift_right_logical3A_4075 : i32 to vector<16xi32>
        %shift_right_logical3A_4077 = arith.shrui %bitcast_convert_type3A_4074, %shift_right_logical3A_4076 : vector<16xi32>
        %and3A_4078 = arith.constant 1 : i32
        %and3A_4079 = vector.broadcast %and3A_4078 : i32 to vector<16xi32>
        %and3A_4080 = arith.andi %shift_right_logical3A_4077, %and3A_4079 : vector<16xi32>
        %add3A_4081 = arith.constant 32767 : i32
        %add3A_4082 = vector.broadcast %add3A_4081 : i32 to vector<16xi32>
        %add3A_4083 = arith.addi %bitcast_convert_type3A_4074, %add3A_4082 : vector<16xi32>
        %add3A_4084 = arith.addi %add3A_4083, %and3A_4080 : vector<16xi32>
        %and3A_4085 = arith.constant -65536 : i32
        %and3A_4086 = vector.broadcast %and3A_4085 : i32 to vector<16xi32>
        %and3A_4087 = arith.andi %add3A_4084, %and3A_4086 : vector<16xi32>
        %bitcast_convert_type3A_4088 = tpu.bitcast %and3A_4087 : vector<16xi32> -> vector<16xf32>
        %mul3A_4089 = arith.mulf %bitcast_convert_type3A_4088, %get3A_4010 : vector<16xf32>
        %add3A_4090 = arith.addf %scan3A_3987, %mul3A_4089 : vector<16xf32>
        %mul3A_4091 = arith.mulf %bitcast_convert_type3A_4088, %get3A_4015 : vector<16xf32>
        %add3A_4092 = arith.addf %scan3A_3988, %mul3A_4091 : vector<16xf32>
        %mul3A_4093 = arith.mulf %bitcast_convert_type3A_4088, %get3A_4020 : vector<16xf32>
        %add3A_4094 = arith.addf %scan3A_3989, %mul3A_4093 : vector<16xf32>
        %mul3A_4095 = arith.mulf %bitcast_convert_type3A_4088, %get3A_4025 : vector<16xf32>
        %add3A_4096 = arith.addf %scan3A_3990, %mul3A_4095 : vector<16xf32>
        %mul3A_4097 = arith.mulf %bitcast_convert_type3A_4088, %get3A_4030 : vector<16xf32>
        %add3A_4098 = arith.addf %scan3A_3991, %mul3A_4097 : vector<16xf32>
        %mul3A_4099 = arith.mulf %bitcast_convert_type3A_4088, %get3A_4035 : vector<16xf32>
        %add3A_4100 = arith.addf %scan3A_3992, %mul3A_4099 : vector<16xf32>
        %get3A_4101 = arith.constant 1 : i32
        %get3A_4102 = arith.constant 2 : i32
        %get3A_4103 = arith.index_cast %get3A_4101 : i32 to index
        %get3A_4104 = arith.index_cast %get3A_4102 : i32 to index
        %get3A_4105 = arith.index_cast %mul3A_4006 : i32 to index
        %get3A_4106 = tpu.vector_load %arg7[%get3A_4103, %get3A_4104, %get3A_4105] {strides = array<i32>} : memref<2x8x4096xf32, #tpu.memory_space<vmem>>, vector<1x1x16xf32>,
        %get3A_4107 = vector.shape_cast %get3A_4106 : vector<1x1x16xf32> to vector<16xf32>
        %bitcast_convert_type3A_4108 = tpu.bitcast %get3A_4107 : vector<16xf32> -> vector<16xi32>
        %shift_right_logical3A_4109 = arith.constant 16 : i32
        %shift_right_logical3A_4110 = vector.broadcast %shift_right_logical3A_4109 : i32 to vector<16xi32>
        %shift_right_logical3A_4111 = arith.shrui %bitcast_convert_type3A_4108, %shift_right_logical3A_4110 : vector<16xi32>
        %and3A_4112 = arith.constant 1 : i32
        %and3A_4113 = vector.broadcast %and3A_4112 : i32 to vector<16xi32>
        %and3A_4114 = arith.andi %shift_right_logical3A_4111, %and3A_4113 : vector<16xi32>
        %add3A_4115 = arith.constant 32767 : i32
        %add3A_4116 = vector.broadcast %add3A_4115 : i32 to vector<16xi32>
        %add3A_4117 = arith.addi %bitcast_convert_type3A_4108, %add3A_4116 : vector<16xi32>
        %add3A_4118 = arith.addi %add3A_4117, %and3A_4114 : vector<16xi32>
        %and3A_4119 = arith.constant -65536 : i32
        %and3A_4120 = vector.broadcast %and3A_4119 : i32 to vector<16xi32>
        %and3A_4121 = arith.andi %add3A_4118, %and3A_4120 : vector<16xi32>
        %bitcast_convert_type3A_4122 = tpu.bitcast %and3A_4121 : vector<16xi32> -> vector<16xf32>
        %mul3A_4123 = arith.mulf %bitcast_convert_type3A_4122, %get3A_4010 : vector<16xf32>
        %add3A_4124 = arith.addf %scan3A_3993, %mul3A_4123 : vector<16xf32>
        %mul3A_4125 = arith.mulf %bitcast_convert_type3A_4122, %get3A_4015 : vector<16xf32>
        %add3A_4126 = arith.addf %scan3A_3994, %mul3A_4125 : vector<16xf32>
        %mul3A_4127 = arith.mulf %bitcast_convert_type3A_4122, %get3A_4020 : vector<16xf32>
        %add3A_4128 = arith.addf %scan3A_3995, %mul3A_4127 : vector<16xf32>
        %mul3A_4129 = arith.mulf %bitcast_convert_type3A_4122, %get3A_4025 : vector<16xf32>
        %add3A_4130 = arith.addf %scan3A_3996, %mul3A_4129 : vector<16xf32>
        %mul3A_4131 = arith.mulf %bitcast_convert_type3A_4122, %get3A_4030 : vector<16xf32>
        %add3A_4132 = arith.addf %scan3A_3997, %mul3A_4131 : vector<16xf32>
        %mul3A_4133 = arith.mulf %bitcast_convert_type3A_4122, %get3A_4035 : vector<16xf32>
        %add3A_4134 = arith.addf %scan3A_3998, %mul3A_4133 : vector<16xf32>
        %get3A_4135 = arith.constant 1 : i32
        %get3A_4136 = arith.constant 3 : i32
        %get3A_4137 = arith.index_cast %get3A_4135 : i32 to index
        %get3A_4138 = arith.index_cast %get3A_4136 : i32 to index
        %get3A_4139 = arith.index_cast %mul3A_4006 : i32 to index
        %get3A_4140 = tpu.vector_load %arg7[%get3A_4137, %get3A_4138, %get3A_4139] {strides = array<i32>} : memref<2x8x4096xf32, #tpu.memory_space<vmem>>, vector<1x1x16xf32>,
        %get3A_4141 = vector.shape_cast %get3A_4140 : vector<1x1x16xf32> to vector<16xf32>
        %bitcast_convert_type3A_4142 = tpu.bitcast %get3A_4141 : vector<16xf32> -> vector<16xi32>
        %shift_right_logical3A_4143 = arith.constant 16 : i32
        %shift_right_logical3A_4144 = vector.broadcast %shift_right_logical3A_4143 : i32 to vector<16xi32>
        %shift_right_logical3A_4145 = arith.shrui %bitcast_convert_type3A_4142, %shift_right_logical3A_4144 : vector<16xi32>
        %and3A_4146 = arith.constant 1 : i32
        %and3A_4147 = vector.broadcast %and3A_4146 : i32 to vector<16xi32>
        %and3A_4148 = arith.andi %shift_right_logical3A_4145, %and3A_4147 : vector<16xi32>
        %add3A_4149 = arith.constant 32767 : i32
        %add3A_4150 = vector.broadcast %add3A_4149 : i32 to vector<16xi32>
        %add3A_4151 = arith.addi %bitcast_convert_type3A_4142, %add3A_4150 : vector<16xi32>
        %add3A_4152 = arith.addi %add3A_4151, %and3A_4148 : vector<16xi32>
        %and3A_4153 = arith.constant -65536 : i32
        %and3A_4154 = vector.broadcast %and3A_4153 : i32 to vector<16xi32>
        %and3A_4155 = arith.andi %add3A_4152, %and3A_4154 : vector<16xi32>
        %bitcast_convert_type3A_4156 = tpu.bitcast %and3A_4155 : vector<16xi32> -> vector<16xf32>
        %mul3A_4157 = arith.mulf %bitcast_convert_type3A_4156, %get3A_4010 : vector<16xf32>
        %add3A_4158 = arith.addf %scan3A_3999, %mul3A_4157 : vector<16xf32>
        %mul3A_4159 = arith.mulf %bitcast_convert_type3A_4156, %get3A_4015 : vector<16xf32>
        %add3A_4160 = arith.addf %scan3A_4000, %mul3A_4159 : vector<16xf32>
        %mul3A_4161 = arith.mulf %bitcast_convert_type3A_4156, %get3A_4020 : vector<16xf32>
        %add3A_4162 = arith.addf %scan3A_4001, %mul3A_4161 : vector<16xf32>
        %mul3A_4163 = arith.mulf %bitcast_convert_type3A_4156, %get3A_4025 : vector<16xf32>
        %add3A_4164 = arith.addf %scan3A_4002, %mul3A_4163 : vector<16xf32>
        %mul3A_4165 = arith.mulf %bitcast_convert_type3A_4156, %get3A_4030 : vector<16xf32>
        %add3A_4166 = arith.addf %scan3A_4003, %mul3A_4165 : vector<16xf32>
        %mul3A_4167 = arith.mulf %bitcast_convert_type3A_4156, %get3A_4035 : vector<16xf32>
        %add3A_4168 = arith.addf %scan3A_4004, %mul3A_4167 : vector<16xf32>
        scf.yield %add3A_4056, %add3A_4058, %add3A_4060, %add3A_4062, %add3A_4064, %add3A_4066, %add3A_4090, %add3A_4092, %add3A_4094, %add3A_4096, %add3A_4098, %add3A_4100, %add3A_4124, %add3A_4126, %add3A_4128, %add3A_4130, %add3A_4132, %add3A_4134, %add3A_4158, %add3A_4160, %add3A_4162, %add3A_4164, %add3A_4166, %add3A_4168 : vector<16xf32>, vector<16xf32>, vector<16xf32>, vector<16xf32>, vector<16xf32>, vector<16xf32>, vector<16xf32>, vector<16xf32>, vector<16xf32>, vector<16xf32>, vector<16xf32>, vector<16xf32>, vector<16xf32>, vector<16xf32>, vector<16xf32>, vector<16xf32>, vector<16xf32>, vector<16xf32>, vector<16xf32>, vector<16xf32>, vector<16xf32>, vector<16xf32>, vector<16xf32>, vector<16xf32>
      }
      %scan3A_2088 = arith.constant 256 : i32
      %broadcast_in_dim3A_2089 = arith.constant 0.000000e+00 : f32
      %broadcast_in_dim3A_2090 = vector.broadcast %broadcast_in_dim3A_2089 : f32 to vector<16xf32>
      %xor3A_2091 = arith.constant 8 : i32
      %xor3A_2092 = vector.broadcast %xor3A_2091 : i32 to vector<16xi32>
      %xor3A_2093 = arith.xori %iota3A, %xor3A_2092 : vector<16xi32>
      %broadcast_in_dim3A_2094 = vector.shape_cast %xor3A_2093 : vector<16xi32> to vector<16x1xi32>
      %gather3A_2095 = vector.shape_cast %broadcast_in_dim3A_2094 : vector<16x1xi32> to vector<16xi32>
      %gather3A_2096 = tpu.dynamic_gather %scan3A_2087#0[%gather3A_2095] in [0] : vector<16xf32>, vector<16xi32> -> vector<16xf32>
      %add3A_2097 = arith.addf %scan3A_2087#0, %gather3A_2096 : vector<16xf32>
      %xor3A_2098 = arith.constant 4 : i32
      %xor3A_2099 = vector.broadcast %xor3A_2098 : i32 to vector<16xi32>
      %xor3A_2100 = arith.xori %iota3A, %xor3A_2099 : vector<16xi32>
      %broadcast_in_dim3A_2101 = vector.shape_cast %xor3A_2100 : vector<16xi32> to vector<16x1xi32>
      %gather3A_2102 = vector.shape_cast %broadcast_in_dim3A_2101 : vector<16x1xi32> to vector<16xi32>
      %gather3A_2103 = tpu.dynamic_gather %add3A_2097[%gather3A_2102] in [0] : vector<16xf32>, vector<16xi32> -> vector<16xf32>
      %add3A_2104 = arith.addf %add3A_2097, %gather3A_2103 : vector<16xf32>
      %xor3A_2105 = arith.constant 2 : i32
      %xor3A_2106 = vector.broadcast %xor3A_2105 : i32 to vector<16xi32>
      %xor3A_2107 = arith.xori %iota3A, %xor3A_2106 : vector<16xi32>
      %broadcast_in_dim3A_2108 = vector.shape_cast %xor3A_2107 : vector<16xi32> to vector<16x1xi32>
      %gather3A_2109 = vector.shape_cast %broadcast_in_dim3A_2108 : vector<16x1xi32> to vector<16xi32>
      %gather3A_2110 = tpu.dynamic_gather %add3A_2104[%gather3A_2109] in [0] : vector<16xf32>, vector<16xi32> -> vector<16xf32>
      %add3A_2111 = arith.addf %add3A_2104, %gather3A_2110 : vector<16xf32>
      %xor3A_2112 = arith.constant 1 : i32
      %xor3A_2113 = vector.broadcast %xor3A_2112 : i32 to vector<16xi32>
      %xor3A_2114 = arith.xori %iota3A, %xor3A_2113 : vector<16xi32>
      %broadcast_in_dim3A_2115 = vector.shape_cast %xor3A_2114 : vector<16xi32> to vector<16x1xi32>
      %gather3A_2116 = vector.shape_cast %broadcast_in_dim3A_2115 : vector<16x1xi32> to vector<16xi32>
      %gather3A_2117 = tpu.dynamic_gather %add3A_2111[%gather3A_2116] in [0] : vector<16xf32>, vector<16xi32> -> vector<16xf32>
      %add3A_2118 = arith.addf %add3A_2111, %gather3A_2117 : vector<16xf32>
      %gt3A_2119 = arith.constant 0.000000e+00 : f32
      %gt3A_2120 = vector.broadcast %gt3A_2119 : f32 to vector<16xf32>
      %gt3A_2121 = arith.cmpf ogt, %add3A_2118, %gt3A_2120 : vector<16xf32>
      %jit3A_2122 = arith.constant 3.200000e+01 : f32
      %jit3A_2123 = arith.constant 0.000000e+00 : f32
      %broadcast_in_dim3A_2124 = vector.broadcast %jit3A_2122 : f32 to vector<16xf32>
      %broadcast_in_dim3A_2125 = vector.broadcast %jit3A_2123 : f32 to vector<16xf32>
      %select_n3A_2126 = arith.select %gt3A_2121, %broadcast_in_dim3A_2124, %broadcast_in_dim3A_2125 : vector<16xi1>, vector<16xf32>
      %add3A_2127 = arith.addf %broadcast_in_dim3A_2090, %select_n3A_2126 : vector<16xf32>
      %xor3A_2128 = arith.constant 8 : i32
      %xor3A_2129 = vector.broadcast %xor3A_2128 : i32 to vector<16xi32>
      %xor3A_2130 = arith.xori %iota3A, %xor3A_2129 : vector<16xi32>
      %broadcast_in_dim3A_2131 = vector.shape_cast %xor3A_2130 : vector<16xi32> to vector<16x1xi32>
      %gather3A_2132 = vector.shape_cast %broadcast_in_dim3A_2131 : vector<16x1xi32> to vector<16xi32>
      %gather3A_2133 = tpu.dynamic_gather %scan3A_2087#1[%gather3A_2132] in [0] : vector<16xf32>, vector<16xi32> -> vector<16xf32>
      %add3A_2134 = arith.addf %scan3A_2087#1, %gather3A_2133 : vector<16xf32>
      %xor3A_2135 = arith.constant 4 : i32
      %xor3A_2136 = vector.broadcast %xor3A_2135 : i32 to vector<16xi32>
      %xor3A_2137 = arith.xori %iota3A, %xor3A_2136 : vector<16xi32>
      %broadcast_in_dim3A_2138 = vector.shape_cast %xor3A_2137 : vector<16xi32> to vector<16x1xi32>
      %gather3A_2139 = vector.shape_cast %broadcast_in_dim3A_2138 : vector<16x1xi32> to vector<16xi32>
      %gather3A_2140 = tpu.dynamic_gather %add3A_2134[%gather3A_2139] in [0] : vector<16xf32>, vector<16xi32> -> vector<16xf32>
      %add3A_2141 = arith.addf %add3A_2134, %gather3A_2140 : vector<16xf32>
      %xor3A_2142 = arith.constant 2 : i32
      %xor3A_2143 = vector.broadcast %xor3A_2142 : i32 to vector<16xi32>
      %xor3A_2144 = arith.xori %iota3A, %xor3A_2143 : vector<16xi32>
      %broadcast_in_dim3A_2145 = vector.shape_cast %xor3A_2144 : vector<16xi32> to vector<16x1xi32>
      %gather3A_2146 = vector.shape_cast %broadcast_in_dim3A_2145 : vector<16x1xi32> to vector<16xi32>
      %gather3A_2147 = tpu.dynamic_gather %add3A_2141[%gather3A_2146] in [0] : vector<16xf32>, vector<16xi32> -> vector<16xf32>
      %add3A_2148 = arith.addf %add3A_2141, %gather3A_2147 : vector<16xf32>
      %xor3A_2149 = arith.constant 1 : i32
      %xor3A_2150 = vector.broadcast %xor3A_2149 : i32 to vector<16xi32>
      %xor3A_2151 = arith.xori %iota3A, %xor3A_2150 : vector<16xi32>
      %broadcast_in_dim3A_2152 = vector.shape_cast %xor3A_2151 : vector<16xi32> to vector<16x1xi32>
      %gather3A_2153 = vector.shape_cast %broadcast_in_dim3A_2152 : vector<16x1xi32> to vector<16xi32>
      %gather3A_2154 = tpu.dynamic_gather %add3A_2148[%gather3A_2153] in [0] : vector<16xf32>, vector<16xi32> -> vector<16xf32>
      %add3A_2155 = arith.addf %add3A_2148, %gather3A_2154 : vector<16xf32>
      %gt3A_2156 = arith.constant 0.000000e+00 : f32
      %gt3A_2157 = vector.broadcast %gt3A_2156 : f32 to vector<16xf32>
      %gt3A_2158 = arith.cmpf ogt, %add3A_2155, %gt3A_2157 : vector<16xf32>
      %jit3A_2159 = arith.constant 1.600000e+01 : f32
      %jit3A_2160 = arith.constant 0.000000e+00 : f32
      %broadcast_in_dim3A_2161 = vector.broadcast %jit3A_2159 : f32 to vector<16xf32>
      %broadcast_in_dim3A_2162 = vector.broadcast %jit3A_2160 : f32 to vector<16xf32>
      %select_n3A_2163 = arith.select %gt3A_2158, %broadcast_in_dim3A_2161, %broadcast_in_dim3A_2162 : vector<16xi1>, vector<16xf32>
      %add3A_2164 = arith.addf %add3A_2127, %select_n3A_2163 : vector<16xf32>
      %xor3A_2165 = arith.constant 8 : i32
      %xor3A_2166 = vector.broadcast %xor3A_2165 : i32 to vector<16xi32>
      %xor3A_2167 = arith.xori %iota3A, %xor3A_2166 : vector<16xi32>
      %broadcast_in_dim3A_2168 = vector.shape_cast %xor3A_2167 : vector<16xi32> to vector<16x1xi32>
      %gather3A_2169 = vector.shape_cast %broadcast_in_dim3A_2168 : vector<16x1xi32> to vector<16xi32>
      %gather3A_2170 = tpu.dynamic_gather %scan3A_2087#2[%gather3A_2169] in [0] : vector<16xf32>, vector<16xi32> -> vector<16xf32>
      %add3A_2171 = arith.addf %scan3A_2087#2, %gather3A_2170 : vector<16xf32>
      %xor3A_2172 = arith.constant 4 : i32
      %xor3A_2173 = vector.broadcast %xor3A_2172 : i32 to vector<16xi32>
      %xor3A_2174 = arith.xori %iota3A, %xor3A_2173 : vector<16xi32>
      %broadcast_in_dim3A_2175 = vector.shape_cast %xor3A_2174 : vector<16xi32> to vector<16x1xi32>
      %gather3A_2176 = vector.shape_cast %broadcast_in_dim3A_2175 : vector<16x1xi32> to vector<16xi32>
      %gather3A_2177 = tpu.dynamic_gather %add3A_2171[%gather3A_2176] in [0] : vector<16xf32>, vector<16xi32> -> vector<16xf32>
      %add3A_2178 = arith.addf %add3A_2171, %gather3A_2177 : vector<16xf32>
      %xor3A_2179 = arith.constant 2 : i32
      %xor3A_2180 = vector.broadcast %xor3A_2179 : i32 to vector<16xi32>
      %xor3A_2181 = arith.xori %iota3A, %xor3A_2180 : vector<16xi32>
      %broadcast_in_dim3A_2182 = vector.shape_cast %xor3A_2181 : vector<16xi32> to vector<16x1xi32>
      %gather3A_2183 = vector.shape_cast %broadcast_in_dim3A_2182 : vector<16x1xi32> to vector<16xi32>
      %gather3A_2184 = tpu.dynamic_gather %add3A_2178[%gather3A_2183] in [0] : vector<16xf32>, vector<16xi32> -> vector<16xf32>
      %add3A_2185 = arith.addf %add3A_2178, %gather3A_2184 : vector<16xf32>
      %xor3A_2186 = arith.constant 1 : i32
      %xor3A_2187 = vector.broadcast %xor3A_2186 : i32 to vector<16xi32>
      %xor3A_2188 = arith.xori %iota3A, %xor3A_2187 : vector<16xi32>
      %broadcast_in_dim3A_2189 = vector.shape_cast %xor3A_2188 : vector<16xi32> to vector<16x1xi32>
      %gather3A_2190 = vector.shape_cast %broadcast_in_dim3A_2189 : vector<16x1xi32> to vector<16xi32>
      %gather3A_2191 = tpu.dynamic_gather %add3A_2185[%gather3A_2190] in [0] : vector<16xf32>, vector<16xi32> -> vector<16xf32>
      %add3A_2192 = arith.addf %add3A_2185, %gather3A_2191 : vector<16xf32>
      %gt3A_2193 = arith.constant 0.000000e+00 : f32
      %gt3A_2194 = vector.broadcast %gt3A_2193 : f32 to vector<16xf32>
      %gt3A_2195 = arith.cmpf ogt, %add3A_2192, %gt3A_2194 : vector<16xf32>
      %jit3A_2196 = arith.constant 8.000000e+00 : f32
      %jit3A_2197 = arith.constant 0.000000e+00 : f32
      %broadcast_in_dim3A_2198 = vector.broadcast %jit3A_2196 : f32 to vector<16xf32>
      %broadcast_in_dim3A_2199 = vector.broadcast %jit3A_2197 : f32 to vector<16xf32>
      %select_n3A_2200 = arith.select %gt3A_2195, %broadcast_in_dim3A_2198, %broadcast_in_dim3A_2199 : vector<16xi1>, vector<16xf32>
      %add3A_2201 = arith.addf %add3A_2164, %select_n3A_2200 : vector<16xf32>
      %xor3A_2202 = arith.constant 8 : i32
      %xor3A_2203 = vector.broadcast %xor3A_2202 : i32 to vector<16xi32>
      %xor3A_2204 = arith.xori %iota3A, %xor3A_2203 : vector<16xi32>
      %broadcast_in_dim3A_2205 = vector.shape_cast %xor3A_2204 : vector<16xi32> to vector<16x1xi32>
      %gather3A_2206 = vector.shape_cast %broadcast_in_dim3A_2205 : vector<16x1xi32> to vector<16xi32>
      %gather3A_2207 = tpu.dynamic_gather %scan3A_2087#3[%gather3A_2206] in [0] : vector<16xf32>, vector<16xi32> -> vector<16xf32>
      %add3A_2208 = arith.addf %scan3A_2087#3, %gather3A_2207 : vector<16xf32>
      %xor3A_2209 = arith.constant 4 : i32
      %xor3A_2210 = vector.broadcast %xor3A_2209 : i32 to vector<16xi32>
      %xor3A_2211 = arith.xori %iota3A, %xor3A_2210 : vector<16xi32>
      %broadcast_in_dim3A_2212 = vector.shape_cast %xor3A_2211 : vector<16xi32> to vector<16x1xi32>
      %gather3A_2213 = vector.shape_cast %broadcast_in_dim3A_2212 : vector<16x1xi32> to vector<16xi32>
      %gather3A_2214 = tpu.dynamic_gather %add3A_2208[%gather3A_2213] in [0] : vector<16xf32>, vector<16xi32> -> vector<16xf32>
      %add3A_2215 = arith.addf %add3A_2208, %gather3A_2214 : vector<16xf32>
      %xor3A_2216 = arith.constant 2 : i32
      %xor3A_2217 = vector.broadcast %xor3A_2216 : i32 to vector<16xi32>
      %xor3A_2218 = arith.xori %iota3A, %xor3A_2217 : vector<16xi32>
      %broadcast_in_dim3A_2219 = vector.shape_cast %xor3A_2218 : vector<16xi32> to vector<16x1xi32>
      %gather3A_2220 = vector.shape_cast %broadcast_in_dim3A_2219 : vector<16x1xi32> to vector<16xi32>
      %gather3A_2221 = tpu.dynamic_gather %add3A_2215[%gather3A_2220] in [0] : vector<16xf32>, vector<16xi32> -> vector<16xf32>
      %add3A_2222 = arith.addf %add3A_2215, %gather3A_2221 : vector<16xf32>
      %xor3A_2223 = arith.constant 1 : i32
      %xor3A_2224 = vector.broadcast %xor3A_2223 : i32 to vector<16xi32>
      %xor3A_2225 = arith.xori %iota3A, %xor3A_2224 : vector<16xi32>
      %broadcast_in_dim3A_2226 = vector.shape_cast %xor3A_2225 : vector<16xi32> to vector<16x1xi32>
      %gather3A_2227 = vector.shape_cast %broadcast_in_dim3A_2226 : vector<16x1xi32> to vector<16xi32>
      %gather3A_2228 = tpu.dynamic_gather %add3A_2222[%gather3A_2227] in [0] : vector<16xf32>, vector<16xi32> -> vector<16xf32>
      %add3A_2229 = arith.addf %add3A_2222, %gather3A_2228 : vector<16xf32>
      %gt3A_2230 = arith.constant 0.000000e+00 : f32
      %gt3A_2231 = vector.broadcast %gt3A_2230 : f32 to vector<16xf32>
      %gt3A_2232 = arith.cmpf ogt, %add3A_2229, %gt3A_2231 : vector<16xf32>
      %jit3A_2233 = arith.constant 4.000000e+00 : f32
      %jit3A_2234 = arith.constant 0.000000e+00 : f32
      %broadcast_in_dim3A_2235 = vector.broadcast %jit3A_2233 : f32 to vector<16xf32>
      %broadcast_in_dim3A_2236 = vector.broadcast %jit3A_2234 : f32 to vector<16xf32>
      %select_n3A_2237 = arith.select %gt3A_2232, %broadcast_in_dim3A_2235, %broadcast_in_dim3A_2236 : vector<16xi1>, vector<16xf32>
      %add3A_2238 = arith.addf %add3A_2201, %select_n3A_2237 : vector<16xf32>
      %xor3A_2239 = arith.constant 8 : i32
      %xor3A_2240 = vector.broadcast %xor3A_2239 : i32 to vector<16xi32>
      %xor3A_2241 = arith.xori %iota3A, %xor3A_2240 : vector<16xi32>
      %broadcast_in_dim3A_2242 = vector.shape_cast %xor3A_2241 : vector<16xi32> to vector<16x1xi32>
      %gather3A_2243 = vector.shape_cast %broadcast_in_dim3A_2242 : vector<16x1xi32> to vector<16xi32>
      %gather3A_2244 = tpu.dynamic_gather %scan3A_2087#4[%gather3A_2243] in [0] : vector<16xf32>, vector<16xi32> -> vector<16xf32>
      %add3A_2245 = arith.addf %scan3A_2087#4, %gather3A_2244 : vector<16xf32>
      %xor3A_2246 = arith.constant 4 : i32
      %xor3A_2247 = vector.broadcast %xor3A_2246 : i32 to vector<16xi32>
      %xor3A_2248 = arith.xori %iota3A, %xor3A_2247 : vector<16xi32>
      %broadcast_in_dim3A_2249 = vector.shape_cast %xor3A_2248 : vector<16xi32> to vector<16x1xi32>
      %gather3A_2250 = vector.shape_cast %broadcast_in_dim3A_2249 : vector<16x1xi32> to vector<16xi32>
      %gather3A_2251 = tpu.dynamic_gather %add3A_2245[%gather3A_2250] in [0] : vector<16xf32>, vector<16xi32> -> vector<16xf32>
      %add3A_2252 = arith.addf %add3A_2245, %gather3A_2251 : vector<16xf32>
      %xor3A_2253 = arith.constant 2 : i32
      %xor3A_2254 = vector.broadcast %xor3A_2253 : i32 to vector<16xi32>
      %xor3A_2255 = arith.xori %iota3A, %xor3A_2254 : vector<16xi32>
      %broadcast_in_dim3A_2256 = vector.shape_cast %xor3A_2255 : vector<16xi32> to vector<16x1xi32>
      %gather3A_2257 = vector.shape_cast %broadcast_in_dim3A_2256 : vector<16x1xi32> to vector<16xi32>
      %gather3A_2258 = tpu.dynamic_gather %add3A_2252[%gather3A_2257] in [0] : vector<16xf32>, vector<16xi32> -> vector<16xf32>
      %add3A_2259 = arith.addf %add3A_2252, %gather3A_2258 : vector<16xf32>
      %xor3A_2260 = arith.constant 1 : i32
      %xor3A_2261 = vector.broadcast %xor3A_2260 : i32 to vector<16xi32>
      %xor3A_2262 = arith.xori %iota3A, %xor3A_2261 : vector<16xi32>
      %broadcast_in_dim3A_2263 = vector.shape_cast %xor3A_2262 : vector<16xi32> to vector<16x1xi32>
      %gather3A_2264 = vector.shape_cast %broadcast_in_dim3A_2263 : vector<16x1xi32> to vector<16xi32>
      %gather3A_2265 = tpu.dynamic_gather %add3A_2259[%gather3A_2264] in [0] : vector<16xf32>, vector<16xi32> -> vector<16xf32>
      %add3A_2266 = arith.addf %add3A_2259, %gather3A_2265 : vector<16xf32>
      %gt3A_2267 = arith.constant 0.000000e+00 : f32
      %gt3A_2268 = vector.broadcast %gt3A_2267 : f32 to vector<16xf32>
      %gt3A_2269 = arith.cmpf ogt, %add3A_2266, %gt3A_2268 : vector<16xf32>
      %jit3A_2270 = arith.constant 2.000000e+00 : f32
      %jit3A_2271 = arith.constant 0.000000e+00 : f32
      %broadcast_in_dim3A_2272 = vector.broadcast %jit3A_2270 : f32 to vector<16xf32>
      %broadcast_in_dim3A_2273 = vector.broadcast %jit3A_2271 : f32 to vector<16xf32>
      %select_n3A_2274 = arith.select %gt3A_2269, %broadcast_in_dim3A_2272, %broadcast_in_dim3A_2273 : vector<16xi1>, vector<16xf32>
      %add3A_2275 = arith.addf %add3A_2238, %select_n3A_2274 : vector<16xf32>
      %xor3A_2276 = arith.constant 8 : i32
      %xor3A_2277 = vector.broadcast %xor3A_2276 : i32 to vector<16xi32>
      %xor3A_2278 = arith.xori %iota3A, %xor3A_2277 : vector<16xi32>
      %broadcast_in_dim3A_2279 = vector.shape_cast %xor3A_2278 : vector<16xi32> to vector<16x1xi32>
      %gather3A_2280 = vector.shape_cast %broadcast_in_dim3A_2279 : vector<16x1xi32> to vector<16xi32>
      %gather3A_2281 = tpu.dynamic_gather %scan3A_2087#5[%gather3A_2280] in [0] : vector<16xf32>, vector<16xi32> -> vector<16xf32>
      %add3A_2282 = arith.addf %scan3A_2087#5, %gather3A_2281 : vector<16xf32>
      %xor3A_2283 = arith.constant 4 : i32
      %xor3A_2284 = vector.broadcast %xor3A_2283 : i32 to vector<16xi32>
      %xor3A_2285 = arith.xori %iota3A, %xor3A_2284 : vector<16xi32>
      %broadcast_in_dim3A_2286 = vector.shape_cast %xor3A_2285 : vector<16xi32> to vector<16x1xi32>
      %gather3A_2287 = vector.shape_cast %broadcast_in_dim3A_2286 : vector<16x1xi32> to vector<16xi32>
      %gather3A_2288 = tpu.dynamic_gather %add3A_2282[%gather3A_2287] in [0] : vector<16xf32>, vector<16xi32> -> vector<16xf32>
      %add3A_2289 = arith.addf %add3A_2282, %gather3A_2288 : vector<16xf32>
      %xor3A_2290 = arith.constant 2 : i32
      %xor3A_2291 = vector.broadcast %xor3A_2290 : i32 to vector<16xi32>
      %xor3A_2292 = arith.xori %iota3A, %xor3A_2291 : vector<16xi32>
      %broadcast_in_dim3A_2293 = vector.shape_cast %xor3A_2292 : vector<16xi32> to vector<16x1xi32>
      %gather3A_2294 = vector.shape_cast %broadcast_in_dim3A_2293 : vector<16x1xi32> to vector<16xi32>
      %gather3A_2295 = tpu.dynamic_gather %add3A_2289[%gather3A_2294] in [0] : vector<16xf32>, vector<16xi32> -> vector<16xf32>
      %add3A_2296 = arith.addf %add3A_2289, %gather3A_2295 : vector<16xf32>
      %xor3A_2297 = arith.constant 1 : i32
      %xor3A_2298 = vector.broadcast %xor3A_2297 : i32 to vector<16xi32>
      %xor3A_2299 = arith.xori %iota3A, %xor3A_2298 : vector<16xi32>
      %broadcast_in_dim3A_2300 = vector.shape_cast %xor3A_2299 : vector<16xi32> to vector<16x1xi32>
      %gather3A_2301 = vector.shape_cast %broadcast_in_dim3A_2300 : vector<16x1xi32> to vector<16xi32>
      %gather3A_2302 = tpu.dynamic_gather %add3A_2296[%gather3A_2301] in [0] : vector<16xf32>, vector<16xi32> -> vector<16xf32>
      %add3A_2303 = arith.addf %add3A_2296, %gather3A_2302 : vector<16xf32>
      %gt3A_2304 = arith.constant 0.000000e+00 : f32
      %gt3A_2305 = vector.broadcast %gt3A_2304 : f32 to vector<16xf32>
      %gt3A_2306 = arith.cmpf ogt, %add3A_2303, %gt3A_2305 : vector<16xf32>
      %jit3A_2307 = arith.constant 1.000000e+00 : f32
      %jit3A_2308 = arith.constant 0.000000e+00 : f32
      %broadcast_in_dim3A_2309 = vector.broadcast %jit3A_2307 : f32 to vector<16xf32>
      %broadcast_in_dim3A_2310 = vector.broadcast %jit3A_2308 : f32 to vector<16xf32>
      %select_n3A_2311 = arith.select %gt3A_2306, %broadcast_in_dim3A_2309, %broadcast_in_dim3A_2310 : vector<16xi1>, vector<16xf32>
      %add3A_2312 = arith.addf %add3A_2275, %select_n3A_2311 : vector<16xf32>
      %eq3A_2313 = arith.constant 8 : i32
      %eq3A_2314 = vector.broadcast %eq3A_2313 : i32 to vector<16xi32>
      %eq3A_2315 = arith.cmpi eq, %iota3A, %eq3A_2314 : vector<16xi32>
      %select_n3A_2316 = arith.select %eq3A_2315, %add3A_2312, %select_n3A_2009 : vector<16xi1>, vector<16xf32>
      %broadcast_in_dim3A_2317 = arith.constant 0.000000e+00 : f32
      %broadcast_in_dim3A_2318 = vector.broadcast %broadcast_in_dim3A_2317 : f32 to vector<16xf32>
      %xor3A_2319 = arith.constant 8 : i32
      %xor3A_2320 = vector.broadcast %xor3A_2319 : i32 to vector<16xi32>
      %xor3A_2321 = arith.xori %iota3A, %xor3A_2320 : vector<16xi32>
      %broadcast_in_dim3A_2322 = vector.shape_cast %xor3A_2321 : vector<16xi32> to vector<16x1xi32>
      %gather3A_2323 = vector.shape_cast %broadcast_in_dim3A_2322 : vector<16x1xi32> to vector<16xi32>
      %gather3A_2324 = tpu.dynamic_gather %scan3A_2087#6[%gather3A_2323] in [0] : vector<16xf32>, vector<16xi32> -> vector<16xf32>
      %add3A_2325 = arith.addf %scan3A_2087#6, %gather3A_2324 : vector<16xf32>
      %xor3A_2326 = arith.constant 4 : i32
      %xor3A_2327 = vector.broadcast %xor3A_2326 : i32 to vector<16xi32>
      %xor3A_2328 = arith.xori %iota3A, %xor3A_2327 : vector<16xi32>
      %broadcast_in_dim3A_2329 = vector.shape_cast %xor3A_2328 : vector<16xi32> to vector<16x1xi32>
      %gather3A_2330 = vector.shape_cast %broadcast_in_dim3A_2329 : vector<16x1xi32> to vector<16xi32>
      %gather3A_2331 = tpu.dynamic_gather %add3A_2325[%gather3A_2330] in [0] : vector<16xf32>, vector<16xi32> -> vector<16xf32>
      %add3A_2332 = arith.addf %add3A_2325, %gather3A_2331 : vector<16xf32>
      %xor3A_2333 = arith.constant 2 : i32
      %xor3A_2334 = vector.broadcast %xor3A_2333 : i32 to vector<16xi32>
      %xor3A_2335 = arith.xori %iota3A, %xor3A_2334 : vector<16xi32>
      %broadcast_in_dim3A_2336 = vector.shape_cast %xor3A_2335 : vector<16xi32> to vector<16x1xi32>
      %gather3A_2337 = vector.shape_cast %broadcast_in_dim3A_2336 : vector<16x1xi32> to vector<16xi32>
      %gather3A_2338 = tpu.dynamic_gather %add3A_2332[%gather3A_2337] in [0] : vector<16xf32>, vector<16xi32> -> vector<16xf32>
      %add3A_2339 = arith.addf %add3A_2332, %gather3A_2338 : vector<16xf32>
      %xor3A_2340 = arith.constant 1 : i32
      %xor3A_2341 = vector.broadcast %xor3A_2340 : i32 to vector<16xi32>
      %xor3A_2342 = arith.xori %iota3A, %xor3A_2341 : vector<16xi32>
      %broadcast_in_dim3A_2343 = vector.shape_cast %xor3A_2342 : vector<16xi32> to vector<16x1xi32>
      %gather3A_2344 = vector.shape_cast %broadcast_in_dim3A_2343 : vector<16x1xi32> to vector<16xi32>
      %gather3A_2345 = tpu.dynamic_gather %add3A_2339[%gather3A_2344] in [0] : vector<16xf32>, vector<16xi32> -> vector<16xf32>
      %add3A_2346 = arith.addf %add3A_2339, %gather3A_2345 : vector<16xf32>
      %gt3A_2347 = arith.constant 0.000000e+00 : f32
      %gt3A_2348 = vector.broadcast %gt3A_2347 : f32 to vector<16xf32>
      %gt3A_2349 = arith.cmpf ogt, %add3A_2346, %gt3A_2348 : vector<16xf32>
      %jit3A_2350 = arith.constant 3.200000e+01 : f32
      %jit3A_2351 = arith.constant 0.000000e+00 : f32
      %broadcast_in_dim3A_2352 = vector.broadcast %jit3A_2350 : f32 to vector<16xf32>
      %broadcast_in_dim3A_2353 = vector.broadcast %jit3A_2351 : f32 to vector<16xf32>
      %select_n3A_2354 = arith.select %gt3A_2349, %broadcast_in_dim3A_2352, %broadcast_in_dim3A_2353 : vector<16xi1>, vector<16xf32>
      %add3A_2355 = arith.addf %broadcast_in_dim3A_2318, %select_n3A_2354 : vector<16xf32>
      %xor3A_2356 = arith.constant 8 : i32
      %xor3A_2357 = vector.broadcast %xor3A_2356 : i32 to vector<16xi32>
      %xor3A_2358 = arith.xori %iota3A, %xor3A_2357 : vector<16xi32>
      %broadcast_in_dim3A_2359 = vector.shape_cast %xor3A_2358 : vector<16xi32> to vector<16x1xi32>
      %gather3A_2360 = vector.shape_cast %broadcast_in_dim3A_2359 : vector<16x1xi32> to vector<16xi32>
      %gather3A_2361 = tpu.dynamic_gather %scan3A_2087#7[%gather3A_2360] in [0] : vector<16xf32>, vector<16xi32> -> vector<16xf32>
      %add3A_2362 = arith.addf %scan3A_2087#7, %gather3A_2361 : vector<16xf32>
      %xor3A_2363 = arith.constant 4 : i32
      %xor3A_2364 = vector.broadcast %xor3A_2363 : i32 to vector<16xi32>
      %xor3A_2365 = arith.xori %iota3A, %xor3A_2364 : vector<16xi32>
      %broadcast_in_dim3A_2366 = vector.shape_cast %xor3A_2365 : vector<16xi32> to vector<16x1xi32>
      %gather3A_2367 = vector.shape_cast %broadcast_in_dim3A_2366 : vector<16x1xi32> to vector<16xi32>
      %gather3A_2368 = tpu.dynamic_gather %add3A_2362[%gather3A_2367] in [0] : vector<16xf32>, vector<16xi32> -> vector<16xf32>
      %add3A_2369 = arith.addf %add3A_2362, %gather3A_2368 : vector<16xf32>
      %xor3A_2370 = arith.constant 2 : i32
      %xor3A_2371 = vector.broadcast %xor3A_2370 : i32 to vector<16xi32>
      %xor3A_2372 = arith.xori %iota3A, %xor3A_2371 : vector<16xi32>
      %broadcast_in_dim3A_2373 = vector.shape_cast %xor3A_2372 : vector<16xi32> to vector<16x1xi32>
      %gather3A_2374 = vector.shape_cast %broadcast_in_dim3A_2373 : vector<16x1xi32> to vector<16xi32>
      %gather3A_2375 = tpu.dynamic_gather %add3A_2369[%gather3A_2374] in [0] : vector<16xf32>, vector<16xi32> -> vector<16xf32>
      %add3A_2376 = arith.addf %add3A_2369, %gather3A_2375 : vector<16xf32>
      %xor3A_2377 = arith.constant 1 : i32
      %xor3A_2378 = vector.broadcast %xor3A_2377 : i32 to vector<16xi32>
      %xor3A_2379 = arith.xori %iota3A, %xor3A_2378 : vector<16xi32>
      %broadcast_in_dim3A_2380 = vector.shape_cast %xor3A_2379 : vector<16xi32> to vector<16x1xi32>
      %gather3A_2381 = vector.shape_cast %broadcast_in_dim3A_2380 : vector<16x1xi32> to vector<16xi32>
      %gather3A_2382 = tpu.dynamic_gather %add3A_2376[%gather3A_2381] in [0] : vector<16xf32>, vector<16xi32> -> vector<16xf32>
      %add3A_2383 = arith.addf %add3A_2376, %gather3A_2382 : vector<16xf32>
      %gt3A_2384 = arith.constant 0.000000e+00 : f32
      %gt3A_2385 = vector.broadcast %gt3A_2384 : f32 to vector<16xf32>
      %gt3A_2386 = arith.cmpf ogt, %add3A_2383, %gt3A_2385 : vector<16xf32>
      %jit3A_2387 = arith.constant 1.600000e+01 : f32
      %jit3A_2388 = arith.constant 0.000000e+00 : f32
      %broadcast_in_dim3A_2389 = vector.broadcast %jit3A_2387 : f32 to vector<16xf32>
      %broadcast_in_dim3A_2390 = vector.broadcast %jit3A_2388 : f32 to vector<16xf32>
      %select_n3A_2391 = arith.select %gt3A_2386, %broadcast_in_dim3A_2389, %broadcast_in_dim3A_2390 : vector<16xi1>, vector<16xf32>
      %add3A_2392 = arith.addf %add3A_2355, %select_n3A_2391 : vector<16xf32>
      %xor3A_2393 = arith.constant 8 : i32
      %xor3A_2394 = vector.broadcast %xor3A_2393 : i32 to vector<16xi32>
      %xor3A_2395 = arith.xori %iota3A, %xor3A_2394 : vector<16xi32>
      %broadcast_in_dim3A_2396 = vector.shape_cast %xor3A_2395 : vector<16xi32> to vector<16x1xi32>
      %gather3A_2397 = vector.shape_cast %broadcast_in_dim3A_2396 : vector<16x1xi32> to vector<16xi32>
      %gather3A_2398 = tpu.dynamic_gather %scan3A_2087#8[%gather3A_2397] in [0] : vector<16xf32>, vector<16xi32> -> vector<16xf32>
      %add3A_2399 = arith.addf %scan3A_2087#8, %gather3A_2398 : vector<16xf32>
      %xor3A_2400 = arith.constant 4 : i32
      %xor3A_2401 = vector.broadcast %xor3A_2400 : i32 to vector<16xi32>
      %xor3A_2402 = arith.xori %iota3A, %xor3A_2401 : vector<16xi32>
      %broadcast_in_dim3A_2403 = vector.shape_cast %xor3A_2402 : vector<16xi32> to vector<16x1xi32>
      %gather3A_2404 = vector.shape_cast %broadcast_in_dim3A_2403 : vector<16x1xi32> to vector<16xi32>
      %gather3A_2405 = tpu.dynamic_gather %add3A_2399[%gather3A_2404] in [0] : vector<16xf32>, vector<16xi32> -> vector<16xf32>
      %add3A_2406 = arith.addf %add3A_2399, %gather3A_2405 : vector<16xf32>
      %xor3A_2407 = arith.constant 2 : i32
      %xor3A_2408 = vector.broadcast %xor3A_2407 : i32 to vector<16xi32>
      %xor3A_2409 = arith.xori %iota3A, %xor3A_2408 : vector<16xi32>
      %broadcast_in_dim3A_2410 = vector.shape_cast %xor3A_2409 : vector<16xi32> to vector<16x1xi32>
      %gather3A_2411 = vector.shape_cast %broadcast_in_dim3A_2410 : vector<16x1xi32> to vector<16xi32>
      %gather3A_2412 = tpu.dynamic_gather %add3A_2406[%gather3A_2411] in [0] : vector<16xf32>, vector<16xi32> -> vector<16xf32>
      %add3A_2413 = arith.addf %add3A_2406, %gather3A_2412 : vector<16xf32>
      %xor3A_2414 = arith.constant 1 : i32
      %xor3A_2415 = vector.broadcast %xor3A_2414 : i32 to vector<16xi32>
      %xor3A_2416 = arith.xori %iota3A, %xor3A_2415 : vector<16xi32>
      %broadcast_in_dim3A_2417 = vector.shape_cast %xor3A_2416 : vector<16xi32> to vector<16x1xi32>
      %gather3A_2418 = vector.shape_cast %broadcast_in_dim3A_2417 : vector<16x1xi32> to vector<16xi32>
      %gather3A_2419 = tpu.dynamic_gather %add3A_2413[%gather3A_2418] in [0] : vector<16xf32>, vector<16xi32> -> vector<16xf32>
      %add3A_2420 = arith.addf %add3A_2413, %gather3A_2419 : vector<16xf32>
      %gt3A_2421 = arith.constant 0.000000e+00 : f32
      %gt3A_2422 = vector.broadcast %gt3A_2421 : f32 to vector<16xf32>
      %gt3A_2423 = arith.cmpf ogt, %add3A_2420, %gt3A_2422 : vector<16xf32>
      %jit3A_2424 = arith.constant 8.000000e+00 : f32
      %jit3A_2425 = arith.constant 0.000000e+00 : f32
      %broadcast_in_dim3A_2426 = vector.broadcast %jit3A_2424 : f32 to vector<16xf32>
      %broadcast_in_dim3A_2427 = vector.broadcast %jit3A_2425 : f32 to vector<16xf32>
      %select_n3A_2428 = arith.select %gt3A_2423, %broadcast_in_dim3A_2426, %broadcast_in_dim3A_2427 : vector<16xi1>, vector<16xf32>
      %add3A_2429 = arith.addf %add3A_2392, %select_n3A_2428 : vector<16xf32>
      %xor3A_2430 = arith.constant 8 : i32
      %xor3A_2431 = vector.broadcast %xor3A_2430 : i32 to vector<16xi32>
      %xor3A_2432 = arith.xori %iota3A, %xor3A_2431 : vector<16xi32>
      %broadcast_in_dim3A_2433 = vector.shape_cast %xor3A_2432 : vector<16xi32> to vector<16x1xi32>
      %gather3A_2434 = vector.shape_cast %broadcast_in_dim3A_2433 : vector<16x1xi32> to vector<16xi32>
      %gather3A_2435 = tpu.dynamic_gather %scan3A_2087#9[%gather3A_2434] in [0] : vector<16xf32>, vector<16xi32> -> vector<16xf32>
      %add3A_2436 = arith.addf %scan3A_2087#9, %gather3A_2435 : vector<16xf32>
      %xor3A_2437 = arith.constant 4 : i32
      %xor3A_2438 = vector.broadcast %xor3A_2437 : i32 to vector<16xi32>
      %xor3A_2439 = arith.xori %iota3A, %xor3A_2438 : vector<16xi32>
      %broadcast_in_dim3A_2440 = vector.shape_cast %xor3A_2439 : vector<16xi32> to vector<16x1xi32>
      %gather3A_2441 = vector.shape_cast %broadcast_in_dim3A_2440 : vector<16x1xi32> to vector<16xi32>
      %gather3A_2442 = tpu.dynamic_gather %add3A_2436[%gather3A_2441] in [0] : vector<16xf32>, vector<16xi32> -> vector<16xf32>
      %add3A_2443 = arith.addf %add3A_2436, %gather3A_2442 : vector<16xf32>
      %xor3A_2444 = arith.constant 2 : i32
      %xor3A_2445 = vector.broadcast %xor3A_2444 : i32 to vector<16xi32>
      %xor3A_2446 = arith.xori %iota3A, %xor3A_2445 : vector<16xi32>
      %broadcast_in_dim3A_2447 = vector.shape_cast %xor3A_2446 : vector<16xi32> to vector<16x1xi32>
      %gather3A_2448 = vector.shape_cast %broadcast_in_dim3A_2447 : vector<16x1xi32> to vector<16xi32>
      %gather3A_2449 = tpu.dynamic_gather %add3A_2443[%gather3A_2448] in [0] : vector<16xf32>, vector<16xi32> -> vector<16xf32>
      %add3A_2450 = arith.addf %add3A_2443, %gather3A_2449 : vector<16xf32>
      %xor3A_2451 = arith.constant 1 : i32
      %xor3A_2452 = vector.broadcast %xor3A_2451 : i32 to vector<16xi32>
      %xor3A_2453 = arith.xori %iota3A, %xor3A_2452 : vector<16xi32>
      %broadcast_in_dim3A_2454 = vector.shape_cast %xor3A_2453 : vector<16xi32> to vector<16x1xi32>
      %gather3A_2455 = vector.shape_cast %broadcast_in_dim3A_2454 : vector<16x1xi32> to vector<16xi32>
      %gather3A_2456 = tpu.dynamic_gather %add3A_2450[%gather3A_2455] in [0] : vector<16xf32>, vector<16xi32> -> vector<16xf32>
      %add3A_2457 = arith.addf %add3A_2450, %gather3A_2456 : vector<16xf32>
      %gt3A_2458 = arith.constant 0.000000e+00 : f32
      %gt3A_2459 = vector.broadcast %gt3A_2458 : f32 to vector<16xf32>
      %gt3A_2460 = arith.cmpf ogt, %add3A_2457, %gt3A_2459 : vector<16xf32>
      %jit3A_2461 = arith.constant 4.000000e+00 : f32
      %jit3A_2462 = arith.constant 0.000000e+00 : f32
      %broadcast_in_dim3A_2463 = vector.broadcast %jit3A_2461 : f32 to vector<16xf32>
      %broadcast_in_dim3A_2464 = vector.broadcast %jit3A_2462 : f32 to vector<16xf32>
      %select_n3A_2465 = arith.select %gt3A_2460, %broadcast_in_dim3A_2463, %broadcast_in_dim3A_2464 : vector<16xi1>, vector<16xf32>
      %add3A_2466 = arith.addf %add3A_2429, %select_n3A_2465 : vector<16xf32>
      %xor3A_2467 = arith.constant 8 : i32
      %xor3A_2468 = vector.broadcast %xor3A_2467 : i32 to vector<16xi32>
      %xor3A_2469 = arith.xori %iota3A, %xor3A_2468 : vector<16xi32>
      %broadcast_in_dim3A_2470 = vector.shape_cast %xor3A_2469 : vector<16xi32> to vector<16x1xi32>
      %gather3A_2471 = vector.shape_cast %broadcast_in_dim3A_2470 : vector<16x1xi32> to vector<16xi32>
      %gather3A_2472 = tpu.dynamic_gather %scan3A_2087#10[%gather3A_2471] in [0] : vector<16xf32>, vector<16xi32> -> vector<16xf32>
      %add3A_2473 = arith.addf %scan3A_2087#10, %gather3A_2472 : vector<16xf32>
      %xor3A_2474 = arith.constant 4 : i32
      %xor3A_2475 = vector.broadcast %xor3A_2474 : i32 to vector<16xi32>
      %xor3A_2476 = arith.xori %iota3A, %xor3A_2475 : vector<16xi32>
      %broadcast_in_dim3A_2477 = vector.shape_cast %xor3A_2476 : vector<16xi32> to vector<16x1xi32>
      %gather3A_2478 = vector.shape_cast %broadcast_in_dim3A_2477 : vector<16x1xi32> to vector<16xi32>
      %gather3A_2479 = tpu.dynamic_gather %add3A_2473[%gather3A_2478] in [0] : vector<16xf32>, vector<16xi32> -> vector<16xf32>
      %add3A_2480 = arith.addf %add3A_2473, %gather3A_2479 : vector<16xf32>
      %xor3A_2481 = arith.constant 2 : i32
      %xor3A_2482 = vector.broadcast %xor3A_2481 : i32 to vector<16xi32>
      %xor3A_2483 = arith.xori %iota3A, %xor3A_2482 : vector<16xi32>
      %broadcast_in_dim3A_2484 = vector.shape_cast %xor3A_2483 : vector<16xi32> to vector<16x1xi32>
      %gather3A_2485 = vector.shape_cast %broadcast_in_dim3A_2484 : vector<16x1xi32> to vector<16xi32>
      %gather3A_2486 = tpu.dynamic_gather %add3A_2480[%gather3A_2485] in [0] : vector<16xf32>, vector<16xi32> -> vector<16xf32>
      %add3A_2487 = arith.addf %add3A_2480, %gather3A_2486 : vector<16xf32>
      %xor3A_2488 = arith.constant 1 : i32
      %xor3A_2489 = vector.broadcast %xor3A_2488 : i32 to vector<16xi32>
      %xor3A_2490 = arith.xori %iota3A, %xor3A_2489 : vector<16xi32>
      %broadcast_in_dim3A_2491 = vector.shape_cast %xor3A_2490 : vector<16xi32> to vector<16x1xi32>
      %gather3A_2492 = vector.shape_cast %broadcast_in_dim3A_2491 : vector<16x1xi32> to vector<16xi32>
      %gather3A_2493 = tpu.dynamic_gather %add3A_2487[%gather3A_2492] in [0] : vector<16xf32>, vector<16xi32> -> vector<16xf32>
      %add3A_2494 = arith.addf %add3A_2487, %gather3A_2493 : vector<16xf32>
      %gt3A_2495 = arith.constant 0.000000e+00 : f32
      %gt3A_2496 = vector.broadcast %gt3A_2495 : f32 to vector<16xf32>
      %gt3A_2497 = arith.cmpf ogt, %add3A_2494, %gt3A_2496 : vector<16xf32>
      %jit3A_2498 = arith.constant 2.000000e+00 : f32
      %jit3A_2499 = arith.constant 0.000000e+00 : f32
      %broadcast_in_dim3A_2500 = vector.broadcast %jit3A_2498 : f32 to vector<16xf32>
      %broadcast_in_dim3A_2501 = vector.broadcast %jit3A_2499 : f32 to vector<16xf32>
      %select_n3A_2502 = arith.select %gt3A_2497, %broadcast_in_dim3A_2500, %broadcast_in_dim3A_2501 : vector<16xi1>, vector<16xf32>
      %add3A_2503 = arith.addf %add3A_2466, %select_n3A_2502 : vector<16xf32>
      %xor3A_2504 = arith.constant 8 : i32
      %xor3A_2505 = vector.broadcast %xor3A_2504 : i32 to vector<16xi32>
      %xor3A_2506 = arith.xori %iota3A, %xor3A_2505 : vector<16xi32>
      %broadcast_in_dim3A_2507 = vector.shape_cast %xor3A_2506 : vector<16xi32> to vector<16x1xi32>
      %gather3A_2508 = vector.shape_cast %broadcast_in_dim3A_2507 : vector<16x1xi32> to vector<16xi32>
      %gather3A_2509 = tpu.dynamic_gather %scan3A_2087#11[%gather3A_2508] in [0] : vector<16xf32>, vector<16xi32> -> vector<16xf32>
      %add3A_2510 = arith.addf %scan3A_2087#11, %gather3A_2509 : vector<16xf32>
      %xor3A_2511 = arith.constant 4 : i32
      %xor3A_2512 = vector.broadcast %xor3A_2511 : i32 to vector<16xi32>
      %xor3A_2513 = arith.xori %iota3A, %xor3A_2512 : vector<16xi32>
      %broadcast_in_dim3A_2514 = vector.shape_cast %xor3A_2513 : vector<16xi32> to vector<16x1xi32>
      %gather3A_2515 = vector.shape_cast %broadcast_in_dim3A_2514 : vector<16x1xi32> to vector<16xi32>
      %gather3A_2516 = tpu.dynamic_gather %add3A_2510[%gather3A_2515] in [0] : vector<16xf32>, vector<16xi32> -> vector<16xf32>
      %add3A_2517 = arith.addf %add3A_2510, %gather3A_2516 : vector<16xf32>
      %xor3A_2518 = arith.constant 2 : i32
      %xor3A_2519 = vector.broadcast %xor3A_2518 : i32 to vector<16xi32>
      %xor3A_2520 = arith.xori %iota3A, %xor3A_2519 : vector<16xi32>
      %broadcast_in_dim3A_2521 = vector.shape_cast %xor3A_2520 : vector<16xi32> to vector<16x1xi32>
      %gather3A_2522 = vector.shape_cast %broadcast_in_dim3A_2521 : vector<16x1xi32> to vector<16xi32>
      %gather3A_2523 = tpu.dynamic_gather %add3A_2517[%gather3A_2522] in [0] : vector<16xf32>, vector<16xi32> -> vector<16xf32>
      %add3A_2524 = arith.addf %add3A_2517, %gather3A_2523 : vector<16xf32>
      %xor3A_2525 = arith.constant 1 : i32
      %xor3A_2526 = vector.broadcast %xor3A_2525 : i32 to vector<16xi32>
      %xor3A_2527 = arith.xori %iota3A, %xor3A_2526 : vector<16xi32>
      %broadcast_in_dim3A_2528 = vector.shape_cast %xor3A_2527 : vector<16xi32> to vector<16x1xi32>
      %gather3A_2529 = vector.shape_cast %broadcast_in_dim3A_2528 : vector<16x1xi32> to vector<16xi32>
      %gather3A_2530 = tpu.dynamic_gather %add3A_2524[%gather3A_2529] in [0] : vector<16xf32>, vector<16xi32> -> vector<16xf32>
      %add3A_2531 = arith.addf %add3A_2524, %gather3A_2530 : vector<16xf32>
      %gt3A_2532 = arith.constant 0.000000e+00 : f32
      %gt3A_2533 = vector.broadcast %gt3A_2532 : f32 to vector<16xf32>
      %gt3A_2534 = arith.cmpf ogt, %add3A_2531, %gt3A_2533 : vector<16xf32>
      %jit3A_2535 = arith.constant 1.000000e+00 : f32
      %jit3A_2536 = arith.constant 0.000000e+00 : f32
      %broadcast_in_dim3A_2537 = vector.broadcast %jit3A_2535 : f32 to vector<16xf32>
      %broadcast_in_dim3A_2538 = vector.broadcast %jit3A_2536 : f32 to vector<16xf32>
      %select_n3A_2539 = arith.select %gt3A_2534, %broadcast_in_dim3A_2537, %broadcast_in_dim3A_2538 : vector<16xi1>, vector<16xf32>
      %add3A_2540 = arith.addf %add3A_2503, %select_n3A_2539 : vector<16xf32>
      %eq3A_2541 = arith.constant 9 : i32
      %eq3A_2542 = vector.broadcast %eq3A_2541 : i32 to vector<16xi32>
      %eq3A_2543 = arith.cmpi eq, %iota3A, %eq3A_2542 : vector<16xi32>
      %select_n3A_2544 = arith.select %eq3A_2543, %add3A_2540, %select_n3A_2316 : vector<16xi1>, vector<16xf32>
      %broadcast_in_dim3A_2545 = arith.constant 0.000000e+00 : f32
      %broadcast_in_dim3A_2546 = vector.broadcast %broadcast_in_dim3A_2545 : f32 to vector<16xf32>
      %xor3A_2547 = arith.constant 8 : i32
      %xor3A_2548 = vector.broadcast %xor3A_2547 : i32 to vector<16xi32>
      %xor3A_2549 = arith.xori %iota3A, %xor3A_2548 : vector<16xi32>
      %broadcast_in_dim3A_2550 = vector.shape_cast %xor3A_2549 : vector<16xi32> to vector<16x1xi32>
      %gather3A_2551 = vector.shape_cast %broadcast_in_dim3A_2550 : vector<16x1xi32> to vector<16xi32>
      %gather3A_2552 = tpu.dynamic_gather %scan3A_2087#12[%gather3A_2551] in [0] : vector<16xf32>, vector<16xi32> -> vector<16xf32>
      %add3A_2553 = arith.addf %scan3A_2087#12, %gather3A_2552 : vector<16xf32>
      %xor3A_2554 = arith.constant 4 : i32
      %xor3A_2555 = vector.broadcast %xor3A_2554 : i32 to vector<16xi32>
      %xor3A_2556 = arith.xori %iota3A, %xor3A_2555 : vector<16xi32>
      %broadcast_in_dim3A_2557 = vector.shape_cast %xor3A_2556 : vector<16xi32> to vector<16x1xi32>
      %gather3A_2558 = vector.shape_cast %broadcast_in_dim3A_2557 : vector<16x1xi32> to vector<16xi32>
      %gather3A_2559 = tpu.dynamic_gather %add3A_2553[%gather3A_2558] in [0] : vector<16xf32>, vector<16xi32> -> vector<16xf32>
      %add3A_2560 = arith.addf %add3A_2553, %gather3A_2559 : vector<16xf32>
      %xor3A_2561 = arith.constant 2 : i32
      %xor3A_2562 = vector.broadcast %xor3A_2561 : i32 to vector<16xi32>
      %xor3A_2563 = arith.xori %iota3A, %xor3A_2562 : vector<16xi32>
      %broadcast_in_dim3A_2564 = vector.shape_cast %xor3A_2563 : vector<16xi32> to vector<16x1xi32>
      %gather3A_2565 = vector.shape_cast %broadcast_in_dim3A_2564 : vector<16x1xi32> to vector<16xi32>
      %gather3A_2566 = tpu.dynamic_gather %add3A_2560[%gather3A_2565] in [0] : vector<16xf32>, vector<16xi32> -> vector<16xf32>
      %add3A_2567 = arith.addf %add3A_2560, %gather3A_2566 : vector<16xf32>
      %xor3A_2568 = arith.constant 1 : i32
      %xor3A_2569 = vector.broadcast %xor3A_2568 : i32 to vector<16xi32>
      %xor3A_2570 = arith.xori %iota3A, %xor3A_2569 : vector<16xi32>
      %broadcast_in_dim3A_2571 = vector.shape_cast %xor3A_2570 : vector<16xi32> to vector<16x1xi32>
      %gather3A_2572 = vector.shape_cast %broadcast_in_dim3A_2571 : vector<16x1xi32> to vector<16xi32>
      %gather3A_2573 = tpu.dynamic_gather %add3A_2567[%gather3A_2572] in [0] : vector<16xf32>, vector<16xi32> -> vector<16xf32>
      %add3A_2574 = arith.addf %add3A_2567, %gather3A_2573 : vector<16xf32>
      %gt3A_2575 = arith.constant 0.000000e+00 : f32
      %gt3A_2576 = vector.broadcast %gt3A_2575 : f32 to vector<16xf32>
      %gt3A_2577 = arith.cmpf ogt, %add3A_2574, %gt3A_2576 : vector<16xf32>
      %jit3A_2578 = arith.constant 3.200000e+01 : f32
      %jit3A_2579 = arith.constant 0.000000e+00 : f32
      %broadcast_in_dim3A_2580 = vector.broadcast %jit3A_2578 : f32 to vector<16xf32>
      %broadcast_in_dim3A_2581 = vector.broadcast %jit3A_2579 : f32 to vector<16xf32>
      %select_n3A_2582 = arith.select %gt3A_2577, %broadcast_in_dim3A_2580, %broadcast_in_dim3A_2581 : vector<16xi1>, vector<16xf32>
      %add3A_2583 = arith.addf %broadcast_in_dim3A_2546, %select_n3A_2582 : vector<16xf32>
      %xor3A_2584 = arith.constant 8 : i32
      %xor3A_2585 = vector.broadcast %xor3A_2584 : i32 to vector<16xi32>
      %xor3A_2586 = arith.xori %iota3A, %xor3A_2585 : vector<16xi32>
      %broadcast_in_dim3A_2587 = vector.shape_cast %xor3A_2586 : vector<16xi32> to vector<16x1xi32>
      %gather3A_2588 = vector.shape_cast %broadcast_in_dim3A_2587 : vector<16x1xi32> to vector<16xi32>
      %gather3A_2589 = tpu.dynamic_gather %scan3A_2087#13[%gather3A_2588] in [0] : vector<16xf32>, vector<16xi32> -> vector<16xf32>
      %add3A_2590 = arith.addf %scan3A_2087#13, %gather3A_2589 : vector<16xf32>
      %xor3A_2591 = arith.constant 4 : i32
      %xor3A_2592 = vector.broadcast %xor3A_2591 : i32 to vector<16xi32>
      %xor3A_2593 = arith.xori %iota3A, %xor3A_2592 : vector<16xi32>
      %broadcast_in_dim3A_2594 = vector.shape_cast %xor3A_2593 : vector<16xi32> to vector<16x1xi32>
      %gather3A_2595 = vector.shape_cast %broadcast_in_dim3A_2594 : vector<16x1xi32> to vector<16xi32>
      %gather3A_2596 = tpu.dynamic_gather %add3A_2590[%gather3A_2595] in [0] : vector<16xf32>, vector<16xi32> -> vector<16xf32>
      %add3A_2597 = arith.addf %add3A_2590, %gather3A_2596 : vector<16xf32>
      %xor3A_2598 = arith.constant 2 : i32
      %xor3A_2599 = vector.broadcast %xor3A_2598 : i32 to vector<16xi32>
      %xor3A_2600 = arith.xori %iota3A, %xor3A_2599 : vector<16xi32>
      %broadcast_in_dim3A_2601 = vector.shape_cast %xor3A_2600 : vector<16xi32> to vector<16x1xi32>
      %gather3A_2602 = vector.shape_cast %broadcast_in_dim3A_2601 : vector<16x1xi32> to vector<16xi32>
      %gather3A_2603 = tpu.dynamic_gather %add3A_2597[%gather3A_2602] in [0] : vector<16xf32>, vector<16xi32> -> vector<16xf32>
      %add3A_2604 = arith.addf %add3A_2597, %gather3A_2603 : vector<16xf32>
      %xor3A_2605 = arith.constant 1 : i32
      %xor3A_2606 = vector.broadcast %xor3A_2605 : i32 to vector<16xi32>
      %xor3A_2607 = arith.xori %iota3A, %xor3A_2606 : vector<16xi32>
      %broadcast_in_dim3A_2608 = vector.shape_cast %xor3A_2607 : vector<16xi32> to vector<16x1xi32>
      %gather3A_2609 = vector.shape_cast %broadcast_in_dim3A_2608 : vector<16x1xi32> to vector<16xi32>
      %gather3A_2610 = tpu.dynamic_gather %add3A_2604[%gather3A_2609] in [0] : vector<16xf32>, vector<16xi32> -> vector<16xf32>
      %add3A_2611 = arith.addf %add3A_2604, %gather3A_2610 : vector<16xf32>
      %gt3A_2612 = arith.constant 0.000000e+00 : f32
      %gt3A_2613 = vector.broadcast %gt3A_2612 : f32 to vector<16xf32>
      %gt3A_2614 = arith.cmpf ogt, %add3A_2611, %gt3A_2613 : vector<16xf32>
      %jit3A_2615 = arith.constant 1.600000e+01 : f32
      %jit3A_2616 = arith.constant 0.000000e+00 : f32
      %broadcast_in_dim3A_2617 = vector.broadcast %jit3A_2615 : f32 to vector<16xf32>
      %broadcast_in_dim3A_2618 = vector.broadcast %jit3A_2616 : f32 to vector<16xf32>
      %select_n3A_2619 = arith.select %gt3A_2614, %broadcast_in_dim3A_2617, %broadcast_in_dim3A_2618 : vector<16xi1>, vector<16xf32>
      %add3A_2620 = arith.addf %add3A_2583, %select_n3A_2619 : vector<16xf32>
      %xor3A_2621 = arith.constant 8 : i32
      %xor3A_2622 = vector.broadcast %xor3A_2621 : i32 to vector<16xi32>
      %xor3A_2623 = arith.xori %iota3A, %xor3A_2622 : vector<16xi32>
      %broadcast_in_dim3A_2624 = vector.shape_cast %xor3A_2623 : vector<16xi32> to vector<16x1xi32>
      %gather3A_2625 = vector.shape_cast %broadcast_in_dim3A_2624 : vector<16x1xi32> to vector<16xi32>
      %gather3A_2626 = tpu.dynamic_gather %scan3A_2087#14[%gather3A_2625] in [0] : vector<16xf32>, vector<16xi32> -> vector<16xf32>
      %add3A_2627 = arith.addf %scan3A_2087#14, %gather3A_2626 : vector<16xf32>
      %xor3A_2628 = arith.constant 4 : i32
      %xor3A_2629 = vector.broadcast %xor3A_2628 : i32 to vector<16xi32>
      %xor3A_2630 = arith.xori %iota3A, %xor3A_2629 : vector<16xi32>
      %broadcast_in_dim3A_2631 = vector.shape_cast %xor3A_2630 : vector<16xi32> to vector<16x1xi32>
      %gather3A_2632 = vector.shape_cast %broadcast_in_dim3A_2631 : vector<16x1xi32> to vector<16xi32>
      %gather3A_2633 = tpu.dynamic_gather %add3A_2627[%gather3A_2632] in [0] : vector<16xf32>, vector<16xi32> -> vector<16xf32>
      %add3A_2634 = arith.addf %add3A_2627, %gather3A_2633 : vector<16xf32>
      %xor3A_2635 = arith.constant 2 : i32
      %xor3A_2636 = vector.broadcast %xor3A_2635 : i32 to vector<16xi32>
      %xor3A_2637 = arith.xori %iota3A, %xor3A_2636 : vector<16xi32>
      %broadcast_in_dim3A_2638 = vector.shape_cast %xor3A_2637 : vector<16xi32> to vector<16x1xi32>
      %gather3A_2639 = vector.shape_cast %broadcast_in_dim3A_2638 : vector<16x1xi32> to vector<16xi32>
      %gather3A_2640 = tpu.dynamic_gather %add3A_2634[%gather3A_2639] in [0] : vector<16xf32>, vector<16xi32> -> vector<16xf32>
      %add3A_2641 = arith.addf %add3A_2634, %gather3A_2640 : vector<16xf32>
      %xor3A_2642 = arith.constant 1 : i32
      %xor3A_2643 = vector.broadcast %xor3A_2642 : i32 to vector<16xi32>
      %xor3A_2644 = arith.xori %iota3A, %xor3A_2643 : vector<16xi32>
      %broadcast_in_dim3A_2645 = vector.shape_cast %xor3A_2644 : vector<16xi32> to vector<16x1xi32>
      %gather3A_2646 = vector.shape_cast %broadcast_in_dim3A_2645 : vector<16x1xi32> to vector<16xi32>
      %gather3A_2647 = tpu.dynamic_gather %add3A_2641[%gather3A_2646] in [0] : vector<16xf32>, vector<16xi32> -> vector<16xf32>
      %add3A_2648 = arith.addf %add3A_2641, %gather3A_2647 : vector<16xf32>
      %gt3A_2649 = arith.constant 0.000000e+00 : f32
      %gt3A_2650 = vector.broadcast %gt3A_2649 : f32 to vector<16xf32>
      %gt3A_2651 = arith.cmpf ogt, %add3A_2648, %gt3A_2650 : vector<16xf32>
      %jit3A_2652 = arith.constant 8.000000e+00 : f32
      %jit3A_2653 = arith.constant 0.000000e+00 : f32
      %broadcast_in_dim3A_2654 = vector.broadcast %jit3A_2652 : f32 to vector<16xf32>
      %broadcast_in_dim3A_2655 = vector.broadcast %jit3A_2653 : f32 to vector<16xf32>
      %select_n3A_2656 = arith.select %gt3A_2651, %broadcast_in_dim3A_2654, %broadcast_in_dim3A_2655 : vector<16xi1>, vector<16xf32>
      %add3A_2657 = arith.addf %add3A_2620, %select_n3A_2656 : vector<16xf32>
      %xor3A_2658 = arith.constant 8 : i32
      %xor3A_2659 = vector.broadcast %xor3A_2658 : i32 to vector<16xi32>
      %xor3A_2660 = arith.xori %iota3A, %xor3A_2659 : vector<16xi32>
      %broadcast_in_dim3A_2661 = vector.shape_cast %xor3A_2660 : vector<16xi32> to vector<16x1xi32>
      %gather3A_2662 = vector.shape_cast %broadcast_in_dim3A_2661 : vector<16x1xi32> to vector<16xi32>
      %gather3A_2663 = tpu.dynamic_gather %scan3A_2087#15[%gather3A_2662] in [0] : vector<16xf32>, vector<16xi32> -> vector<16xf32>
      %add3A_2664 = arith.addf %scan3A_2087#15, %gather3A_2663 : vector<16xf32>
      %xor3A_2665 = arith.constant 4 : i32
      %xor3A_2666 = vector.broadcast %xor3A_2665 : i32 to vector<16xi32>
      %xor3A_2667 = arith.xori %iota3A, %xor3A_2666 : vector<16xi32>
      %broadcast_in_dim3A_2668 = vector.shape_cast %xor3A_2667 : vector<16xi32> to vector<16x1xi32>
      %gather3A_2669 = vector.shape_cast %broadcast_in_dim3A_2668 : vector<16x1xi32> to vector<16xi32>
      %gather3A_2670 = tpu.dynamic_gather %add3A_2664[%gather3A_2669] in [0] : vector<16xf32>, vector<16xi32> -> vector<16xf32>
      %add3A_2671 = arith.addf %add3A_2664, %gather3A_2670 : vector<16xf32>
      %xor3A_2672 = arith.constant 2 : i32
      %xor3A_2673 = vector.broadcast %xor3A_2672 : i32 to vector<16xi32>
      %xor3A_2674 = arith.xori %iota3A, %xor3A_2673 : vector<16xi32>
      %broadcast_in_dim3A_2675 = vector.shape_cast %xor3A_2674 : vector<16xi32> to vector<16x1xi32>
      %gather3A_2676 = vector.shape_cast %broadcast_in_dim3A_2675 : vector<16x1xi32> to vector<16xi32>
      %gather3A_2677 = tpu.dynamic_gather %add3A_2671[%gather3A_2676] in [0] : vector<16xf32>, vector<16xi32> -> vector<16xf32>
      %add3A_2678 = arith.addf %add3A_2671, %gather3A_2677 : vector<16xf32>
      %xor3A_2679 = arith.constant 1 : i32
      %xor3A_2680 = vector.broadcast %xor3A_2679 : i32 to vector<16xi32>
      %xor3A_2681 = arith.xori %iota3A, %xor3A_2680 : vector<16xi32>
      %broadcast_in_dim3A_2682 = vector.shape_cast %xor3A_2681 : vector<16xi32> to vector<16x1xi32>
      %gather3A_2683 = vector.shape_cast %broadcast_in_dim3A_2682 : vector<16x1xi32> to vector<16xi32>
      %gather3A_2684 = tpu.dynamic_gather %add3A_2678[%gather3A_2683] in [0] : vector<16xf32>, vector<16xi32> -> vector<16xf32>
      %add3A_2685 = arith.addf %add3A_2678, %gather3A_2684 : vector<16xf32>
      %gt3A_2686 = arith.constant 0.000000e+00 : f32
      %gt3A_2687 = vector.broadcast %gt3A_2686 : f32 to vector<16xf32>
      %gt3A_2688 = arith.cmpf ogt, %add3A_2685, %gt3A_2687 : vector<16xf32>
      %jit3A_2689 = arith.constant 4.000000e+00 : f32
      %jit3A_2690 = arith.constant 0.000000e+00 : f32
      %broadcast_in_dim3A_2691 = vector.broadcast %jit3A_2689 : f32 to vector<16xf32>
      %broadcast_in_dim3A_2692 = vector.broadcast %jit3A_2690 : f32 to vector<16xf32>
      %select_n3A_2693 = arith.select %gt3A_2688, %broadcast_in_dim3A_2691, %broadcast_in_dim3A_2692 : vector<16xi1>, vector<16xf32>
      %add3A_2694 = arith.addf %add3A_2657, %select_n3A_2693 : vector<16xf32>
      %xor3A_2695 = arith.constant 8 : i32
      %xor3A_2696 = vector.broadcast %xor3A_2695 : i32 to vector<16xi32>
      %xor3A_2697 = arith.xori %iota3A, %xor3A_2696 : vector<16xi32>
      %broadcast_in_dim3A_2698 = vector.shape_cast %xor3A_2697 : vector<16xi32> to vector<16x1xi32>
      %gather3A_2699 = vector.shape_cast %broadcast_in_dim3A_2698 : vector<16x1xi32> to vector<16xi32>
      %gather3A_2700 = tpu.dynamic_gather %scan3A_2087#16[%gather3A_2699] in [0] : vector<16xf32>, vector<16xi32> -> vector<16xf32>
      %add3A_2701 = arith.addf %scan3A_2087#16, %gather3A_2700 : vector<16xf32>
      %xor3A_2702 = arith.constant 4 : i32
      %xor3A_2703 = vector.broadcast %xor3A_2702 : i32 to vector<16xi32>
      %xor3A_2704 = arith.xori %iota3A, %xor3A_2703 : vector<16xi32>
      %broadcast_in_dim3A_2705 = vector.shape_cast %xor3A_2704 : vector<16xi32> to vector<16x1xi32>
      %gather3A_2706 = vector.shape_cast %broadcast_in_dim3A_2705 : vector<16x1xi32> to vector<16xi32>
      %gather3A_2707 = tpu.dynamic_gather %add3A_2701[%gather3A_2706] in [0] : vector<16xf32>, vector<16xi32> -> vector<16xf32>
      %add3A_2708 = arith.addf %add3A_2701, %gather3A_2707 : vector<16xf32>
      %xor3A_2709 = arith.constant 2 : i32
      %xor3A_2710 = vector.broadcast %xor3A_2709 : i32 to vector<16xi32>
      %xor3A_2711 = arith.xori %iota3A, %xor3A_2710 : vector<16xi32>
      %broadcast_in_dim3A_2712 = vector.shape_cast %xor3A_2711 : vector<16xi32> to vector<16x1xi32>
      %gather3A_2713 = vector.shape_cast %broadcast_in_dim3A_2712 : vector<16x1xi32> to vector<16xi32>
      %gather3A_2714 = tpu.dynamic_gather %add3A_2708[%gather3A_2713] in [0] : vector<16xf32>, vector<16xi32> -> vector<16xf32>
      %add3A_2715 = arith.addf %add3A_2708, %gather3A_2714 : vector<16xf32>
      %xor3A_2716 = arith.constant 1 : i32
      %xor3A_2717 = vector.broadcast %xor3A_2716 : i32 to vector<16xi32>
      %xor3A_2718 = arith.xori %iota3A, %xor3A_2717 : vector<16xi32>
      %broadcast_in_dim3A_2719 = vector.shape_cast %xor3A_2718 : vector<16xi32> to vector<16x1xi32>
      %gather3A_2720 = vector.shape_cast %broadcast_in_dim3A_2719 : vector<16x1xi32> to vector<16xi32>
      %gather3A_2721 = tpu.dynamic_gather %add3A_2715[%gather3A_2720] in [0] : vector<16xf32>, vector<16xi32> -> vector<16xf32>
      %add3A_2722 = arith.addf %add3A_2715, %gather3A_2721 : vector<16xf32>
      %gt3A_2723 = arith.constant 0.000000e+00 : f32
      %gt3A_2724 = vector.broadcast %gt3A_2723 : f32 to vector<16xf32>
      %gt3A_2725 = arith.cmpf ogt, %add3A_2722, %gt3A_2724 : vector<16xf32>
      %jit3A_2726 = arith.constant 2.000000e+00 : f32
      %jit3A_2727 = arith.constant 0.000000e+00 : f32
      %broadcast_in_dim3A_2728 = vector.broadcast %jit3A_2726 : f32 to vector<16xf32>
      %broadcast_in_dim3A_2729 = vector.broadcast %jit3A_2727 : f32 to vector<16xf32>
      %select_n3A_2730 = arith.select %gt3A_2725, %broadcast_in_dim3A_2728, %broadcast_in_dim3A_2729 : vector<16xi1>, vector<16xf32>
      %add3A_2731 = arith.addf %add3A_2694, %select_n3A_2730 : vector<16xf32>
      %xor3A_2732 = arith.constant 8 : i32
      %xor3A_2733 = vector.broadcast %xor3A_2732 : i32 to vector<16xi32>
      %xor3A_2734 = arith.xori %iota3A, %xor3A_2733 : vector<16xi32>
      %broadcast_in_dim3A_2735 = vector.shape_cast %xor3A_2734 : vector<16xi32> to vector<16x1xi32>
      %gather3A_2736 = vector.shape_cast %broadcast_in_dim3A_2735 : vector<16x1xi32> to vector<16xi32>
      %gather3A_2737 = tpu.dynamic_gather %scan3A_2087#17[%gather3A_2736] in [0] : vector<16xf32>, vector<16xi32> -> vector<16xf32>
      %add3A_2738 = arith.addf %scan3A_2087#17, %gather3A_2737 : vector<16xf32>
      %xor3A_2739 = arith.constant 4 : i32
      %xor3A_2740 = vector.broadcast %xor3A_2739 : i32 to vector<16xi32>
      %xor3A_2741 = arith.xori %iota3A, %xor3A_2740 : vector<16xi32>
      %broadcast_in_dim3A_2742 = vector.shape_cast %xor3A_2741 : vector<16xi32> to vector<16x1xi32>
      %gather3A_2743 = vector.shape_cast %broadcast_in_dim3A_2742 : vector<16x1xi32> to vector<16xi32>
      %gather3A_2744 = tpu.dynamic_gather %add3A_2738[%gather3A_2743] in [0] : vector<16xf32>, vector<16xi32> -> vector<16xf32>
      %add3A_2745 = arith.addf %add3A_2738, %gather3A_2744 : vector<16xf32>
      %xor3A_2746 = arith.constant 2 : i32
      %xor3A_2747 = vector.broadcast %xor3A_2746 : i32 to vector<16xi32>
      %xor3A_2748 = arith.xori %iota3A, %xor3A_2747 : vector<16xi32>
      %broadcast_in_dim3A_2749 = vector.shape_cast %xor3A_2748 : vector<16xi32> to vector<16x1xi32>
      %gather3A_2750 = vector.shape_cast %broadcast_in_dim3A_2749 : vector<16x1xi32> to vector<16xi32>
      %gather3A_2751 = tpu.dynamic_gather %add3A_2745[%gather3A_2750] in [0] : vector<16xf32>, vector<16xi32> -> vector<16xf32>
      %add3A_2752 = arith.addf %add3A_2745, %gather3A_2751 : vector<16xf32>
      %xor3A_2753 = arith.constant 1 : i32
      %xor3A_2754 = vector.broadcast %xor3A_2753 : i32 to vector<16xi32>
      %xor3A_2755 = arith.xori %iota3A, %xor3A_2754 : vector<16xi32>
      %broadcast_in_dim3A_2756 = vector.shape_cast %xor3A_2755 : vector<16xi32> to vector<16x1xi32>
      %gather3A_2757 = vector.shape_cast %broadcast_in_dim3A_2756 : vector<16x1xi32> to vector<16xi32>
      %gather3A_2758 = tpu.dynamic_gather %add3A_2752[%gather3A_2757] in [0] : vector<16xf32>, vector<16xi32> -> vector<16xf32>
      %add3A_2759 = arith.addf %add3A_2752, %gather3A_2758 : vector<16xf32>
      %gt3A_2760 = arith.constant 0.000000e+00 : f32
      %gt3A_2761 = vector.broadcast %gt3A_2760 : f32 to vector<16xf32>
      %gt3A_2762 = arith.cmpf ogt, %add3A_2759, %gt3A_2761 : vector<16xf32>
      %jit3A_2763 = arith.constant 1.000000e+00 : f32
      %jit3A_2764 = arith.constant 0.000000e+00 : f32
      %broadcast_in_dim3A_2765 = vector.broadcast %jit3A_2763 : f32 to vector<16xf32>
      %broadcast_in_dim3A_2766 = vector.broadcast %jit3A_2764 : f32 to vector<16xf32>
      %select_n3A_2767 = arith.select %gt3A_2762, %broadcast_in_dim3A_2765, %broadcast_in_dim3A_2766 : vector<16xi1>, vector<16xf32>
      %add3A_2768 = arith.addf %add3A_2731, %select_n3A_2767 : vector<16xf32>
      %eq3A_2769 = arith.constant 10 : i32
      %eq3A_2770 = vector.broadcast %eq3A_2769 : i32 to vector<16xi32>
      %eq3A_2771 = arith.cmpi eq, %iota3A, %eq3A_2770 : vector<16xi32>
      %select_n3A_2772 = arith.select %eq3A_2771, %add3A_2768, %select_n3A_2544 : vector<16xi1>, vector<16xf32>
      %broadcast_in_dim3A_2773 = arith.constant 0.000000e+00 : f32
      %broadcast_in_dim3A_2774 = vector.broadcast %broadcast_in_dim3A_2773 : f32 to vector<16xf32>
      %xor3A_2775 = arith.constant 8 : i32
      %xor3A_2776 = vector.broadcast %xor3A_2775 : i32 to vector<16xi32>
      %xor3A_2777 = arith.xori %iota3A, %xor3A_2776 : vector<16xi32>
      %broadcast_in_dim3A_2778 = vector.shape_cast %xor3A_2777 : vector<16xi32> to vector<16x1xi32>
      %gather3A_2779 = vector.shape_cast %broadcast_in_dim3A_2778 : vector<16x1xi32> to vector<16xi32>
      %gather3A_2780 = tpu.dynamic_gather %scan3A_2087#18[%gather3A_2779] in [0] : vector<16xf32>, vector<16xi32> -> vector<16xf32>
      %add3A_2781 = arith.addf %scan3A_2087#18, %gather3A_2780 : vector<16xf32>
      %xor3A_2782 = arith.constant 4 : i32
      %xor3A_2783 = vector.broadcast %xor3A_2782 : i32 to vector<16xi32>
      %xor3A_2784 = arith.xori %iota3A, %xor3A_2783 : vector<16xi32>
      %broadcast_in_dim3A_2785 = vector.shape_cast %xor3A_2784 : vector<16xi32> to vector<16x1xi32>
      %gather3A_2786 = vector.shape_cast %broadcast_in_dim3A_2785 : vector<16x1xi32> to vector<16xi32>
      %gather3A_2787 = tpu.dynamic_gather %add3A_2781[%gather3A_2786] in [0] : vector<16xf32>, vector<16xi32> -> vector<16xf32>
      %add3A_2788 = arith.addf %add3A_2781, %gather3A_2787 : vector<16xf32>
      %xor3A_2789 = arith.constant 2 : i32
      %xor3A_2790 = vector.broadcast %xor3A_2789 : i32 to vector<16xi32>
      %xor3A_2791 = arith.xori %iota3A, %xor3A_2790 : vector<16xi32>
      %broadcast_in_dim3A_2792 = vector.shape_cast %xor3A_2791 : vector<16xi32> to vector<16x1xi32>
      %gather3A_2793 = vector.shape_cast %broadcast_in_dim3A_2792 : vector<16x1xi32> to vector<16xi32>
      %gather3A_2794 = tpu.dynamic_gather %add3A_2788[%gather3A_2793] in [0] : vector<16xf32>, vector<16xi32> -> vector<16xf32>
      %add3A_2795 = arith.addf %add3A_2788, %gather3A_2794 : vector<16xf32>
      %xor3A_2796 = arith.constant 1 : i32
      %xor3A_2797 = vector.broadcast %xor3A_2796 : i32 to vector<16xi32>
      %xor3A_2798 = arith.xori %iota3A, %xor3A_2797 : vector<16xi32>
      %broadcast_in_dim3A_2799 = vector.shape_cast %xor3A_2798 : vector<16xi32> to vector<16x1xi32>
      %gather3A_2800 = vector.shape_cast %broadcast_in_dim3A_2799 : vector<16x1xi32> to vector<16xi32>
      %gather3A_2801 = tpu.dynamic_gather %add3A_2795[%gather3A_2800] in [0] : vector<16xf32>, vector<16xi32> -> vector<16xf32>
      %add3A_2802 = arith.addf %add3A_2795, %gather3A_2801 : vector<16xf32>
      %gt3A_2803 = arith.constant 0.000000e+00 : f32
      %gt3A_2804 = vector.broadcast %gt3A_2803 : f32 to vector<16xf32>
      %gt3A_2805 = arith.cmpf ogt, %add3A_2802, %gt3A_2804 : vector<16xf32>
      %jit3A_2806 = arith.constant 3.200000e+01 : f32
      %jit3A_2807 = arith.constant 0.000000e+00 : f32
      %broadcast_in_dim3A_2808 = vector.broadcast %jit3A_2806 : f32 to vector<16xf32>
      %broadcast_in_dim3A_2809 = vector.broadcast %jit3A_2807 : f32 to vector<16xf32>
      %select_n3A_2810 = arith.select %gt3A_2805, %broadcast_in_dim3A_2808, %broadcast_in_dim3A_2809 : vector<16xi1>, vector<16xf32>
      %add3A_2811 = arith.addf %broadcast_in_dim3A_2774, %select_n3A_2810 : vector<16xf32>
      %xor3A_2812 = arith.constant 8 : i32
      %xor3A_2813 = vector.broadcast %xor3A_2812 : i32 to vector<16xi32>
      %xor3A_2814 = arith.xori %iota3A, %xor3A_2813 : vector<16xi32>
      %broadcast_in_dim3A_2815 = vector.shape_cast %xor3A_2814 : vector<16xi32> to vector<16x1xi32>
      %gather3A_2816 = vector.shape_cast %broadcast_in_dim3A_2815 : vector<16x1xi32> to vector<16xi32>
      %gather3A_2817 = tpu.dynamic_gather %scan3A_2087#19[%gather3A_2816] in [0] : vector<16xf32>, vector<16xi32> -> vector<16xf32>
      %add3A_2818 = arith.addf %scan3A_2087#19, %gather3A_2817 : vector<16xf32>
      %xor3A_2819 = arith.constant 4 : i32
      %xor3A_2820 = vector.broadcast %xor3A_2819 : i32 to vector<16xi32>
      %xor3A_2821 = arith.xori %iota3A, %xor3A_2820 : vector<16xi32>
      %broadcast_in_dim3A_2822 = vector.shape_cast %xor3A_2821 : vector<16xi32> to vector<16x1xi32>
      %gather3A_2823 = vector.shape_cast %broadcast_in_dim3A_2822 : vector<16x1xi32> to vector<16xi32>
      %gather3A_2824 = tpu.dynamic_gather %add3A_2818[%gather3A_2823] in [0] : vector<16xf32>, vector<16xi32> -> vector<16xf32>
      %add3A_2825 = arith.addf %add3A_2818, %gather3A_2824 : vector<16xf32>
      %xor3A_2826 = arith.constant 2 : i32
      %xor3A_2827 = vector.broadcast %xor3A_2826 : i32 to vector<16xi32>
      %xor3A_2828 = arith.xori %iota3A, %xor3A_2827 : vector<16xi32>
      %broadcast_in_dim3A_2829 = vector.shape_cast %xor3A_2828 : vector<16xi32> to vector<16x1xi32>
      %gather3A_2830 = vector.shape_cast %broadcast_in_dim3A_2829 : vector<16x1xi32> to vector<16xi32>
      %gather3A_2831 = tpu.dynamic_gather %add3A_2825[%gather3A_2830] in [0] : vector<16xf32>, vector<16xi32> -> vector<16xf32>
      %add3A_2832 = arith.addf %add3A_2825, %gather3A_2831 : vector<16xf32>
      %xor3A_2833 = arith.constant 1 : i32
      %xor3A_2834 = vector.broadcast %xor3A_2833 : i32 to vector<16xi32>
      %xor3A_2835 = arith.xori %iota3A, %xor3A_2834 : vector<16xi32>
      %broadcast_in_dim3A_2836 = vector.shape_cast %xor3A_2835 : vector<16xi32> to vector<16x1xi32>
      %gather3A_2837 = vector.shape_cast %broadcast_in_dim3A_2836 : vector<16x1xi32> to vector<16xi32>
      %gather3A_2838 = tpu.dynamic_gather %add3A_2832[%gather3A_2837] in [0] : vector<16xf32>, vector<16xi32> -> vector<16xf32>
      %add3A_2839 = arith.addf %add3A_2832, %gather3A_2838 : vector<16xf32>
      %gt3A_2840 = arith.constant 0.000000e+00 : f32
      %gt3A_2841 = vector.broadcast %gt3A_2840 : f32 to vector<16xf32>
      %gt3A_2842 = arith.cmpf ogt, %add3A_2839, %gt3A_2841 : vector<16xf32>
      %jit3A_2843 = arith.constant 1.600000e+01 : f32
      %jit3A_2844 = arith.constant 0.000000e+00 : f32
      %broadcast_in_dim3A_2845 = vector.broadcast %jit3A_2843 : f32 to vector<16xf32>
      %broadcast_in_dim3A_2846 = vector.broadcast %jit3A_2844 : f32 to vector<16xf32>
      %select_n3A_2847 = arith.select %gt3A_2842, %broadcast_in_dim3A_2845, %broadcast_in_dim3A_2846 : vector<16xi1>, vector<16xf32>
      %add3A_2848 = arith.addf %add3A_2811, %select_n3A_2847 : vector<16xf32>
      %xor3A_2849 = arith.constant 8 : i32
      %xor3A_2850 = vector.broadcast %xor3A_2849 : i32 to vector<16xi32>
      %xor3A_2851 = arith.xori %iota3A, %xor3A_2850 : vector<16xi32>
      %broadcast_in_dim3A_2852 = vector.shape_cast %xor3A_2851 : vector<16xi32> to vector<16x1xi32>
      %gather3A_2853 = vector.shape_cast %broadcast_in_dim3A_2852 : vector<16x1xi32> to vector<16xi32>
      %gather3A_2854 = tpu.dynamic_gather %scan3A_2087#20[%gather3A_2853] in [0] : vector<16xf32>, vector<16xi32> -> vector<16xf32>
      %add3A_2855 = arith.addf %scan3A_2087#20, %gather3A_2854 : vector<16xf32>
      %xor3A_2856 = arith.constant 4 : i32
      %xor3A_2857 = vector.broadcast %xor3A_2856 : i32 to vector<16xi32>
      %xor3A_2858 = arith.xori %iota3A, %xor3A_2857 : vector<16xi32>
      %broadcast_in_dim3A_2859 = vector.shape_cast %xor3A_2858 : vector<16xi32> to vector<16x1xi32>
      %gather3A_2860 = vector.shape_cast %broadcast_in_dim3A_2859 : vector<16x1xi32> to vector<16xi32>
      %gather3A_2861 = tpu.dynamic_gather %add3A_2855[%gather3A_2860] in [0] : vector<16xf32>, vector<16xi32> -> vector<16xf32>
      %add3A_2862 = arith.addf %add3A_2855, %gather3A_2861 : vector<16xf32>
      %xor3A_2863 = arith.constant 2 : i32
      %xor3A_2864 = vector.broadcast %xor3A_2863 : i32 to vector<16xi32>
      %xor3A_2865 = arith.xori %iota3A, %xor3A_2864 : vector<16xi32>
      %broadcast_in_dim3A_2866 = vector.shape_cast %xor3A_2865 : vector<16xi32> to vector<16x1xi32>
      %gather3A_2867 = vector.shape_cast %broadcast_in_dim3A_2866 : vector<16x1xi32> to vector<16xi32>
      %gather3A_2868 = tpu.dynamic_gather %add3A_2862[%gather3A_2867] in [0] : vector<16xf32>, vector<16xi32> -> vector<16xf32>
      %add3A_2869 = arith.addf %add3A_2862, %gather3A_2868 : vector<16xf32>
      %xor3A_2870 = arith.constant 1 : i32
      %xor3A_2871 = vector.broadcast %xor3A_2870 : i32 to vector<16xi32>
      %xor3A_2872 = arith.xori %iota3A, %xor3A_2871 : vector<16xi32>
      %broadcast_in_dim3A_2873 = vector.shape_cast %xor3A_2872 : vector<16xi32> to vector<16x1xi32>
      %gather3A_2874 = vector.shape_cast %broadcast_in_dim3A_2873 : vector<16x1xi32> to vector<16xi32>
      %gather3A_2875 = tpu.dynamic_gather %add3A_2869[%gather3A_2874] in [0] : vector<16xf32>, vector<16xi32> -> vector<16xf32>
      %add3A_2876 = arith.addf %add3A_2869, %gather3A_2875 : vector<16xf32>
      %gt3A_2877 = arith.constant 0.000000e+00 : f32
      %gt3A_2878 = vector.broadcast %gt3A_2877 : f32 to vector<16xf32>
      %gt3A_2879 = arith.cmpf ogt, %add3A_2876, %gt3A_2878 : vector<16xf32>
      %jit3A_2880 = arith.constant 8.000000e+00 : f32
      %jit3A_2881 = arith.constant 0.000000e+00 : f32
      %broadcast_in_dim3A_2882 = vector.broadcast %jit3A_2880 : f32 to vector<16xf32>
      %broadcast_in_dim3A_2883 = vector.broadcast %jit3A_2881 : f32 to vector<16xf32>
      %select_n3A_2884 = arith.select %gt3A_2879, %broadcast_in_dim3A_2882, %broadcast_in_dim3A_2883 : vector<16xi1>, vector<16xf32>
      %add3A_2885 = arith.addf %add3A_2848, %select_n3A_2884 : vector<16xf32>
      %xor3A_2886 = arith.constant 8 : i32
      %xor3A_2887 = vector.broadcast %xor3A_2886 : i32 to vector<16xi32>
      %xor3A_2888 = arith.xori %iota3A, %xor3A_2887 : vector<16xi32>
      %broadcast_in_dim3A_2889 = vector.shape_cast %xor3A_2888 : vector<16xi32> to vector<16x1xi32>
      %gather3A_2890 = vector.shape_cast %broadcast_in_dim3A_2889 : vector<16x1xi32> to vector<16xi32>
      %gather3A_2891 = tpu.dynamic_gather %scan3A_2087#21[%gather3A_2890] in [0] : vector<16xf32>, vector<16xi32> -> vector<16xf32>
      %add3A_2892 = arith.addf %scan3A_2087#21, %gather3A_2891 : vector<16xf32>
      %xor3A_2893 = arith.constant 4 : i32
      %xor3A_2894 = vector.broadcast %xor3A_2893 : i32 to vector<16xi32>
      %xor3A_2895 = arith.xori %iota3A, %xor3A_2894 : vector<16xi32>
      %broadcast_in_dim3A_2896 = vector.shape_cast %xor3A_2895 : vector<16xi32> to vector<16x1xi32>
      %gather3A_2897 = vector.shape_cast %broadcast_in_dim3A_2896 : vector<16x1xi32> to vector<16xi32>
      %gather3A_2898 = tpu.dynamic_gather %add3A_2892[%gather3A_2897] in [0] : vector<16xf32>, vector<16xi32> -> vector<16xf32>
      %add3A_2899 = arith.addf %add3A_2892, %gather3A_2898 : vector<16xf32>
      %xor3A_2900 = arith.constant 2 : i32
      %xor3A_2901 = vector.broadcast %xor3A_2900 : i32 to vector<16xi32>
      %xor3A_2902 = arith.xori %iota3A, %xor3A_2901 : vector<16xi32>
      %broadcast_in_dim3A_2903 = vector.shape_cast %xor3A_2902 : vector<16xi32> to vector<16x1xi32>
      %gather3A_2904 = vector.shape_cast %broadcast_in_dim3A_2903 : vector<16x1xi32> to vector<16xi32>
      %gather3A_2905 = tpu.dynamic_gather %add3A_2899[%gather3A_2904] in [0] : vector<16xf32>, vector<16xi32> -> vector<16xf32>
      %add3A_2906 = arith.addf %add3A_2899, %gather3A_2905 : vector<16xf32>
      %xor3A_2907 = arith.constant 1 : i32
      %xor3A_2908 = vector.broadcast %xor3A_2907 : i32 to vector<16xi32>
      %xor3A_2909 = arith.xori %iota3A, %xor3A_2908 : vector<16xi32>
      %broadcast_in_dim3A_2910 = vector.shape_cast %xor3A_2909 : vector<16xi32> to vector<16x1xi32>
      %gather3A_2911 = vector.shape_cast %broadcast_in_dim3A_2910 : vector<16x1xi32> to vector<16xi32>
      %gather3A_2912 = tpu.dynamic_gather %add3A_2906[%gather3A_2911] in [0] : vector<16xf32>, vector<16xi32> -> vector<16xf32>
      %add3A_2913 = arith.addf %add3A_2906, %gather3A_2912 : vector<16xf32>
      %gt3A_2914 = arith.constant 0.000000e+00 : f32
      %gt3A_2915 = vector.broadcast %gt3A_2914 : f32 to vector<16xf32>
      %gt3A_2916 = arith.cmpf ogt, %add3A_2913, %gt3A_2915 : vector<16xf32>
      %jit3A_2917 = arith.constant 4.000000e+00 : f32
      %jit3A_2918 = arith.constant 0.000000e+00 : f32
      %broadcast_in_dim3A_2919 = vector.broadcast %jit3A_2917 : f32 to vector<16xf32>
      %broadcast_in_dim3A_2920 = vector.broadcast %jit3A_2918 : f32 to vector<16xf32>
      %select_n3A_2921 = arith.select %gt3A_2916, %broadcast_in_dim3A_2919, %broadcast_in_dim3A_2920 : vector<16xi1>, vector<16xf32>
      %add3A_2922 = arith.addf %add3A_2885, %select_n3A_2921 : vector<16xf32>
      %xor3A_2923 = arith.constant 8 : i32
      %xor3A_2924 = vector.broadcast %xor3A_2923 : i32 to vector<16xi32>
      %xor3A_2925 = arith.xori %iota3A, %xor3A_2924 : vector<16xi32>
      %broadcast_in_dim3A_2926 = vector.shape_cast %xor3A_2925 : vector<16xi32> to vector<16x1xi32>
      %gather3A_2927 = vector.shape_cast %broadcast_in_dim3A_2926 : vector<16x1xi32> to vector<16xi32>
      %gather3A_2928 = tpu.dynamic_gather %scan3A_2087#22[%gather3A_2927] in [0] : vector<16xf32>, vector<16xi32> -> vector<16xf32>
      %add3A_2929 = arith.addf %scan3A_2087#22, %gather3A_2928 : vector<16xf32>
      %xor3A_2930 = arith.constant 4 : i32
      %xor3A_2931 = vector.broadcast %xor3A_2930 : i32 to vector<16xi32>
      %xor3A_2932 = arith.xori %iota3A, %xor3A_2931 : vector<16xi32>
      %broadcast_in_dim3A_2933 = vector.shape_cast %xor3A_2932 : vector<16xi32> to vector<16x1xi32>
      %gather3A_2934 = vector.shape_cast %broadcast_in_dim3A_2933 : vector<16x1xi32> to vector<16xi32>
      %gather3A_2935 = tpu.dynamic_gather %add3A_2929[%gather3A_2934] in [0] : vector<16xf32>, vector<16xi32> -> vector<16xf32>
      %add3A_2936 = arith.addf %add3A_2929, %gather3A_2935 : vector<16xf32>
      %xor3A_2937 = arith.constant 2 : i32
      %xor3A_2938 = vector.broadcast %xor3A_2937 : i32 to vector<16xi32>
      %xor3A_2939 = arith.xori %iota3A, %xor3A_2938 : vector<16xi32>
      %broadcast_in_dim3A_2940 = vector.shape_cast %xor3A_2939 : vector<16xi32> to vector<16x1xi32>
      %gather3A_2941 = vector.shape_cast %broadcast_in_dim3A_2940 : vector<16x1xi32> to vector<16xi32>
      %gather3A_2942 = tpu.dynamic_gather %add3A_2936[%gather3A_2941] in [0] : vector<16xf32>, vector<16xi32> -> vector<16xf32>
      %add3A_2943 = arith.addf %add3A_2936, %gather3A_2942 : vector<16xf32>
      %xor3A_2944 = arith.constant 1 : i32
      %xor3A_2945 = vector.broadcast %xor3A_2944 : i32 to vector<16xi32>
      %xor3A_2946 = arith.xori %iota3A, %xor3A_2945 : vector<16xi32>
      %broadcast_in_dim3A_2947 = vector.shape_cast %xor3A_2946 : vector<16xi32> to vector<16x1xi32>
      %gather3A_2948 = vector.shape_cast %broadcast_in_dim3A_2947 : vector<16x1xi32> to vector<16xi32>
      %gather3A_2949 = tpu.dynamic_gather %add3A_2943[%gather3A_2948] in [0] : vector<16xf32>, vector<16xi32> -> vector<16xf32>
      %add3A_2950 = arith.addf %add3A_2943, %gather3A_2949 : vector<16xf32>
      %gt3A_2951 = arith.constant 0.000000e+00 : f32
      %gt3A_2952 = vector.broadcast %gt3A_2951 : f32 to vector<16xf32>
      %gt3A_2953 = arith.cmpf ogt, %add3A_2950, %gt3A_2952 : vector<16xf32>
      %jit3A_2954 = arith.constant 2.000000e+00 : f32
      %jit3A_2955 = arith.constant 0.000000e+00 : f32
      %broadcast_in_dim3A_2956 = vector.broadcast %jit3A_2954 : f32 to vector<16xf32>
      %broadcast_in_dim3A_2957 = vector.broadcast %jit3A_2955 : f32 to vector<16xf32>
      %select_n3A_2958 = arith.select %gt3A_2953, %broadcast_in_dim3A_2956, %broadcast_in_dim3A_2957 : vector<16xi1>, vector<16xf32>
      %add3A_2959 = arith.addf %add3A_2922, %select_n3A_2958 : vector<16xf32>
      %xor3A_2960 = arith.constant 8 : i32
      %xor3A_2961 = vector.broadcast %xor3A_2960 : i32 to vector<16xi32>
      %xor3A_2962 = arith.xori %iota3A, %xor3A_2961 : vector<16xi32>
      %broadcast_in_dim3A_2963 = vector.shape_cast %xor3A_2962 : vector<16xi32> to vector<16x1xi32>
      %gather3A_2964 = vector.shape_cast %broadcast_in_dim3A_2963 : vector<16x1xi32> to vector<16xi32>
      %gather3A_2965 = tpu.dynamic_gather %scan3A_2087#23[%gather3A_2964] in [0] : vector<16xf32>, vector<16xi32> -> vector<16xf32>
      %add3A_2966 = arith.addf %scan3A_2087#23, %gather3A_2965 : vector<16xf32>
      %xor3A_2967 = arith.constant 4 : i32
      %xor3A_2968 = vector.broadcast %xor3A_2967 : i32 to vector<16xi32>
      %xor3A_2969 = arith.xori %iota3A, %xor3A_2968 : vector<16xi32>
      %broadcast_in_dim3A_2970 = vector.shape_cast %xor3A_2969 : vector<16xi32> to vector<16x1xi32>
      %gather3A_2971 = vector.shape_cast %broadcast_in_dim3A_2970 : vector<16x1xi32> to vector<16xi32>
      %gather3A_2972 = tpu.dynamic_gather %add3A_2966[%gather3A_2971] in [0] : vector<16xf32>, vector<16xi32> -> vector<16xf32>
      %add3A_2973 = arith.addf %add3A_2966, %gather3A_2972 : vector<16xf32>
      %xor3A_2974 = arith.constant 2 : i32
      %xor3A_2975 = vector.broadcast %xor3A_2974 : i32 to vector<16xi32>
      %xor3A_2976 = arith.xori %iota3A, %xor3A_2975 : vector<16xi32>
      %broadcast_in_dim3A_2977 = vector.shape_cast %xor3A_2976 : vector<16xi32> to vector<16x1xi32>
      %gather3A_2978 = vector.shape_cast %broadcast_in_dim3A_2977 : vector<16x1xi32> to vector<16xi32>
      %gather3A_2979 = tpu.dynamic_gather %add3A_2973[%gather3A_2978] in [0] : vector<16xf32>, vector<16xi32> -> vector<16xf32>
      %add3A_2980 = arith.addf %add3A_2973, %gather3A_2979 : vector<16xf32>
      %xor3A_2981 = arith.constant 1 : i32
      %xor3A_2982 = vector.broadcast %xor3A_2981 : i32 to vector<16xi32>
      %xor3A_2983 = arith.xori %iota3A, %xor3A_2982 : vector<16xi32>
      %broadcast_in_dim3A_2984 = vector.shape_cast %xor3A_2983 : vector<16xi32> to vector<16x1xi32>
      %gather3A_2985 = vector.shape_cast %broadcast_in_dim3A_2984 : vector<16x1xi32> to vector<16xi32>
      %gather3A_2986 = tpu.dynamic_gather %add3A_2980[%gather3A_2985] in [0] : vector<16xf32>, vector<16xi32> -> vector<16xf32>
      %add3A_2987 = arith.addf %add3A_2980, %gather3A_2986 : vector<16xf32>
      %gt3A_2988 = arith.constant 0.000000e+00 : f32
      %gt3A_2989 = vector.broadcast %gt3A_2988 : f32 to vector<16xf32>
      %gt3A_2990 = arith.cmpf ogt, %add3A_2987, %gt3A_2989 : vector<16xf32>
      %jit3A_2991 = arith.constant 1.000000e+00 : f32
      %jit3A_2992 = arith.constant 0.000000e+00 : f32
      %broadcast_in_dim3A_2993 = vector.broadcast %jit3A_2991 : f32 to vector<16xf32>
      %broadcast_in_dim3A_2994 = vector.broadcast %jit3A_2992 : f32 to vector<16xf32>
      %select_n3A_2995 = arith.select %gt3A_2990, %broadcast_in_dim3A_2993, %broadcast_in_dim3A_2994 : vector<16xi1>, vector<16xf32>
      %add3A_2996 = arith.addf %add3A_2959, %select_n3A_2995 : vector<16xf32>
      %eq3A_2997 = arith.constant 11 : i32
      %eq3A_2998 = vector.broadcast %eq3A_2997 : i32 to vector<16xi32>
      %eq3A_2999 = arith.cmpi eq, %iota3A, %eq3A_2998 : vector<16xi32>
      %select_n3A_3000 = arith.select %eq3A_2999, %add3A_2996, %select_n3A_2772 : vector<16xi1>, vector<16xf32>
      %broadcast_in_dim3A_3001 = arith.constant 0.000000e+00 : f32
      %broadcast_in_dim3A_3002 = vector.broadcast %broadcast_in_dim3A_3001 : f32 to vector<16xf32>
      %broadcast_in_dim3A_3003 = arith.constant 0.000000e+00 : f32
      %broadcast_in_dim3A_3004 = vector.broadcast %broadcast_in_dim3A_3003 : f32 to vector<16xf32>
      %broadcast_in_dim3A_3005 = arith.constant 0.000000e+00 : f32
      %broadcast_in_dim3A_3006 = vector.broadcast %broadcast_in_dim3A_3005 : f32 to vector<16xf32>
      %broadcast_in_dim3A_3007 = arith.constant 0.000000e+00 : f32
      %broadcast_in_dim3A_3008 = vector.broadcast %broadcast_in_dim3A_3007 : f32 to vector<16xf32>
      %broadcast_in_dim3A_3009 = arith.constant 0.000000e+00 : f32
      %broadcast_in_dim3A_3010 = vector.broadcast %broadcast_in_dim3A_3009 : f32 to vector<16xf32>
      %broadcast_in_dim3A_3011 = arith.constant 0.000000e+00 : f32
      %broadcast_in_dim3A_3012 = vector.broadcast %broadcast_in_dim3A_3011 : f32 to vector<16xf32>
      %broadcast_in_dim3A_3013 = arith.constant 0.000000e+00 : f32
      %broadcast_in_dim3A_3014 = vector.broadcast %broadcast_in_dim3A_3013 : f32 to vector<16xf32>
      %broadcast_in_dim3A_3015 = arith.constant 0.000000e+00 : f32
      %broadcast_in_dim3A_3016 = vector.broadcast %broadcast_in_dim3A_3015 : f32 to vector<16xf32>
      %broadcast_in_dim3A_3017 = arith.constant 0.000000e+00 : f32
      %broadcast_in_dim3A_3018 = vector.broadcast %broadcast_in_dim3A_3017 : f32 to vector<16xf32>
      %broadcast_in_dim3A_3019 = arith.constant 0.000000e+00 : f32
      %broadcast_in_dim3A_3020 = vector.broadcast %broadcast_in_dim3A_3019 : f32 to vector<16xf32>
      %broadcast_in_dim3A_3021 = arith.constant 0.000000e+00 : f32
      %broadcast_in_dim3A_3022 = vector.broadcast %broadcast_in_dim3A_3021 : f32 to vector<16xf32>
      %broadcast_in_dim3A_3023 = arith.constant 0.000000e+00 : f32
      %broadcast_in_dim3A_3024 = vector.broadcast %broadcast_in_dim3A_3023 : f32 to vector<16xf32>
      %broadcast_in_dim3A_3025 = arith.constant 0.000000e+00 : f32
      %broadcast_in_dim3A_3026 = vector.broadcast %broadcast_in_dim3A_3025 : f32 to vector<16xf32>
      %broadcast_in_dim3A_3027 = arith.constant 0.000000e+00 : f32
      %broadcast_in_dim3A_3028 = vector.broadcast %broadcast_in_dim3A_3027 : f32 to vector<16xf32>
      %broadcast_in_dim3A_3029 = arith.constant 0.000000e+00 : f32
      %broadcast_in_dim3A_3030 = vector.broadcast %broadcast_in_dim3A_3029 : f32 to vector<16xf32>
      %broadcast_in_dim3A_3031 = arith.constant 0.000000e+00 : f32
      %broadcast_in_dim3A_3032 = vector.broadcast %broadcast_in_dim3A_3031 : f32 to vector<16xf32>
      %broadcast_in_dim3A_3033 = arith.constant 0.000000e+00 : f32
      %broadcast_in_dim3A_3034 = vector.broadcast %broadcast_in_dim3A_3033 : f32 to vector<16xf32>
      %broadcast_in_dim3A_3035 = arith.constant 0.000000e+00 : f32
      %broadcast_in_dim3A_3036 = vector.broadcast %broadcast_in_dim3A_3035 : f32 to vector<16xf32>
      %broadcast_in_dim3A_3037 = arith.constant 0.000000e+00 : f32
      %broadcast_in_dim3A_3038 = vector.broadcast %broadcast_in_dim3A_3037 : f32 to vector<16xf32>
      %broadcast_in_dim3A_3039 = arith.constant 0.000000e+00 : f32
      %broadcast_in_dim3A_3040 = vector.broadcast %broadcast_in_dim3A_3039 : f32 to vector<16xf32>
      %broadcast_in_dim3A_3041 = arith.constant 0.000000e+00 : f32
      %broadcast_in_dim3A_3042 = vector.broadcast %broadcast_in_dim3A_3041 : f32 to vector<16xf32>
      %broadcast_in_dim3A_3043 = arith.constant 0.000000e+00 : f32
      %broadcast_in_dim3A_3044 = vector.broadcast %broadcast_in_dim3A_3043 : f32 to vector<16xf32>
      %broadcast_in_dim3A_3045 = arith.constant 0.000000e+00 : f32
      %broadcast_in_dim3A_3046 = vector.broadcast %broadcast_in_dim3A_3045 : f32 to vector<16xf32>
      %broadcast_in_dim3A_3047 = arith.constant 0.000000e+00 : f32
      %broadcast_in_dim3A_3048 = vector.broadcast %broadcast_in_dim3A_3047 : f32 to vector<16xf32>
      %scan3A_3049 = arith.constant 0 : i32
      %scan3A_3050 = arith.constant 256 : i32
      %scan3A_3051 = arith.addi %scan3A_3049, %scan3A_3050 : i32
      %scan3A_3052 = arith.constant 1 : i32
      %scan3A_3053:24 = scf.for %scan3A_3980 = %scan3A_3049 to %scan3A_3051 step %scan3A_3052 iter_args(%scan3A_3981 = %broadcast_in_dim3A_3002, %scan3A_3982 = %broadcast_in_dim3A_3004, %scan3A_3983 = %broadcast_in_dim3A_3006, %scan3A_3984 = %broadcast_in_dim3A_3008, %scan3A_3985 = %broadcast_in_dim3A_3010, %scan3A_3986 = %broadcast_in_dim3A_3012, %scan3A_3987 = %broadcast_in_dim3A_3014, %scan3A_3988 = %broadcast_in_dim3A_3016, %scan3A_3989 = %broadcast_in_dim3A_3018, %scan3A_3990 = %broadcast_in_dim3A_3020, %scan3A_3991 = %broadcast_in_dim3A_3022, %scan3A_3992 = %broadcast_in_dim3A_3024, %scan3A_3993 = %broadcast_in_dim3A_3026, %scan3A_3994 = %broadcast_in_dim3A_3028, %scan3A_3995 = %broadcast_in_dim3A_3030, %scan3A_3996 = %broadcast_in_dim3A_3032, %scan3A_3997 = %broadcast_in_dim3A_3034, %scan3A_3998 = %broadcast_in_dim3A_3036, %scan3A_3999 = %broadcast_in_dim3A_3038, %scan3A_4000 = %broadcast_in_dim3A_3040, %scan3A_4001 = %broadcast_in_dim3A_3042, %scan3A_4002 = %broadcast_in_dim3A_3044, %scan3A_4003 = %broadcast_in_dim3A_3046, %scan3A_4004 = %broadcast_in_dim3A_3048) -> (vector<16xf32>, vector<16xf32>, vector<16xf32>, vector<16xf32>, vector<16xf32>, vector<16xf32>, vector<16xf32>, vector<16xf32>, vector<16xf32>, vector<16xf32>, vector<16xf32>, vector<16xf32>, vector<16xf32>, vector<16xf32>, vector<16xf32>, vector<16xf32>, vector<16xf32>, vector<16xf32>, vector<16xf32>, vector<16xf32>, vector<16xf32>, vector<16xf32>, vector<16xf32>, vector<16xf32>)  : i32 {
        %mul3A_4005 = arith.constant 16 : i32
        %mul3A_4006 = arith.muli %scan3A_3980, %mul3A_4005 : i32
        %get3A = arith.constant 0 : i32
        %get3A_4007 = arith.index_cast %get3A : i32 to index
        %get3A_4008 = arith.index_cast %mul3A_4006 : i32 to index
        %get3A_4009 = tpu.vector_load %arg6[%get3A_4007, %get3A_4008] {strides = array<i32>} : memref<6x4096xf32, #tpu.memory_space<vmem>>, vector<1x16xf32>,
        %get3A_4010 = vector.shape_cast %get3A_4009 : vector<1x16xf32> to vector<16xf32>
        %get3A_4011 = arith.constant 1 : i32
        %get3A_4012 = arith.index_cast %get3A_4011 : i32 to index
        %get3A_4013 = arith.index_cast %mul3A_4006 : i32 to index
        %get3A_4014 = tpu.vector_load %arg6[%get3A_4012, %get3A_4013] {strides = array<i32>} : memref<6x4096xf32, #tpu.memory_space<vmem>>, vector<1x16xf32>,
        %get3A_4015 = vector.shape_cast %get3A_4014 : vector<1x16xf32> to vector<16xf32>
        %get3A_4016 = arith.constant 2 : i32
        %get3A_4017 = arith.index_cast %get3A_4016 : i32 to index
        %get3A_4018 = arith.index_cast %mul3A_4006 : i32 to index
        %get3A_4019 = tpu.vector_load %arg6[%get3A_4017, %get3A_4018] {strides = array<i32>} : memref<6x4096xf32, #tpu.memory_space<vmem>>, vector<1x16xf32>,
        %get3A_4020 = vector.shape_cast %get3A_4019 : vector<1x16xf32> to vector<16xf32>
        %get3A_4021 = arith.constant 3 : i32
        %get3A_4022 = arith.index_cast %get3A_4021 : i32 to index
        %get3A_4023 = arith.index_cast %mul3A_4006 : i32 to index
        %get3A_4024 = tpu.vector_load %arg6[%get3A_4022, %get3A_4023] {strides = array<i32>} : memref<6x4096xf32, #tpu.memory_space<vmem>>, vector<1x16xf32>,
        %get3A_4025 = vector.shape_cast %get3A_4024 : vector<1x16xf32> to vector<16xf32>
        %get3A_4026 = arith.constant 4 : i32
        %get3A_4027 = arith.index_cast %get3A_4026 : i32 to index
        %get3A_4028 = arith.index_cast %mul3A_4006 : i32 to index
        %get3A_4029 = tpu.vector_load %arg6[%get3A_4027, %get3A_4028] {strides = array<i32>} : memref<6x4096xf32, #tpu.memory_space<vmem>>, vector<1x16xf32>,
        %get3A_4030 = vector.shape_cast %get3A_4029 : vector<1x16xf32> to vector<16xf32>
        %get3A_4031 = arith.constant 5 : i32
        %get3A_4032 = arith.index_cast %get3A_4031 : i32 to index
        %get3A_4033 = arith.index_cast %mul3A_4006 : i32 to index
        %get3A_4034 = tpu.vector_load %arg6[%get3A_4032, %get3A_4033] {strides = array<i32>} : memref<6x4096xf32, #tpu.memory_space<vmem>>, vector<1x16xf32>,
        %get3A_4035 = vector.shape_cast %get3A_4034 : vector<1x16xf32> to vector<16xf32>
        %get3A_4036 = arith.constant 1 : i32
        %get3A_4037 = arith.constant 4 : i32
        %get3A_4038 = arith.index_cast %get3A_4036 : i32 to index
        %get3A_4039 = arith.index_cast %get3A_4037 : i32 to index
        %get3A_4040 = arith.index_cast %mul3A_4006 : i32 to index
        %get3A_4041 = tpu.vector_load %arg7[%get3A_4038, %get3A_4039, %get3A_4040] {strides = array<i32>} : memref<2x8x4096xf32, #tpu.memory_space<vmem>>, vector<1x1x16xf32>,
        %get3A_4042 = vector.shape_cast %get3A_4041 : vector<1x1x16xf32> to vector<16xf32>
        %bitcast_convert_type3A = tpu.bitcast %get3A_4042 : vector<16xf32> -> vector<16xi32>
        %shift_right_logical3A = arith.constant 16 : i32
        %shift_right_logical3A_4043 = vector.broadcast %shift_right_logical3A : i32 to vector<16xi32>
        %shift_right_logical3A_4044 = arith.shrui %bitcast_convert_type3A, %shift_right_logical3A_4043 : vector<16xi32>
        %and3A = arith.constant 1 : i32
        %and3A_4045 = vector.broadcast %and3A : i32 to vector<16xi32>
        %and3A_4046 = arith.andi %shift_right_logical3A_4044, %and3A_4045 : vector<16xi32>
        %add3A_4047 = arith.constant 32767 : i32
        %add3A_4048 = vector.broadcast %add3A_4047 : i32 to vector<16xi32>
        %add3A_4049 = arith.addi %bitcast_convert_type3A, %add3A_4048 : vector<16xi32>
        %add3A_4050 = arith.addi %add3A_4049, %and3A_4046 : vector<16xi32>
        %and3A_4051 = arith.constant -65536 : i32
        %and3A_4052 = vector.broadcast %and3A_4051 : i32 to vector<16xi32>
        %and3A_4053 = arith.andi %add3A_4050, %and3A_4052 : vector<16xi32>
        %bitcast_convert_type3A_4054 = tpu.bitcast %and3A_4053 : vector<16xi32> -> vector<16xf32>
        %mul3A_4055 = arith.mulf %bitcast_convert_type3A_4054, %get3A_4010 : vector<16xf32>
        %add3A_4056 = arith.addf %scan3A_3981, %mul3A_4055 : vector<16xf32>
        %mul3A_4057 = arith.mulf %bitcast_convert_type3A_4054, %get3A_4015 : vector<16xf32>
        %add3A_4058 = arith.addf %scan3A_3982, %mul3A_4057 : vector<16xf32>
        %mul3A_4059 = arith.mulf %bitcast_convert_type3A_4054, %get3A_4020 : vector<16xf32>
        %add3A_4060 = arith.addf %scan3A_3983, %mul3A_4059 : vector<16xf32>
        %mul3A_4061 = arith.mulf %bitcast_convert_type3A_4054, %get3A_4025 : vector<16xf32>
        %add3A_4062 = arith.addf %scan3A_3984, %mul3A_4061 : vector<16xf32>
        %mul3A_4063 = arith.mulf %bitcast_convert_type3A_4054, %get3A_4030 : vector<16xf32>
        %add3A_4064 = arith.addf %scan3A_3985, %mul3A_4063 : vector<16xf32>
        %mul3A_4065 = arith.mulf %bitcast_convert_type3A_4054, %get3A_4035 : vector<16xf32>
        %add3A_4066 = arith.addf %scan3A_3986, %mul3A_4065 : vector<16xf32>
        %get3A_4067 = arith.constant 1 : i32
        %get3A_4068 = arith.constant 5 : i32
        %get3A_4069 = arith.index_cast %get3A_4067 : i32 to index
        %get3A_4070 = arith.index_cast %get3A_4068 : i32 to index
        %get3A_4071 = arith.index_cast %mul3A_4006 : i32 to index
        %get3A_4072 = tpu.vector_load %arg7[%get3A_4069, %get3A_4070, %get3A_4071] {strides = array<i32>} : memref<2x8x4096xf32, #tpu.memory_space<vmem>>, vector<1x1x16xf32>,
        %get3A_4073 = vector.shape_cast %get3A_4072 : vector<1x1x16xf32> to vector<16xf32>
        %bitcast_convert_type3A_4074 = tpu.bitcast %get3A_4073 : vector<16xf32> -> vector<16xi32>
        %shift_right_logical3A_4075 = arith.constant 16 : i32
        %shift_right_logical3A_4076 = vector.broadcast %shift_right_logical3A_4075 : i32 to vector<16xi32>
        %shift_right_logical3A_4077 = arith.shrui %bitcast_convert_type3A_4074, %shift_right_logical3A_4076 : vector<16xi32>
        %and3A_4078 = arith.constant 1 : i32
        %and3A_4079 = vector.broadcast %and3A_4078 : i32 to vector<16xi32>
        %and3A_4080 = arith.andi %shift_right_logical3A_4077, %and3A_4079 : vector<16xi32>
        %add3A_4081 = arith.constant 32767 : i32
        %add3A_4082 = vector.broadcast %add3A_4081 : i32 to vector<16xi32>
        %add3A_4083 = arith.addi %bitcast_convert_type3A_4074, %add3A_4082 : vector<16xi32>
        %add3A_4084 = arith.addi %add3A_4083, %and3A_4080 : vector<16xi32>
        %and3A_4085 = arith.constant -65536 : i32
        %and3A_4086 = vector.broadcast %and3A_4085 : i32 to vector<16xi32>
        %and3A_4087 = arith.andi %add3A_4084, %and3A_4086 : vector<16xi32>
        %bitcast_convert_type3A_4088 = tpu.bitcast %and3A_4087 : vector<16xi32> -> vector<16xf32>
        %mul3A_4089 = arith.mulf %bitcast_convert_type3A_4088, %get3A_4010 : vector<16xf32>
        %add3A_4090 = arith.addf %scan3A_3987, %mul3A_4089 : vector<16xf32>
        %mul3A_4091 = arith.mulf %bitcast_convert_type3A_4088, %get3A_4015 : vector<16xf32>
        %add3A_4092 = arith.addf %scan3A_3988, %mul3A_4091 : vector<16xf32>
        %mul3A_4093 = arith.mulf %bitcast_convert_type3A_4088, %get3A_4020 : vector<16xf32>
        %add3A_4094 = arith.addf %scan3A_3989, %mul3A_4093 : vector<16xf32>
        %mul3A_4095 = arith.mulf %bitcast_convert_type3A_4088, %get3A_4025 : vector<16xf32>
        %add3A_4096 = arith.addf %scan3A_3990, %mul3A_4095 : vector<16xf32>
        %mul3A_4097 = arith.mulf %bitcast_convert_type3A_4088, %get3A_4030 : vector<16xf32>
        %add3A_4098 = arith.addf %scan3A_3991, %mul3A_4097 : vector<16xf32>
        %mul3A_4099 = arith.mulf %bitcast_convert_type3A_4088, %get3A_4035 : vector<16xf32>
        %add3A_4100 = arith.addf %scan3A_3992, %mul3A_4099 : vector<16xf32>
        %get3A_4101 = arith.constant 1 : i32
        %get3A_4102 = arith.constant 6 : i32
        %get3A_4103 = arith.index_cast %get3A_4101 : i32 to index
        %get3A_4104 = arith.index_cast %get3A_4102 : i32 to index
        %get3A_4105 = arith.index_cast %mul3A_4006 : i32 to index
        %get3A_4106 = tpu.vector_load %arg7[%get3A_4103, %get3A_4104, %get3A_4105] {strides = array<i32>} : memref<2x8x4096xf32, #tpu.memory_space<vmem>>, vector<1x1x16xf32>,
        %get3A_4107 = vector.shape_cast %get3A_4106 : vector<1x1x16xf32> to vector<16xf32>
        %bitcast_convert_type3A_4108 = tpu.bitcast %get3A_4107 : vector<16xf32> -> vector<16xi32>
        %shift_right_logical3A_4109 = arith.constant 16 : i32
        %shift_right_logical3A_4110 = vector.broadcast %shift_right_logical3A_4109 : i32 to vector<16xi32>
        %shift_right_logical3A_4111 = arith.shrui %bitcast_convert_type3A_4108, %shift_right_logical3A_4110 : vector<16xi32>
        %and3A_4112 = arith.constant 1 : i32
        %and3A_4113 = vector.broadcast %and3A_4112 : i32 to vector<16xi32>
        %and3A_4114 = arith.andi %shift_right_logical3A_4111, %and3A_4113 : vector<16xi32>
        %add3A_4115 = arith.constant 32767 : i32
        %add3A_4116 = vector.broadcast %add3A_4115 : i32 to vector<16xi32>
        %add3A_4117 = arith.addi %bitcast_convert_type3A_4108, %add3A_4116 : vector<16xi32>
        %add3A_4118 = arith.addi %add3A_4117, %and3A_4114 : vector<16xi32>
        %and3A_4119 = arith.constant -65536 : i32
        %and3A_4120 = vector.broadcast %and3A_4119 : i32 to vector<16xi32>
        %and3A_4121 = arith.andi %add3A_4118, %and3A_4120 : vector<16xi32>
        %bitcast_convert_type3A_4122 = tpu.bitcast %and3A_4121 : vector<16xi32> -> vector<16xf32>
        %mul3A_4123 = arith.mulf %bitcast_convert_type3A_4122, %get3A_4010 : vector<16xf32>
        %add3A_4124 = arith.addf %scan3A_3993, %mul3A_4123 : vector<16xf32>
        %mul3A_4125 = arith.mulf %bitcast_convert_type3A_4122, %get3A_4015 : vector<16xf32>
        %add3A_4126 = arith.addf %scan3A_3994, %mul3A_4125 : vector<16xf32>
        %mul3A_4127 = arith.mulf %bitcast_convert_type3A_4122, %get3A_4020 : vector<16xf32>
        %add3A_4128 = arith.addf %scan3A_3995, %mul3A_4127 : vector<16xf32>
        %mul3A_4129 = arith.mulf %bitcast_convert_type3A_4122, %get3A_4025 : vector<16xf32>
        %add3A_4130 = arith.addf %scan3A_3996, %mul3A_4129 : vector<16xf32>
        %mul3A_4131 = arith.mulf %bitcast_convert_type3A_4122, %get3A_4030 : vector<16xf32>
        %add3A_4132 = arith.addf %scan3A_3997, %mul3A_4131 : vector<16xf32>
        %mul3A_4133 = arith.mulf %bitcast_convert_type3A_4122, %get3A_4035 : vector<16xf32>
        %add3A_4134 = arith.addf %scan3A_3998, %mul3A_4133 : vector<16xf32>
        %get3A_4135 = arith.constant 1 : i32
        %get3A_4136 = arith.constant 7 : i32
        %get3A_4137 = arith.index_cast %get3A_4135 : i32 to index
        %get3A_4138 = arith.index_cast %get3A_4136 : i32 to index
        %get3A_4139 = arith.index_cast %mul3A_4006 : i32 to index
        %get3A_4140 = tpu.vector_load %arg7[%get3A_4137, %get3A_4138, %get3A_4139] {strides = array<i32>} : memref<2x8x4096xf32, #tpu.memory_space<vmem>>, vector<1x1x16xf32>,
        %get3A_4141 = vector.shape_cast %get3A_4140 : vector<1x1x16xf32> to vector<16xf32>
        %bitcast_convert_type3A_4142 = tpu.bitcast %get3A_4141 : vector<16xf32> -> vector<16xi32>
        %shift_right_logical3A_4143 = arith.constant 16 : i32
        %shift_right_logical3A_4144 = vector.broadcast %shift_right_logical3A_4143 : i32 to vector<16xi32>
        %shift_right_logical3A_4145 = arith.shrui %bitcast_convert_type3A_4142, %shift_right_logical3A_4144 : vector<16xi32>
        %and3A_4146 = arith.constant 1 : i32
        %and3A_4147 = vector.broadcast %and3A_4146 : i32 to vector<16xi32>
        %and3A_4148 = arith.andi %shift_right_logical3A_4145, %and3A_4147 : vector<16xi32>
        %add3A_4149 = arith.constant 32767 : i32
        %add3A_4150 = vector.broadcast %add3A_4149 : i32 to vector<16xi32>
        %add3A_4151 = arith.addi %bitcast_convert_type3A_4142, %add3A_4150 : vector<16xi32>
        %add3A_4152 = arith.addi %add3A_4151, %and3A_4148 : vector<16xi32>
        %and3A_4153 = arith.constant -65536 : i32
        %and3A_4154 = vector.broadcast %and3A_4153 : i32 to vector<16xi32>
        %and3A_4155 = arith.andi %add3A_4152, %and3A_4154 : vector<16xi32>
        %bitcast_convert_type3A_4156 = tpu.bitcast %and3A_4155 : vector<16xi32> -> vector<16xf32>
        %mul3A_4157 = arith.mulf %bitcast_convert_type3A_4156, %get3A_4010 : vector<16xf32>
        %add3A_4158 = arith.addf %scan3A_3999, %mul3A_4157 : vector<16xf32>
        %mul3A_4159 = arith.mulf %bitcast_convert_type3A_4156, %get3A_4015 : vector<16xf32>
        %add3A_4160 = arith.addf %scan3A_4000, %mul3A_4159 : vector<16xf32>
        %mul3A_4161 = arith.mulf %bitcast_convert_type3A_4156, %get3A_4020 : vector<16xf32>
        %add3A_4162 = arith.addf %scan3A_4001, %mul3A_4161 : vector<16xf32>
        %mul3A_4163 = arith.mulf %bitcast_convert_type3A_4156, %get3A_4025 : vector<16xf32>
        %add3A_4164 = arith.addf %scan3A_4002, %mul3A_4163 : vector<16xf32>
        %mul3A_4165 = arith.mulf %bitcast_convert_type3A_4156, %get3A_4030 : vector<16xf32>
        %add3A_4166 = arith.addf %scan3A_4003, %mul3A_4165 : vector<16xf32>
        %mul3A_4167 = arith.mulf %bitcast_convert_type3A_4156, %get3A_4035 : vector<16xf32>
        %add3A_4168 = arith.addf %scan3A_4004, %mul3A_4167 : vector<16xf32>
        scf.yield %add3A_4056, %add3A_4058, %add3A_4060, %add3A_4062, %add3A_4064, %add3A_4066, %add3A_4090, %add3A_4092, %add3A_4094, %add3A_4096, %add3A_4098, %add3A_4100, %add3A_4124, %add3A_4126, %add3A_4128, %add3A_4130, %add3A_4132, %add3A_4134, %add3A_4158, %add3A_4160, %add3A_4162, %add3A_4164, %add3A_4166, %add3A_4168 : vector<16xf32>, vector<16xf32>, vector<16xf32>, vector<16xf32>, vector<16xf32>, vector<16xf32>, vector<16xf32>, vector<16xf32>, vector<16xf32>, vector<16xf32>, vector<16xf32>, vector<16xf32>, vector<16xf32>, vector<16xf32>, vector<16xf32>, vector<16xf32>, vector<16xf32>, vector<16xf32>, vector<16xf32>, vector<16xf32>, vector<16xf32>, vector<16xf32>, vector<16xf32>, vector<16xf32>
      }
      %scan3A_3054 = arith.constant 256 : i32
      %broadcast_in_dim3A_3055 = arith.constant 0.000000e+00 : f32
      %broadcast_in_dim3A_3056 = vector.broadcast %broadcast_in_dim3A_3055 : f32 to vector<16xf32>
      %xor3A_3057 = arith.constant 8 : i32
      %xor3A_3058 = vector.broadcast %xor3A_3057 : i32 to vector<16xi32>
      %xor3A_3059 = arith.xori %iota3A, %xor3A_3058 : vector<16xi32>
      %broadcast_in_dim3A_3060 = vector.shape_cast %xor3A_3059 : vector<16xi32> to vector<16x1xi32>
      %gather3A_3061 = vector.shape_cast %broadcast_in_dim3A_3060 : vector<16x1xi32> to vector<16xi32>
      %gather3A_3062 = tpu.dynamic_gather %scan3A_3053#0[%gather3A_3061] in [0] : vector<16xf32>, vector<16xi32> -> vector<16xf32>
      %add3A_3063 = arith.addf %scan3A_3053#0, %gather3A_3062 : vector<16xf32>
      %xor3A_3064 = arith.constant 4 : i32
      %xor3A_3065 = vector.broadcast %xor3A_3064 : i32 to vector<16xi32>
      %xor3A_3066 = arith.xori %iota3A, %xor3A_3065 : vector<16xi32>
      %broadcast_in_dim3A_3067 = vector.shape_cast %xor3A_3066 : vector<16xi32> to vector<16x1xi32>
      %gather3A_3068 = vector.shape_cast %broadcast_in_dim3A_3067 : vector<16x1xi32> to vector<16xi32>
      %gather3A_3069 = tpu.dynamic_gather %add3A_3063[%gather3A_3068] in [0] : vector<16xf32>, vector<16xi32> -> vector<16xf32>
      %add3A_3070 = arith.addf %add3A_3063, %gather3A_3069 : vector<16xf32>
      %xor3A_3071 = arith.constant 2 : i32
      %xor3A_3072 = vector.broadcast %xor3A_3071 : i32 to vector<16xi32>
      %xor3A_3073 = arith.xori %iota3A, %xor3A_3072 : vector<16xi32>
      %broadcast_in_dim3A_3074 = vector.shape_cast %xor3A_3073 : vector<16xi32> to vector<16x1xi32>
      %gather3A_3075 = vector.shape_cast %broadcast_in_dim3A_3074 : vector<16x1xi32> to vector<16xi32>
      %gather3A_3076 = tpu.dynamic_gather %add3A_3070[%gather3A_3075] in [0] : vector<16xf32>, vector<16xi32> -> vector<16xf32>
      %add3A_3077 = arith.addf %add3A_3070, %gather3A_3076 : vector<16xf32>
      %xor3A_3078 = arith.constant 1 : i32
      %xor3A_3079 = vector.broadcast %xor3A_3078 : i32 to vector<16xi32>
      %xor3A_3080 = arith.xori %iota3A, %xor3A_3079 : vector<16xi32>
      %broadcast_in_dim3A_3081 = vector.shape_cast %xor3A_3080 : vector<16xi32> to vector<16x1xi32>
      %gather3A_3082 = vector.shape_cast %broadcast_in_dim3A_3081 : vector<16x1xi32> to vector<16xi32>
      %gather3A_3083 = tpu.dynamic_gather %add3A_3077[%gather3A_3082] in [0] : vector<16xf32>, vector<16xi32> -> vector<16xf32>
      %add3A_3084 = arith.addf %add3A_3077, %gather3A_3083 : vector<16xf32>
      %gt3A_3085 = arith.constant 0.000000e+00 : f32
      %gt3A_3086 = vector.broadcast %gt3A_3085 : f32 to vector<16xf32>
      %gt3A_3087 = arith.cmpf ogt, %add3A_3084, %gt3A_3086 : vector<16xf32>
      %jit3A_3088 = arith.constant 3.200000e+01 : f32
      %jit3A_3089 = arith.constant 0.000000e+00 : f32
      %broadcast_in_dim3A_3090 = vector.broadcast %jit3A_3088 : f32 to vector<16xf32>
      %broadcast_in_dim3A_3091 = vector.broadcast %jit3A_3089 : f32 to vector<16xf32>
      %select_n3A_3092 = arith.select %gt3A_3087, %broadcast_in_dim3A_3090, %broadcast_in_dim3A_3091 : vector<16xi1>, vector<16xf32>
      %add3A_3093 = arith.addf %broadcast_in_dim3A_3056, %select_n3A_3092 : vector<16xf32>
      %xor3A_3094 = arith.constant 8 : i32
      %xor3A_3095 = vector.broadcast %xor3A_3094 : i32 to vector<16xi32>
      %xor3A_3096 = arith.xori %iota3A, %xor3A_3095 : vector<16xi32>
      %broadcast_in_dim3A_3097 = vector.shape_cast %xor3A_3096 : vector<16xi32> to vector<16x1xi32>
      %gather3A_3098 = vector.shape_cast %broadcast_in_dim3A_3097 : vector<16x1xi32> to vector<16xi32>
      %gather3A_3099 = tpu.dynamic_gather %scan3A_3053#1[%gather3A_3098] in [0] : vector<16xf32>, vector<16xi32> -> vector<16xf32>
      %add3A_3100 = arith.addf %scan3A_3053#1, %gather3A_3099 : vector<16xf32>
      %xor3A_3101 = arith.constant 4 : i32
      %xor3A_3102 = vector.broadcast %xor3A_3101 : i32 to vector<16xi32>
      %xor3A_3103 = arith.xori %iota3A, %xor3A_3102 : vector<16xi32>
      %broadcast_in_dim3A_3104 = vector.shape_cast %xor3A_3103 : vector<16xi32> to vector<16x1xi32>
      %gather3A_3105 = vector.shape_cast %broadcast_in_dim3A_3104 : vector<16x1xi32> to vector<16xi32>
      %gather3A_3106 = tpu.dynamic_gather %add3A_3100[%gather3A_3105] in [0] : vector<16xf32>, vector<16xi32> -> vector<16xf32>
      %add3A_3107 = arith.addf %add3A_3100, %gather3A_3106 : vector<16xf32>
      %xor3A_3108 = arith.constant 2 : i32
      %xor3A_3109 = vector.broadcast %xor3A_3108 : i32 to vector<16xi32>
      %xor3A_3110 = arith.xori %iota3A, %xor3A_3109 : vector<16xi32>
      %broadcast_in_dim3A_3111 = vector.shape_cast %xor3A_3110 : vector<16xi32> to vector<16x1xi32>
      %gather3A_3112 = vector.shape_cast %broadcast_in_dim3A_3111 : vector<16x1xi32> to vector<16xi32>
      %gather3A_3113 = tpu.dynamic_gather %add3A_3107[%gather3A_3112] in [0] : vector<16xf32>, vector<16xi32> -> vector<16xf32>
      %add3A_3114 = arith.addf %add3A_3107, %gather3A_3113 : vector<16xf32>
      %xor3A_3115 = arith.constant 1 : i32
      %xor3A_3116 = vector.broadcast %xor3A_3115 : i32 to vector<16xi32>
      %xor3A_3117 = arith.xori %iota3A, %xor3A_3116 : vector<16xi32>
      %broadcast_in_dim3A_3118 = vector.shape_cast %xor3A_3117 : vector<16xi32> to vector<16x1xi32>
      %gather3A_3119 = vector.shape_cast %broadcast_in_dim3A_3118 : vector<16x1xi32> to vector<16xi32>
      %gather3A_3120 = tpu.dynamic_gather %add3A_3114[%gather3A_3119] in [0] : vector<16xf32>, vector<16xi32> -> vector<16xf32>
      %add3A_3121 = arith.addf %add3A_3114, %gather3A_3120 : vector<16xf32>
      %gt3A_3122 = arith.constant 0.000000e+00 : f32
      %gt3A_3123 = vector.broadcast %gt3A_3122 : f32 to vector<16xf32>
      %gt3A_3124 = arith.cmpf ogt, %add3A_3121, %gt3A_3123 : vector<16xf32>
      %jit3A_3125 = arith.constant 1.600000e+01 : f32
      %jit3A_3126 = arith.constant 0.000000e+00 : f32
      %broadcast_in_dim3A_3127 = vector.broadcast %jit3A_3125 : f32 to vector<16xf32>
      %broadcast_in_dim3A_3128 = vector.broadcast %jit3A_3126 : f32 to vector<16xf32>
      %select_n3A_3129 = arith.select %gt3A_3124, %broadcast_in_dim3A_3127, %broadcast_in_dim3A_3128 : vector<16xi1>, vector<16xf32>
      %add3A_3130 = arith.addf %add3A_3093, %select_n3A_3129 : vector<16xf32>
      %xor3A_3131 = arith.constant 8 : i32
      %xor3A_3132 = vector.broadcast %xor3A_3131 : i32 to vector<16xi32>
      %xor3A_3133 = arith.xori %iota3A, %xor3A_3132 : vector<16xi32>
      %broadcast_in_dim3A_3134 = vector.shape_cast %xor3A_3133 : vector<16xi32> to vector<16x1xi32>
      %gather3A_3135 = vector.shape_cast %broadcast_in_dim3A_3134 : vector<16x1xi32> to vector<16xi32>
      %gather3A_3136 = tpu.dynamic_gather %scan3A_3053#2[%gather3A_3135] in [0] : vector<16xf32>, vector<16xi32> -> vector<16xf32>
      %add3A_3137 = arith.addf %scan3A_3053#2, %gather3A_3136 : vector<16xf32>
      %xor3A_3138 = arith.constant 4 : i32
      %xor3A_3139 = vector.broadcast %xor3A_3138 : i32 to vector<16xi32>
      %xor3A_3140 = arith.xori %iota3A, %xor3A_3139 : vector<16xi32>
      %broadcast_in_dim3A_3141 = vector.shape_cast %xor3A_3140 : vector<16xi32> to vector<16x1xi32>
      %gather3A_3142 = vector.shape_cast %broadcast_in_dim3A_3141 : vector<16x1xi32> to vector<16xi32>
      %gather3A_3143 = tpu.dynamic_gather %add3A_3137[%gather3A_3142] in [0] : vector<16xf32>, vector<16xi32> -> vector<16xf32>
      %add3A_3144 = arith.addf %add3A_3137, %gather3A_3143 : vector<16xf32>
      %xor3A_3145 = arith.constant 2 : i32
      %xor3A_3146 = vector.broadcast %xor3A_3145 : i32 to vector<16xi32>
      %xor3A_3147 = arith.xori %iota3A, %xor3A_3146 : vector<16xi32>
      %broadcast_in_dim3A_3148 = vector.shape_cast %xor3A_3147 : vector<16xi32> to vector<16x1xi32>
      %gather3A_3149 = vector.shape_cast %broadcast_in_dim3A_3148 : vector<16x1xi32> to vector<16xi32>
      %gather3A_3150 = tpu.dynamic_gather %add3A_3144[%gather3A_3149] in [0] : vector<16xf32>, vector<16xi32> -> vector<16xf32>
      %add3A_3151 = arith.addf %add3A_3144, %gather3A_3150 : vector<16xf32>
      %xor3A_3152 = arith.constant 1 : i32
      %xor3A_3153 = vector.broadcast %xor3A_3152 : i32 to vector<16xi32>
      %xor3A_3154 = arith.xori %iota3A, %xor3A_3153 : vector<16xi32>
      %broadcast_in_dim3A_3155 = vector.shape_cast %xor3A_3154 : vector<16xi32> to vector<16x1xi32>
      %gather3A_3156 = vector.shape_cast %broadcast_in_dim3A_3155 : vector<16x1xi32> to vector<16xi32>
      %gather3A_3157 = tpu.dynamic_gather %add3A_3151[%gather3A_3156] in [0] : vector<16xf32>, vector<16xi32> -> vector<16xf32>
      %add3A_3158 = arith.addf %add3A_3151, %gather3A_3157 : vector<16xf32>
      %gt3A_3159 = arith.constant 0.000000e+00 : f32
      %gt3A_3160 = vector.broadcast %gt3A_3159 : f32 to vector<16xf32>
      %gt3A_3161 = arith.cmpf ogt, %add3A_3158, %gt3A_3160 : vector<16xf32>
      %jit3A_3162 = arith.constant 8.000000e+00 : f32
      %jit3A_3163 = arith.constant 0.000000e+00 : f32
      %broadcast_in_dim3A_3164 = vector.broadcast %jit3A_3162 : f32 to vector<16xf32>
      %broadcast_in_dim3A_3165 = vector.broadcast %jit3A_3163 : f32 to vector<16xf32>
      %select_n3A_3166 = arith.select %gt3A_3161, %broadcast_in_dim3A_3164, %broadcast_in_dim3A_3165 : vector<16xi1>, vector<16xf32>
      %add3A_3167 = arith.addf %add3A_3130, %select_n3A_3166 : vector<16xf32>
      %xor3A_3168 = arith.constant 8 : i32
      %xor3A_3169 = vector.broadcast %xor3A_3168 : i32 to vector<16xi32>
      %xor3A_3170 = arith.xori %iota3A, %xor3A_3169 : vector<16xi32>
      %broadcast_in_dim3A_3171 = vector.shape_cast %xor3A_3170 : vector<16xi32> to vector<16x1xi32>
      %gather3A_3172 = vector.shape_cast %broadcast_in_dim3A_3171 : vector<16x1xi32> to vector<16xi32>
      %gather3A_3173 = tpu.dynamic_gather %scan3A_3053#3[%gather3A_3172] in [0] : vector<16xf32>, vector<16xi32> -> vector<16xf32>
      %add3A_3174 = arith.addf %scan3A_3053#3, %gather3A_3173 : vector<16xf32>
      %xor3A_3175 = arith.constant 4 : i32
      %xor3A_3176 = vector.broadcast %xor3A_3175 : i32 to vector<16xi32>
      %xor3A_3177 = arith.xori %iota3A, %xor3A_3176 : vector<16xi32>
      %broadcast_in_dim3A_3178 = vector.shape_cast %xor3A_3177 : vector<16xi32> to vector<16x1xi32>
      %gather3A_3179 = vector.shape_cast %broadcast_in_dim3A_3178 : vector<16x1xi32> to vector<16xi32>
      %gather3A_3180 = tpu.dynamic_gather %add3A_3174[%gather3A_3179] in [0] : vector<16xf32>, vector<16xi32> -> vector<16xf32>
      %add3A_3181 = arith.addf %add3A_3174, %gather3A_3180 : vector<16xf32>
      %xor3A_3182 = arith.constant 2 : i32
      %xor3A_3183 = vector.broadcast %xor3A_3182 : i32 to vector<16xi32>
      %xor3A_3184 = arith.xori %iota3A, %xor3A_3183 : vector<16xi32>
      %broadcast_in_dim3A_3185 = vector.shape_cast %xor3A_3184 : vector<16xi32> to vector<16x1xi32>
      %gather3A_3186 = vector.shape_cast %broadcast_in_dim3A_3185 : vector<16x1xi32> to vector<16xi32>
      %gather3A_3187 = tpu.dynamic_gather %add3A_3181[%gather3A_3186] in [0] : vector<16xf32>, vector<16xi32> -> vector<16xf32>
      %add3A_3188 = arith.addf %add3A_3181, %gather3A_3187 : vector<16xf32>
      %xor3A_3189 = arith.constant 1 : i32
      %xor3A_3190 = vector.broadcast %xor3A_3189 : i32 to vector<16xi32>
      %xor3A_3191 = arith.xori %iota3A, %xor3A_3190 : vector<16xi32>
      %broadcast_in_dim3A_3192 = vector.shape_cast %xor3A_3191 : vector<16xi32> to vector<16x1xi32>
      %gather3A_3193 = vector.shape_cast %broadcast_in_dim3A_3192 : vector<16x1xi32> to vector<16xi32>
      %gather3A_3194 = tpu.dynamic_gather %add3A_3188[%gather3A_3193] in [0] : vector<16xf32>, vector<16xi32> -> vector<16xf32>
      %add3A_3195 = arith.addf %add3A_3188, %gather3A_3194 : vector<16xf32>
      %gt3A_3196 = arith.constant 0.000000e+00 : f32
      %gt3A_3197 = vector.broadcast %gt3A_3196 : f32 to vector<16xf32>
      %gt3A_3198 = arith.cmpf ogt, %add3A_3195, %gt3A_3197 : vector<16xf32>
      %jit3A_3199 = arith.constant 4.000000e+00 : f32
      %jit3A_3200 = arith.constant 0.000000e+00 : f32
      %broadcast_in_dim3A_3201 = vector.broadcast %jit3A_3199 : f32 to vector<16xf32>
      %broadcast_in_dim3A_3202 = vector.broadcast %jit3A_3200 : f32 to vector<16xf32>
      %select_n3A_3203 = arith.select %gt3A_3198, %broadcast_in_dim3A_3201, %broadcast_in_dim3A_3202 : vector<16xi1>, vector<16xf32>
      %add3A_3204 = arith.addf %add3A_3167, %select_n3A_3203 : vector<16xf32>
      %xor3A_3205 = arith.constant 8 : i32
      %xor3A_3206 = vector.broadcast %xor3A_3205 : i32 to vector<16xi32>
      %xor3A_3207 = arith.xori %iota3A, %xor3A_3206 : vector<16xi32>
      %broadcast_in_dim3A_3208 = vector.shape_cast %xor3A_3207 : vector<16xi32> to vector<16x1xi32>
      %gather3A_3209 = vector.shape_cast %broadcast_in_dim3A_3208 : vector<16x1xi32> to vector<16xi32>
      %gather3A_3210 = tpu.dynamic_gather %scan3A_3053#4[%gather3A_3209] in [0] : vector<16xf32>, vector<16xi32> -> vector<16xf32>
      %add3A_3211 = arith.addf %scan3A_3053#4, %gather3A_3210 : vector<16xf32>
      %xor3A_3212 = arith.constant 4 : i32
      %xor3A_3213 = vector.broadcast %xor3A_3212 : i32 to vector<16xi32>
      %xor3A_3214 = arith.xori %iota3A, %xor3A_3213 : vector<16xi32>
      %broadcast_in_dim3A_3215 = vector.shape_cast %xor3A_3214 : vector<16xi32> to vector<16x1xi32>
      %gather3A_3216 = vector.shape_cast %broadcast_in_dim3A_3215 : vector<16x1xi32> to vector<16xi32>
      %gather3A_3217 = tpu.dynamic_gather %add3A_3211[%gather3A_3216] in [0] : vector<16xf32>, vector<16xi32> -> vector<16xf32>
      %add3A_3218 = arith.addf %add3A_3211, %gather3A_3217 : vector<16xf32>
      %xor3A_3219 = arith.constant 2 : i32
      %xor3A_3220 = vector.broadcast %xor3A_3219 : i32 to vector<16xi32>
      %xor3A_3221 = arith.xori %iota3A, %xor3A_3220 : vector<16xi32>
      %broadcast_in_dim3A_3222 = vector.shape_cast %xor3A_3221 : vector<16xi32> to vector<16x1xi32>
      %gather3A_3223 = vector.shape_cast %broadcast_in_dim3A_3222 : vector<16x1xi32> to vector<16xi32>
      %gather3A_3224 = tpu.dynamic_gather %add3A_3218[%gather3A_3223] in [0] : vector<16xf32>, vector<16xi32> -> vector<16xf32>
      %add3A_3225 = arith.addf %add3A_3218, %gather3A_3224 : vector<16xf32>
      %xor3A_3226 = arith.constant 1 : i32
      %xor3A_3227 = vector.broadcast %xor3A_3226 : i32 to vector<16xi32>
      %xor3A_3228 = arith.xori %iota3A, %xor3A_3227 : vector<16xi32>
      %broadcast_in_dim3A_3229 = vector.shape_cast %xor3A_3228 : vector<16xi32> to vector<16x1xi32>
      %gather3A_3230 = vector.shape_cast %broadcast_in_dim3A_3229 : vector<16x1xi32> to vector<16xi32>
      %gather3A_3231 = tpu.dynamic_gather %add3A_3225[%gather3A_3230] in [0] : vector<16xf32>, vector<16xi32> -> vector<16xf32>
      %add3A_3232 = arith.addf %add3A_3225, %gather3A_3231 : vector<16xf32>
      %gt3A_3233 = arith.constant 0.000000e+00 : f32
      %gt3A_3234 = vector.broadcast %gt3A_3233 : f32 to vector<16xf32>
      %gt3A_3235 = arith.cmpf ogt, %add3A_3232, %gt3A_3234 : vector<16xf32>
      %jit3A_3236 = arith.constant 2.000000e+00 : f32
      %jit3A_3237 = arith.constant 0.000000e+00 : f32
      %broadcast_in_dim3A_3238 = vector.broadcast %jit3A_3236 : f32 to vector<16xf32>
      %broadcast_in_dim3A_3239 = vector.broadcast %jit3A_3237 : f32 to vector<16xf32>
      %select_n3A_3240 = arith.select %gt3A_3235, %broadcast_in_dim3A_3238, %broadcast_in_dim3A_3239 : vector<16xi1>, vector<16xf32>
      %add3A_3241 = arith.addf %add3A_3204, %select_n3A_3240 : vector<16xf32>
      %xor3A_3242 = arith.constant 8 : i32
      %xor3A_3243 = vector.broadcast %xor3A_3242 : i32 to vector<16xi32>
      %xor3A_3244 = arith.xori %iota3A, %xor3A_3243 : vector<16xi32>
      %broadcast_in_dim3A_3245 = vector.shape_cast %xor3A_3244 : vector<16xi32> to vector<16x1xi32>
      %gather3A_3246 = vector.shape_cast %broadcast_in_dim3A_3245 : vector<16x1xi32> to vector<16xi32>
      %gather3A_3247 = tpu.dynamic_gather %scan3A_3053#5[%gather3A_3246] in [0] : vector<16xf32>, vector<16xi32> -> vector<16xf32>
      %add3A_3248 = arith.addf %scan3A_3053#5, %gather3A_3247 : vector<16xf32>
      %xor3A_3249 = arith.constant 4 : i32
      %xor3A_3250 = vector.broadcast %xor3A_3249 : i32 to vector<16xi32>
      %xor3A_3251 = arith.xori %iota3A, %xor3A_3250 : vector<16xi32>
      %broadcast_in_dim3A_3252 = vector.shape_cast %xor3A_3251 : vector<16xi32> to vector<16x1xi32>
      %gather3A_3253 = vector.shape_cast %broadcast_in_dim3A_3252 : vector<16x1xi32> to vector<16xi32>
      %gather3A_3254 = tpu.dynamic_gather %add3A_3248[%gather3A_3253] in [0] : vector<16xf32>, vector<16xi32> -> vector<16xf32>
      %add3A_3255 = arith.addf %add3A_3248, %gather3A_3254 : vector<16xf32>
      %xor3A_3256 = arith.constant 2 : i32
      %xor3A_3257 = vector.broadcast %xor3A_3256 : i32 to vector<16xi32>
      %xor3A_3258 = arith.xori %iota3A, %xor3A_3257 : vector<16xi32>
      %broadcast_in_dim3A_3259 = vector.shape_cast %xor3A_3258 : vector<16xi32> to vector<16x1xi32>
      %gather3A_3260 = vector.shape_cast %broadcast_in_dim3A_3259 : vector<16x1xi32> to vector<16xi32>
      %gather3A_3261 = tpu.dynamic_gather %add3A_3255[%gather3A_3260] in [0] : vector<16xf32>, vector<16xi32> -> vector<16xf32>
      %add3A_3262 = arith.addf %add3A_3255, %gather3A_3261 : vector<16xf32>
      %xor3A_3263 = arith.constant 1 : i32
      %xor3A_3264 = vector.broadcast %xor3A_3263 : i32 to vector<16xi32>
      %xor3A_3265 = arith.xori %iota3A, %xor3A_3264 : vector<16xi32>
      %broadcast_in_dim3A_3266 = vector.shape_cast %xor3A_3265 : vector<16xi32> to vector<16x1xi32>
      %gather3A_3267 = vector.shape_cast %broadcast_in_dim3A_3266 : vector<16x1xi32> to vector<16xi32>
      %gather3A_3268 = tpu.dynamic_gather %add3A_3262[%gather3A_3267] in [0] : vector<16xf32>, vector<16xi32> -> vector<16xf32>
      %add3A_3269 = arith.addf %add3A_3262, %gather3A_3268 : vector<16xf32>
      %gt3A_3270 = arith.constant 0.000000e+00 : f32
      %gt3A_3271 = vector.broadcast %gt3A_3270 : f32 to vector<16xf32>
      %gt3A_3272 = arith.cmpf ogt, %add3A_3269, %gt3A_3271 : vector<16xf32>
      %jit3A_3273 = arith.constant 1.000000e+00 : f32
      %jit3A_3274 = arith.constant 0.000000e+00 : f32
      %broadcast_in_dim3A_3275 = vector.broadcast %jit3A_3273 : f32 to vector<16xf32>
      %broadcast_in_dim3A_3276 = vector.broadcast %jit3A_3274 : f32 to vector<16xf32>
      %select_n3A_3277 = arith.select %gt3A_3272, %broadcast_in_dim3A_3275, %broadcast_in_dim3A_3276 : vector<16xi1>, vector<16xf32>
      %add3A_3278 = arith.addf %add3A_3241, %select_n3A_3277 : vector<16xf32>
      %eq3A_3279 = arith.constant 12 : i32
      %eq3A_3280 = vector.broadcast %eq3A_3279 : i32 to vector<16xi32>
      %eq3A_3281 = arith.cmpi eq, %iota3A, %eq3A_3280 : vector<16xi32>
      %select_n3A_3282 = arith.select %eq3A_3281, %add3A_3278, %select_n3A_3000 : vector<16xi1>, vector<16xf32>
      %broadcast_in_dim3A_3283 = arith.constant 0.000000e+00 : f32
      %broadcast_in_dim3A_3284 = vector.broadcast %broadcast_in_dim3A_3283 : f32 to vector<16xf32>
      %xor3A_3285 = arith.constant 8 : i32
      %xor3A_3286 = vector.broadcast %xor3A_3285 : i32 to vector<16xi32>
      %xor3A_3287 = arith.xori %iota3A, %xor3A_3286 : vector<16xi32>
      %broadcast_in_dim3A_3288 = vector.shape_cast %xor3A_3287 : vector<16xi32> to vector<16x1xi32>
      %gather3A_3289 = vector.shape_cast %broadcast_in_dim3A_3288 : vector<16x1xi32> to vector<16xi32>
      %gather3A_3290 = tpu.dynamic_gather %scan3A_3053#6[%gather3A_3289] in [0] : vector<16xf32>, vector<16xi32> -> vector<16xf32>
      %add3A_3291 = arith.addf %scan3A_3053#6, %gather3A_3290 : vector<16xf32>
      %xor3A_3292 = arith.constant 4 : i32
      %xor3A_3293 = vector.broadcast %xor3A_3292 : i32 to vector<16xi32>
      %xor3A_3294 = arith.xori %iota3A, %xor3A_3293 : vector<16xi32>
      %broadcast_in_dim3A_3295 = vector.shape_cast %xor3A_3294 : vector<16xi32> to vector<16x1xi32>
      %gather3A_3296 = vector.shape_cast %broadcast_in_dim3A_3295 : vector<16x1xi32> to vector<16xi32>
      %gather3A_3297 = tpu.dynamic_gather %add3A_3291[%gather3A_3296] in [0] : vector<16xf32>, vector<16xi32> -> vector<16xf32>
      %add3A_3298 = arith.addf %add3A_3291, %gather3A_3297 : vector<16xf32>
      %xor3A_3299 = arith.constant 2 : i32
      %xor3A_3300 = vector.broadcast %xor3A_3299 : i32 to vector<16xi32>
      %xor3A_3301 = arith.xori %iota3A, %xor3A_3300 : vector<16xi32>
      %broadcast_in_dim3A_3302 = vector.shape_cast %xor3A_3301 : vector<16xi32> to vector<16x1xi32>
      %gather3A_3303 = vector.shape_cast %broadcast_in_dim3A_3302 : vector<16x1xi32> to vector<16xi32>
      %gather3A_3304 = tpu.dynamic_gather %add3A_3298[%gather3A_3303] in [0] : vector<16xf32>, vector<16xi32> -> vector<16xf32>
      %add3A_3305 = arith.addf %add3A_3298, %gather3A_3304 : vector<16xf32>
      %xor3A_3306 = arith.constant 1 : i32
      %xor3A_3307 = vector.broadcast %xor3A_3306 : i32 to vector<16xi32>
      %xor3A_3308 = arith.xori %iota3A, %xor3A_3307 : vector<16xi32>
      %broadcast_in_dim3A_3309 = vector.shape_cast %xor3A_3308 : vector<16xi32> to vector<16x1xi32>
      %gather3A_3310 = vector.shape_cast %broadcast_in_dim3A_3309 : vector<16x1xi32> to vector<16xi32>
      %gather3A_3311 = tpu.dynamic_gather %add3A_3305[%gather3A_3310] in [0] : vector<16xf32>, vector<16xi32> -> vector<16xf32>
      %add3A_3312 = arith.addf %add3A_3305, %gather3A_3311 : vector<16xf32>
      %gt3A_3313 = arith.constant 0.000000e+00 : f32
      %gt3A_3314 = vector.broadcast %gt3A_3313 : f32 to vector<16xf32>
      %gt3A_3315 = arith.cmpf ogt, %add3A_3312, %gt3A_3314 : vector<16xf32>
      %jit3A_3316 = arith.constant 3.200000e+01 : f32
      %jit3A_3317 = arith.constant 0.000000e+00 : f32
      %broadcast_in_dim3A_3318 = vector.broadcast %jit3A_3316 : f32 to vector<16xf32>
      %broadcast_in_dim3A_3319 = vector.broadcast %jit3A_3317 : f32 to vector<16xf32>
      %select_n3A_3320 = arith.select %gt3A_3315, %broadcast_in_dim3A_3318, %broadcast_in_dim3A_3319 : vector<16xi1>, vector<16xf32>
      %add3A_3321 = arith.addf %broadcast_in_dim3A_3284, %select_n3A_3320 : vector<16xf32>
      %xor3A_3322 = arith.constant 8 : i32
      %xor3A_3323 = vector.broadcast %xor3A_3322 : i32 to vector<16xi32>
      %xor3A_3324 = arith.xori %iota3A, %xor3A_3323 : vector<16xi32>
      %broadcast_in_dim3A_3325 = vector.shape_cast %xor3A_3324 : vector<16xi32> to vector<16x1xi32>
      %gather3A_3326 = vector.shape_cast %broadcast_in_dim3A_3325 : vector<16x1xi32> to vector<16xi32>
      %gather3A_3327 = tpu.dynamic_gather %scan3A_3053#7[%gather3A_3326] in [0] : vector<16xf32>, vector<16xi32> -> vector<16xf32>
      %add3A_3328 = arith.addf %scan3A_3053#7, %gather3A_3327 : vector<16xf32>
      %xor3A_3329 = arith.constant 4 : i32
      %xor3A_3330 = vector.broadcast %xor3A_3329 : i32 to vector<16xi32>
      %xor3A_3331 = arith.xori %iota3A, %xor3A_3330 : vector<16xi32>
      %broadcast_in_dim3A_3332 = vector.shape_cast %xor3A_3331 : vector<16xi32> to vector<16x1xi32>
      %gather3A_3333 = vector.shape_cast %broadcast_in_dim3A_3332 : vector<16x1xi32> to vector<16xi32>
      %gather3A_3334 = tpu.dynamic_gather %add3A_3328[%gather3A_3333] in [0] : vector<16xf32>, vector<16xi32> -> vector<16xf32>
      %add3A_3335 = arith.addf %add3A_3328, %gather3A_3334 : vector<16xf32>
      %xor3A_3336 = arith.constant 2 : i32
      %xor3A_3337 = vector.broadcast %xor3A_3336 : i32 to vector<16xi32>
      %xor3A_3338 = arith.xori %iota3A, %xor3A_3337 : vector<16xi32>
      %broadcast_in_dim3A_3339 = vector.shape_cast %xor3A_3338 : vector<16xi32> to vector<16x1xi32>
      %gather3A_3340 = vector.shape_cast %broadcast_in_dim3A_3339 : vector<16x1xi32> to vector<16xi32>
      %gather3A_3341 = tpu.dynamic_gather %add3A_3335[%gather3A_3340] in [0] : vector<16xf32>, vector<16xi32> -> vector<16xf32>
      %add3A_3342 = arith.addf %add3A_3335, %gather3A_3341 : vector<16xf32>
      %xor3A_3343 = arith.constant 1 : i32
      %xor3A_3344 = vector.broadcast %xor3A_3343 : i32 to vector<16xi32>
      %xor3A_3345 = arith.xori %iota3A, %xor3A_3344 : vector<16xi32>
      %broadcast_in_dim3A_3346 = vector.shape_cast %xor3A_3345 : vector<16xi32> to vector<16x1xi32>
      %gather3A_3347 = vector.shape_cast %broadcast_in_dim3A_3346 : vector<16x1xi32> to vector<16xi32>
      %gather3A_3348 = tpu.dynamic_gather %add3A_3342[%gather3A_3347] in [0] : vector<16xf32>, vector<16xi32> -> vector<16xf32>
      %add3A_3349 = arith.addf %add3A_3342, %gather3A_3348 : vector<16xf32>
      %gt3A_3350 = arith.constant 0.000000e+00 : f32
      %gt3A_3351 = vector.broadcast %gt3A_3350 : f32 to vector<16xf32>
      %gt3A_3352 = arith.cmpf ogt, %add3A_3349, %gt3A_3351 : vector<16xf32>
      %jit3A_3353 = arith.constant 1.600000e+01 : f32
      %jit3A_3354 = arith.constant 0.000000e+00 : f32
      %broadcast_in_dim3A_3355 = vector.broadcast %jit3A_3353 : f32 to vector<16xf32>
      %broadcast_in_dim3A_3356 = vector.broadcast %jit3A_3354 : f32 to vector<16xf32>
      %select_n3A_3357 = arith.select %gt3A_3352, %broadcast_in_dim3A_3355, %broadcast_in_dim3A_3356 : vector<16xi1>, vector<16xf32>
      %add3A_3358 = arith.addf %add3A_3321, %select_n3A_3357 : vector<16xf32>
      %xor3A_3359 = arith.constant 8 : i32
      %xor3A_3360 = vector.broadcast %xor3A_3359 : i32 to vector<16xi32>
      %xor3A_3361 = arith.xori %iota3A, %xor3A_3360 : vector<16xi32>
      %broadcast_in_dim3A_3362 = vector.shape_cast %xor3A_3361 : vector<16xi32> to vector<16x1xi32>
      %gather3A_3363 = vector.shape_cast %broadcast_in_dim3A_3362 : vector<16x1xi32> to vector<16xi32>
      %gather3A_3364 = tpu.dynamic_gather %scan3A_3053#8[%gather3A_3363] in [0] : vector<16xf32>, vector<16xi32> -> vector<16xf32>
      %add3A_3365 = arith.addf %scan3A_3053#8, %gather3A_3364 : vector<16xf32>
      %xor3A_3366 = arith.constant 4 : i32
      %xor3A_3367 = vector.broadcast %xor3A_3366 : i32 to vector<16xi32>
      %xor3A_3368 = arith.xori %iota3A, %xor3A_3367 : vector<16xi32>
      %broadcast_in_dim3A_3369 = vector.shape_cast %xor3A_3368 : vector<16xi32> to vector<16x1xi32>
      %gather3A_3370 = vector.shape_cast %broadcast_in_dim3A_3369 : vector<16x1xi32> to vector<16xi32>
      %gather3A_3371 = tpu.dynamic_gather %add3A_3365[%gather3A_3370] in [0] : vector<16xf32>, vector<16xi32> -> vector<16xf32>
      %add3A_3372 = arith.addf %add3A_3365, %gather3A_3371 : vector<16xf32>
      %xor3A_3373 = arith.constant 2 : i32
      %xor3A_3374 = vector.broadcast %xor3A_3373 : i32 to vector<16xi32>
      %xor3A_3375 = arith.xori %iota3A, %xor3A_3374 : vector<16xi32>
      %broadcast_in_dim3A_3376 = vector.shape_cast %xor3A_3375 : vector<16xi32> to vector<16x1xi32>
      %gather3A_3377 = vector.shape_cast %broadcast_in_dim3A_3376 : vector<16x1xi32> to vector<16xi32>
      %gather3A_3378 = tpu.dynamic_gather %add3A_3372[%gather3A_3377] in [0] : vector<16xf32>, vector<16xi32> -> vector<16xf32>
      %add3A_3379 = arith.addf %add3A_3372, %gather3A_3378 : vector<16xf32>
      %xor3A_3380 = arith.constant 1 : i32
      %xor3A_3381 = vector.broadcast %xor3A_3380 : i32 to vector<16xi32>
      %xor3A_3382 = arith.xori %iota3A, %xor3A_3381 : vector<16xi32>
      %broadcast_in_dim3A_3383 = vector.shape_cast %xor3A_3382 : vector<16xi32> to vector<16x1xi32>
      %gather3A_3384 = vector.shape_cast %broadcast_in_dim3A_3383 : vector<16x1xi32> to vector<16xi32>
      %gather3A_3385 = tpu.dynamic_gather %add3A_3379[%gather3A_3384] in [0] : vector<16xf32>, vector<16xi32> -> vector<16xf32>
      %add3A_3386 = arith.addf %add3A_3379, %gather3A_3385 : vector<16xf32>
      %gt3A_3387 = arith.constant 0.000000e+00 : f32
      %gt3A_3388 = vector.broadcast %gt3A_3387 : f32 to vector<16xf32>
      %gt3A_3389 = arith.cmpf ogt, %add3A_3386, %gt3A_3388 : vector<16xf32>
      %jit3A_3390 = arith.constant 8.000000e+00 : f32
      %jit3A_3391 = arith.constant 0.000000e+00 : f32
      %broadcast_in_dim3A_3392 = vector.broadcast %jit3A_3390 : f32 to vector<16xf32>
      %broadcast_in_dim3A_3393 = vector.broadcast %jit3A_3391 : f32 to vector<16xf32>
      %select_n3A_3394 = arith.select %gt3A_3389, %broadcast_in_dim3A_3392, %broadcast_in_dim3A_3393 : vector<16xi1>, vector<16xf32>
      %add3A_3395 = arith.addf %add3A_3358, %select_n3A_3394 : vector<16xf32>
      %xor3A_3396 = arith.constant 8 : i32
      %xor3A_3397 = vector.broadcast %xor3A_3396 : i32 to vector<16xi32>
      %xor3A_3398 = arith.xori %iota3A, %xor3A_3397 : vector<16xi32>
      %broadcast_in_dim3A_3399 = vector.shape_cast %xor3A_3398 : vector<16xi32> to vector<16x1xi32>
      %gather3A_3400 = vector.shape_cast %broadcast_in_dim3A_3399 : vector<16x1xi32> to vector<16xi32>
      %gather3A_3401 = tpu.dynamic_gather %scan3A_3053#9[%gather3A_3400] in [0] : vector<16xf32>, vector<16xi32> -> vector<16xf32>
      %add3A_3402 = arith.addf %scan3A_3053#9, %gather3A_3401 : vector<16xf32>
      %xor3A_3403 = arith.constant 4 : i32
      %xor3A_3404 = vector.broadcast %xor3A_3403 : i32 to vector<16xi32>
      %xor3A_3405 = arith.xori %iota3A, %xor3A_3404 : vector<16xi32>
      %broadcast_in_dim3A_3406 = vector.shape_cast %xor3A_3405 : vector<16xi32> to vector<16x1xi32>
      %gather3A_3407 = vector.shape_cast %broadcast_in_dim3A_3406 : vector<16x1xi32> to vector<16xi32>
      %gather3A_3408 = tpu.dynamic_gather %add3A_3402[%gather3A_3407] in [0] : vector<16xf32>, vector<16xi32> -> vector<16xf32>
      %add3A_3409 = arith.addf %add3A_3402, %gather3A_3408 : vector<16xf32>
      %xor3A_3410 = arith.constant 2 : i32
      %xor3A_3411 = vector.broadcast %xor3A_3410 : i32 to vector<16xi32>
      %xor3A_3412 = arith.xori %iota3A, %xor3A_3411 : vector<16xi32>
      %broadcast_in_dim3A_3413 = vector.shape_cast %xor3A_3412 : vector<16xi32> to vector<16x1xi32>
      %gather3A_3414 = vector.shape_cast %broadcast_in_dim3A_3413 : vector<16x1xi32> to vector<16xi32>
      %gather3A_3415 = tpu.dynamic_gather %add3A_3409[%gather3A_3414] in [0] : vector<16xf32>, vector<16xi32> -> vector<16xf32>
      %add3A_3416 = arith.addf %add3A_3409, %gather3A_3415 : vector<16xf32>
      %xor3A_3417 = arith.constant 1 : i32
      %xor3A_3418 = vector.broadcast %xor3A_3417 : i32 to vector<16xi32>
      %xor3A_3419 = arith.xori %iota3A, %xor3A_3418 : vector<16xi32>
      %broadcast_in_dim3A_3420 = vector.shape_cast %xor3A_3419 : vector<16xi32> to vector<16x1xi32>
      %gather3A_3421 = vector.shape_cast %broadcast_in_dim3A_3420 : vector<16x1xi32> to vector<16xi32>
      %gather3A_3422 = tpu.dynamic_gather %add3A_3416[%gather3A_3421] in [0] : vector<16xf32>, vector<16xi32> -> vector<16xf32>
      %add3A_3423 = arith.addf %add3A_3416, %gather3A_3422 : vector<16xf32>
      %gt3A_3424 = arith.constant 0.000000e+00 : f32
      %gt3A_3425 = vector.broadcast %gt3A_3424 : f32 to vector<16xf32>
      %gt3A_3426 = arith.cmpf ogt, %add3A_3423, %gt3A_3425 : vector<16xf32>
      %jit3A_3427 = arith.constant 4.000000e+00 : f32
      %jit3A_3428 = arith.constant 0.000000e+00 : f32
      %broadcast_in_dim3A_3429 = vector.broadcast %jit3A_3427 : f32 to vector<16xf32>
      %broadcast_in_dim3A_3430 = vector.broadcast %jit3A_3428 : f32 to vector<16xf32>
      %select_n3A_3431 = arith.select %gt3A_3426, %broadcast_in_dim3A_3429, %broadcast_in_dim3A_3430 : vector<16xi1>, vector<16xf32>
      %add3A_3432 = arith.addf %add3A_3395, %select_n3A_3431 : vector<16xf32>
      %xor3A_3433 = arith.constant 8 : i32
      %xor3A_3434 = vector.broadcast %xor3A_3433 : i32 to vector<16xi32>
      %xor3A_3435 = arith.xori %iota3A, %xor3A_3434 : vector<16xi32>
      %broadcast_in_dim3A_3436 = vector.shape_cast %xor3A_3435 : vector<16xi32> to vector<16x1xi32>
      %gather3A_3437 = vector.shape_cast %broadcast_in_dim3A_3436 : vector<16x1xi32> to vector<16xi32>
      %gather3A_3438 = tpu.dynamic_gather %scan3A_3053#10[%gather3A_3437] in [0] : vector<16xf32>, vector<16xi32> -> vector<16xf32>
      %add3A_3439 = arith.addf %scan3A_3053#10, %gather3A_3438 : vector<16xf32>
      %xor3A_3440 = arith.constant 4 : i32
      %xor3A_3441 = vector.broadcast %xor3A_3440 : i32 to vector<16xi32>
      %xor3A_3442 = arith.xori %iota3A, %xor3A_3441 : vector<16xi32>
      %broadcast_in_dim3A_3443 = vector.shape_cast %xor3A_3442 : vector<16xi32> to vector<16x1xi32>
      %gather3A_3444 = vector.shape_cast %broadcast_in_dim3A_3443 : vector<16x1xi32> to vector<16xi32>
      %gather3A_3445 = tpu.dynamic_gather %add3A_3439[%gather3A_3444] in [0] : vector<16xf32>, vector<16xi32> -> vector<16xf32>
      %add3A_3446 = arith.addf %add3A_3439, %gather3A_3445 : vector<16xf32>
      %xor3A_3447 = arith.constant 2 : i32
      %xor3A_3448 = vector.broadcast %xor3A_3447 : i32 to vector<16xi32>
      %xor3A_3449 = arith.xori %iota3A, %xor3A_3448 : vector<16xi32>
      %broadcast_in_dim3A_3450 = vector.shape_cast %xor3A_3449 : vector<16xi32> to vector<16x1xi32>
      %gather3A_3451 = vector.shape_cast %broadcast_in_dim3A_3450 : vector<16x1xi32> to vector<16xi32>
      %gather3A_3452 = tpu.dynamic_gather %add3A_3446[%gather3A_3451] in [0] : vector<16xf32>, vector<16xi32> -> vector<16xf32>
      %add3A_3453 = arith.addf %add3A_3446, %gather3A_3452 : vector<16xf32>
      %xor3A_3454 = arith.constant 1 : i32
      %xor3A_3455 = vector.broadcast %xor3A_3454 : i32 to vector<16xi32>
      %xor3A_3456 = arith.xori %iota3A, %xor3A_3455 : vector<16xi32>
      %broadcast_in_dim3A_3457 = vector.shape_cast %xor3A_3456 : vector<16xi32> to vector<16x1xi32>
      %gather3A_3458 = vector.shape_cast %broadcast_in_dim3A_3457 : vector<16x1xi32> to vector<16xi32>
      %gather3A_3459 = tpu.dynamic_gather %add3A_3453[%gather3A_3458] in [0] : vector<16xf32>, vector<16xi32> -> vector<16xf32>
      %add3A_3460 = arith.addf %add3A_3453, %gather3A_3459 : vector<16xf32>
      %gt3A_3461 = arith.constant 0.000000e+00 : f32
      %gt3A_3462 = vector.broadcast %gt3A_3461 : f32 to vector<16xf32>
      %gt3A_3463 = arith.cmpf ogt, %add3A_3460, %gt3A_3462 : vector<16xf32>
      %jit3A_3464 = arith.constant 2.000000e+00 : f32
      %jit3A_3465 = arith.constant 0.000000e+00 : f32
      %broadcast_in_dim3A_3466 = vector.broadcast %jit3A_3464 : f32 to vector<16xf32>
      %broadcast_in_dim3A_3467 = vector.broadcast %jit3A_3465 : f32 to vector<16xf32>
      %select_n3A_3468 = arith.select %gt3A_3463, %broadcast_in_dim3A_3466, %broadcast_in_dim3A_3467 : vector<16xi1>, vector<16xf32>
      %add3A_3469 = arith.addf %add3A_3432, %select_n3A_3468 : vector<16xf32>
      %xor3A_3470 = arith.constant 8 : i32
      %xor3A_3471 = vector.broadcast %xor3A_3470 : i32 to vector<16xi32>
      %xor3A_3472 = arith.xori %iota3A, %xor3A_3471 : vector<16xi32>
      %broadcast_in_dim3A_3473 = vector.shape_cast %xor3A_3472 : vector<16xi32> to vector<16x1xi32>
      %gather3A_3474 = vector.shape_cast %broadcast_in_dim3A_3473 : vector<16x1xi32> to vector<16xi32>
      %gather3A_3475 = tpu.dynamic_gather %scan3A_3053#11[%gather3A_3474] in [0] : vector<16xf32>, vector<16xi32> -> vector<16xf32>
      %add3A_3476 = arith.addf %scan3A_3053#11, %gather3A_3475 : vector<16xf32>
      %xor3A_3477 = arith.constant 4 : i32
      %xor3A_3478 = vector.broadcast %xor3A_3477 : i32 to vector<16xi32>
      %xor3A_3479 = arith.xori %iota3A, %xor3A_3478 : vector<16xi32>
      %broadcast_in_dim3A_3480 = vector.shape_cast %xor3A_3479 : vector<16xi32> to vector<16x1xi32>
      %gather3A_3481 = vector.shape_cast %broadcast_in_dim3A_3480 : vector<16x1xi32> to vector<16xi32>
      %gather3A_3482 = tpu.dynamic_gather %add3A_3476[%gather3A_3481] in [0] : vector<16xf32>, vector<16xi32> -> vector<16xf32>
      %add3A_3483 = arith.addf %add3A_3476, %gather3A_3482 : vector<16xf32>
      %xor3A_3484 = arith.constant 2 : i32
      %xor3A_3485 = vector.broadcast %xor3A_3484 : i32 to vector<16xi32>
      %xor3A_3486 = arith.xori %iota3A, %xor3A_3485 : vector<16xi32>
      %broadcast_in_dim3A_3487 = vector.shape_cast %xor3A_3486 : vector<16xi32> to vector<16x1xi32>
      %gather3A_3488 = vector.shape_cast %broadcast_in_dim3A_3487 : vector<16x1xi32> to vector<16xi32>
      %gather3A_3489 = tpu.dynamic_gather %add3A_3483[%gather3A_3488] in [0] : vector<16xf32>, vector<16xi32> -> vector<16xf32>
      %add3A_3490 = arith.addf %add3A_3483, %gather3A_3489 : vector<16xf32>
      %xor3A_3491 = arith.constant 1 : i32
      %xor3A_3492 = vector.broadcast %xor3A_3491 : i32 to vector<16xi32>
      %xor3A_3493 = arith.xori %iota3A, %xor3A_3492 : vector<16xi32>
      %broadcast_in_dim3A_3494 = vector.shape_cast %xor3A_3493 : vector<16xi32> to vector<16x1xi32>
      %gather3A_3495 = vector.shape_cast %broadcast_in_dim3A_3494 : vector<16x1xi32> to vector<16xi32>
      %gather3A_3496 = tpu.dynamic_gather %add3A_3490[%gather3A_3495] in [0] : vector<16xf32>, vector<16xi32> -> vector<16xf32>
      %add3A_3497 = arith.addf %add3A_3490, %gather3A_3496 : vector<16xf32>
      %gt3A_3498 = arith.constant 0.000000e+00 : f32
      %gt3A_3499 = vector.broadcast %gt3A_3498 : f32 to vector<16xf32>
      %gt3A_3500 = arith.cmpf ogt, %add3A_3497, %gt3A_3499 : vector<16xf32>
      %jit3A_3501 = arith.constant 1.000000e+00 : f32
      %jit3A_3502 = arith.constant 0.000000e+00 : f32
      %broadcast_in_dim3A_3503 = vector.broadcast %jit3A_3501 : f32 to vector<16xf32>
      %broadcast_in_dim3A_3504 = vector.broadcast %jit3A_3502 : f32 to vector<16xf32>
      %select_n3A_3505 = arith.select %gt3A_3500, %broadcast_in_dim3A_3503, %broadcast_in_dim3A_3504 : vector<16xi1>, vector<16xf32>
      %add3A_3506 = arith.addf %add3A_3469, %select_n3A_3505 : vector<16xf32>
      %eq3A_3507 = arith.constant 13 : i32
      %eq3A_3508 = vector.broadcast %eq3A_3507 : i32 to vector<16xi32>
      %eq3A_3509 = arith.cmpi eq, %iota3A, %eq3A_3508 : vector<16xi32>
      %select_n3A_3510 = arith.select %eq3A_3509, %add3A_3506, %select_n3A_3282 : vector<16xi1>, vector<16xf32>
      %broadcast_in_dim3A_3511 = arith.constant 0.000000e+00 : f32
      %broadcast_in_dim3A_3512 = vector.broadcast %broadcast_in_dim3A_3511 : f32 to vector<16xf32>
      %xor3A_3513 = arith.constant 8 : i32
      %xor3A_3514 = vector.broadcast %xor3A_3513 : i32 to vector<16xi32>
      %xor3A_3515 = arith.xori %iota3A, %xor3A_3514 : vector<16xi32>
      %broadcast_in_dim3A_3516 = vector.shape_cast %xor3A_3515 : vector<16xi32> to vector<16x1xi32>
      %gather3A_3517 = vector.shape_cast %broadcast_in_dim3A_3516 : vector<16x1xi32> to vector<16xi32>
      %gather3A_3518 = tpu.dynamic_gather %scan3A_3053#12[%gather3A_3517] in [0] : vector<16xf32>, vector<16xi32> -> vector<16xf32>
      %add3A_3519 = arith.addf %scan3A_3053#12, %gather3A_3518 : vector<16xf32>
      %xor3A_3520 = arith.constant 4 : i32
      %xor3A_3521 = vector.broadcast %xor3A_3520 : i32 to vector<16xi32>
      %xor3A_3522 = arith.xori %iota3A, %xor3A_3521 : vector<16xi32>
      %broadcast_in_dim3A_3523 = vector.shape_cast %xor3A_3522 : vector<16xi32> to vector<16x1xi32>
      %gather3A_3524 = vector.shape_cast %broadcast_in_dim3A_3523 : vector<16x1xi32> to vector<16xi32>
      %gather3A_3525 = tpu.dynamic_gather %add3A_3519[%gather3A_3524] in [0] : vector<16xf32>, vector<16xi32> -> vector<16xf32>
      %add3A_3526 = arith.addf %add3A_3519, %gather3A_3525 : vector<16xf32>
      %xor3A_3527 = arith.constant 2 : i32
      %xor3A_3528 = vector.broadcast %xor3A_3527 : i32 to vector<16xi32>
      %xor3A_3529 = arith.xori %iota3A, %xor3A_3528 : vector<16xi32>
      %broadcast_in_dim3A_3530 = vector.shape_cast %xor3A_3529 : vector<16xi32> to vector<16x1xi32>
      %gather3A_3531 = vector.shape_cast %broadcast_in_dim3A_3530 : vector<16x1xi32> to vector<16xi32>
      %gather3A_3532 = tpu.dynamic_gather %add3A_3526[%gather3A_3531] in [0] : vector<16xf32>, vector<16xi32> -> vector<16xf32>
      %add3A_3533 = arith.addf %add3A_3526, %gather3A_3532 : vector<16xf32>
      %xor3A_3534 = arith.constant 1 : i32
      %xor3A_3535 = vector.broadcast %xor3A_3534 : i32 to vector<16xi32>
      %xor3A_3536 = arith.xori %iota3A, %xor3A_3535 : vector<16xi32>
      %broadcast_in_dim3A_3537 = vector.shape_cast %xor3A_3536 : vector<16xi32> to vector<16x1xi32>
      %gather3A_3538 = vector.shape_cast %broadcast_in_dim3A_3537 : vector<16x1xi32> to vector<16xi32>
      %gather3A_3539 = tpu.dynamic_gather %add3A_3533[%gather3A_3538] in [0] : vector<16xf32>, vector<16xi32> -> vector<16xf32>
      %add3A_3540 = arith.addf %add3A_3533, %gather3A_3539 : vector<16xf32>
      %gt3A_3541 = arith.constant 0.000000e+00 : f32
      %gt3A_3542 = vector.broadcast %gt3A_3541 : f32 to vector<16xf32>
      %gt3A_3543 = arith.cmpf ogt, %add3A_3540, %gt3A_3542 : vector<16xf32>
      %jit3A_3544 = arith.constant 3.200000e+01 : f32
      %jit3A_3545 = arith.constant 0.000000e+00 : f32
      %broadcast_in_dim3A_3546 = vector.broadcast %jit3A_3544 : f32 to vector<16xf32>
      %broadcast_in_dim3A_3547 = vector.broadcast %jit3A_3545 : f32 to vector<16xf32>
      %select_n3A_3548 = arith.select %gt3A_3543, %broadcast_in_dim3A_3546, %broadcast_in_dim3A_3547 : vector<16xi1>, vector<16xf32>
      %add3A_3549 = arith.addf %broadcast_in_dim3A_3512, %select_n3A_3548 : vector<16xf32>
      %xor3A_3550 = arith.constant 8 : i32
      %xor3A_3551 = vector.broadcast %xor3A_3550 : i32 to vector<16xi32>
      %xor3A_3552 = arith.xori %iota3A, %xor3A_3551 : vector<16xi32>
      %broadcast_in_dim3A_3553 = vector.shape_cast %xor3A_3552 : vector<16xi32> to vector<16x1xi32>
      %gather3A_3554 = vector.shape_cast %broadcast_in_dim3A_3553 : vector<16x1xi32> to vector<16xi32>
      %gather3A_3555 = tpu.dynamic_gather %scan3A_3053#13[%gather3A_3554] in [0] : vector<16xf32>, vector<16xi32> -> vector<16xf32>
      %add3A_3556 = arith.addf %scan3A_3053#13, %gather3A_3555 : vector<16xf32>
      %xor3A_3557 = arith.constant 4 : i32
      %xor3A_3558 = vector.broadcast %xor3A_3557 : i32 to vector<16xi32>
      %xor3A_3559 = arith.xori %iota3A, %xor3A_3558 : vector<16xi32>
      %broadcast_in_dim3A_3560 = vector.shape_cast %xor3A_3559 : vector<16xi32> to vector<16x1xi32>
      %gather3A_3561 = vector.shape_cast %broadcast_in_dim3A_3560 : vector<16x1xi32> to vector<16xi32>
      %gather3A_3562 = tpu.dynamic_gather %add3A_3556[%gather3A_3561] in [0] : vector<16xf32>, vector<16xi32> -> vector<16xf32>
      %add3A_3563 = arith.addf %add3A_3556, %gather3A_3562 : vector<16xf32>
      %xor3A_3564 = arith.constant 2 : i32
      %xor3A_3565 = vector.broadcast %xor3A_3564 : i32 to vector<16xi32>
      %xor3A_3566 = arith.xori %iota3A, %xor3A_3565 : vector<16xi32>
      %broadcast_in_dim3A_3567 = vector.shape_cast %xor3A_3566 : vector<16xi32> to vector<16x1xi32>
      %gather3A_3568 = vector.shape_cast %broadcast_in_dim3A_3567 : vector<16x1xi32> to vector<16xi32>
      %gather3A_3569 = tpu.dynamic_gather %add3A_3563[%gather3A_3568] in [0] : vector<16xf32>, vector<16xi32> -> vector<16xf32>
      %add3A_3570 = arith.addf %add3A_3563, %gather3A_3569 : vector<16xf32>
      %xor3A_3571 = arith.constant 1 : i32
      %xor3A_3572 = vector.broadcast %xor3A_3571 : i32 to vector<16xi32>
      %xor3A_3573 = arith.xori %iota3A, %xor3A_3572 : vector<16xi32>
      %broadcast_in_dim3A_3574 = vector.shape_cast %xor3A_3573 : vector<16xi32> to vector<16x1xi32>
      %gather3A_3575 = vector.shape_cast %broadcast_in_dim3A_3574 : vector<16x1xi32> to vector<16xi32>
      %gather3A_3576 = tpu.dynamic_gather %add3A_3570[%gather3A_3575] in [0] : vector<16xf32>, vector<16xi32> -> vector<16xf32>
      %add3A_3577 = arith.addf %add3A_3570, %gather3A_3576 : vector<16xf32>
      %gt3A_3578 = arith.constant 0.000000e+00 : f32
      %gt3A_3579 = vector.broadcast %gt3A_3578 : f32 to vector<16xf32>
      %gt3A_3580 = arith.cmpf ogt, %add3A_3577, %gt3A_3579 : vector<16xf32>
      %jit3A_3581 = arith.constant 1.600000e+01 : f32
      %jit3A_3582 = arith.constant 0.000000e+00 : f32
      %broadcast_in_dim3A_3583 = vector.broadcast %jit3A_3581 : f32 to vector<16xf32>
      %broadcast_in_dim3A_3584 = vector.broadcast %jit3A_3582 : f32 to vector<16xf32>
      %select_n3A_3585 = arith.select %gt3A_3580, %broadcast_in_dim3A_3583, %broadcast_in_dim3A_3584 : vector<16xi1>, vector<16xf32>
      %add3A_3586 = arith.addf %add3A_3549, %select_n3A_3585 : vector<16xf32>
      %xor3A_3587 = arith.constant 8 : i32
      %xor3A_3588 = vector.broadcast %xor3A_3587 : i32 to vector<16xi32>
      %xor3A_3589 = arith.xori %iota3A, %xor3A_3588 : vector<16xi32>
      %broadcast_in_dim3A_3590 = vector.shape_cast %xor3A_3589 : vector<16xi32> to vector<16x1xi32>
      %gather3A_3591 = vector.shape_cast %broadcast_in_dim3A_3590 : vector<16x1xi32> to vector<16xi32>
      %gather3A_3592 = tpu.dynamic_gather %scan3A_3053#14[%gather3A_3591] in [0] : vector<16xf32>, vector<16xi32> -> vector<16xf32>
      %add3A_3593 = arith.addf %scan3A_3053#14, %gather3A_3592 : vector<16xf32>
      %xor3A_3594 = arith.constant 4 : i32
      %xor3A_3595 = vector.broadcast %xor3A_3594 : i32 to vector<16xi32>
      %xor3A_3596 = arith.xori %iota3A, %xor3A_3595 : vector<16xi32>
      %broadcast_in_dim3A_3597 = vector.shape_cast %xor3A_3596 : vector<16xi32> to vector<16x1xi32>
      %gather3A_3598 = vector.shape_cast %broadcast_in_dim3A_3597 : vector<16x1xi32> to vector<16xi32>
      %gather3A_3599 = tpu.dynamic_gather %add3A_3593[%gather3A_3598] in [0] : vector<16xf32>, vector<16xi32> -> vector<16xf32>
      %add3A_3600 = arith.addf %add3A_3593, %gather3A_3599 : vector<16xf32>
      %xor3A_3601 = arith.constant 2 : i32
      %xor3A_3602 = vector.broadcast %xor3A_3601 : i32 to vector<16xi32>
      %xor3A_3603 = arith.xori %iota3A, %xor3A_3602 : vector<16xi32>
      %broadcast_in_dim3A_3604 = vector.shape_cast %xor3A_3603 : vector<16xi32> to vector<16x1xi32>
      %gather3A_3605 = vector.shape_cast %broadcast_in_dim3A_3604 : vector<16x1xi32> to vector<16xi32>
      %gather3A_3606 = tpu.dynamic_gather %add3A_3600[%gather3A_3605] in [0] : vector<16xf32>, vector<16xi32> -> vector<16xf32>
      %add3A_3607 = arith.addf %add3A_3600, %gather3A_3606 : vector<16xf32>
      %xor3A_3608 = arith.constant 1 : i32
      %xor3A_3609 = vector.broadcast %xor3A_3608 : i32 to vector<16xi32>
      %xor3A_3610 = arith.xori %iota3A, %xor3A_3609 : vector<16xi32>
      %broadcast_in_dim3A_3611 = vector.shape_cast %xor3A_3610 : vector<16xi32> to vector<16x1xi32>
      %gather3A_3612 = vector.shape_cast %broadcast_in_dim3A_3611 : vector<16x1xi32> to vector<16xi32>
      %gather3A_3613 = tpu.dynamic_gather %add3A_3607[%gather3A_3612] in [0] : vector<16xf32>, vector<16xi32> -> vector<16xf32>
      %add3A_3614 = arith.addf %add3A_3607, %gather3A_3613 : vector<16xf32>
      %gt3A_3615 = arith.constant 0.000000e+00 : f32
      %gt3A_3616 = vector.broadcast %gt3A_3615 : f32 to vector<16xf32>
      %gt3A_3617 = arith.cmpf ogt, %add3A_3614, %gt3A_3616 : vector<16xf32>
      %jit3A_3618 = arith.constant 8.000000e+00 : f32
      %jit3A_3619 = arith.constant 0.000000e+00 : f32
      %broadcast_in_dim3A_3620 = vector.broadcast %jit3A_3618 : f32 to vector<16xf32>
      %broadcast_in_dim3A_3621 = vector.broadcast %jit3A_3619 : f32 to vector<16xf32>
      %select_n3A_3622 = arith.select %gt3A_3617, %broadcast_in_dim3A_3620, %broadcast_in_dim3A_3621 : vector<16xi1>, vector<16xf32>
      %add3A_3623 = arith.addf %add3A_3586, %select_n3A_3622 : vector<16xf32>
      %xor3A_3624 = arith.constant 8 : i32
      %xor3A_3625 = vector.broadcast %xor3A_3624 : i32 to vector<16xi32>
      %xor3A_3626 = arith.xori %iota3A, %xor3A_3625 : vector<16xi32>
      %broadcast_in_dim3A_3627 = vector.shape_cast %xor3A_3626 : vector<16xi32> to vector<16x1xi32>
      %gather3A_3628 = vector.shape_cast %broadcast_in_dim3A_3627 : vector<16x1xi32> to vector<16xi32>
      %gather3A_3629 = tpu.dynamic_gather %scan3A_3053#15[%gather3A_3628] in [0] : vector<16xf32>, vector<16xi32> -> vector<16xf32>
      %add3A_3630 = arith.addf %scan3A_3053#15, %gather3A_3629 : vector<16xf32>
      %xor3A_3631 = arith.constant 4 : i32
      %xor3A_3632 = vector.broadcast %xor3A_3631 : i32 to vector<16xi32>
      %xor3A_3633 = arith.xori %iota3A, %xor3A_3632 : vector<16xi32>
      %broadcast_in_dim3A_3634 = vector.shape_cast %xor3A_3633 : vector<16xi32> to vector<16x1xi32>
      %gather3A_3635 = vector.shape_cast %broadcast_in_dim3A_3634 : vector<16x1xi32> to vector<16xi32>
      %gather3A_3636 = tpu.dynamic_gather %add3A_3630[%gather3A_3635] in [0] : vector<16xf32>, vector<16xi32> -> vector<16xf32>
      %add3A_3637 = arith.addf %add3A_3630, %gather3A_3636 : vector<16xf32>
      %xor3A_3638 = arith.constant 2 : i32
      %xor3A_3639 = vector.broadcast %xor3A_3638 : i32 to vector<16xi32>
      %xor3A_3640 = arith.xori %iota3A, %xor3A_3639 : vector<16xi32>
      %broadcast_in_dim3A_3641 = vector.shape_cast %xor3A_3640 : vector<16xi32> to vector<16x1xi32>
      %gather3A_3642 = vector.shape_cast %broadcast_in_dim3A_3641 : vector<16x1xi32> to vector<16xi32>
      %gather3A_3643 = tpu.dynamic_gather %add3A_3637[%gather3A_3642] in [0] : vector<16xf32>, vector<16xi32> -> vector<16xf32>
      %add3A_3644 = arith.addf %add3A_3637, %gather3A_3643 : vector<16xf32>
      %xor3A_3645 = arith.constant 1 : i32
      %xor3A_3646 = vector.broadcast %xor3A_3645 : i32 to vector<16xi32>
      %xor3A_3647 = arith.xori %iota3A, %xor3A_3646 : vector<16xi32>
      %broadcast_in_dim3A_3648 = vector.shape_cast %xor3A_3647 : vector<16xi32> to vector<16x1xi32>
      %gather3A_3649 = vector.shape_cast %broadcast_in_dim3A_3648 : vector<16x1xi32> to vector<16xi32>
      %gather3A_3650 = tpu.dynamic_gather %add3A_3644[%gather3A_3649] in [0] : vector<16xf32>, vector<16xi32> -> vector<16xf32>
      %add3A_3651 = arith.addf %add3A_3644, %gather3A_3650 : vector<16xf32>
      %gt3A_3652 = arith.constant 0.000000e+00 : f32
      %gt3A_3653 = vector.broadcast %gt3A_3652 : f32 to vector<16xf32>
      %gt3A_3654 = arith.cmpf ogt, %add3A_3651, %gt3A_3653 : vector<16xf32>
      %jit3A_3655 = arith.constant 4.000000e+00 : f32
      %jit3A_3656 = arith.constant 0.000000e+00 : f32
      %broadcast_in_dim3A_3657 = vector.broadcast %jit3A_3655 : f32 to vector<16xf32>
      %broadcast_in_dim3A_3658 = vector.broadcast %jit3A_3656 : f32 to vector<16xf32>
      %select_n3A_3659 = arith.select %gt3A_3654, %broadcast_in_dim3A_3657, %broadcast_in_dim3A_3658 : vector<16xi1>, vector<16xf32>
      %add3A_3660 = arith.addf %add3A_3623, %select_n3A_3659 : vector<16xf32>
      %xor3A_3661 = arith.constant 8 : i32
      %xor3A_3662 = vector.broadcast %xor3A_3661 : i32 to vector<16xi32>
      %xor3A_3663 = arith.xori %iota3A, %xor3A_3662 : vector<16xi32>
      %broadcast_in_dim3A_3664 = vector.shape_cast %xor3A_3663 : vector<16xi32> to vector<16x1xi32>
      %gather3A_3665 = vector.shape_cast %broadcast_in_dim3A_3664 : vector<16x1xi32> to vector<16xi32>
      %gather3A_3666 = tpu.dynamic_gather %scan3A_3053#16[%gather3A_3665] in [0] : vector<16xf32>, vector<16xi32> -> vector<16xf32>
      %add3A_3667 = arith.addf %scan3A_3053#16, %gather3A_3666 : vector<16xf32>
      %xor3A_3668 = arith.constant 4 : i32
      %xor3A_3669 = vector.broadcast %xor3A_3668 : i32 to vector<16xi32>
      %xor3A_3670 = arith.xori %iota3A, %xor3A_3669 : vector<16xi32>
      %broadcast_in_dim3A_3671 = vector.shape_cast %xor3A_3670 : vector<16xi32> to vector<16x1xi32>
      %gather3A_3672 = vector.shape_cast %broadcast_in_dim3A_3671 : vector<16x1xi32> to vector<16xi32>
      %gather3A_3673 = tpu.dynamic_gather %add3A_3667[%gather3A_3672] in [0] : vector<16xf32>, vector<16xi32> -> vector<16xf32>
      %add3A_3674 = arith.addf %add3A_3667, %gather3A_3673 : vector<16xf32>
      %xor3A_3675 = arith.constant 2 : i32
      %xor3A_3676 = vector.broadcast %xor3A_3675 : i32 to vector<16xi32>
      %xor3A_3677 = arith.xori %iota3A, %xor3A_3676 : vector<16xi32>
      %broadcast_in_dim3A_3678 = vector.shape_cast %xor3A_3677 : vector<16xi32> to vector<16x1xi32>
      %gather3A_3679 = vector.shape_cast %broadcast_in_dim3A_3678 : vector<16x1xi32> to vector<16xi32>
      %gather3A_3680 = tpu.dynamic_gather %add3A_3674[%gather3A_3679] in [0] : vector<16xf32>, vector<16xi32> -> vector<16xf32>
      %add3A_3681 = arith.addf %add3A_3674, %gather3A_3680 : vector<16xf32>
      %xor3A_3682 = arith.constant 1 : i32
      %xor3A_3683 = vector.broadcast %xor3A_3682 : i32 to vector<16xi32>
      %xor3A_3684 = arith.xori %iota3A, %xor3A_3683 : vector<16xi32>
      %broadcast_in_dim3A_3685 = vector.shape_cast %xor3A_3684 : vector<16xi32> to vector<16x1xi32>
      %gather3A_3686 = vector.shape_cast %broadcast_in_dim3A_3685 : vector<16x1xi32> to vector<16xi32>
      %gather3A_3687 = tpu.dynamic_gather %add3A_3681[%gather3A_3686] in [0] : vector<16xf32>, vector<16xi32> -> vector<16xf32>
      %add3A_3688 = arith.addf %add3A_3681, %gather3A_3687 : vector<16xf32>
      %gt3A_3689 = arith.constant 0.000000e+00 : f32
      %gt3A_3690 = vector.broadcast %gt3A_3689 : f32 to vector<16xf32>
      %gt3A_3691 = arith.cmpf ogt, %add3A_3688, %gt3A_3690 : vector<16xf32>
      %jit3A_3692 = arith.constant 2.000000e+00 : f32
      %jit3A_3693 = arith.constant 0.000000e+00 : f32
      %broadcast_in_dim3A_3694 = vector.broadcast %jit3A_3692 : f32 to vector<16xf32>
      %broadcast_in_dim3A_3695 = vector.broadcast %jit3A_3693 : f32 to vector<16xf32>
      %select_n3A_3696 = arith.select %gt3A_3691, %broadcast_in_dim3A_3694, %broadcast_in_dim3A_3695 : vector<16xi1>, vector<16xf32>
      %add3A_3697 = arith.addf %add3A_3660, %select_n3A_3696 : vector<16xf32>
      %xor3A_3698 = arith.constant 8 : i32
      %xor3A_3699 = vector.broadcast %xor3A_3698 : i32 to vector<16xi32>
      %xor3A_3700 = arith.xori %iota3A, %xor3A_3699 : vector<16xi32>
      %broadcast_in_dim3A_3701 = vector.shape_cast %xor3A_3700 : vector<16xi32> to vector<16x1xi32>
      %gather3A_3702 = vector.shape_cast %broadcast_in_dim3A_3701 : vector<16x1xi32> to vector<16xi32>
      %gather3A_3703 = tpu.dynamic_gather %scan3A_3053#17[%gather3A_3702] in [0] : vector<16xf32>, vector<16xi32> -> vector<16xf32>
      %add3A_3704 = arith.addf %scan3A_3053#17, %gather3A_3703 : vector<16xf32>
      %xor3A_3705 = arith.constant 4 : i32
      %xor3A_3706 = vector.broadcast %xor3A_3705 : i32 to vector<16xi32>
      %xor3A_3707 = arith.xori %iota3A, %xor3A_3706 : vector<16xi32>
      %broadcast_in_dim3A_3708 = vector.shape_cast %xor3A_3707 : vector<16xi32> to vector<16x1xi32>
      %gather3A_3709 = vector.shape_cast %broadcast_in_dim3A_3708 : vector<16x1xi32> to vector<16xi32>
      %gather3A_3710 = tpu.dynamic_gather %add3A_3704[%gather3A_3709] in [0] : vector<16xf32>, vector<16xi32> -> vector<16xf32>
      %add3A_3711 = arith.addf %add3A_3704, %gather3A_3710 : vector<16xf32>
      %xor3A_3712 = arith.constant 2 : i32
      %xor3A_3713 = vector.broadcast %xor3A_3712 : i32 to vector<16xi32>
      %xor3A_3714 = arith.xori %iota3A, %xor3A_3713 : vector<16xi32>
      %broadcast_in_dim3A_3715 = vector.shape_cast %xor3A_3714 : vector<16xi32> to vector<16x1xi32>
      %gather3A_3716 = vector.shape_cast %broadcast_in_dim3A_3715 : vector<16x1xi32> to vector<16xi32>
      %gather3A_3717 = tpu.dynamic_gather %add3A_3711[%gather3A_3716] in [0] : vector<16xf32>, vector<16xi32> -> vector<16xf32>
      %add3A_3718 = arith.addf %add3A_3711, %gather3A_3717 : vector<16xf32>
      %xor3A_3719 = arith.constant 1 : i32
      %xor3A_3720 = vector.broadcast %xor3A_3719 : i32 to vector<16xi32>
      %xor3A_3721 = arith.xori %iota3A, %xor3A_3720 : vector<16xi32>
      %broadcast_in_dim3A_3722 = vector.shape_cast %xor3A_3721 : vector<16xi32> to vector<16x1xi32>
      %gather3A_3723 = vector.shape_cast %broadcast_in_dim3A_3722 : vector<16x1xi32> to vector<16xi32>
      %gather3A_3724 = tpu.dynamic_gather %add3A_3718[%gather3A_3723] in [0] : vector<16xf32>, vector<16xi32> -> vector<16xf32>
      %add3A_3725 = arith.addf %add3A_3718, %gather3A_3724 : vector<16xf32>
      %gt3A_3726 = arith.constant 0.000000e+00 : f32
      %gt3A_3727 = vector.broadcast %gt3A_3726 : f32 to vector<16xf32>
      %gt3A_3728 = arith.cmpf ogt, %add3A_3725, %gt3A_3727 : vector<16xf32>
      %jit3A_3729 = arith.constant 1.000000e+00 : f32
      %jit3A_3730 = arith.constant 0.000000e+00 : f32
      %broadcast_in_dim3A_3731 = vector.broadcast %jit3A_3729 : f32 to vector<16xf32>
      %broadcast_in_dim3A_3732 = vector.broadcast %jit3A_3730 : f32 to vector<16xf32>
      %select_n3A_3733 = arith.select %gt3A_3728, %broadcast_in_dim3A_3731, %broadcast_in_dim3A_3732 : vector<16xi1>, vector<16xf32>
      %add3A_3734 = arith.addf %add3A_3697, %select_n3A_3733 : vector<16xf32>
      %eq3A_3735 = arith.constant 14 : i32
      %eq3A_3736 = vector.broadcast %eq3A_3735 : i32 to vector<16xi32>
      %eq3A_3737 = arith.cmpi eq, %iota3A, %eq3A_3736 : vector<16xi32>
      %select_n3A_3738 = arith.select %eq3A_3737, %add3A_3734, %select_n3A_3510 : vector<16xi1>, vector<16xf32>
      %broadcast_in_dim3A_3739 = arith.constant 0.000000e+00 : f32
      %broadcast_in_dim3A_3740 = vector.broadcast %broadcast_in_dim3A_3739 : f32 to vector<16xf32>
      %xor3A_3741 = arith.constant 8 : i32
      %xor3A_3742 = vector.broadcast %xor3A_3741 : i32 to vector<16xi32>
      %xor3A_3743 = arith.xori %iota3A, %xor3A_3742 : vector<16xi32>
      %broadcast_in_dim3A_3744 = vector.shape_cast %xor3A_3743 : vector<16xi32> to vector<16x1xi32>
      %gather3A_3745 = vector.shape_cast %broadcast_in_dim3A_3744 : vector<16x1xi32> to vector<16xi32>
      %gather3A_3746 = tpu.dynamic_gather %scan3A_3053#18[%gather3A_3745] in [0] : vector<16xf32>, vector<16xi32> -> vector<16xf32>
      %add3A_3747 = arith.addf %scan3A_3053#18, %gather3A_3746 : vector<16xf32>
      %xor3A_3748 = arith.constant 4 : i32
      %xor3A_3749 = vector.broadcast %xor3A_3748 : i32 to vector<16xi32>
      %xor3A_3750 = arith.xori %iota3A, %xor3A_3749 : vector<16xi32>
      %broadcast_in_dim3A_3751 = vector.shape_cast %xor3A_3750 : vector<16xi32> to vector<16x1xi32>
      %gather3A_3752 = vector.shape_cast %broadcast_in_dim3A_3751 : vector<16x1xi32> to vector<16xi32>
      %gather3A_3753 = tpu.dynamic_gather %add3A_3747[%gather3A_3752] in [0] : vector<16xf32>, vector<16xi32> -> vector<16xf32>
      %add3A_3754 = arith.addf %add3A_3747, %gather3A_3753 : vector<16xf32>
      %xor3A_3755 = arith.constant 2 : i32
      %xor3A_3756 = vector.broadcast %xor3A_3755 : i32 to vector<16xi32>
      %xor3A_3757 = arith.xori %iota3A, %xor3A_3756 : vector<16xi32>
      %broadcast_in_dim3A_3758 = vector.shape_cast %xor3A_3757 : vector<16xi32> to vector<16x1xi32>
      %gather3A_3759 = vector.shape_cast %broadcast_in_dim3A_3758 : vector<16x1xi32> to vector<16xi32>
      %gather3A_3760 = tpu.dynamic_gather %add3A_3754[%gather3A_3759] in [0] : vector<16xf32>, vector<16xi32> -> vector<16xf32>
      %add3A_3761 = arith.addf %add3A_3754, %gather3A_3760 : vector<16xf32>
      %xor3A_3762 = arith.constant 1 : i32
      %xor3A_3763 = vector.broadcast %xor3A_3762 : i32 to vector<16xi32>
      %xor3A_3764 = arith.xori %iota3A, %xor3A_3763 : vector<16xi32>
      %broadcast_in_dim3A_3765 = vector.shape_cast %xor3A_3764 : vector<16xi32> to vector<16x1xi32>
      %gather3A_3766 = vector.shape_cast %broadcast_in_dim3A_3765 : vector<16x1xi32> to vector<16xi32>
      %gather3A_3767 = tpu.dynamic_gather %add3A_3761[%gather3A_3766] in [0] : vector<16xf32>, vector<16xi32> -> vector<16xf32>
      %add3A_3768 = arith.addf %add3A_3761, %gather3A_3767 : vector<16xf32>
      %gt3A_3769 = arith.constant 0.000000e+00 : f32
      %gt3A_3770 = vector.broadcast %gt3A_3769 : f32 to vector<16xf32>
      %gt3A_3771 = arith.cmpf ogt, %add3A_3768, %gt3A_3770 : vector<16xf32>
      %jit3A_3772 = arith.constant 3.200000e+01 : f32
      %jit3A_3773 = arith.constant 0.000000e+00 : f32
      %broadcast_in_dim3A_3774 = vector.broadcast %jit3A_3772 : f32 to vector<16xf32>
      %broadcast_in_dim3A_3775 = vector.broadcast %jit3A_3773 : f32 to vector<16xf32>
      %select_n3A_3776 = arith.select %gt3A_3771, %broadcast_in_dim3A_3774, %broadcast_in_dim3A_3775 : vector<16xi1>, vector<16xf32>
      %add3A_3777 = arith.addf %broadcast_in_dim3A_3740, %select_n3A_3776 : vector<16xf32>
      %xor3A_3778 = arith.constant 8 : i32
      %xor3A_3779 = vector.broadcast %xor3A_3778 : i32 to vector<16xi32>
      %xor3A_3780 = arith.xori %iota3A, %xor3A_3779 : vector<16xi32>
      %broadcast_in_dim3A_3781 = vector.shape_cast %xor3A_3780 : vector<16xi32> to vector<16x1xi32>
      %gather3A_3782 = vector.shape_cast %broadcast_in_dim3A_3781 : vector<16x1xi32> to vector<16xi32>
      %gather3A_3783 = tpu.dynamic_gather %scan3A_3053#19[%gather3A_3782] in [0] : vector<16xf32>, vector<16xi32> -> vector<16xf32>
      %add3A_3784 = arith.addf %scan3A_3053#19, %gather3A_3783 : vector<16xf32>
      %xor3A_3785 = arith.constant 4 : i32
      %xor3A_3786 = vector.broadcast %xor3A_3785 : i32 to vector<16xi32>
      %xor3A_3787 = arith.xori %iota3A, %xor3A_3786 : vector<16xi32>
      %broadcast_in_dim3A_3788 = vector.shape_cast %xor3A_3787 : vector<16xi32> to vector<16x1xi32>
      %gather3A_3789 = vector.shape_cast %broadcast_in_dim3A_3788 : vector<16x1xi32> to vector<16xi32>
      %gather3A_3790 = tpu.dynamic_gather %add3A_3784[%gather3A_3789] in [0] : vector<16xf32>, vector<16xi32> -> vector<16xf32>
      %add3A_3791 = arith.addf %add3A_3784, %gather3A_3790 : vector<16xf32>
      %xor3A_3792 = arith.constant 2 : i32
      %xor3A_3793 = vector.broadcast %xor3A_3792 : i32 to vector<16xi32>
      %xor3A_3794 = arith.xori %iota3A, %xor3A_3793 : vector<16xi32>
      %broadcast_in_dim3A_3795 = vector.shape_cast %xor3A_3794 : vector<16xi32> to vector<16x1xi32>
      %gather3A_3796 = vector.shape_cast %broadcast_in_dim3A_3795 : vector<16x1xi32> to vector<16xi32>
      %gather3A_3797 = tpu.dynamic_gather %add3A_3791[%gather3A_3796] in [0] : vector<16xf32>, vector<16xi32> -> vector<16xf32>
      %add3A_3798 = arith.addf %add3A_3791, %gather3A_3797 : vector<16xf32>
      %xor3A_3799 = arith.constant 1 : i32
      %xor3A_3800 = vector.broadcast %xor3A_3799 : i32 to vector<16xi32>
      %xor3A_3801 = arith.xori %iota3A, %xor3A_3800 : vector<16xi32>
      %broadcast_in_dim3A_3802 = vector.shape_cast %xor3A_3801 : vector<16xi32> to vector<16x1xi32>
      %gather3A_3803 = vector.shape_cast %broadcast_in_dim3A_3802 : vector<16x1xi32> to vector<16xi32>
      %gather3A_3804 = tpu.dynamic_gather %add3A_3798[%gather3A_3803] in [0] : vector<16xf32>, vector<16xi32> -> vector<16xf32>
      %add3A_3805 = arith.addf %add3A_3798, %gather3A_3804 : vector<16xf32>
      %gt3A_3806 = arith.constant 0.000000e+00 : f32
      %gt3A_3807 = vector.broadcast %gt3A_3806 : f32 to vector<16xf32>
      %gt3A_3808 = arith.cmpf ogt, %add3A_3805, %gt3A_3807 : vector<16xf32>
      %jit3A_3809 = arith.constant 1.600000e+01 : f32
      %jit3A_3810 = arith.constant 0.000000e+00 : f32
      %broadcast_in_dim3A_3811 = vector.broadcast %jit3A_3809 : f32 to vector<16xf32>
      %broadcast_in_dim3A_3812 = vector.broadcast %jit3A_3810 : f32 to vector<16xf32>
      %select_n3A_3813 = arith.select %gt3A_3808, %broadcast_in_dim3A_3811, %broadcast_in_dim3A_3812 : vector<16xi1>, vector<16xf32>
      %add3A_3814 = arith.addf %add3A_3777, %select_n3A_3813 : vector<16xf32>
      %xor3A_3815 = arith.constant 8 : i32
      %xor3A_3816 = vector.broadcast %xor3A_3815 : i32 to vector<16xi32>
      %xor3A_3817 = arith.xori %iota3A, %xor3A_3816 : vector<16xi32>
      %broadcast_in_dim3A_3818 = vector.shape_cast %xor3A_3817 : vector<16xi32> to vector<16x1xi32>
      %gather3A_3819 = vector.shape_cast %broadcast_in_dim3A_3818 : vector<16x1xi32> to vector<16xi32>
      %gather3A_3820 = tpu.dynamic_gather %scan3A_3053#20[%gather3A_3819] in [0] : vector<16xf32>, vector<16xi32> -> vector<16xf32>
      %add3A_3821 = arith.addf %scan3A_3053#20, %gather3A_3820 : vector<16xf32>
      %xor3A_3822 = arith.constant 4 : i32
      %xor3A_3823 = vector.broadcast %xor3A_3822 : i32 to vector<16xi32>
      %xor3A_3824 = arith.xori %iota3A, %xor3A_3823 : vector<16xi32>
      %broadcast_in_dim3A_3825 = vector.shape_cast %xor3A_3824 : vector<16xi32> to vector<16x1xi32>
      %gather3A_3826 = vector.shape_cast %broadcast_in_dim3A_3825 : vector<16x1xi32> to vector<16xi32>
      %gather3A_3827 = tpu.dynamic_gather %add3A_3821[%gather3A_3826] in [0] : vector<16xf32>, vector<16xi32> -> vector<16xf32>
      %add3A_3828 = arith.addf %add3A_3821, %gather3A_3827 : vector<16xf32>
      %xor3A_3829 = arith.constant 2 : i32
      %xor3A_3830 = vector.broadcast %xor3A_3829 : i32 to vector<16xi32>
      %xor3A_3831 = arith.xori %iota3A, %xor3A_3830 : vector<16xi32>
      %broadcast_in_dim3A_3832 = vector.shape_cast %xor3A_3831 : vector<16xi32> to vector<16x1xi32>
      %gather3A_3833 = vector.shape_cast %broadcast_in_dim3A_3832 : vector<16x1xi32> to vector<16xi32>
      %gather3A_3834 = tpu.dynamic_gather %add3A_3828[%gather3A_3833] in [0] : vector<16xf32>, vector<16xi32> -> vector<16xf32>
      %add3A_3835 = arith.addf %add3A_3828, %gather3A_3834 : vector<16xf32>
      %xor3A_3836 = arith.constant 1 : i32
      %xor3A_3837 = vector.broadcast %xor3A_3836 : i32 to vector<16xi32>
      %xor3A_3838 = arith.xori %iota3A, %xor3A_3837 : vector<16xi32>
      %broadcast_in_dim3A_3839 = vector.shape_cast %xor3A_3838 : vector<16xi32> to vector<16x1xi32>
      %gather3A_3840 = vector.shape_cast %broadcast_in_dim3A_3839 : vector<16x1xi32> to vector<16xi32>
      %gather3A_3841 = tpu.dynamic_gather %add3A_3835[%gather3A_3840] in [0] : vector<16xf32>, vector<16xi32> -> vector<16xf32>
      %add3A_3842 = arith.addf %add3A_3835, %gather3A_3841 : vector<16xf32>
      %gt3A_3843 = arith.constant 0.000000e+00 : f32
      %gt3A_3844 = vector.broadcast %gt3A_3843 : f32 to vector<16xf32>
      %gt3A_3845 = arith.cmpf ogt, %add3A_3842, %gt3A_3844 : vector<16xf32>
      %jit3A_3846 = arith.constant 8.000000e+00 : f32
      %jit3A_3847 = arith.constant 0.000000e+00 : f32
      %broadcast_in_dim3A_3848 = vector.broadcast %jit3A_3846 : f32 to vector<16xf32>
      %broadcast_in_dim3A_3849 = vector.broadcast %jit3A_3847 : f32 to vector<16xf32>
      %select_n3A_3850 = arith.select %gt3A_3845, %broadcast_in_dim3A_3848, %broadcast_in_dim3A_3849 : vector<16xi1>, vector<16xf32>
      %add3A_3851 = arith.addf %add3A_3814, %select_n3A_3850 : vector<16xf32>
      %xor3A_3852 = arith.constant 8 : i32
      %xor3A_3853 = vector.broadcast %xor3A_3852 : i32 to vector<16xi32>
      %xor3A_3854 = arith.xori %iota3A, %xor3A_3853 : vector<16xi32>
      %broadcast_in_dim3A_3855 = vector.shape_cast %xor3A_3854 : vector<16xi32> to vector<16x1xi32>
      %gather3A_3856 = vector.shape_cast %broadcast_in_dim3A_3855 : vector<16x1xi32> to vector<16xi32>
      %gather3A_3857 = tpu.dynamic_gather %scan3A_3053#21[%gather3A_3856] in [0] : vector<16xf32>, vector<16xi32> -> vector<16xf32>
      %add3A_3858 = arith.addf %scan3A_3053#21, %gather3A_3857 : vector<16xf32>
      %xor3A_3859 = arith.constant 4 : i32
      %xor3A_3860 = vector.broadcast %xor3A_3859 : i32 to vector<16xi32>
      %xor3A_3861 = arith.xori %iota3A, %xor3A_3860 : vector<16xi32>
      %broadcast_in_dim3A_3862 = vector.shape_cast %xor3A_3861 : vector<16xi32> to vector<16x1xi32>
      %gather3A_3863 = vector.shape_cast %broadcast_in_dim3A_3862 : vector<16x1xi32> to vector<16xi32>
      %gather3A_3864 = tpu.dynamic_gather %add3A_3858[%gather3A_3863] in [0] : vector<16xf32>, vector<16xi32> -> vector<16xf32>
      %add3A_3865 = arith.addf %add3A_3858, %gather3A_3864 : vector<16xf32>
      %xor3A_3866 = arith.constant 2 : i32
      %xor3A_3867 = vector.broadcast %xor3A_3866 : i32 to vector<16xi32>
      %xor3A_3868 = arith.xori %iota3A, %xor3A_3867 : vector<16xi32>
      %broadcast_in_dim3A_3869 = vector.shape_cast %xor3A_3868 : vector<16xi32> to vector<16x1xi32>
      %gather3A_3870 = vector.shape_cast %broadcast_in_dim3A_3869 : vector<16x1xi32> to vector<16xi32>
      %gather3A_3871 = tpu.dynamic_gather %add3A_3865[%gather3A_3870] in [0] : vector<16xf32>, vector<16xi32> -> vector<16xf32>
      %add3A_3872 = arith.addf %add3A_3865, %gather3A_3871 : vector<16xf32>
      %xor3A_3873 = arith.constant 1 : i32
      %xor3A_3874 = vector.broadcast %xor3A_3873 : i32 to vector<16xi32>
      %xor3A_3875 = arith.xori %iota3A, %xor3A_3874 : vector<16xi32>
      %broadcast_in_dim3A_3876 = vector.shape_cast %xor3A_3875 : vector<16xi32> to vector<16x1xi32>
      %gather3A_3877 = vector.shape_cast %broadcast_in_dim3A_3876 : vector<16x1xi32> to vector<16xi32>
      %gather3A_3878 = tpu.dynamic_gather %add3A_3872[%gather3A_3877] in [0] : vector<16xf32>, vector<16xi32> -> vector<16xf32>
      %add3A_3879 = arith.addf %add3A_3872, %gather3A_3878 : vector<16xf32>
      %gt3A_3880 = arith.constant 0.000000e+00 : f32
      %gt3A_3881 = vector.broadcast %gt3A_3880 : f32 to vector<16xf32>
      %gt3A_3882 = arith.cmpf ogt, %add3A_3879, %gt3A_3881 : vector<16xf32>
      %jit3A_3883 = arith.constant 4.000000e+00 : f32
      %jit3A_3884 = arith.constant 0.000000e+00 : f32
      %broadcast_in_dim3A_3885 = vector.broadcast %jit3A_3883 : f32 to vector<16xf32>
      %broadcast_in_dim3A_3886 = vector.broadcast %jit3A_3884 : f32 to vector<16xf32>
      %select_n3A_3887 = arith.select %gt3A_3882, %broadcast_in_dim3A_3885, %broadcast_in_dim3A_3886 : vector<16xi1>, vector<16xf32>
      %add3A_3888 = arith.addf %add3A_3851, %select_n3A_3887 : vector<16xf32>
      %xor3A_3889 = arith.constant 8 : i32
      %xor3A_3890 = vector.broadcast %xor3A_3889 : i32 to vector<16xi32>
      %xor3A_3891 = arith.xori %iota3A, %xor3A_3890 : vector<16xi32>
      %broadcast_in_dim3A_3892 = vector.shape_cast %xor3A_3891 : vector<16xi32> to vector<16x1xi32>
      %gather3A_3893 = vector.shape_cast %broadcast_in_dim3A_3892 : vector<16x1xi32> to vector<16xi32>
      %gather3A_3894 = tpu.dynamic_gather %scan3A_3053#22[%gather3A_3893] in [0] : vector<16xf32>, vector<16xi32> -> vector<16xf32>
      %add3A_3895 = arith.addf %scan3A_3053#22, %gather3A_3894 : vector<16xf32>
      %xor3A_3896 = arith.constant 4 : i32
      %xor3A_3897 = vector.broadcast %xor3A_3896 : i32 to vector<16xi32>
      %xor3A_3898 = arith.xori %iota3A, %xor3A_3897 : vector<16xi32>
      %broadcast_in_dim3A_3899 = vector.shape_cast %xor3A_3898 : vector<16xi32> to vector<16x1xi32>
      %gather3A_3900 = vector.shape_cast %broadcast_in_dim3A_3899 : vector<16x1xi32> to vector<16xi32>
      %gather3A_3901 = tpu.dynamic_gather %add3A_3895[%gather3A_3900] in [0] : vector<16xf32>, vector<16xi32> -> vector<16xf32>
      %add3A_3902 = arith.addf %add3A_3895, %gather3A_3901 : vector<16xf32>
      %xor3A_3903 = arith.constant 2 : i32
      %xor3A_3904 = vector.broadcast %xor3A_3903 : i32 to vector<16xi32>
      %xor3A_3905 = arith.xori %iota3A, %xor3A_3904 : vector<16xi32>
      %broadcast_in_dim3A_3906 = vector.shape_cast %xor3A_3905 : vector<16xi32> to vector<16x1xi32>
      %gather3A_3907 = vector.shape_cast %broadcast_in_dim3A_3906 : vector<16x1xi32> to vector<16xi32>
      %gather3A_3908 = tpu.dynamic_gather %add3A_3902[%gather3A_3907] in [0] : vector<16xf32>, vector<16xi32> -> vector<16xf32>
      %add3A_3909 = arith.addf %add3A_3902, %gather3A_3908 : vector<16xf32>
      %xor3A_3910 = arith.constant 1 : i32
      %xor3A_3911 = vector.broadcast %xor3A_3910 : i32 to vector<16xi32>
      %xor3A_3912 = arith.xori %iota3A, %xor3A_3911 : vector<16xi32>
      %broadcast_in_dim3A_3913 = vector.shape_cast %xor3A_3912 : vector<16xi32> to vector<16x1xi32>
      %gather3A_3914 = vector.shape_cast %broadcast_in_dim3A_3913 : vector<16x1xi32> to vector<16xi32>
      %gather3A_3915 = tpu.dynamic_gather %add3A_3909[%gather3A_3914] in [0] : vector<16xf32>, vector<16xi32> -> vector<16xf32>
      %add3A_3916 = arith.addf %add3A_3909, %gather3A_3915 : vector<16xf32>
      %gt3A_3917 = arith.constant 0.000000e+00 : f32
      %gt3A_3918 = vector.broadcast %gt3A_3917 : f32 to vector<16xf32>
      %gt3A_3919 = arith.cmpf ogt, %add3A_3916, %gt3A_3918 : vector<16xf32>
      %jit3A_3920 = arith.constant 2.000000e+00 : f32
      %jit3A_3921 = arith.constant 0.000000e+00 : f32
      %broadcast_in_dim3A_3922 = vector.broadcast %jit3A_3920 : f32 to vector<16xf32>
      %broadcast_in_dim3A_3923 = vector.broadcast %jit3A_3921 : f32 to vector<16xf32>
      %select_n3A_3924 = arith.select %gt3A_3919, %broadcast_in_dim3A_3922, %broadcast_in_dim3A_3923 : vector<16xi1>, vector<16xf32>
      %add3A_3925 = arith.addf %add3A_3888, %select_n3A_3924 : vector<16xf32>
      %xor3A_3926 = arith.constant 8 : i32
      %xor3A_3927 = vector.broadcast %xor3A_3926 : i32 to vector<16xi32>
      %xor3A_3928 = arith.xori %iota3A, %xor3A_3927 : vector<16xi32>
      %broadcast_in_dim3A_3929 = vector.shape_cast %xor3A_3928 : vector<16xi32> to vector<16x1xi32>
      %gather3A_3930 = vector.shape_cast %broadcast_in_dim3A_3929 : vector<16x1xi32> to vector<16xi32>
      %gather3A_3931 = tpu.dynamic_gather %scan3A_3053#23[%gather3A_3930] in [0] : vector<16xf32>, vector<16xi32> -> vector<16xf32>
      %add3A_3932 = arith.addf %scan3A_3053#23, %gather3A_3931 : vector<16xf32>
      %xor3A_3933 = arith.constant 4 : i32
      %xor3A_3934 = vector.broadcast %xor3A_3933 : i32 to vector<16xi32>
      %xor3A_3935 = arith.xori %iota3A, %xor3A_3934 : vector<16xi32>
      %broadcast_in_dim3A_3936 = vector.shape_cast %xor3A_3935 : vector<16xi32> to vector<16x1xi32>
      %gather3A_3937 = vector.shape_cast %broadcast_in_dim3A_3936 : vector<16x1xi32> to vector<16xi32>
      %gather3A_3938 = tpu.dynamic_gather %add3A_3932[%gather3A_3937] in [0] : vector<16xf32>, vector<16xi32> -> vector<16xf32>
      %add3A_3939 = arith.addf %add3A_3932, %gather3A_3938 : vector<16xf32>
      %xor3A_3940 = arith.constant 2 : i32
      %xor3A_3941 = vector.broadcast %xor3A_3940 : i32 to vector<16xi32>
      %xor3A_3942 = arith.xori %iota3A, %xor3A_3941 : vector<16xi32>
      %broadcast_in_dim3A_3943 = vector.shape_cast %xor3A_3942 : vector<16xi32> to vector<16x1xi32>
      %gather3A_3944 = vector.shape_cast %broadcast_in_dim3A_3943 : vector<16x1xi32> to vector<16xi32>
      %gather3A_3945 = tpu.dynamic_gather %add3A_3939[%gather3A_3944] in [0] : vector<16xf32>, vector<16xi32> -> vector<16xf32>
      %add3A_3946 = arith.addf %add3A_3939, %gather3A_3945 : vector<16xf32>
      %xor3A_3947 = arith.constant 1 : i32
      %xor3A_3948 = vector.broadcast %xor3A_3947 : i32 to vector<16xi32>
      %xor3A_3949 = arith.xori %iota3A, %xor3A_3948 : vector<16xi32>
      %broadcast_in_dim3A_3950 = vector.shape_cast %xor3A_3949 : vector<16xi32> to vector<16x1xi32>
      %gather3A_3951 = vector.shape_cast %broadcast_in_dim3A_3950 : vector<16x1xi32> to vector<16xi32>
      %gather3A_3952 = tpu.dynamic_gather %add3A_3946[%gather3A_3951] in [0] : vector<16xf32>, vector<16xi32> -> vector<16xf32>
      %add3A_3953 = arith.addf %add3A_3946, %gather3A_3952 : vector<16xf32>
      %gt3A_3954 = arith.constant 0.000000e+00 : f32
      %gt3A_3955 = vector.broadcast %gt3A_3954 : f32 to vector<16xf32>
      %gt3A_3956 = arith.cmpf ogt, %add3A_3953, %gt3A_3955 : vector<16xf32>
      %jit3A_3957 = arith.constant 1.000000e+00 : f32
      %jit3A_3958 = arith.constant 0.000000e+00 : f32
      %broadcast_in_dim3A_3959 = vector.broadcast %jit3A_3957 : f32 to vector<16xf32>
      %broadcast_in_dim3A_3960 = vector.broadcast %jit3A_3958 : f32 to vector<16xf32>
      %select_n3A_3961 = arith.select %gt3A_3956, %broadcast_in_dim3A_3959, %broadcast_in_dim3A_3960 : vector<16xi1>, vector<16xf32>
      %add3A_3962 = arith.addf %add3A_3925, %select_n3A_3961 : vector<16xf32>
      %eq3A_3963 = arith.constant 15 : i32
      %eq3A_3964 = vector.broadcast %eq3A_3963 : i32 to vector<16xi32>
      %eq3A_3965 = arith.cmpi eq, %iota3A, %eq3A_3964 : vector<16xi32>
      %select_n3A_3966 = arith.select %eq3A_3965, %add3A_3962, %select_n3A_3738 : vector<16xi1>, vector<16xf32>
      %add3A_3967 = arith.constant 2 : i32
      %add3A_3968 = arith.addi %add3A_2015, %add3A_3967 : i32
      %lt3A_3969 = arith.constant 4 : i32
      %lt3A_3970 = arith.cmpi slt, %add3A_3968, %lt3A_3969 : i32
      %convert_element_type3A_3971 = arith.extui %lt3A_3970 : i1 to i32
      %cond3A_3972 = arith.constant 0 : i32
      %cond3A_3973 = arith.cmpi ne, %convert_element_type3A_3971, %cond3A_3972 : i32
      scf.if %cond3A_3973 {
        %add3A_3980 = arith.constant 2 : i32
        %add3A_3981 = arith.addi %add3A_2015, %add3A_3980 : i32
        %mul3A_3982 = arith.constant 8 : i32
        %mul3A_3983 = arith.muli %add3A_3981, %mul3A_3982 : i32
        %add3A_3984 = arith.addi %add3A_4, %mul3A_3983 : i32
        %dma_start3A_3985 = arith.constant 1 : i32
        %dma_start3A_3986 = arith.constant 1 : i32
        %dma_start3A_3987 = arith.constant 0 : i32
        %dma_start3A_3988 = arith.constant 0 : i32
        %dma_start3A_3989 = tpu.memref_slice %arg7[%dma_start3A_3985, %dma_start3A_3987, %dma_start3A_3988] : memref<2x8x4096xf32, #tpu.memory_space<vmem>> -> memref<1x8x4096xf32, #tpu.memory_space<vmem>>
        %dma_start3A_3990 = tpu.memref_squeeze %dma_start3A_3989 : memref<1x8x4096xf32, #tpu.memory_space<vmem>> -> memref<8x4096xf32, #tpu.memory_space<vmem>>
        %dma_start3A_3991 = arith.constant 0 : i32
        %dma_start3A_3992 = tpu.memref_slice %arg2[%add3A_3984, %dma_start3A_3991] : memref<32768x4096xf32, #tpu.memory_space<hbm>> -> memref<8x4096xf32, #tpu.memory_space<hbm>>
        %dma_start3A_3993 = tpu.memref_slice %arg10[%dma_start3A_3986] : memref<2x!tpu.dma_semaphore, #tpu.memory_space<semaphore_mem>> -> memref<1x!tpu.dma_semaphore, #tpu.memory_space<semaphore_mem>>
        %dma_start3A_3994 = tpu.memref_squeeze %dma_start3A_3993 : memref<1x!tpu.dma_semaphore, #tpu.memory_space<semaphore_mem>> -> memref<!tpu.dma_semaphore, #tpu.memory_space<semaphore_mem>>
        %dma_start3A_3995 = arith.constant 0 : i32
        %dma_start3A_3996 = arith.constant 0 : i32
        %dma_start3A_3997 = tpu.memref_slice %arg7[%dma_start3A_3985, %dma_start3A_3995, %dma_start3A_3996] : memref<2x8x4096xf32, #tpu.memory_space<vmem>> -> memref<1x8x4096xf32, #tpu.memory_space<vmem>>
        %dma_start3A_3998 = tpu.memref_squeeze %dma_start3A_3997 : memref<1x8x4096xf32, #tpu.memory_space<vmem>> -> memref<8x4096xf32, #tpu.memory_space<vmem>>
        %dma_start3A_3999 = arith.constant 0 : i32
        %dma_start3A_4000 = tpu.memref_slice %arg2[%add3A_3984, %dma_start3A_3999] : memref<32768x4096xf32, #tpu.memory_space<hbm>> -> memref<8x4096xf32, #tpu.memory_space<hbm>>
        tpu.enqueue_dma source(%dma_start3A_4000 : memref<8x4096xf32, #tpu.memory_space<hbm>>) target(%dma_start3A_3998 : memref<8x4096xf32, #tpu.memory_space<vmem>>) target_semaphore(%dma_start3A_3994 : memref<!tpu.dma_semaphore, #tpu.memory_space<semaphore_mem>>)
      } else {
      }
      %mul3A_3974 = arith.constant 16 : i32
      %mul3A_3975 = arith.muli %scan3A_59, %mul3A_3974 : i32
      %swap3A_3976 = arith.index_cast %mul3A_3975 : i32 to index
      %swap3A_3977 = tpu.vector_load %arg8[%swap3A_3976] {strides = array<i32>} : memref<32xf32, #tpu.memory_space<vmem>>, vector<16xf32>,
      %swap3A_3978 = vector.shape_cast %swap3A_3977 : vector<16xf32> to vector<16xf32>
      %swap3A_3979 = vector.shape_cast %select_n3A_3966 : vector<16xf32> to vector<16xf32>
      tpu.vector_store %arg8[%swap3A_3976], %swap3A_3979 {strides = array<i32>} : memref<32xf32, #tpu.memory_space<vmem>>, vector<16xf32>,
    }
    %scan3A_58 = arith.constant 2 : i32
    "tpu.region"() ({
      %run_scoped3A = tpu.sem_alloc : memref<!tpu.dma_semaphore, #tpu.memory_space<semaphore_mem>>
      %dma_start3A_59 = tpu.memref_slice %arg5[%mul3A_2] : memref<1024xf32, #tpu.memory_space<hbm>> -> memref<32xf32, #tpu.memory_space<hbm>>
      %dma_start3A_60 = tpu.memref_slice %arg5[%mul3A_2] : memref<1024xf32, #tpu.memory_space<hbm>> -> memref<32xf32, #tpu.memory_space<hbm>>
      tpu.enqueue_dma source(%arg8 : memref<32xf32, #tpu.memory_space<vmem>>) target(%dma_start3A_60 : memref<32xf32, #tpu.memory_space<hbm>>) target_semaphore(%run_scoped3A : memref<!tpu.dma_semaphore, #tpu.memory_space<semaphore_mem>>)
      %dma_wait3A = tpu.memref_slice %arg5[%mul3A_2] : memref<1024xf32, #tpu.memory_space<hbm>> -> memref<32xf32, #tpu.memory_space<hbm>>
      %dma_wait3A_61 = tpu.memref_slice %arg5[%mul3A_2] : memref<1024xf32, #tpu.memory_space<hbm>> -> memref<32xf32, #tpu.memory_space<hbm>>
      tpu.wait_dma2 semaphore(%run_scoped3A : memref<!tpu.dma_semaphore, #tpu.memory_space<semaphore_mem>>) src(%arg8 : memref<32xf32, #tpu.memory_space<vmem>>) dst(%dma_wait3A_61 : memref<32xf32, #tpu.memory_space<hbm>>)
      tpu.yield
    }) : () -> ()
    "tpu.region"() ({
      %run_scoped3A = tpu.sem_alloc : memref<!tpu.dma_semaphore, #tpu.memory_space<semaphore_mem>>
      %dma_start3A_59 = tpu.memref_slice %arg4[%mul3A_2] : memref<1024xf32, #tpu.memory_space<hbm>> -> memref<32xf32, #tpu.memory_space<hbm>>
      %dma_start3A_60 = tpu.memref_slice %arg4[%mul3A_2] : memref<1024xf32, #tpu.memory_space<hbm>> -> memref<32xf32, #tpu.memory_space<hbm>>
      tpu.enqueue_dma source(%arg9 : memref<32xf32, #tpu.memory_space<vmem>>) target(%dma_start3A_60 : memref<32xf32, #tpu.memory_space<hbm>>) target_semaphore(%run_scoped3A : memref<!tpu.dma_semaphore, #tpu.memory_space<semaphore_mem>>)
      %dma_wait3A = tpu.memref_slice %arg4[%mul3A_2] : memref<1024xf32, #tpu.memory_space<hbm>> -> memref<32xf32, #tpu.memory_space<hbm>>
      %dma_wait3A_61 = tpu.memref_slice %arg4[%mul3A_2] : memref<1024xf32, #tpu.memory_space<hbm>> -> memref<32xf32, #tpu.memory_space<hbm>>
      tpu.wait_dma2 semaphore(%run_scoped3A : memref<!tpu.dma_semaphore, #tpu.memory_space<semaphore_mem>>) src(%arg9 : memref<32xf32, #tpu.memory_space<vmem>>) dst(%dma_wait3A_61 : memref<32xf32, #tpu.memory_space<hbm>>)
      tpu.yield
    }) : () -> ()
    return
  }
}

module attributes {stable_mosaic.version = 14 : i64} {
  func.func @_lsh_tc_kernel(%arg0: i32, %arg1: memref<1024x4096xf32, #tpu.memory_space<vmem>>, %arg2: memref<4096x6xf32, #tpu.memory_space<vmem>>, %arg3: memref<1024xf32, #tpu.memory_space<vmem>>, %arg4: memref<1024xf32, #tpu.memory_space<vmem>>) attributes {dimension_semantics = [#tpu.dimension_semantics<arbitrary>], iteration_bounds = array<i64: 31>, scalar_prefetch = 0 : i64, scratch_operands = 0 : i64, tpu.core_type = #tpu.core_type<tc>, window_params = [{transform_indices = @transform_0, window_bounds = array<i64: 1024, 4096>}, {pipeline_mode = #tpu.pipeline_mode<synchronous>, transform_indices = @transform_1, window_bounds = array<i64: 4096, 6>}, {transform_indices = @transform_2, window_bounds = array<i64: 1024>}, {transform_indices = @transform_3, window_bounds = array<i64: 1024>}]} {
    %get3A = arith.constant 0 : index
    %get3A_0 = arith.constant 0 : index
    %get3A_1 = vector.load %arg1[%get3A, %get3A_0] : memref<1024x4096xf32, #tpu.memory_space<vmem>>, vector<1024x4096xf32>
    %convert_element_type3A = arith.truncf %get3A_1 : vector<1024x4096xf32> to vector<1024x4096xbf16>
    %get3A_2 = arith.constant 0 : index
    %get3A_3 = arith.constant 0 : index
    %get3A_4 = vector.load %arg2[%get3A_2, %get3A_3] : memref<4096x6xf32, #tpu.memory_space<vmem>>, vector<4096x6xf32>
    %convert_element_type3A_5 = arith.truncf %get3A_4 : vector<4096x6xf32> to vector<4096x6xbf16>
    %dot_general3A = arith.constant dense<0.000000e+00> : vector<6x1024xf32>
    %dot_general3A_6 = tpu.matmul %convert_element_type3A_5, %convert_element_type3A, %dot_general3A {dimension_numbers = #tpu.dot_dimension_numbers<[0], [1], [1], [0], [0, 1, 1, 0], [], []>, transpose_lhs_hint = false} : vector<4096x6xbf16>, vector<1024x4096xbf16>, vector<6x1024xf32> -> vector<6x1024xf32>
    %iota3A = tpu.iota {dimensions = array<i32: 1>} : vector<1x6xi32>
    %iota3A_7 = vector.shape_cast %iota3A : vector<1x6xi32> to vector<6xi32>
    %mul3A = arith.constant -1 : i32
    %mul3A_8 = vector.broadcast %mul3A : i32 to vector<6xi32>
    %mul3A_9 = arith.muli %mul3A_8, %iota3A_7 : vector<6xi32>
    %add3A = arith.constant 5 : i32
    %add3A_10 = vector.broadcast %add3A : i32 to vector<6xi32>
    %add3A_11 = arith.addi %add3A_10, %mul3A_9 : vector<6xi32>
    %shift_left3A = arith.constant 1 : i32
    %shift_left3A_12 = vector.broadcast %shift_left3A : i32 to vector<6xi32>
    %shift_left3A_13 = arith.shli %shift_left3A_12, %add3A_11 : vector<6xi32>
    %convert_element_type3A_14 = arith.sitofp %shift_left3A_13 : vector<6xi32> to vector<6xf32>
    %broadcast_in_dim3A = vector.shape_cast %convert_element_type3A_14 : vector<6xf32> to vector<6x1xf32>
    %gt3A = arith.constant 0.000000e+00 : f32
    %gt3A_15 = vector.broadcast %gt3A : f32 to vector<6x1024xf32>
    %gt3A_16 = arith.cmpf ogt, %dot_general3A_6, %gt3A_15 : vector<6x1024xf32>
    %jit3A = arith.constant 0.000000e+00 : f32
    %broadcast_in_dim3A_17 = vector.shape_cast %broadcast_in_dim3A : vector<6x1xf32> to vector<6x1xf32>
    %broadcast_in_dim3A_18 = vector.broadcast %broadcast_in_dim3A_17 : vector<6x1xf32> to vector<6x1024xf32>
    %broadcast_in_dim3A_19 = vector.broadcast %jit3A : f32 to vector<6x1024xf32>
    %select_n3A = arith.select %gt3A_16, %broadcast_in_dim3A_18, %broadcast_in_dim3A_19 : vector<6x1024xi1>, vector<6x1024xf32>
    %reduce_sum3A = arith.constant dense<0.000000e+00> : vector<1024xf32>
    %reduce_sum3A_20 = vector.multi_reduction <add>, %select_n3A, %reduce_sum3A [0] : vector<6x1024xf32> to vector<1024xf32>
    %swap3A = arith.constant 0 : index
    %swap3A_21 = vector.load %arg4[%swap3A] : memref<1024xf32, #tpu.memory_space<vmem>>, vector<1024xf32>
    tpu.vector_store %arg4[%swap3A], %reduce_sum3A_20 {strides = array<i32>} : memref<1024xf32, #tpu.memory_space<vmem>>, vector<1024xf32>,
    %broadcast_in_dim3A_22 = arith.constant 1.000000e+00 : f32
    %broadcast_in_dim3A_23 = vector.broadcast %broadcast_in_dim3A_22 : f32 to vector<1024xf32>
    %swap3A_24 = arith.constant 0 : index
    %swap3A_25 = vector.load %arg3[%swap3A_24] : memref<1024xf32, #tpu.memory_space<vmem>>, vector<1024xf32>
    tpu.vector_store %arg3[%swap3A_24], %broadcast_in_dim3A_23 {strides = array<i32>} : memref<1024xf32, #tpu.memory_space<vmem>>, vector<1024xf32>,
    return
  }
  func.func @transform_0(%arg0: i32) -> (i32, i32) {
    %c0_i32 = arith.constant 0 : i32
    %c0_i32_0 = arith.constant 0 : i32
    return %arg0, %c0_i32 : i32, i32
  }
  func.func @transform_1(%arg0: i32) -> (i32, i32) {
    %c0_i32 = arith.constant 0 : i32
    %c0_i32_0 = arith.constant 0 : i32
    %c0_i32_1 = arith.constant 0 : i32
    return %c0_i32, %c0_i32_0 : i32, i32
  }
  func.func @transform_2(%arg0: i32) -> i32 {
    %c0_i32 = arith.constant 0 : i32
    return %arg0 : i32
  }
  func.func @transform_3(%arg0: i32) -> i32 {
    %c0_i32 = arith.constant 0 : i32
    return %arg0 : i32
  }
}

</mosaic_0001>

<sc_bundles>
// kernel: kernel.4.cloned.1.call-start
scs
__scs_entry_jumppad:
0x0: {  	(pc) =	sbr.rel $0x88, $3  }
0x1: {  	(tag) =	ssettag $0x0;
	lr =	simm.s32 $0x1  }
0x2: {  	[smem:$0x3F9F] =	sst lr;
	_ =	strace $0xD0000000  }
0x3: {  	_ = 	snop  }
0x4: {  	_ = 	snop  }
0x5: {  	_ = 	snop  }
0x6: {  	_ = 	snop  }
0x7: {  	_ = 	snop  }
__scs_overlays_trampoline_lowered:
0x8: {  	[smem:$0x3FAE] =	sst s0  }
0x9: {  	[smem:$0x3FAF] =	sst s1  }
0xa: {  	[smem:$0x3FB0] =	sst s2  }
0xb: {  	[smem:$0x3FB1] =	sst s3  }
0xc: {  	[smem:$0x3FB2] =	sst s4  }
0xd: {  	[smem:$0x3FB3] =	sst s5  }
0xe: {  	[smem:$0x3FB4] =	sst s6  }
0xf: {  	[smem:$0x3FB5] =	sst s7  }
0x10: {  	[smem:$0x3FB6] =	sst s8  }
0x11: {  	[smem:$0x3FB7] =	sst s9;
	s0 =	simm.s32 @!p0 $0x0  }
0x12: {  	s1 =	sld [smem:$0x3F9D];
	s0 =	simm.s32 @p0 $0x1  }
0x13: {  	[smem:$0x3FB8] =	sst s0;
	s0 =	simm.s32 @!p1 $0x0  }
0x14: {  	s2 =	sld [smem:$0x3F9C];
	s0 =	simm.s32 @p1 $0x1  }
0x15: {  	[smem:$0x3FB9] =	sst s0;
	s0 =	simm.s32 @!p2 $0x0  }
0x16: {  	s3 =	sld [smem:$0x3FDB];
	s0 =	simm.s32 @p2 $0x1  }
0x17: {  	s4 =	simm.s32 $0x1BF5;
	[smem:$0x3FBB] =	sst s0  }
0x18: {  	s0 =	sld [smem:$0x3F9E];
	_ =	swait.ge [sflag:s4], $0x0  }
0x19: {  	s7 =	sld [smem:$0x3F9F]  }
0x1a: {  	s8 =	sadd.s32 $0xFFFFE003, lr  }
0x1b: {  	s9 =	sadd.s32 $0xFFFFFEF7, lr;
	s5 =	simm.s32 $0xFFFFFFFF;
	p2 =	slt.u32 s8, $0xFFFFF086  }
0x1c: {  	p1 =	slt.u32 s9, $0xF7A;
	s5 =	simm.s32 @!p2 $0x0  }
0x1d: {  	s5 =	simm.s32 @p1 $0x1;
	p0 =	seq.s32 s7, s2  }
0x1e: {  	s7 =	smul.u32 @!p0 $0xF7A, s2;
	p2 =	seq.s32 @!p0 s5, $0x0  }
0x1f: {  	s9 =	smul.u32 $0xF7A, s1;
	s8 =	simm.s32 @!p0 $0x1BF5;
	p2 =	por !p2, p0  }
0x20: {  	[sflag:s8] =	ssyncset.s32 @!p0 $0xFFFFF086;
	s6 =	sadd.s32 @!p0 s3, s7;
	s7 =	simm.s32 @!p0 $0x108  }
0x21: {  	s3 =	sadd.s32 s3, s9;
	s6 =	sadd.s32 @!p0 $0x88, s6;
	s7 =	simm.s32 @p2 $0x1082  }
0x22: {  	[simem:s7], [sflag:s8] =	dma.local @!p0 [hbm:s6], $0xF7A  }
0x23: {  	s9 =	sor.u32 $0xD0000000, s2;
	s6 =	simm.s32 $0x108;
	_ =	swait.ge @!p0 [sflag:s8], $0x0  }
0x24: {  	s3 =	sadd.s32 $0x88, s3;
	s6 =	simm.s32 @!p1 $0x1082;
	[sflag:s4] =	ssyncset.s32 $0xFFFFF086  }
0x25: {  	[simem:s6], [sflag:s4] =	dma.local [hbm:s3], $0xF7A  }
0x26: {  	[smem:$0x3F9F] =	sst s1;
	(tag) =	ssettag s2;
	_ =	strace s9  }
0x27: {  	s1 =	sld [smem:$0x3FAF]  }
0x28: {  	s2 =	sld [smem:$0x3FB0]  }
0x29: {  	s4 =	sld [smem:$0x3FB2]  }
0x2a: {  	p0 =	seq.s32 s5, $0x0;
	s5 =	sld [smem:$0x3FB3]  }
0x2b: {  	s6 =	sld [smem:$0x3FB4]  }
0x2c: {  	s7 =	sld [smem:$0x3FB5]  }
0x2d: {  	s3 =	simm.s32 $0x108;
	s8 =	sld [smem:$0x3FB6]  }
0x2e: {  	s3 =	simm.s32 @!p0 $0x1082;
	s9 =	sld [smem:$0x3FB7]  }
0x2f: {  	lr =	sadd.s32 s0, s3;
	s0 =	sld [smem:$0x3FAE]  }
0x30: {  	s3 =	sld [smem:$0x3FB1]  }
0x31: {  	[smem:$0x3FBA] =	sst s10  }
0x32: {  	s10 =	sld [smem:$0x3FB8];
	_ =	sdelay $0x3  }
0x33: {  	p0 =	seq.s32 s10, $0x1;
	s10 =	sld [smem:$0x3FBA];
	_ =	sdelay $0x3  }
0x34: {  	[smem:$0x3FBA] =	sst s10  }
0x35: {  	s10 =	sld [smem:$0x3FB9];
	_ =	sdelay $0x3  }
0x36: {  	p1 =	seq.s32 s10, $0x1;
	s10 =	sld [smem:$0x3FBA];
	_ =	sdelay $0x3  }
0x37: {  	[smem:$0x3FBA] =	sst s10  }
0x38: {  	s10 =	sld [smem:$0x3FBB]  }
0x39: {  	_ = 	snop;
	(pc) =	sbr.ind lr, $3  }
0x3a: {  	_ = 	snop  }
0x3b: {  	_ = 	snop  }
0x3c: {  	p2 =	seq.s32 s10, $0x1;
	s10 =	sld [smem:$0x3FBA]  }
0x3d: {  	_ =	shalt  }
0x3e: {  	_ =	shalt  }
0x3f: {  	_ =	shalt  }
0x40: {  	_ =	shalt  }
0x41: {  	_ =	shalt  }
0x42: {  	_ =	shalt  }
0x43: {  	_ =	shalt  }
0x44: {  	_ =	shalt  }
0x45: {  	_ =	shalt  }
0x46: {  	_ =	shalt  }
0x47: {  	_ =	shalt  }
0x48: {  	_ =	shalt  }
0x49: {  	_ =	shalt  }
0x4a: {  	_ =	shalt  }
0x4b: {  	_ =	shalt  }
0x4c: {  	_ =	shalt  }
0x4d: {  	_ =	shalt  }
0x4e: {  	_ =	shalt  }
0x4f: {  	_ =	shalt  }
0x50: {  	_ =	shalt  }
0x51: {  	_ =	shalt  }
0x52: {  	_ =	shalt  }
0x53: {  	_ =	shalt  }
0x54: {  	_ =	shalt  }
0x55: {  	_ =	shalt  }
0x56: {  	_ =	shalt  }
0x57: {  	_ =	shalt  }
0x58: {  	_ =	shalt  }
0x59: {  	_ =	shalt  }
0x5a: {  	_ =	shalt  }
0x5b: {  	_ =	shalt  }
0x5c: {  	_ =	shalt  }
0x5d: {  	_ =	shalt  }
0x5e: {  	_ =	shalt  }
0x5f: {  	_ =	shalt  }
0x60: {  	_ =	shalt  }
0x61: {  	_ =	shalt  }
0x62: {  	_ =	shalt  }
0x63: {  	_ =	shalt  }
0x64: {  	_ =	shalt  }
0x65: {  	_ =	shalt  }
0x66: {  	_ =	shalt  }
0x67: {  	_ =	shalt  }
0x68: {  	_ =	shalt  }
0x69: {  	_ =	shalt  }
0x6a: {  	_ =	shalt  }
0x6b: {  	_ =	shalt  }
0x6c: {  	_ =	shalt  }
0x6d: {  	_ =	shalt  }
0x6e: {  	_ =	shalt  }
0x6f: {  	_ =	shalt  }
0x70: {  	_ =	shalt  }
0x71: {  	_ =	shalt  }
0x72: {  	_ =	shalt  }
0x73: {  	_ =	shalt  }
0x74: {  	_ =	shalt  }
0x75: {  	_ =	shalt  }
0x76: {  	_ =	shalt  }
0x77: {  	_ =	shalt  }
0x78: {  	_ =	shalt  }
0x79: {  	_ =	shalt  }
0x7a: {  	_ =	shalt  }
0x7b: {  	_ =	shalt  }
0x7c: {  	_ =	shalt  }
0x7d: {  	_ =	shalt  }
0x7e: {  	_ =	shalt  }
0x7f: {  	_ =	shalt  }
0x80: {  	_ =	shalt  }
0x81: {  	_ =	shalt  }
0x82: {  	_ =	shalt  }
0x83: {  	_ =	shalt  }
0x84: {  	_ =	shalt  }
0x85: {  	_ =	shalt  }
0x86: {  	_ =	shalt  }
0x87: {  	_ =	shalt  }
.Lfunc_end0:
.L_simem_size_0:
called_computation_lowered:
.L_overlay_start_0:
0x88: {  	s2 =	sld [smem:$0x3FD9]  }
0x89: {  	s3 =	sld [smem:$0x3FFE];
	_ =	sdelay $0x1  }
0x8a: {  	s1 =	srdreg.scid  }
0x8b: {  	s0 =	sand.u32 $0x1, s1  }
0x8c: {  	s17 =	sshll.u32 s0, $0xA;
	s2 =	sadd.s32 s3, s2  }
0x8d: {  	s2 =	sadd.s32 s2, s17  }
0x8e: {  	[smem:$0x3FC6] =	sst s2  }
0x8f: {  	_ = 	snop  }
0x90: {  	s2 =	sld [smem:$0x3FC9]  }
0x91: {  	s18 =	sld [smem:$0x3FC8];
	(tm) =	ssettm $0x1  }
0x92: {  	s4 =	sld [smem:$0x3FFB];
	_ =	sdelay $0x3  }
0x93: {  	_ =	strace s4  }
0x94: {  	s4 =	sld [smem:$0x3FFC];
	_ =	sdelay $0x3  }
0x95: {  	_ =	strace s4  }
0x96: {  	s4 =	sld [smem:$0x3FFD];
	_ =	sdelay $0x3  }
0x97: {  	_ =	strace s4  }
0x98: {  	_ =	strace $0x8FFFFFFF  }
0x99: {  	s19 =	sld [smem:$0x3FDB];
	_ =	sdelay $0x1  }
0x9a: {  	s5 =	simm.s32 $_scs_section_size  }
0x9b: {  	s6 =	simm.s32 $_size__tile_overlayer_lowered;
	s7 =	simm.s32 $_tile_overlayer_lowered  }
0x9c: {  	s22 =	simm.s32 $0x1BFF;
	s21 =	sshll.u32 s7, $0x1;
	s4 =	sadd.s32 s5, s19  }
0x9d: {  	s8 =	simm.s32 $0x0;
	s20 =	sshll.u32 s6, $0x1;
	s6 =	sadd.s32 s21, s4  }
0x9e: {  	[timem:s8], [sflag:s22] =	dma.local [hbm:s6], s20  }
0x9f: {  	_ =	swait.ge [sflag:s22], s20  }
0xa0: {  	s5 =	ssub.s32 $0x0, s20;
	[sflag:s22] =	ssyncset.done $0x0  }
0xa1: {  	[sflag:s22] =	ssyncadd.s32 s5;
	_ =	sdelay $0x1  }
0xa2: {  	s23 =	simm.s32 $0x1B8B  }
0xa3: {  	_ =	swait.ge [sflag:s23], $0x1  }
0xa4: {  	[sflag:s23] =	ssyncset.done $0x0  }
0xa5: {  	s25 =	simm.s32 $0x1B8E;
	s24 =	sld [smem:$0x3FFE];
	[sflag:s23] =	ssyncadd.s32 $0xFFFFFFFF  }
0xa6: {  	s26 =	simm.s32 $execute0_lowered;
	[smem:$0x3FD2] =	sst s25  }
0xa7: {  	s6 =	sshll.u32 s26, $0x1;
	_ =	strace $0x80000046;
	[dreg:$0x1] =	wrdreg $0xFFFFFFFF  }
0xa8: {  	s28 =	simm.s32 $_size_execute0_lowered;
	s4 =	sadd.s32 s4, s6;
	[dreg:$0x0] =	wrdreg $0x0  }
0xa9: {  	s6 =	sshll.u32 s28, $0x1;
	[dreg:$0x2] =	wrdreg s4  }
0xaa: {  	[dreg:$0x3] =	wrdreg s6  }
0xab: {  	[dreg:$0x4] =	wrdreg $0xC0  }
0xac: {  	_ =	task [dreg:s8], $0x5FFFF  }
0xad: {  	[dreg:$0x1] =	wrdreg $0xFFFFFFFF  }
0xae: {  	[dreg:$0x0] =	wrdreg $0x60  }
0xaf: {  	[dreg:$0x2] =	wrdreg s2  }
0xb0: {  	[dreg:$0x3] =	wrdreg s18  }
0xb1: {  	[dreg:$0x4] =	wrdreg s24  }
0xb2: {  	[dreg:$0x5] =	wrdreg $0x9  }
0xb3: {  	_ =	task.clear_ibuf [dreg:s8], $0x6FFFF;
	_ =	strace $0x90000046  }
0xb4: {  	s29 =	simm.s32 $0x9;
	_ =	strace $0x80000048  }
0xb5: {  	_ =	swait.ge [sflag:s29], $0x1  }
0xb6: {  	[sflag:s29] =	ssyncadd.s32 $0xFFFFFFFF  }
0xb7: {  	_ =	strace $0x90000048  }
0xb8: {  	_ =	sfence  }
0xb9: {  	s30 =	sld [smem:$0x0];
	_ =	sdelay $0x2  }
0xba: {  	s31 =	sshll.u32 s1, $0xD;
	s1 =	sshrl.u32 s1, $0x2  }
0xbb: {  	s3 =	sand.u32 $0x4000, s31;
	s1 =	sadd.s32 s1, s30  }
0xbc: {  	s0 =	sor.u32 s3, s0;
	s1 =	sshll.u32 s1, $0x11  }
0xbd: {  	s0 =	sor.u32 s1, s0  }
0xbe: {  	s0 =	sadd.s32 $0x8F2B, s0  }
0xbf: {  	[sflag:s0] =	ssyncadd.remote.s32 $0x1  }
0xc0: {  	_ =	sfence.sel $0xFFFF  }
0xc1: {  	[dreg:$0x0] =	wrdreg $0xFFFFFFFF;
	(pc) =	sbr.abs _section_cstart, $3  }
0xc2: {  	[dreg:$0x1] =	wrdreg $0xFFFFFFFF  }
0xc3: {  	_ =	task.clear_ibuf [dreg:s8], $0x2FFFF;
	_ =	strace $0x9FFFFFFF  }
0xc4: {  	(tm) =	ssettm $0x7FFFFFFF  }
0xc5: {  	_ =	shalt  }
tec
execute0_lowered:
.L_overlay_start_1:
0x0: {  	(tag) =	ssettag $0x1  }
0x1: {  	s4 =	rddreg [dreg:$0x0]  }
0x2: {  	s0 =	rddreg [dreg:$0x1]  }
0x3: {  	v0 =	vimm.s32 $0xFEDCBA98;
	s5 =	rddreg [dreg:$0x2];
	v1 =	vimm.s32 $0x76543210;
	v2 =	vimm.s32 $0xBA98FEDC  }
0x4: {  	s2 =	simm.s32 $0x0;
	s6 =	srdreg.scid;
	s1 =	rddreg [dreg:$0x3];
	v3 =	vimm.s32 $0x32107654;
	v4 =	vimm.s32 $0xDCFE98BA;
	v5 =	vimm.s32 $0x54761032  }
0x5: {  	s3 =	stileid.u32;
	v6 =	vimm.s32 $0xEFCDAB89;
	v7 =	vimm.s32 $0x67452301;
	s12 =	simm.s32 $0x8000;
	s13 =	simm.s32 $0x10000  }
0x6: {  	s14 =	simm.s32 $0x1;
	s15 =	simm.s32 $0x2;
	s16 =	simm.s32 $0x18000;
	v0 =	vunpack.c.l.s4.s8 v0;
	v1 =	vunpack.c.l.s4.s8 v1;
	v2 =	vunpack.c.l.s4.s8 v2  }
0x7: {  	s17 =	simm.s32 $0x18080;
	s18 =	simm.s32 $0x0;
	s6 =	sand.u32 $0x1, s6;
	v3 =	vunpack.c.l.s4.s8 v3;
	v4 =	vunpack.c.l.s4.s8 v4;
	v5 =	vunpack.c.l.s4.s8 v5  }
0x8: {  	s7 =	sshll.u32 s3, $0x6;
	v6 =	vunpack.c.l.s4.s8 v6;
	v7 =	vunpack.c.l.s4.s8 v7;
	s8 =	sshll.u32 s6, $0x5;
	s6 =	ssub.s32 $0x2, s6;
	v0 =	vunpack.c.0.s8.s32 v0  }
0x9: {  	[smem:$0x7FF] =	sst s2;
	s7 =	sor.u32 s8, s7;
	s9 =	sshrl.u32 s6, $0x1;
	v2 =	vunpack.c.0.s8.s32 v2;
	v3 =	vunpack.c.0.s8.s32 v3;
	v4 =	vunpack.c.0.s8.s32 v4  }
.Ltmp0:
0xa: {  	v5 =	vunpack.c.0.s8.s32 v5;
	v6 =	vunpack.c.0.s8.s32 v6;
	v7 =	vunpack.c.0.s8.s32 v7;
	s8 =	sshrl.u32 s7, $0x3;
	s7 =	sshll.u32 s7, $0x9;
	(pc) =	sbr.rel .LBB2_1-.Ltmp0, $4  }
0xb: {  	_ =	strace $0x80000047;
	v1 =	vunpack.c.0.s8.s32 v1;
	s11 =	ssub.s32 s6, s9;
	s7 =	sadd.s32 s7, s4;
	v2 =	vcombine.low v3, v2  }
0xc: {  	s10 =	sadd.s32 s8, s5;
	v3 =	vcombine.low v5, v4;
	v0 =	vand.u32 $0xF, v0;
	v4 =	vcombine.low v7, v6;
	s4 =	sadd.s32 $0xF80000, s7;
	s5 =	sadd.s32 $0xF81000, s7  }
0xd: {  	v5 =	vimm.f32 $0.0e+00;
	s6 =	sadd.s32 $0xF82000, s7;
	s7 =	sadd.s32 $0xF83000, s7;
	s8 =	sadd.s32 $0xE00, s10;
	v1 =	vcombine.low v0, v1  }
0xe: {  	s9 =	sadd.s32 $0xC00, s10;
	s10 =	smax.u32 s11, $0x1;
	s11 =	simm.s32 $0x3;
	v2 =	vand.u32 $0xF, v2;
	v3 =	vand.u32 $0xF, v3;
	v4 =	vand.u32 $0xF, v4  }
.LBB2_14:
0xf: {  	[tilespmem:s20+$0x18000] =	vst v0  }
0x10: {  	[hbm4b:s8+s2] =	stream.linear.scatter [tilespmem:s16], [sflag:$0x3], $0x20, $0x38;
	[tilespmem:$0x18100] =	vst v63  }
0x11: {  	s18 =	sadd.s32 $0x1, s18;
	_ =	swait.ge [sflag:s11], $0x20  }
0x12: {  	p0 =	sne.s32 s18, s10;
	[sflag:s11] =	ssyncset.done $0x0  }
.Ltmp1:
0x13: {  	[sflag:s11] =	ssyncadd.s32 $0xFFFFFFE0;
	(pc) =	sbr.rel @!p0 .LBB2_15-.Ltmp1, $4  }
0x14: {  	[hbm4b:s9+s2] =	stream.linear.scatter [tilespmem:s17], [sflag:$0x3], $0x20, $0x38;
	[tilespmem:$0x18100] =	vst v63  }
0x15: {  	_ =	swait.ge [sflag:s11], $0x20  }
0x16: {  	[sflag:s11] =	ssyncset.done $0x0  }
0x17: {  	[sflag:s11] =	ssyncadd.s32 $0xFFFFFFE0  }
.LBB2_1:
0x18: {  	[tilespmem:s2], [sflag:$0x3] =	stream.linear.gather [hbm4b:s0+s2], $0x8000, $0x38;
	[tilespmem:$0x18100] =	vst v63  }
0x19: {  	_ =	swait.ge [sflag:s11], $0x8000  }
0x1a: {  	s19 =	sand.u32 $0x70, s2;
	s20 =	sand.u32 $0x7C00, s2;
	[sflag:s11] =	ssyncset.done $0x0  }
0x1b: {  	s19 =	sor.u32 s19, s20;
	[sflag:s11] =	ssyncadd.s32 $0xFFFF8000  }
0x1c: {  	v0 =	vld [tilespmem:s19+$0x280]  }
0x1d: {  	v7 =	vld [tilespmem:s19+$0x200];
	_ =	sdelay $0x1  }
0x1e: {  	v8 =	vld [tilespmem:s19+$0x100];
	_ =	sdelay $0x1  }
0x1f: {  	v6 =	vshrl.u32 v0, $0x10  }
0x20: {  	v9 =	vshrl.u32 v7, $0x10;
	v10 =	vand.u32 $0x1, v6;
	v6 =	vld [tilespmem:s19+$0x180]  }
0x21: {  	v9 =	vand.u32 $0x1, v9;
	v10 =	vadd.s32 v10, v0  }
0x22: {  	s31 =	simm.s32 $0x10;
	v11 =	vshrl.u32 v8, $0x10;
	v0 =	vld [tilespmem:s19+$0x0];
	v12 =	vadd.s32 v9, v7;
	v13 =	vadd.s32 $0x7FFF, v10  }
0x23: {  	s22 =	simm.s32 $0x20;
	s21 =	simm.s32 $0x80;
	s20 =	sand.u32 $0x70, s31;
	v7 =	vld [tilespmem:s19+$0x80];
	v9 =	vand.u32 $0x1, v11;
	v10 =	vadd.s32 $0x7FFF, v12;
	v11 =	vand.u32 $0xFFFF0000, v13  }
.LBB2_2:
0x24: {  	s25 =	smov.u32 s22  }
0x25: {  	s23 =	sand.u32 $0x70, s22;
	s24 =	sand.u32 $0x7C00, s21;
	v12 =	vshrl.u32 v6, $0x10;
	v10 =	vand.u32 $0xFFFF0000, v10;
	[tilespmem:s19+$0x280] =	vst v11;
	s25 =	sadd.s32 $0x10, s22  }
0x26: {  	p0 =	sne.s32 s22, $0xFF0;
	v8 =	vadd.s32 v9, v8;
	s22 =	sor.u32 s20, s24;
	v9 =	vand.u32 $0x1, v12;
	s20 =	smov.u32 s23;
	[tilespmem:s19+$0x200] =	vst v10  }
0x27: {  	v8 =	vadd.s32 $0x7FFF, v8;
	v11 =	vshrl.u32 v0, $0x10;
	v6 =	vadd.s32 v9, v6;
	v10 =	vld [tilespmem:s22+$0x280]  }
0x28: {  	v8 =	vand.u32 $0xFFFF0000, v8;
	v12 =	vshrl.u32 v7, $0x10;
	v6 =	vadd.s32 $0x7FFF, v6;
	v9 =	vld [tilespmem:s22+$0x200]  }
0x29: {  	v11 =	vand.u32 $0x1, v11;
	v12 =	vand.u32 $0x1, v12;
	v6 =	vand.u32 $0xFFFF0000, v6;
	[tilespmem:s19+$0x100] =	vst v8  }
0x2a: {  	v0 =	vadd.s32 v11, v0;
	v7 =	vadd.s32 v12, v7;
	v8 =	vld [tilespmem:s22+$0x100];
	[tilespmem:s19+$0x180] =	vst v6  }
0x2b: {  	v0 =	vadd.s32 $0x7FFF, v0;
	v7 =	vadd.s32 $0x7FFF, v7;
	v6 =	vld [tilespmem:s22+$0x180]  }
.Ltmp2:
0x2c: {  	v0 =	vand.u32 $0xFFFF0000, v0;
	v7 =	vand.u32 $0xFFFF0000, v7;
	v11 =	vshrl.u32 v10, $0x10;
	(pc) =	sbr.rel @p0 .LBB2_2-.Ltmp2, $4  }
0x2d: {  	v12 =	vshrl.u32 v9, $0x10;
	v11 =	vand.u32 $0x1, v11;
	[tilespmem:s19+$0x0] =	vst v0  }
0x2e: {  	v0 =	vld [tilespmem:s22+$0x0];
	v12 =	vand.u32 $0x1, v12;
	v10 =	vadd.s32 v11, v10;
	[tilespmem:s19+$0x80] =	vst v7;
	s19 =	smov.u32 s22  }
0x2f: {  	v7 =	vld [tilespmem:s19+$0x80];
	v11 =	vshrl.u32 v8, $0x10;
	v12 =	vadd.s32 v12, v9;
	v13 =	vadd.s32 $0x7FFF, v10  }
0x30: {  	s21 =	sadd.s32 $0x80, s21;
	s22 =	smov.u32 s25;
	v9 =	vand.u32 $0x1, v11;
	v10 =	vadd.s32 $0x7FFF, v12;
	v11 =	vand.u32 $0xFFFF0000, v13  }
0x31: {  	s21 =	sand.u32 $0x7C00, s21;
	v12 =	vshrl.u32 v6, $0x10;
	v8 =	vadd.s32 v9, v8  }
0x32: {  	v49 =	vand.u32 $0xFFFF0000, v10;
	[tilespmem:s19+$0x280] =	vst v11;
	s20 =	sor.u32 s20, s21;
	v50 =	vand.u32 $0x1, v12;
	v8 =	vadd.s32 $0x7FFF, v8  }
0x33: {  	[tilespmem:s19+$0x200] =	vst v49;
	v51 =	vld [tilespmem:s20+$0x280];
	v52 =	vshrl.u32 v0, $0x10;
	v6 =	vadd.s32 v50, v6;
	v8 =	vand.u32 $0xFFFF0000, v8  }
0x34: {  	v53 =	vld [tilespmem:s20+$0x200];
	v54 =	vshrl.u32 v7, $0x10;
	v6 =	vadd.s32 $0x7FFF, v6;
	v11 =	vand.u32 $0x1, v52;
	[tilespmem:s19+$0x100] =	vst v8  }
0x35: {  	v55 =	vand.u32 $0x1, v54;
	v6 =	vand.u32 $0xFFFF0000, v6;
	v56 =	vld [tilespmem:s20+$0x100];
	v0 =	vadd.s32 v11, v0  }
0x36: {  	v7 =	vadd.s32 v55, v7;
	[tilespmem:s19+$0x180] =	vst v6;
	v0 =	vadd.s32 $0x7FFF, v0  }
0x37: {  	v6 =	vld [tilespmem:s20+$0x180];
	v7 =	vadd.s32 $0x7FFF, v7;
	v0 =	vand.u32 $0xFFFF0000, v0  }
0x38: {  	v57 =	vshrl.u32 v51, $0x10;
	v7 =	vand.u32 $0xFFFF0000, v7;
	[tilespmem:s19+$0x0] =	vst v0  }
0x39: {  	v0 =	vshrl.u32 v53, $0x10;
	v8 =	vand.u32 $0x1, v57;
	v58 =	vld [tilespmem:s20+$0x0];
	[tilespmem:s19+$0x80] =	vst v7  }
0x3a: {  	v0 =	vand.u32 $0x1, v0;
	v7 =	vadd.s32 v8, v51;
	v59 =	vld [tilespmem:s20+$0x80];
	v60 =	vshrl.u32 v56, $0x10  }
0x3b: {  	v0 =	vadd.s32 v0, v53;
	v7 =	vadd.s32 $0x7FFF, v7;
	v9 =	vand.u32 $0x1, v60  }
0x3c: {  	v0 =	vadd.s32 $0x7FFF, v0;
	v7 =	vand.u32 $0xFFFF0000, v7;
	v61 =	vshrl.u32 v6, $0x10  }
0x3d: {  	v0 =	vand.u32 $0xFFFF0000, v0;
	v9 =	vadd.s32 v9, v56;
	v10 =	vand.u32 $0x1, v61  }
0x3e: {  	v9 =	vadd.s32 $0x7FFF, v9;
	v62 =	vshrl.u32 v58, $0x10;
	v6 =	vadd.s32 v10, v6  }
0x3f: {  	[tilespmem:s20+$0x280] =	vst v7;
	v9 =	vand.u32 $0xFFFF0000, v9;
	v7 =	vshrl.u32 v59, $0x10;
	v63 =	vand.u32 $0x1, v62  }
0x40: {  	[tilespmem:s20+$0x200] =	vst v0;
	v0 =	vadd.s32 $0x7FFF, v6;
	v6 =	vand.u32 $0x1, v7;
	v7 =	vadd.s32 v63, v58  }
0x41: {  	[tilespmem:s20+$0x100] =	vst v9;
	v0 =	vand.u32 $0xFFFF0000, v0;
	v6 =	vadd.s32 v6, v59;
	v7 =	vadd.s32 $0x7FFF, v7  }
0x42: {  	[tilespmem:s20+$0x180] =	vst v0;
	v0 =	vadd.s32 $0x7FFF, v6;
	v6 =	vand.u32 $0xFFFF0000, v7  }
0x43: {  	v0 =	vand.u32 $0xFFFF0000, v0;
	[tilespmem:s20+$0x0] =	vst v6  }
0x44: {  	[tilespmem:s20+$0x80] =	vst v0;
	v0 =	vimm.f32 $1.000000000e+00  }
0x45: {  	[tilespmem:$0x18080] =	vst v0  }
0x46: {  	s19 =	simm.s32 $0x0;
	[tilespmem:$0x18090] =	vst v0  }
0x47: {  	[tilespmem:s12], [sflag:$0x1] =	stream.linear.gather [hbm4b:s4+s19], $0x8000, $0x38;
	[tilespmem:$0x18100] =	vst v63  }
0x48: {  	p0 =	por $0x1, $0x1;
	s20 =	simm.s32 $0x0  }
0x49: {  	[tilespmem:s13], [sflag:$0x2] =	stream.linear.gather [hbm4b:s5+s19], $0x8000, $0x38;
	[tilespmem:$0x18100] =	vst v63  }
.LBB2_4:
0x4a: {  	_ =	swait.ge [sflag:s14], $0x8000  }
0x4b: {  	s21 =	sand.u32 $0x70, s19;
	s22 =	sand.u32 $0x7C00, s19;
	[sflag:s14] =	ssyncset.done $0x0  }
0x4c: {  	s21 =	sor.u32 s21, s22;
	[sflag:s14] =	ssyncadd.s32 $0xFFFF8000  }
0x4d: {  	v0 =	vld [tilespmem:s21+$0x8180]  }
0x4e: {  	v7 =	vld [tilespmem:s21+$0x8100]  }
0x4f: {  	v9 =	vld [tilespmem:s21+$0x8080]  }
0x50: {  	v11 =	vld [tilespmem:s21+$0x8000]  }
0x51: {  	v8 =	vimm.f32 $0.0e+00  }
0x52: {  	v25 =	vimm.f32 $0.0e+00;
	v24 =	vimm.f32 $0.0e+00;
	v36 =	vimm.f32 $0.0e+00  }
0x53: {  	v23 =	vimm.f32 $0.0e+00;
	v21 =	vimm.f32 $0.0e+00;
	v31 =	vimm.f32 $0.0e+00  }
0x54: {  	v10 =	vld [tilespmem:s21+$0x0];
	v12 =	vshrl.u32 v7, $0x10;
	v13 =	vshrl.u32 v0, $0x10;
	v14 =	vshrl.u32 v9, $0x10  }
0x55: {  	v6 =	vld [tilespmem:s21+$0x280];
	v15 =	vshrl.u32 v11, $0x10;
	v12 =	vand.u32 $0x1, v12;
	v13 =	vand.u32 $0x1, v13  }
0x56: {  	v16 =	vld [tilespmem:s21+$0x100];
	v17 =	vand.u32 $0x1, v14;
	v0 =	vadd.s32 v13, v0;
	v7 =	vadd.s32 v12, v7  }
0x57: {  	v14 =	vld [tilespmem:s21+$0x200];
	v13 =	vand.u32 $0x1, v15;
	v9 =	vadd.s32 v17, v9;
	v7 =	vadd.s32 $0x7FFF, v7  }
0x58: {  	v12 =	vld [tilespmem:s21+$0x80];
	v9 =	vadd.s32 $0x7FFF, v9;
	v0 =	vadd.s32 $0x7FFF, v0;
	v22 =	vand.u32 $0xFFFF0000, v7  }
0x59: {  	v15 =	vand.u32 $0xFFFF0000, v0;
	v0 =	vadd.s32 v13, v11;
	v7 =	vmul.f32 v22, v10  }
0x5a: {  	v29 =	vld [tilespmem:s21+$0x180];
	v27 =	vand.u32 $0xFFFF0000, v9;
	v11 =	vmul.f32 v15, v10;
	v13 =	vmul.f32 v22, v6  }
0x5b: {  	v0 =	vadd.s32 $0x7FFF, v0;
	v17 =	vmul.f32 v15, v16;
	v26 =	vmul.f32 v22, v16  }
0x5c: {  	v38 =	vmul.f32 v27, v6;
	v28 =	vand.u32 $0xFFFF0000, v0;
	v0 =	vmul.f32 v22, v14  }
0x5d: {  	v44 =	vimm.f32 $0.0e+00;
	v9 =	vmul.f32 v15, v14;
	v18 =	vmul.f32 v28, v12  }
0x5e: {  	v30 =	vadd.f32 v13, v8;
	v43 =	vadd.f32 v17, v8;
	v34 =	vmul.f32 v28, v14  }
0x5f: {  	v35 =	vadd.f32 v11, v8;
	v13 =	vmul.f32 v22, v29;
	v17 =	vmul.f32 v27, v29  }
0x60: {  	v37 =	vmul.f32 v28, v16;
	v42 =	vadd.f32 v9, v8;
	v9 =	vmul.f32 v27, v16  }
0x61: {  	v32 =	vadd.f32 v0, v8;
	v0 =	vadd.f32 v7, v8;
	v7 =	vimm.f32 $0.0e+00  }
0x62: {  	v16 =	vimm.f32 $0.0e+00;
	v11 =	vadd.f32 v18, v8;
	v33 =	vadd.f32 v13, v8  }
0x63: {  	v20 =	vadd.f32 v17, v8;
	v13 =	vimm.f32 $0.0e+00;
	v17 =	vimm.f32 $0.0e+00  }
0x64: {  	s23 =	simm.s32 $0x10;
	s21 =	simm.s32 $0x80;
	v18 =	vimm.f32 $0.0e+00;
	v19 =	vadd.f32 v9, v8;
	v9 =	vimm.f32 $0.0e+00  }
.LBB2_5:
0x65: {  	s22 =	smov.u32 s23  }
0x66: {  	s24 =	sand.u32 $0x70, s23;
	s25 =	sand.u32 $0x7C00, s21;
	v39 =	vmul.f32 v28, v29;
	v8 =	vadd.f32 v38, v8;
	v29 =	vmul.f32 v15, v29;
	s22 =	sadd.s32 $0x10, s23  }
0x67: {  	p1 =	sne.s32 s23, $0xFF0;
	v38 =	vmul.f32 v28, v10;
	s24 =	sor.u32 s24, s25;
	v25 =	vadd.f32 v37, v25;
	v37 =	vmul.f32 v15, v12  }
0x68: {  	v24 =	vadd.f32 v34, v24;
	v28 =	vmul.f32 v28, v6;
	v36 =	vadd.f32 v29, v36;
	v40 =	vld [tilespmem:s24+$0x8180]  }
0x69: {  	v10 =	vmul.f32 v27, v10;
	v14 =	vmul.f32 v27, v14;
	v23 =	vadd.f32 v39, v23;
	v29 =	vld [tilespmem:s24+$0x8100]  }
0x6a: {  	v27 =	vmul.f32 v27, v12;
	v21 =	vadd.f32 v26, v21;
	v13 =	vadd.f32 v38, v13;
	v34 =	vld [tilespmem:s24+$0x8080]  }
0x6b: {  	v12 =	vmul.f32 v22, v12;
	v17 =	vadd.f32 v28, v17;
	v7 =	vadd.f32 v14, v7;
	v26 =	vld [tilespmem:s24+$0x8000]  }
0x6c: {  	v16 =	vadd.f32 v10, v16;
	v10 =	vmul.f32 v15, v6;
	v31 =	vadd.f32 v37, v31  }
0x6d: {  	v9 =	vadd.f32 v27, v9;
	v18 =	vadd.f32 v12, v18  }
0x6e: {  	v44 =	vadd.f32 v10, v44;
	v14 =	vshrl.u32 v40, $0x10;
	v6 =	vld [tilespmem:s24+$0x280];
	v12 =	vshrl.u32 v29, $0x10  }
0x6f: {  	v14 =	vand.u32 $0x1, v14;
	v10 =	vld [tilespmem:s24+$0x0];
	v15 =	vshrl.u32 v34, $0x10;
	v12 =	vand.u32 $0x1, v12  }
0x70: {  	v27 =	vadd.s32 v14, v40;
	v37 =	vld [tilespmem:s24+$0x100];
	v22 =	vshrl.u32 v26, $0x10;
	v15 =	vand.u32 $0x1, v15  }
0x71: {  	v14 =	vld [tilespmem:s24+$0x200];
	v28 =	vand.u32 $0x1, v22;
	v15 =	vadd.s32 v15, v34;
	v22 =	vadd.s32 v12, v29  }
0x72: {  	v29 =	vadd.s32 $0x7FFF, v27;
	v12 =	vld [tilespmem:s24+$0x80];
	v15 =	vadd.s32 $0x7FFF, v15;
	v22 =	vadd.s32 $0x7FFF, v22  }
0x73: {  	v27 =	vand.u32 $0xFFFF0000, v15;
	v22 =	vand.u32 $0xFFFF0000, v22;
	v15 =	vand.u32 $0xFFFF0000, v29  }
0x74: {  	v26 =	vadd.s32 v28, v26;
	v29 =	vld [tilespmem:s24+$0x180];
	v39 =	vmul.f32 v22, v10;
	v38 =	vmul.f32 v15, v10  }
0x75: {  	v26 =	vadd.s32 $0x7FFF, v26;
	v34 =	vmul.f32 v22, v6;
	v40 =	vmul.f32 v15, v37  }
0x76: {  	v28 =	vand.u32 $0xFFFF0000, v26;
	v41 =	vmul.f32 v22, v14;
	v26 =	vmul.f32 v15, v14  }
0x77: {  	v30 =	vadd.f32 v34, v30;
	v45 =	vmul.f32 v28, v12;
	v43 =	vadd.f32 v40, v43  }
.Ltmp3:
0x78: {  	v34 =	vmul.f32 v28, v14;
	v35 =	vadd.f32 v38, v35;
	v42 =	vadd.f32 v26, v42;
	(pc) =	sbr.rel @p1 .LBB2_5-.Ltmp3, $4  }
0x79: {  	v38 =	vmul.f32 v27, v37;
	v11 =	vadd.f32 v45, v11;
	v40 =	vmul.f32 v22, v29  }
0x7a: {  	v26 =	vmul.f32 v22, v37;
	v32 =	vadd.f32 v41, v32;
	v45 =	vmul.f32 v27, v29  }
0x7b: {  	v19 =	vadd.f32 v38, v19;
	v38 =	vmul.f32 v27, v6;
	v33 =	vadd.f32 v40, v33  }
0x7c: {  	s21 =	sadd.s32 $0x80, s21;
	s23 =	smov.u32 s22;
	v0 =	vadd.f32 v39, v0;
	v37 =	vmul.f32 v28, v37;
	v20 =	vadd.f32 v45, v20  }
0x7d: {  	v39 =	vmul.f32 v28, v10  }
0x7e: {  	v40 =	vmul.f32 v28, v29;
	v62 =	vperm.xlane v11, v1  }
0x7f: {  	v10 =	vmul.f32 v27, v10;
	v14 =	vmul.f32 v27, v14;
	v39 =	vadd.f32 v39, v13  }
0x80: {  	v27 =	vmul.f32 v27, v12;
	v63 =	vmul.f32 v22, v12  }
0x81: {  	v24 =	vadd.f32 v34, v24;
	v13 =	vmul.f32 v15, v29;
	v61 =	vperm.xlane v39, v1  }
0x82: {  	v29 =	vadd.f32 v37, v25;
	v25 =	vmul.f32 v15, v12;
	v12 =	vadd.f32 v62, v11  }
0x83: {  	v28 =	vmul.f32 v28, v6;
	v23 =	vadd.f32 v40, v23;
	v34 =	vadd.f32 v61, v39  }
0x84: {  	v11 =	vmul.f32 v15, v6;
	v16 =	vadd.f32 v10, v16;
	v10 =	vperm.xlane v12, v2  }
0x85: {  	v17 =	vadd.f32 v28, v17;
	v15 =	vperm.xlane v29, v1;
	v6 =	vperm.xlane v34, v2  }
0x86: {  	v28 =	vperm.xlane v24, v1;
	v22 =	vperm.xlane v23, v1;
	v10 =	vadd.f32 v10, v12  }
0x87: {  	v12 =	vadd.f32 v15, v29;
	v15 =	vperm.xlane v17, v1;
	v6 =	vadd.f32 v6, v34  }
0x88: {  	v22 =	vadd.f32 v22, v23;
	v23 =	vadd.f32 v28, v24;
	v24 =	vperm.xlane v10, v3  }
0x89: {  	v28 =	vperm.xlane v12, v2;
	v29 =	vperm.xlane v6, v3  }
0x8a: {  	v15 =	vadd.f32 v15, v17;
	v10 =	vadd.f32 v24, v10  }
0x8b: {  	v12 =	vadd.f32 v28, v12;
	v29 =	vadd.f32 v29, v6;
	v6 =	vperm.xlane v22, v2  }
0x8c: {  	v17 =	vperm.xlane v23, v2;
	v24 =	vperm.xlane v15, v2  }
0x8d: {  	[tilespmem:$0x1FE30] =	vst v10;
	v10 =	vperm.xlane v10, v4;
	v6 =	vadd.f32 v6, v22;
	v22 =	vperm.xlane v12, v3  }
0x8e: {  	v17 =	vadd.f32 v17, v23  }
0x8f: {  	v23 =	vadd.f32 v24, v15;
	[tilespmem:$0x1FE40] =	vst v10;
	v10 =	vadd.f32 v22, v12  }
0x90: {  	v28 =	vperm.xlane v29, v4;
	v24 =	vperm.xlane v6, v3  }
0x91: {  	v9 =	vadd.f32 v27, v9;
	v22 =	vperm.xlane v23, v3;
	[tilespmem:$0x1FE50] =	vst v10;
	v10 =	vperm.xlane v10, v4  }
0x92: {  	[tilespmem:$0x1FE20] =	vst v28;
	v28 =	vperm.xlane v16, v1  }
0x93: {  	v15 =	vadd.f32 v24, v6;
	v6 =	vperm.xlane v9, v1;
	[tilespmem:$0x1FE60] =	vst v10;
	v10 =	vadd.f32 v22, v23;
	_ =	sdelay $0x1  }
0x94: {  	v16 =	vadd.f32 v28, v16;
	v6 =	vadd.f32 v6, v9;
	v9 =	vperm.xlane v10, v4  }
0x95: {  	v27 =	vperm.xlane v17, v3  }
0x96: {  	v7 =	vadd.f32 v14, v7;
	v14 =	vadd.f32 v26, v21;
	[tilespmem:$0x1FEC0] =	vst v9;
	v9 =	vperm.xlane v16, v2  }
0x97: {  	v21 =	vperm.xlane v19, v1;
	v12 =	vadd.f32 v27, v17;
	v17 =	vperm.xlane v6, v2  }
0x98: {  	v8 =	vadd.f32 v38, v8;
	v9 =	vadd.f32 v9, v16;
	v16 =	vperm.xlane v20, v1  }
0x99: {  	v22 =	vperm.xlane v7, v1;
	v6 =	vadd.f32 v17, v6;
	v17 =	vadd.f32 v21, v19  }
0x9a: {  	v19 =	vperm.xlane v8, v1;
	v21 =	vperm.xlane v9, v3;
	v16 =	vadd.f32 v16, v20  }
0x9b: {  	v7 =	vadd.f32 v22, v7;
	v23 =	vperm.xlane v17, v2;
	v20 =	vperm.xlane v6, v3  }
0x9c: {  	v8 =	vadd.f32 v19, v8;
	v21 =	vadd.f32 v21, v9;
	v9 =	vperm.xlane v16, v2  }
0x9d: {  	v19 =	vperm.xlane v7, v2;
	v22 =	vadd.f32 v20, v6;
	v6 =	vadd.f32 v23, v17  }
0x9e: {  	v17 =	vperm.xlane v8, v2;
	v9 =	vadd.f32 v9, v16  }
0x9f: {  	v7 =	vadd.f32 v19, v7;
	v16 =	vperm.xlane v6, v3  }
0xa0: {  	v8 =	vadd.f32 v17, v8;
	v17 =	vadd.f32 v63, v18;
	v18 =	vperm.xlane v9, v3  }
0xa1: {  	v19 =	vperm.xlane v7, v3  }
0xa2: {  	v26 =	vadd.f32 v16, v6;
	v6 =	vperm.xlane v8, v3;
	v23 =	vadd.f32 v18, v9;
	_ =	sdelay $0x1  }
0xa3: {  	v19 =	vadd.f32 v19, v7;
	v8 =	vadd.f32 v6, v8;
	v6 =	vperm.xlane v23, v4  }
0xa4: {  	v16 =	vperm.xlane v0, v1  }
0xa5: {  	v7 =	vperm.xlane v17, v1;
	[tilespmem:$0x1FF00] =	vst v6;
	v6 =	vperm.xlane v19, v4  }
0xa6: {  	v9 =	vperm.xlane v26, v4  }
0xa7: {  	v0 =	vadd.f32 v16, v0;
	[tilespmem:$0x1FF10] =	vst v6;
	v6 =	vadd.f32 v7, v17;
	v7 =	vperm.xlane v8, v4  }
0xa8: {  	[tilespmem:$0x1FEF0] =	vst v9  }
0xa9: {  	[tilespmem:$0x1FF30] =	vst v7;
	v7 =	vperm.xlane v0, v2  }
0xaa: {  	[tilespmem:$0x1FF20] =	vst v8;
	v9 =	vperm.xlane v14, v1;
	v8 =	vperm.xlane v6, v2  }
0xab: {  	v0 =	vadd.f32 v7, v0;
	v7 =	vperm.xlane v33, v1  }
0xac: {  	v16 =	vperm.xlane v32, v1;
	v6 =	vadd.f32 v8, v6;
	v8 =	vadd.f32 v9, v14  }
0xad: {  	v9 =	vperm.xlane v30, v1;
	v14 =	vperm.xlane v0, v3;
	v7 =	vadd.f32 v7, v33  }
0xae: {  	v16 =	vadd.f32 v16, v32;
	v17 =	vperm.xlane v6, v3;
	v20 =	vperm.xlane v8, v2  }
0xaf: {  	v9 =	vadd.f32 v9, v30;
	v32 =	vadd.f32 v14, v0;
	v0 =	vperm.xlane v7, v2  }
0xb0: {  	v14 =	vperm.xlane v16, v2;
	v33 =	vadd.f32 v17, v6;
	v6 =	vadd.f32 v20, v8  }
0xb1: {  	v8 =	vperm.xlane v9, v2  }
0xb2: {  	v0 =	vadd.f32 v0, v7;
	v7 =	vadd.f32 v14, v16;
	v14 =	vperm.xlane v6, v3  }
0xb3: {  	v8 =	vadd.f32 v8, v9  }
0xb4: {  	v16 =	vperm.xlane v0, v3;
	v17 =	vperm.xlane v7, v3;
	v39 =	vadd.f32 v14, v6  }
0xb5: {  	v46 =	vimm.f32 $0.0e+00;
	v9 =	vadd.f32 v25, v31;
	v6 =	vperm.xlane v8, v3  }
0xb6: {  	v34 =	vadd.f32 v16, v0;
	v30 =	vadd.f32 v17, v7;
	v7 =	vperm.xlane v39, v4  }
0xb7: {  	v41 =	vimm.f32 $0.0e+00;
	v14 =	vperm.xlane v35, v1;
	v31 =	vadd.f32 v6, v8  }
0xb8: {  	v60 =	vimm.f32 $0.0e+00;
	v0 =	vperm.xlane v9, v1;
	[tilespmem:$0x1FF60] =	vst v7;
	v7 =	vperm.xlane v34, v4  }
0xb9: {  	v57 =	vimm.f32 $0.0e+00;
	v6 =	vadd.f32 v14, v35;
	v8 =	vperm.xlane v31, v4  }
0xba: {  	v58 =	vimm.f32 $0.0e+00;
	v0 =	vadd.f32 v0, v9;
	[tilespmem:$0x1FF70] =	vst v7;
	v7 =	vperm.xlane v30, v4  }
0xbb: {  	v59 =	vimm.f32 $0.0e+00;
	v40 =	vimm.f32 $0.0e+00;
	[tilespmem:$0x1FF90] =	vst v8;
	v8 =	vperm.xlane v6, v2  }
0xbc: {  	v9 =	vadd.f32 v11, v44;
	v11 =	vperm.xlane v0, v2;
	[tilespmem:$0x1FF80] =	vst v7;
	v7 =	vadd.f32 v13, v36  }
0xbd: {  	v62 =	vimm.f32 $0.0e+00;
	v13 =	vperm.xlane v43, v1;
	v6 =	vadd.f32 v8, v6  }
0xbe: {  	v14 =	vperm.xlane v42, v1;
	v0 =	vadd.f32 v11, v0;
	v8 =	vperm.xlane v7, v1  }
0xbf: {  	s21 =	simm.s32 $0x0;
	v11 =	vadd.f32 v13, v43;
	v13 =	vperm.xlane v9, v1;
	v16 =	vperm.xlane v6, v3  }
0xc0: {  	s22 =	sand.u32 $0x7, s21;
	v7 =	vadd.f32 v8, v7;
	v8 =	vadd.f32 v14, v42;
	v14 =	vperm.xlane v0, v3  }
0xc1: {  	s22 =	sshll.u32 s22, $0x4;
	v17 =	vperm.xlane v11, v2;
	v9 =	vadd.f32 v13, v9;
	v42 =	vadd.f32 v16, v6  }
0xc2: {  	s22 =	sadd.s32 $0x0, s22;
	v6 =	vperm.xlane v7, v2;
	v16 =	vperm.xlane v8, v2;
	v43 =	vadd.f32 v14, v0  }
0xc3: {  	s22 =	sor.u32 $0x380, s22;
	[tilespmem:$0x1FE90] =	vst v12;
	v12 =	vperm.xlane v12, v4;
	v11 =	vadd.f32 v17, v11;
	v0 =	vperm.xlane v9, v2  }
0xc4: {  	[tilespmem:$0x1FE70] =	vst v15;
	v13 =	vld [tilespmem:s22+$0x8000];
	v6 =	vadd.f32 v6, v7;
	v7 =	vadd.f32 v16, v8;
	v8 =	vperm.xlane v43, v4  }
0xc5: {  	v61 =	vimm.f32 $0.0e+00;
	v15 =	vperm.xlane v15, v4;
	[tilespmem:$0x1FEB0] =	vst v10;
	v10 =	vperm.xlane v21, v4  }
0xc6: {  	v9 =	vadd.f32 v0, v9;
	[tilespmem:$0x1FFB0] =	vst v8;
	v8 =	vperm.xlane v11, v3;
	v14 =	vperm.xlane v6, v3  }
0xc7: {  	s31 =	sand.u32 $0x70, s21;
	s23 =	sand.u32 $0x7C00, s21;
	v27 =	vimm.f32 $0.0e+00;
	[tilespmem:$0x1FED0] =	vst v10;
	v10 =	vperm.xlane v22, v4;
	v16 =	vperm.xlane v7, v3  }
0xc8: {  	s22 =	sor.u32 s31, s23;
	v50 =	vadd.f32 v8, v11;
	v8 =	vperm.xlane v9, v3;
	v48 =	vadd.f32 v14, v6  }
0xc9: {  	v63 =	vimm.f32 $0.0e+00;
	[tilespmem:$0x1FEE0] =	vst v10;
	v10 =	vperm.xlane v32, v4;
	v20 =	vld [tilespmem:s22+$0x8200];
	v17 =	vshrl.u32 v13, $0x10  }
0xca: {  	v0 =	vld [tilespmem:s22+$0x280];
	v45 =	vadd.f32 v16, v7;
	v44 =	vadd.f32 v8, v9;
	v8 =	vperm.xlane v48, v4  }
0xcb: {  	v25 =	vimm.f32 $0.0e+00;
	[tilespmem:$0x1FF40] =	vst v10;
	v10 =	vperm.xlane v33, v4;
	v11 =	vand.u32 $0x1, v17;
	v17 =	vld [tilespmem:s22+$0x8280]  }
0xcc: {  	v35 =	vimm.f32 $0.0e+00;
	v36 =	vimm.f32 $0.0e+00;
	v38 =	vld [tilespmem:s22+$0x200];
	[tilespmem:$0x1FFD0] =	vst v8;
	v8 =	vperm.xlane v45, v4  }
0xcd: {  	[tilespmem:$0x1FF50] =	vst v10;
	v10 =	vperm.xlane v42, v4;
	v16 =	vimm.f32 $0.0e+00;
	v6 =	vadd.s32 v11, v13  }
0xce: {  	v7 =	vld [tilespmem:s22+$0x8300];
	v14 =	vimm.f32 $0.0e+00;
	v6 =	vadd.s32 $0x7FFF, v6;
	[tilespmem:$0x1FFE0] =	vst v8;
	v8 =	vperm.xlane v44, v4  }
0xcf: {  	v24 =	vld [tilespmem:s22+$0x0];
	[tilespmem:$0x1FFA0] =	vst v10;
	v13 =	vimm.f32 $0.0e+00;
	v10 =	vperm.xlane v50, v4;
	v6 =	vand.u32 $0xFFFF0000, v6  }
0xd0: {  	v28 =	vld [tilespmem:s22+$0x80];
	v9 =	vshrl.u32 v20, $0x10;
	v11 =	vshrl.u32 v17, $0x10;
	[tilespmem:$0x1FFF0] =	vst v8;
	v8 =	vmul.f32 v6, v0  }
0xd1: {  	[tilespmem:$0x1FE10] =	vst v29;
	v29 =	vld [tilespmem:s22+$0x100];
	v9 =	vand.u32 $0x1, v9;
	v54 =	vmul.f32 v6, v38;
	v11 =	vand.u32 $0x1, v11  }
0xd2: {  	v37 =	vld [tilespmem:s22+$0x180];
	v11 =	vadd.s32 v11, v17;
	v53 =	vadd.f32 v8, v16;
	v8 =	vadd.s32 v9, v20  }
0xd3: {  	v17 =	vimm.f32 $0.0e+00;
	v9 =	vshrl.u32 v7, $0x10;
	v8 =	vadd.s32 $0x7FFF, v8  }
0xd4: {  	v20 =	vimm.f32 $0.0e+00;
	v9 =	vand.u32 $0x1, v9;
	v51 =	vand.u32 $0xFFFF0000, v8  }
0xd5: {  	v7 =	vadd.s32 v9, v7;
	v8 =	vadd.s32 $0x7FFF, v11;
	v11 =	vmul.f32 v6, v24  }
0xd6: {  	v9 =	vmul.f32 v6, v29;
	v7 =	vadd.s32 $0x7FFF, v7;
	v49 =	vand.u32 $0xFFFF0000, v8  }
0xd7: {  	[tilespmem:$0x1FEA0] =	vst v12;
	v8 =	vmul.f32 v6, v37;
	v47 =	vand.u32 $0xFFFF0000, v7;
	v7 =	vmul.f32 v6, v28  }
0xd8: {  	[tilespmem:$0x1FE80] =	vst v15;
	s23 =	simm.s32 $0x1;
	v52 =	vmul.f32 v51, v28;
	v55 =	vadd.f32 v11, v16;
	v6 =	vmul.f32 v51, v24  }
0xd9: {  	s24 =	simm.s32 $0x20;
	s25 =	sand.u32 $0x7, s23;
	s22 =	simm.s32 $0x10;
	[tilespmem:$0x1FFC0] =	vst v10;
	v11 =	vimm.f32 $0.0e+00;
	v56 =	vadd.f32 v7, v16;
	v7 =	vimm.f32 $0.0e+00  }
.LBB2_7:
0xda: {  	p1 =	sne.s32 s24, $0xFF0;
	s25 =	sshll.u32 s25, $0x4;
	v10 =	vmul.f32 v51, v29;
	v12 =	vmul.f32 v51, v37;
	v16 =	vadd.f32 v9, v16;
	s21 =	sadd.s32 $0x80, s21  }
0xdb: {  	v9 =	vmul.f32 v51, v38;
	v51 =	vmul.f32 v51, v0;
	v46 =	vadd.f32 v8, v46;
	s25 =	sadd.s32 s25, s21  }
0xdc: {  	v8 =	vmul.f32 v49, v24;
	v15 =	vmul.f32 v49, v28;
	v41 =	vadd.f32 v54, v41;
	s25 =	sor.u32 $0x380, s25  }
0xdd: {  	v18 =	vmul.f32 v49, v37;
	v40 =	vadd.f32 v6, v40;
	v6 =	vmul.f32 v49, v29;
	v54 =	vld [tilespmem:s25+$0x8000]  }
0xde: {  	v36 =	vadd.f32 v52, v36;
	v52 =	vmul.f32 v49, v38;
	v49 =	vmul.f32 v49, v0  }
0xdf: {  	v28 =	vmul.f32 v47, v28;
	v35 =	vadd.f32 v10, v35;
	v10 =	vmul.f32 v47, v24  }
0xe0: {  	s26 =	sand.u32 $0x7C00, s21;
	v27 =	vadd.f32 v12, v27;
	v12 =	vmul.f32 v47, v29;
	v29 =	vmul.f32 v47, v37;
	s25 =	sand.u32 $0x70, s22;
	s22 =	smov.u32 s24  }
0xe1: {  	v25 =	vadd.f32 v9, v25;
	v9 =	vmul.f32 v47, v38;
	v37 =	vmul.f32 v47, v0;
	s25 =	sor.u32 s25, s26  }
0xe2: {  	v17 =	vadd.f32 v51, v17;
	v20 =	vadd.f32 v8, v20;
	v0 =	vld [tilespmem:s25+$0x280];
	v24 =	vshrl.u32 v54, $0x10  }
0xe3: {  	v13 =	vadd.f32 v15, v13;
	v14 =	vadd.f32 v6, v14;
	v8 =	vld [tilespmem:s25+$0x8200];
	v24 =	vand.u32 $0x1, v24  }
0xe4: {  	v63 =	vadd.f32 v18, v63;
	v11 =	vadd.f32 v52, v11;
	v6 =	vld [tilespmem:s25+$0x8280];
	v15 =	vadd.s32 v24, v54  }
0xe5: {  	v7 =	vadd.f32 v49, v7;
	v60 =	vadd.f32 v10, v60;
	v18 =	vld [tilespmem:s25+$0x8300];
	v15 =	vadd.s32 $0x7FFF, v15  }
0xe6: {  	v57 =	vadd.f32 v28, v57;
	v58 =	vadd.f32 v12, v58;
	v24 =	vld [tilespmem:s25+$0x0];
	v10 =	vand.u32 $0xFFFF0000, v15  }
0xe7: {  	v61 =	vadd.f32 v29, v61;
	v62 =	vadd.f32 v9, v62;
	v28 =	vld [tilespmem:s25+$0x80];
	v12 =	vmul.f32 v10, v0  }
0xe8: {  	v59 =	vadd.f32 v37, v59;
	v29 =	vld [tilespmem:s25+$0x100];
	v9 =	vshrl.u32 v8, $0x10  }
0xe9: {  	v37 =	vld [tilespmem:s25+$0x180];
	v9 =	vand.u32 $0x1, v9;
	v15 =	vshrl.u32 v6, $0x10;
	v53 =	vadd.f32 v12, v53  }
0xea: {  	v38 =	vld [tilespmem:s25+$0x200];
	v8 =	vadd.s32 v9, v8;
	v9 =	vand.u32 $0x1, v15;
	v12 =	vshrl.u32 v18, $0x10  }
0xeb: {  	v8 =	vadd.s32 $0x7FFF, v8;
	v6 =	vadd.s32 v9, v6;
	v9 =	vand.u32 $0x1, v12  }
.Ltmp4:
0xec: {  	v51 =	vand.u32 $0xFFFF0000, v8;
	v6 =	vadd.s32 $0x7FFF, v6;
	v8 =	vadd.s32 v9, v18;
	(pc) =	sbr.rel @p1 .LBB2_7-.Ltmp4, $4  }
0xed: {  	v49 =	vand.u32 $0xFFFF0000, v6;
	v6 =	vadd.s32 $0x7FFF, v8;
	v8 =	vmul.f32 v10, v24  }
0xee: {  	v12 =	vmul.f32 v10, v28;
	v9 =	vmul.f32 v10, v29;
	v47 =	vand.u32 $0xFFFF0000, v6  }
0xef: {  	s23 =	sadd.s32 $0x1, s23;
	v55 =	vadd.f32 v8, v55;
	v8 =	vmul.f32 v10, v37;
	v54 =	vmul.f32 v10, v38  }
0xf0: {  	s24 =	sadd.s32 $0x10, s24;
	s25 =	sand.u32 $0x7, s23;
	v52 =	vmul.f32 v51, v28;
	v6 =	vmul.f32 v51, v24;
	v56 =	vadd.f32 v12, v56  }
0xf1: {  	v10 =	vmul.f32 v51, v29  }
0xf2: {  	v9 =	vadd.f32 v9, v16;
	v12 =	vmul.f32 v51, v37;
	v16 =	vmul.f32 v51, v38  }
0xf3: {  	s23 =	sshll.u32 s25, $0x4;
	s21 =	sadd.s32 $0x80, s21;
	v15 =	vadd.f32 v54, v41;
	v18 =	vmul.f32 v51, v0;
	v41 =	vmul.f32 v49, v28  }
0xf4: {  	v8 =	vadd.f32 v8, v46;
	v51 =	vmul.f32 v49, v29;
	v28 =	vmul.f32 v47, v28;
	s23 =	sadd.s32 s23, s21  }
0xf5: {  	v6 =	vadd.f32 v6, v40;
	v40 =	vmul.f32 v49, v24;
	v36 =	vadd.f32 v52, v36;
	s23 =	sor.u32 $0x380, s23  }
0xf6: {  	v52 =	vmul.f32 v49, v37;
	v10 =	vadd.f32 v10, v35;
	v35 =	vmul.f32 v49, v38;
	v46 =	vld [tilespmem:s23+$0x8000]  }
0xf7: {  	s22 =	sand.u32 $0x70, s22;
	s21 =	sand.u32 $0x7C00, s21;
	v49 =	vmul.f32 v49, v0;
	v12 =	vadd.f32 v12, v27;
	v27 =	vmul.f32 v47, v24  }
0xf8: {  	s21 =	sor.u32 s22, s21;
	v16 =	vadd.f32 v16, v25;
	v25 =	vmul.f32 v47, v29;
	v29 =	vmul.f32 v47, v37  }
0xf9: {  	v37 =	vmul.f32 v47, v38;
	v0 =	vmul.f32 v47, v0;
	v47 =	vld [tilespmem:s21+$0x8200]  }
0xfa: {  	v18 =	vadd.f32 v18, v17;
	v38 =	vadd.f32 v41, v13;
	v24 =	vld [tilespmem:s21+$0x280]  }
0xfb: {  	v14 =	vadd.f32 v51, v14;
	v40 =	vadd.f32 v40, v20;
	v20 =	vld [tilespmem:s21+$0x8280];
	v54 =	vshrl.u32 v46, $0x10  }
0xfc: {  	v28 =	vadd.f32 v28, v57;
	v41 =	vld [tilespmem:s21+$0x0];
	v11 =	vadd.f32 v35, v11;
	v17 =	vand.u32 $0x1, v54  }
0xfd: {  	v51 =	vld [tilespmem:s21+$0x100];
	v49 =	vadd.f32 v49, v7;
	v29 =	vadd.f32 v29, v61;
	v13 =	vadd.s32 v17, v46  }
0xfe: {  	v35 =	vld [tilespmem:s21+$0x80];
	v61 =	vadd.f32 v0, v59;
	v0 =	vshrl.u32 v47, $0x10;
	v13 =	vadd.s32 $0x7FFF, v13  }
0xff: {  	v27 =	vadd.f32 v27, v60;
	v54 =	vld [tilespmem:s21+$0x200];
	v0 =	vand.u32 $0x1, v0;
	v7 =	vand.u32 $0xFFFF0000, v13  }
0x100: {  	v46 =	vadd.f32 v52, v63;
	v52 =	vld [tilespmem:s21+$0x180];
	v17 =	vshrl.u32 v20, $0x10;
	v13 =	vmul.f32 v7, v24  }
0x101: {  	v25 =	vadd.f32 v25, v58;
	v0 =	vadd.s32 v0, v47;
	v17 =	vand.u32 $0x1, v17  }
0x102: {  	v0 =	vadd.s32 $0x7FFF, v0;
	v57 =	vmul.f32 v7, v41;
	v53 =	vadd.f32 v13, v53;
	v13 =	vld [tilespmem:s21+$0x8300]  }
0x103: {  	v17 =	vadd.s32 v17, v20;
	v0 =	vand.u32 $0xFFFF0000, v0;
	v60 =	vmul.f32 v7, v51  }
0x104: {  	v58 =	vmul.f32 v7, v35;
	v47 =	vmul.f32 v0, v41;
	v59 =	vadd.f32 v57, v55  }
0x105: {  	v57 =	vadd.f32 v60, v9;
	v9 =	vmul.f32 v7, v52;
	v7 =	vmul.f32 v7, v54  }
0x106: {  	v58 =	vadd.f32 v58, v56;
	v60 =	vmul.f32 v0, v35;
	v6 =	vadd.f32 v47, v6  }
0x107: {  	v56 =	vadd.f32 v9, v8;
	v55 =	vadd.f32 v7, v15;
	v20 =	vshrl.u32 v13, $0x10  }
0x108: {  	v15 =	vadd.f32 v60, v36;
	v9 =	vmul.f32 v0, v51;
	v7 =	vand.u32 $0x1, v20  }
0x109: {  	v8 =	vadd.s32 v7, v13;
	v7 =	vadd.s32 $0x7FFF, v17;
	v13 =	vmul.f32 v0, v52  }
0x10a: {  	v36 =	vand.u32 $0xFFFF0000, v7;
	v7 =	vmul.f32 v0, v54;
	v0 =	vmul.f32 v0, v24  }
0x10b: {  	v47 =	vadd.f32 v9, v10;
	v20 =	vadd.f32 v13, v12;
	v9 =	vmul.f32 v36, v41  }
0x10c: {  	v10 =	vmul.f32 v36, v52;
	v17 =	vadd.f32 v7, v16;
	v16 =	vadd.f32 v0, v18  }
0x10d: {  	v0 =	vmul.f32 v36, v35;
	v13 =	vadd.f32 v9, v40;
	v9 =	vmul.f32 v36, v51  }
0x10e: {  	v40 =	vadd.f32 v10, v46;
	v10 =	vld [tilespmem:$0x1FE20]  }
0x10f: {  	v7 =	vadd.f32 v0, v38;
	v38 =	vadd.f32 v9, v14;
	v9 =	vld [tilespmem:$0x1FE10];
	_ =	sdelay $0x1  }
0x110: {  	v0 =	vadd.s32 $0x7FFF, v8;
	v8 =	vmul.f32 v36, v54;
	_ =	sdelay $0x1  }
0x111: {  	v46 =	vadd.f32 v8, v11;
	v11 =	vld [tilespmem:$0x1FE40]  }
0x112: {  	v9 =	vadd.f32 v10, v9;
	v10 =	vld [tilespmem:$0x1FE30];
	_ =	sdelay $0x1  }
0x113: {  	v12 =	vand.u32 $0xFFFF0000, v0;
	v0 =	vmul.f32 v36, v24  }
0x114: {  	v8 =	vmul.f32 v12, v41  }
0x115: {  	v14 =	vadd.f32 v0, v49;
	v0 =	vld [tilespmem:$0x1FE50]  }
0x116: {  	v11 =	vadd.f32 v11, v10;
	v10 =	vadd.f32 v8, v27;
	v8 =	vld [tilespmem:$0x1FE60];
	_ =	sdelay $0x3  }
0x117: {  	vm0 =	vgt.f32 v9, $0.0e+00;
	vm1 =	vgt.f32 v11, $0.0e+00  }
0x118: {  	v9 =	vsel vm0, $0x42000000, v5;
	v11 =	vsel vm1, $0x41800000, v5;
	v0 =	vadd.f32 v8, v0  }
0x119: {  	v9 =	vadd.f32 v11, v9;
	v11 =	vld [tilespmem:$0x1FE80]  }
0x11a: {  	vm12 =	vgt.f32 v0, $0.0e+00;
	v0 =	vld [tilespmem:$0x1FE70];
	_ =	sdelay $0x4  }
0x11b: {  	v18 =	vsel vm12, $0x41000000, v5;
	v0 =	vadd.f32 v11, v0  }
0x11c: {  	v18 =	vadd.f32 v18, v9;
	v9 =	vld [tilespmem:$0x1FEA0]  }
0x11d: {  	vm13 =	vgt.f32 v0, $0.0e+00;
	v0 =	vld [tilespmem:$0x1FE90];
	_ =	sdelay $0x4  }
0x11e: {  	v0 =	vadd.f32 v9, v0;
	_ =	sdelay $0x1  }
0x11f: {  	vm14 =	vgt.f32 v0, $0.0e+00;
	v0 =	vld [tilespmem:$0x1FED0];
	_ =	sdelay $0x4  }
0x120: {  	v0 =	vadd.f32 v0, v21;
	v21 =	vld [tilespmem:$0x1FEE0];
	_ =	sdelay $0x4  }
0x121: {  	v21 =	vadd.f32 v21, v22  }
0x122: {  	v8 =	vmul.f32 v12, v35  }
0x123: {  	vm4 =	vgt.f32 v21, $0.0e+00;
	v21 =	vld [tilespmem:$0x1FEF0]  }
0x124: {  	v11 =	vadd.f32 v8, v28;
	v8 =	vmul.f32 v12, v51;
	_ =	sdelay $0x1  }
0x125: {  	v9 =	vadd.f32 v8, v25;
	v25 =	vsel vm13, $0x40800000, v5  }
0x126: {  	v18 =	vadd.f32 v25, v18  }
0x127: {  	v25 =	vld [tilespmem:$0x1FEC0];
	v22 =	vsel vm14, $0x40000000, v5;
	v21 =	vadd.f32 v21, v26  }
0x128: {  	v18 =	vadd.f32 v22, v18;
	v22 =	vld [tilespmem:$0x1FEB0]  }
0x129: {  	vm5 =	vgt.f32 v21, $0.0e+00;
	v21 =	vld [tilespmem:$0x1FF00];
	_ =	sdelay $0x4  }
0x12a: {  	v22 =	vadd.f32 v25, v22;
	v21 =	vadd.f32 v21, v23  }
0x12b: {  	vm15 =	vgt.f32 v0, $0.0e+00;
	v25 =	vsel vm4, $0x41800000, v5  }
0x12c: {  	vm2 =	vgt.f32 v22, $0.0e+00;
	v22 =	vsel vm15, $0x42000000, v5;
	vm6 =	vgt.f32 v21, $0.0e+00;
	v21 =	vld [tilespmem:$0x1FF10]  }
0x12d: {  	v22 =	vadd.f32 v25, v22  }
0x12e: {  	v25 =	vsel vm5, $0x41000000, v5  }
0x12f: {  	v22 =	vadd.f32 v25, v22;
	v23 =	vsel vm2, $0x3F800000, v5  }
0x130: {  	v25 =	vld [tilespmem:$0x1FF30];
	v18 =	vadd.f32 v23, v18;
	v23 =	vsel vm6, $0x40800000, v5  }
0x131: {  	v22 =	vadd.f32 v23, v22;
	v23 =	vld [tilespmem:$0x1FF50];
	v19 =	vadd.f32 v21, v19  }
0x132: {  	v21 =	vld [tilespmem:$0x1FF40]  }
0x133: {  	vm7 =	vgt.f32 v19, $0.0e+00;
	v19 =	vld [tilespmem:$0x1FF20];
	_ =	sdelay $0x2  }
0x134: {  	v23 =	vadd.f32 v23, v33  }
0x135: {  	v21 =	vadd.f32 v21, v32  }
0x136: {  	vm9 =	vgt.f32 v23, $0.0e+00;
	v19 =	vadd.f32 v25, v19  }
0x137: {  	vm8 =	vgt.f32 v21, $0.0e+00;
	v21 =	vsel vm7, $0x40000000, v5;
	v25 =	vsel vm9, $0x41800000, v5  }
0x138: {  	v21 =	vadd.f32 v21, v22;
	v22 =	vsel vm8, $0x42000000, v5;
	vm10 =	vgt.f32 v19, $0.0e+00  }
0x139: {  	v24 =	vmul.f32 v12, v24;
	v19 =	vadd.f32 v25, v22;
	v22 =	vsel vm10, $0x3F800000, v5  }
0x13a: {  	v8 =	vmul.f32 v12, v52;
	v0 =	vmul.f32 v12, v54;
	v12 =	vadd.f32 v22, v21  }
0x13b: {  	vm13 =	vmmov $0x1  }
0x13c: {  	v12 =	vsel vm13, v18, v12;
	v18 =	vld [tilespmem:$0x1FF90];
	_ =	sdelay $0x4  }
0x13d: {  	v18 =	vadd.f32 v18, v31;
	_ =	sdelay $0x1  }
0x13e: {  	vm15 =	vgt.f32 v18, $0.0e+00;
	v18 =	vld [tilespmem:$0x1FFB0];
	_ =	sdelay $0x4  }
0x13f: {  	v18 =	vadd.f32 v18, v43  }
0x140: {  	v23 =	vld [tilespmem:$0x1FF60]  }
0x141: {  	vm5 =	vgt.f32 v18, $0.0e+00;
	v18 =	vld [tilespmem:$0x1FFC0];
	_ =	sdelay $0x3  }
0x142: {  	v23 =	vadd.f32 v23, v39  }
0x143: {  	v21 =	vld [tilespmem:$0x1FF80];
	v18 =	vadd.f32 v18, v50  }
0x144: {  	vm11 =	vgt.f32 v23, $0.0e+00;
	v23 =	vld [tilespmem:$0x1FF70]  }
0x145: {  	vm6 =	vgt.f32 v18, $0.0e+00;
	v18 =	vld [tilespmem:$0x1FFD0];
	_ =	sdelay $0x2  }
0x146: {  	v21 =	vadd.f32 v21, v30;
	_ =	sdelay $0x1  }
0x147: {  	v23 =	vadd.f32 v23, v34;
	vm14 =	vgt.f32 v21, $0.0e+00;
	v21 =	vld [tilespmem:$0x1FFA0];
	v18 =	vadd.f32 v18, v48  }
0x148: {  	v25 =	vsel vm11, $0x41000000, v5  }
0x149: {  	v19 =	vadd.f32 v25, v19;
	vm12 =	vgt.f32 v23, $0.0e+00;
	vm7 =	vgt.f32 v18, $0.0e+00;
	v18 =	vld [tilespmem:$0x1FFE0]  }
0x14a: {  	v37 =	vadd.f32 v37, v62;
	v27 =	vimm.f32 $0.0e+00;
	v22 =	vsel vm12, $0x40800000, v5  }
0x14b: {  	v28 =	vimm.f32 $0.0e+00;
	v23 =	vperm.xlane v6, v1;
	v19 =	vadd.f32 v22, v19  }
0x14c: {  	v8 =	vadd.f32 v8, v29;
	v22 =	vsel vm14, $0x40000000, v5;
	v21 =	vadd.f32 v21, v42  }
0x14d: {  	v6 =	vadd.f32 v23, v6;
	v23 =	vperm.xlane v15, v1;
	v19 =	vadd.f32 v22, v19  }
0x14e: {  	v22 =	vsel vm15, $0x3F800000, v5;
	vm4 =	vgt.f32 v21, $0.0e+00;
	v18 =	vadd.f32 v18, v45  }
0x14f: {  	v19 =	vadd.f32 v22, v19;
	v21 =	vsel vm4, $0x42000000, v5;
	v22 =	vsel vm5, $0x41800000, v5  }
0x150: {  	v29 =	vimm.f32 $0.0e+00;
	v21 =	vadd.f32 v22, v21;
	vm8 =	vgt.f32 v18, $0.0e+00;
	v18 =	vld [tilespmem:$0x1FFF0]  }
0x151: {  	v0 =	vadd.f32 v0, v37;
	v15 =	vadd.f32 v23, v15;
	v22 =	vsel vm6, $0x41000000, v5  }
0x152: {  	v23 =	vperm.xlane v47, v1;
	v21 =	vadd.f32 v22, v21;
	v22 =	vperm.xlane v6, v2  }
0x153: {  	v33 =	vimm.f32 $0.0e+00;
	v32 =	vimm.f32 $0.0e+00;
	vm10 =	vmmov $0x3  }
0x154: {  	v23 =	vadd.f32 v23, v47;
	v6 =	vadd.f32 v22, v6;
	v22 =	vperm.xlane v15, v2  }
0x155: {  	vm11 =	vmmov $0x7;
	v25 =	vsel vm7, $0x40800000, v5;
	v18 =	vadd.f32 v18, v44  }
0x156: {  	v15 =	vadd.f32 v22, v15;
	v22 =	vperm.xlane v23, v2;
	v21 =	vadd.f32 v25, v21  }
0x157: {  	v25 =	vsel vm8, $0x40000000, v5;
	vm9 =	vgt.f32 v18, $0.0e+00;
	v18 =	vperm.xlane v6, v3  }
0x158: {  	v34 =	vimm.f32 $0.0e+00;
	v22 =	vadd.f32 v22, v23;
	v21 =	vadd.f32 v25, v21  }
0x159: {  	v26 =	vsel vm9, $0x3F800000, v5;
	v6 =	vadd.f32 v18, v6;
	v18 =	vperm.xlane v15, v3  }
0x15a: {  	v12 =	vsel vm10, v12, v19;
	v19 =	vadd.f32 v26, v21;
	v21 =	vperm.xlane v20, v1  }
0x15b: {  	v23 =	vperm.xlane v6, v4;
	v15 =	vadd.f32 v18, v15;
	v18 =	vperm.xlane v22, v3  }
0x15c: {  	v20 =	vadd.f32 v21, v20;
	v21 =	vperm.xlane v17, v1;
	v12 =	vsel vm11, v12, v19  }
0x15d: {  	v6 =	vadd.f32 v23, v6;
	v23 =	vperm.xlane v15, v4;
	v18 =	vadd.f32 v18, v22  }
0x15e: {  	v19 =	vperm.xlane v20, v2;
	v17 =	vadd.f32 v21, v17;
	v21 =	vperm.xlane v16, v1  }
0x15f: {  	vm12 =	vgt.f32 v6, $0.0e+00;
	v6 =	vadd.f32 v23, v15;
	v15 =	vperm.xlane v18, v4  }
0x160: {  	v30 =	vimm.f32 $0.0e+00;
	v19 =	vadd.f32 v19, v20;
	v20 =	vperm.xlane v17, v2  }
0x161: {  	v16 =	vadd.f32 v21, v16;
	v22 =	vsel vm12, $0x42000000, v5;
	v15 =	vadd.f32 v15, v18  }
0x162: {  	vm13 =	vgt.f32 v6, $0.0e+00;
	v18 =	vperm.xlane v19, v3;
	v17 =	vadd.f32 v20, v17  }
0x163: {  	vm12 =	vmmov $0xf;
	v20 =	vsel vm13, $0x41800000, v5;
	vm14 =	vgt.f32 v15, $0.0e+00  }
0x164: {  	v15 =	vadd.f32 v18, v19;
	v18 =	vperm.xlane v17, v3;
	v19 =	vperm.xlane v16, v2  }
0x165: {  	v20 =	vadd.f32 v20, v22;
	v22 =	vperm.xlane v13, v1;
	v21 =	vsel vm14, $0x41000000, v5  }
0x166: {  	v23 =	vperm.xlane v15, v4;
	v17 =	vadd.f32 v18, v17;
	v16 =	vadd.f32 v19, v16  }
0x167: {  	v18 =	vadd.f32 v21, v20;
	v13 =	vadd.f32 v22, v13;
	v19 =	vperm.xlane v7, v1  }
0x168: {  	v15 =	vadd.f32 v23, v15;
	v20 =	vperm.xlane v17, v4;
	v21 =	vperm.xlane v16, v3  }
0x169: {  	v22 =	vperm.xlane v13, v2;
	v7 =	vadd.f32 v19, v7;
	v19 =	vperm.xlane v38, v1  }
0x16a: {  	vm15 =	vgt.f32 v15, $0.0e+00;
	v15 =	vadd.f32 v20, v17;
	v16 =	vadd.f32 v21, v16  }
0x16b: {  	v13 =	vadd.f32 v22, v13;
	v17 =	vperm.xlane v7, v2;
	v19 =	vadd.f32 v19, v38  }
0x16c: {  	v20 =	vsel vm15, $0x40800000, v5;
	vm4 =	vgt.f32 v15, $0.0e+00;
	v15 =	vperm.xlane v16, v4  }
0x16d: {  	v21 =	vperm.xlane v13, v3;
	v7 =	vadd.f32 v17, v7;
	v17 =	vperm.xlane v19, v2  }
0x16e: {  	v22 =	vperm.xlane v14, v1;
	v18 =	vadd.f32 v20, v18;
	v15 =	vadd.f32 v15, v16  }
0x16f: {  	v13 =	vadd.f32 v21, v13;
	v16 =	vperm.xlane v7, v3;
	v17 =	vadd.f32 v17, v19  }
0x170: {  	v14 =	vadd.f32 v22, v14;
	vm5 =	vgt.f32 v15, $0.0e+00;
	v15 =	vperm.xlane v40, v1  }
0x171: {  	v19 =	vperm.xlane v13, v4;
	v7 =	vadd.f32 v16, v7;
	v16 =	vperm.xlane v17, v3  }
0x172: {  	v20 =	vsel vm4, $0x40000000, v5;
	v21 =	vperm.xlane v46, v1;
	v15 =	vadd.f32 v15, v40  }
0x173: {  	v13 =	vadd.f32 v19, v13;
	v19 =	vperm.xlane v7, v4;
	v16 =	vadd.f32 v16, v17  }
0x174: {  	v18 =	vadd.f32 v20, v18;
	v21 =	vadd.f32 v21, v46;
	v17 =	vperm.xlane v15, v2  }
0x175: {  	vm6 =	vgt.f32 v13, $0.0e+00;
	v7 =	vadd.f32 v19, v7;
	v13 =	vperm.xlane v16, v4  }
0x176: {  	v20 =	vsel vm5, $0x3F800000, v5;
	v15 =	vadd.f32 v17, v15;
	v17 =	vperm.xlane v21, v2  }
0x177: {  	v18 =	vadd.f32 v20, v18;
	vm7 =	vgt.f32 v7, $0.0e+00;
	v7 =	vadd.f32 v13, v16  }
0x178: {  	v13 =	vperm.xlane v15, v3;
	v16 =	vadd.f32 v17, v21;
	v17 =	vperm.xlane v14, v2  }
0x179: {  	v19 =	vsel vm6, $0x42000000, v5;
	v20 =	vsel vm7, $0x41800000, v5;
	vm8 =	vgt.f32 v7, $0.0e+00  }
0x17a: {  	v7 =	vadd.f32 v13, v15;
	v13 =	vperm.xlane v16, v3;
	v14 =	vadd.f32 v17, v14  }
0x17b: {  	v15 =	vadd.f32 v20, v19;
	v17 =	vsel vm8, $0x41000000, v5;
	v19 =	vperm.xlane v10, v1  }
0x17c: {  	v20 =	vperm.xlane v7, v4;
	v13 =	vadd.f32 v13, v16;
	v16 =	vperm.xlane v14, v3  }
0x17d: {  	v15 =	vadd.f32 v17, v15;
	v10 =	vadd.f32 v19, v10;
	v17 =	vperm.xlane v11, v1  }
0x17e: {  	v7 =	vadd.f32 v20, v7;
	v19 =	vperm.xlane v13, v4;
	v14 =	vadd.f32 v16, v14  }
0x17f: {  	v16 =	vperm.xlane v10, v2;
	v11 =	vadd.f32 v17, v11;
	v17 =	vperm.xlane v9, v1  }
0x180: {  	vm9 =	vgt.f32 v7, $0.0e+00;
	v7 =	vadd.f32 v19, v13;
	v13 =	vperm.xlane v14, v4  }
0x181: {  	v10 =	vadd.f32 v16, v10;
	v16 =	vperm.xlane v11, v2;
	v9 =	vadd.f32 v17, v9  }
0x182: {  	v6 =	vadd.f32 v24, v61;
	vm10 =	vgt.f32 v7, $0.0e+00;
	v7 =	vadd.f32 v13, v14  }
0x183: {  	v13 =	vperm.xlane v10, v3;
	v11 =	vadd.f32 v16, v11;
	v14 =	vperm.xlane v9, v2  }
0x184: {  	v17 =	vsel vm9, $0x40800000, v5;
	vm11 =	vgt.f32 v7, $0.0e+00;
	v7 =	vperm.xlane v8, v1  }
0x185: {  	v10 =	vadd.f32 v13, v10;
	v13 =	vperm.xlane v11, v3;
	v9 =	vadd.f32 v14, v9  }
0x186: {  	v16 =	vsel vm10, $0x40000000, v5;
	v14 =	vadd.f32 v17, v15;
	v7 =	vadd.f32 v7, v8  }
0x187: {  	v8 =	vperm.xlane v10, v4;
	v11 =	vadd.f32 v13, v11;
	v13 =	vperm.xlane v9, v3  }
0x188: {  	v15 =	vsel vm11, $0x3F800000, v5;
	v14 =	vadd.f32 v16, v14;
	v16 =	vperm.xlane v7, v2  }
0x189: {  	v8 =	vadd.f32 v8, v10;
	v10 =	vperm.xlane v11, v4;
	v9 =	vadd.f32 v13, v9  }
0x18a: {  	v13 =	vadd.f32 v15, v14;
	v15 =	vperm.xlane v0, v1;
	v7 =	vadd.f32 v16, v7  }
0x18b: {  	vm13 =	vgt.f32 v8, $0.0e+00;
	v8 =	vadd.f32 v10, v11;
	v10 =	vperm.xlane v9, v4  }
0x18c: {  	v12 =	vsel vm12, v12, v18;
	v0 =	vadd.f32 v15, v0;
	v14 =	vperm.xlane v7, v3  }
0x18d: {  	vm14 =	vgt.f32 v8, $0.0e+00;
	v8 =	vadd.f32 v10, v9;
	v9 =	vperm.xlane v59, v1  }
0x18e: {  	v11 =	vsel vm13, $0x42000000, v5;
	v10 =	vsel vm14, $0x41800000, v5;
	v7 =	vadd.f32 v14, v7  }
0x18f: {  	v10 =	vadd.f32 v10, v11;
	v9 =	vadd.f32 v9, v59;
	v11 =	vperm.xlane v58, v1  }
0x190: {  	vm15 =	vgt.f32 v8, $0.0e+00;
	v14 =	vperm.xlane v0, v2;
	v8 =	vperm.xlane v7, v4  }
0x191: {  	v16 =	vperm.xlane v57, v1;
	v15 =	vperm.xlane v9, v2;
	v11 =	vadd.f32 v11, v58  }
0x192: {  	v20 =	vperm.xlane v53, v1;
	v0 =	vadd.f32 v14, v0;
	v7 =	vadd.f32 v8, v7  }
0x193: {  	v14 =	vadd.f32 v16, v57;
	v8 =	vadd.f32 v15, v9;
	v9 =	vperm.xlane v11, v2  }
0x194: {  	v19 =	vperm.xlane v55, v1;
	vm4 =	vgt.f32 v7, $0.0e+00;
	v7 =	vperm.xlane v0, v3  }
0x195: {  	v15 =	vperm.xlane v8, v3;
	v9 =	vadd.f32 v9, v11;
	v11 =	vperm.xlane v14, v2  }
0x196: {  	v17 =	vsel vm15, $0x41000000, v5;
	v0 =	vadd.f32 v7, v0;
	v7 =	vperm.xlane v6, v1  }
0x197: {  	v8 =	vadd.f32 v15, v8;
	v15 =	vperm.xlane v9, v3;
	v11 =	vadd.f32 v11, v14  }
0x198: {  	v10 =	vadd.f32 v17, v10;
	v6 =	vadd.f32 v7, v6;
	v7 =	vperm.xlane v56, v1  }
0x199: {  	v17 =	vperm.xlane v8, v4;
	v9 =	vadd.f32 v15, v9;
	v15 =	vperm.xlane v11, v3  }
0x19a: {  	v19 =	vadd.f32 v19, v55;
	v14 =	vperm.xlane v0, v4;
	v7 =	vadd.f32 v7, v56  }
0x19b: {  	v8 =	vadd.f32 v17, v8;
	v17 =	vperm.xlane v9, v4;
	v11 =	vadd.f32 v15, v11  }
0x19c: {  	v16 =	vsel vm4, $0x40800000, v5;
	v18 =	vperm.xlane v6, v2;
	v15 =	vperm.xlane v7, v2  }
0x19d: {  	vm5 =	vgt.f32 v8, $0.0e+00;
	v8 =	vadd.f32 v17, v9;
	v9 =	vperm.xlane v11, v4  }
0x19e: {  	v17 =	vadd.f32 v20, v53;
	v7 =	vadd.f32 v15, v7;
	v15 =	vperm.xlane v19, v2  }
0x19f: {  	v0 =	vadd.f32 v14, v0;
	vm6 =	vgt.f32 v8, $0.0e+00;
	v8 =	vadd.f32 v9, v11  }
0x1a0: {  	v9 =	vperm.xlane v7, v3;
	v11 =	vadd.f32 v15, v19;
	v15 =	vperm.xlane v17, v2  }
0x1a1: {  	v6 =	vadd.f32 v18, v6;
	vm8 =	vgt.f32 v0, $0.0e+00;
	vm7 =	vgt.f32 v8, $0.0e+00  }
0x1a2: {  	v7 =	vadd.f32 v9, v7;
	v8 =	vperm.xlane v11, v3;
	v9 =	vadd.f32 v15, v17  }
0x1a3: {  	v20 =	vsel vm5, $0x42000000, v5;
	v14 =	vperm.xlane v6, v3;
	v18 =	vsel vm6, $0x41800000, v5  }
0x1a4: {  	v17 =	vperm.xlane v7, v4;
	v8 =	vadd.f32 v8, v11;
	v11 =	vperm.xlane v9, v3  }
0x1a5: {  	s22 =	simm.s32 @p0 $0x8000;
	s21 =	simm.s32 @p0 $0x0;
	v0 =	vadd.f32 v14, v6;
	v6 =	vadd.f32 v18, v20;
	v15 =	vsel vm7, $0x41000000, v5  }
0x1a6: {  	[tilespmem:s22], [sflag:$0x1] =	stream.linear.gather @p0 [hbm4b:s6+s21], $0x8000, $0x38;
	v7 =	vadd.f32 v17, v7;
	v14 =	vperm.xlane v8, v4;
	v9 =	vadd.f32 v11, v9;
	[tilespmem:$0x18100] =	vst v63  }
0x1a7: {  	s30 =	simm.s32 $0x0;
	_ =	swait.ge [sflag:s15], $0x8000;
	v10 =	vadd.f32 v16, v10;
	v6 =	vadd.f32 v15, v6;
	v17 =	vperm.xlane v0, v4  }
0x1a8: {  	s31 =	sand.u32 $0x70, s30;
	s21 =	sand.u32 $0x7C00, s30;
	[sflag:s15] =	ssyncset.done $0x0;
	vm9 =	vgt.f32 v7, $0.0e+00;
	v7 =	vadd.f32 v14, v8;
	v8 =	vperm.xlane v9, v4  }
0x1a9: {  	s21 =	sor.u32 s31, s21;
	[sflag:s15] =	ssyncadd.s32 $0xFFFF8000;
	v11 =	vsel vm8, $0x40000000, v5;
	v0 =	vadd.f32 v17, v0;
	v14 =	vsel vm9, $0x40800000, v5  }
0x1aa: {  	v6 =	vadd.f32 v14, v6;
	vm10 =	vgt.f32 v7, $0.0e+00;
	v7 =	vadd.f32 v8, v9;
	v8 =	vld [tilespmem:s21+$0x10180]  }
0x1ab: {  	v9 =	vadd.f32 v11, v10;
	vm11 =	vgt.f32 v0, $0.0e+00;
	v0 =	vld [tilespmem:s21+$0x10100];
	v10 =	vsel vm10, $0x40000000, v5  }
0x1ac: {  	v11 =	vsel vm11, $0x3F800000, v5;
	v6 =	vadd.f32 v10, v6;
	vm12 =	vgt.f32 v7, $0.0e+00;
	v7 =	vld [tilespmem:s21+$0x10080]  }
0x1ad: {  	vm13 =	vmmov $0x1f;
	v9 =	vadd.f32 v11, v9;
	v11 =	vld [tilespmem:s21+$0x10000];
	v10 =	vsel vm12, $0x3F800000, v5  }
0x1ae: {  	v12 =	vsel vm13, v12, v13;
	vm14 =	vmmov $0x3f;
	v6 =	vadd.f32 v10, v6  }
0x1af: {  	v31 =	vimm.f32 $0.0e+00;
	v37 =	vld [tilespmem:s21+$0x180];
	vm15 =	vmmov $0x7f;
	v9 =	vsel vm14, v12, v9  }
0x1b0: {  	v24 =	vimm.f32 $0.0e+00;
	v18 =	vld [tilespmem:s21+$0x0];
	v6 =	vsel vm15, v9, v6;
	v9 =	vshrl.u32 v8, $0x10  }
0x1b1: {  	v15 =	vld [tilespmem:s21+$0x100];
	[tilespmem:$0x1FE00] =	vst v6;
	v6 =	vshrl.u32 v0, $0x10;
	v10 =	vshrl.u32 v7, $0x10;
	v9 =	vand.u32 $0x1, v9  }
0x1b2: {  	v26 =	vld [tilespmem:s21+$0x200];
	v12 =	vshrl.u32 v11, $0x10;
	v6 =	vand.u32 $0x1, v6;
	v10 =	vand.u32 $0x1, v10  }
0x1b3: {  	v14 =	vld [tilespmem:s21+$0x280];
	v8 =	vadd.s32 v9, v8;
	v0 =	vadd.s32 v6, v0;
	v6 =	vand.u32 $0x1, v12  }
0x1b4: {  	v7 =	vadd.s32 v10, v7;
	v8 =	vadd.s32 $0x7FFF, v8;
	v0 =	vadd.s32 $0x7FFF, v0  }
0x1b5: {  	v7 =	vadd.s32 $0x7FFF, v7;
	v23 =	vand.u32 $0xFFFF0000, v8;
	v25 =	vand.u32 $0xFFFF0000, v0  }
0x1b6: {  	v20 =	vld [tilespmem:s21+$0x80];
	v0 =	vadd.s32 v6, v11;
	v8 =	vmul.f32 v23, v18;
	v11 =	vmul.f32 v23, v15  }
0x1b7: {  	v35 =	vand.u32 $0xFFFF0000, v7;
	v12 =	vmul.f32 v23, v26;
	v6 =	vmul.f32 v25, v18  }
0x1b8: {  	v16 =	vimm.f32 $0.0e+00;
	v9 =	vmul.f32 v25, v14;
	v17 =	vmul.f32 v35, v37  }
0x1b9: {  	v0 =	vadd.s32 $0x7FFF, v0;
	v38 =	vmul.f32 v25, v15;
	v41 =	vmul.f32 v35, v14  }
0x1ba: {  	v36 =	vand.u32 $0xFFFF0000, v0;
	v0 =	vmul.f32 v25, v26;
	v7 =	vadd.f32 v11, v16  }
0x1bb: {  	v11 =	vmul.f32 v35, v15;
	v13 =	vmul.f32 v36, v20;
	v10 =	vadd.f32 v9, v16  }
0x1bc: {  	v39 =	vmul.f32 v36, v26;
	v9 =	vadd.f32 v8, v16;
	v8 =	vadd.f32 v12, v16  }
0x1bd: {  	v40 =	vmul.f32 v36, v15;
	v22 =	vadd.f32 v17, v16;
	v17 =	vimm.f32 $0.0e+00  }
0x1be: {  	v12 =	vadd.f32 v0, v16;
	v19 =	vadd.f32 v13, v16;
	v13 =	vmul.f32 v25, v37  }
0x1bf: {  	v15 =	vimm.f32 $0.0e+00;
	v21 =	vadd.f32 v11, v16;
	v0 =	vadd.f32 v6, v16  }
0x1c0: {  	s23 =	simm.s32 $0x10;
	s21 =	simm.s32 $0x80;
	v6 =	vimm.f32 $0.0e+00;
	v11 =	vimm.f32 $0.0e+00;
	v13 =	vadd.f32 v13, v16  }
.LBB2_9:
0x1c1: {  	s22 =	smov.u32 s23  }
0x1c2: {  	s24 =	sand.u32 $0x70, s23;
	s25 =	sand.u32 $0x7C00, s21;
	v42 =	vmul.f32 v36, v37;
	v16 =	vadd.f32 v41, v16;
	v37 =	vmul.f32 v23, v37;
	s22 =	sadd.s32 $0x10, s23  }
0x1c3: {  	p1 =	sne.s32 s23, $0xFF0;
	v41 =	vmul.f32 v36, v18;
	s24 =	sor.u32 s24, s25;
	v34 =	vadd.f32 v40, v34;
	v40 =	vmul.f32 v23, v20  }
0x1c4: {  	v32 =	vadd.f32 v39, v32;
	v36 =	vmul.f32 v36, v14;
	v24 =	vadd.f32 v37, v24;
	v43 =	vld [tilespmem:s24+$0x10180]  }
0x1c5: {  	v18 =	vmul.f32 v35, v18;
	v26 =	vmul.f32 v35, v26;
	v31 =	vadd.f32 v42, v31;
	v37 =	vld [tilespmem:s24+$0x10100]  }
0x1c6: {  	v35 =	vmul.f32 v35, v20;
	v30 =	vadd.f32 v38, v30;
	v33 =	vadd.f32 v41, v33;
	v39 =	vld [tilespmem:s24+$0x10080]  }
0x1c7: {  	v20 =	vmul.f32 v25, v20;
	v28 =	vadd.f32 v36, v28;
	v29 =	vadd.f32 v26, v29;
	v38 =	vld [tilespmem:s24+$0x10000]  }
0x1c8: {  	v27 =	vadd.f32 v18, v27;
	v18 =	vmul.f32 v23, v14;
	v6 =	vadd.f32 v40, v6  }
0x1c9: {  	v17 =	vadd.f32 v35, v17;
	v15 =	vadd.f32 v20, v15  }
0x1ca: {  	v11 =	vadd.f32 v18, v11;
	v23 =	vshrl.u32 v43, $0x10;
	v14 =	vld [tilespmem:s24+$0x280];
	v20 =	vshrl.u32 v37, $0x10  }
0x1cb: {  	v23 =	vand.u32 $0x1, v23;
	v18 =	vld [tilespmem:s24+$0x0];
	v25 =	vshrl.u32 v39, $0x10;
	v20 =	vand.u32 $0x1, v20  }
0x1cc: {  	v23 =	vadd.s32 v23, v43;
	v40 =	vld [tilespmem:s24+$0x100];
	v35 =	vshrl.u32 v38, $0x10;
	v25 =	vand.u32 $0x1, v25  }
0x1cd: {  	v26 =	vld [tilespmem:s24+$0x200];
	v36 =	vand.u32 $0x1, v35;
	v25 =	vadd.s32 v25, v39;
	v35 =	vadd.s32 v20, v37  }
0x1ce: {  	v23 =	vadd.s32 $0x7FFF, v23;
	v20 =	vld [tilespmem:s24+$0x80];
	v25 =	vadd.s32 $0x7FFF, v25;
	v37 =	vadd.s32 $0x7FFF, v35  }
0x1cf: {  	v23 =	vand.u32 $0xFFFF0000, v23;
	v35 =	vand.u32 $0xFFFF0000, v25;
	v25 =	vand.u32 $0xFFFF0000, v37  }
0x1d0: {  	v36 =	vadd.s32 v36, v38;
	v37 =	vld [tilespmem:s24+$0x180];
	v42 =	vmul.f32 v25, v18;
	v38 =	vmul.f32 v23, v18  }
0x1d1: {  	v36 =	vadd.s32 $0x7FFF, v36;
	v39 =	vmul.f32 v25, v14;
	v41 =	vmul.f32 v23, v40  }
0x1d2: {  	v36 =	vand.u32 $0xFFFF0000, v36;
	v43 =	vmul.f32 v25, v26;
	v44 =	vmul.f32 v23, v26  }
0x1d3: {  	v10 =	vadd.f32 v39, v10;
	v45 =	vmul.f32 v36, v20;
	v7 =	vadd.f32 v41, v7  }
.Ltmp5:
0x1d4: {  	v39 =	vmul.f32 v36, v26;
	v9 =	vadd.f32 v38, v9;
	v8 =	vadd.f32 v44, v8;
	(pc) =	sbr.rel @p1 .LBB2_9-.Ltmp5, $4  }
0x1d5: {  	v41 =	vmul.f32 v35, v40;
	v19 =	vadd.f32 v45, v19;
	v44 =	vmul.f32 v25, v37  }
0x1d6: {  	v38 =	vmul.f32 v25, v40;
	v12 =	vadd.f32 v43, v12;
	v45 =	vmul.f32 v35, v37  }
0x1d7: {  	v21 =	vadd.f32 v41, v21;
	v41 =	vmul.f32 v35, v14;
	v13 =	vadd.f32 v44, v13  }
0x1d8: {  	s21 =	sadd.s32 $0x80, s21;
	s23 =	smov.u32 s22;
	v0 =	vadd.f32 v42, v0;
	v40 =	vmul.f32 v36, v40;
	v22 =	vadd.f32 v45, v22  }
0x1d9: {  	v46 =	vmul.f32 v36, v18  }
0x1da: {  	v42 =	vmul.f32 v36, v37  }
0x1db: {  	v45 =	vmul.f32 v23, v37;
	v47 =	vmul.f32 v23, v20;
	v33 =	vadd.f32 v46, v33  }
0x1dc: {  	v18 =	vmul.f32 v35, v18;
	v26 =	vmul.f32 v35, v26  }
0x1dd: {  	v50 =	vperm.xlane v19, v1;
	v49 =	vperm.xlane v33, v1  }
0x1de: {  	v51 =	vmul.f32 v35, v20;
	v34 =	vadd.f32 v40, v34;
	v31 =	vadd.f32 v42, v31  }
0x1df: {  	v25 =	vmul.f32 v25, v20;
	v26 =	vadd.f32 v26, v29;
	v29 =	vadd.f32 v49, v33  }
0x1e0: {  	v19 =	vadd.f32 v50, v19;
	v27 =	vadd.f32 v18, v27;
	v18 =	vperm.xlane v31, v1  }
0x1e1: {  	v52 =	vperm.xlane v34, v1;
	v20 =	vperm.xlane v29, v2  }
0x1e2: {  	v32 =	vadd.f32 v39, v32;
	v53 =	vperm.xlane v19, v2;
	v18 =	vadd.f32 v18, v31  }
0x1e3: {  	v48 =	vmul.f32 v36, v14;
	v33 =	vadd.f32 v52, v34;
	v20 =	vadd.f32 v20, v29  }
0x1e4: {  	v14 =	vmul.f32 v23, v14;
	v19 =	vadd.f32 v53, v19;
	v31 =	vperm.xlane v18, v2  }
0x1e5: {  	v28 =	vadd.f32 v48, v28;
	v29 =	vperm.xlane v33, v2;
	v55 =	vperm.xlane v20, v3  }
0x1e6: {  	v23 =	vperm.xlane v32, v1;
	v36 =	vperm.xlane v19, v3;
	v31 =	vadd.f32 v31, v18  }
0x1e7: {  	v29 =	vadd.f32 v29, v33;
	v18 =	vadd.f32 v55, v20  }
0x1e8: {  	v23 =	vadd.f32 v23, v32;
	v19 =	vadd.f32 v36, v19  }
0x1e9: {  	v20 =	vperm.xlane v29, v3;
	[tilespmem:$0x1FC10] =	vst v18;
	v18 =	vperm.xlane v18, v4  }
0x1ea: {  	v54 =	vperm.xlane v28, v1;
	v56 =	vperm.xlane v23, v2;
	[tilespmem:$0x1FC30] =	vst v19  }
0x1eb: {  	v57 =	vperm.xlane v31, v3;
	[tilespmem:$0x1FC20] =	vst v18;
	v18 =	vperm.xlane v19, v4;
	v19 =	vadd.f32 v20, v29  }
0x1ec: {  	v28 =	vadd.f32 v54, v28;
	v23 =	vadd.f32 v56, v23  }
0x1ed: {  	[tilespmem:$0x1FC40] =	vst v18;
	v18 =	vadd.f32 v57, v31;
	v31 =	vadd.f32 v51, v17;
	v17 =	vperm.xlane v19, v4  }
0x1ee: {  	v58 =	vperm.xlane v28, v2  }
0x1ef: {  	v29 =	vperm.xlane v23, v3;
	[tilespmem:$0x1FC60] =	vst v17;
	v17 =	vperm.xlane v18, v4;
	_ =	sdelay $0x1  }
0x1f0: {  	v28 =	vadd.f32 v58, v28;
	[tilespmem:$0x1FC80] =	vst v17;
	v17 =	vadd.f32 v29, v23  }
0x1f1: {  	v59 =	vperm.xlane v27, v1  }
0x1f2: {  	v23 =	vperm.xlane v28, v3;
	[tilespmem:$0x1FC90] =	vst v17;
	v17 =	vperm.xlane v17, v4  }
0x1f3: {  	v27 =	vadd.f32 v59, v27;
	v29 =	vperm.xlane v31, v1  }
0x1f4: {  	v60 =	vperm.xlane v21, v1;
	[tilespmem:$0x1FCA0] =	vst v17;
	v17 =	vadd.f32 v23, v28;
	v23 =	vperm.xlane v22, v1  }
0x1f5: {  	v29 =	vadd.f32 v29, v31;
	v28 =	vperm.xlane v27, v2  }
0x1f6: {  	v21 =	vadd.f32 v60, v21;
	v22 =	vadd.f32 v23, v22;
	v23 =	vperm.xlane v26, v1  }
0x1f7: {  	v16 =	vadd.f32 v41, v16;
	v27 =	vadd.f32 v28, v27;
	v28 =	vperm.xlane v29, v2  }
0x1f8: {  	v31 =	vperm.xlane v21, v2;
	v23 =	vadd.f32 v23, v26  }
0x1f9: {  	v26 =	vperm.xlane v16, v1;
	v62 =	vperm.xlane v27, v3;
	v28 =	vadd.f32 v28, v29  }
0x1fa: {  	v21 =	vadd.f32 v31, v21;
	[tilespmem:$0x1FCB0] =	vst v17;
	v17 =	vperm.xlane v17, v4;
	v61 =	vperm.xlane v22, v2  }
0x1fb: {  	v16 =	vadd.f32 v26, v16;
	v31 =	vadd.f32 v62, v27;
	v26 =	vperm.xlane v28, v3  }
0x1fc: {  	v22 =	vadd.f32 v61, v22;
	v29 =	vperm.xlane v23, v2  }
0x1fd: {  	[tilespmem:$0x1FCC0] =	vst v17;
	v27 =	vperm.xlane v21, v3;
	v17 =	vperm.xlane v31, v4;
	v37 =	vadd.f32 v26, v28  }
0x1fe: {  	v63 =	vperm.xlane v22, v3  }
0x1ff: {  	v23 =	vadd.f32 v29, v23;
	v32 =	vadd.f32 v27, v21;
	[tilespmem:$0x1FCD0] =	vst v17;
	v17 =	vperm.xlane v37, v4  }
0x200: {  	v30 =	vadd.f32 v38, v30;
	v29 =	vperm.xlane v16, v2  }
0x201: {  	v28 =	vadd.f32 v63, v22;
	v21 =	vperm.xlane v23, v3;
	[tilespmem:$0x1FCE0] =	vst v17;
	v17 =	vperm.xlane v32, v4  }
0x202: {  	v39 =	vimm.f32 $0.0e+00;
	v40 =	vimm.f32 $0.0e+00;
	v15 =	vadd.f32 v25, v15  }
0x203: {  	v16 =	vadd.f32 v29, v16;
	v27 =	vadd.f32 v21, v23;
	[tilespmem:$0x1FCF0] =	vst v17;
	v17 =	vperm.xlane v28, v4  }
0x204: {  	v24 =	vadd.f32 v45, v24;
	v6 =	vadd.f32 v47, v6;
	v25 =	vperm.xlane v15, v1  }
0x205: {  	v11 =	vadd.f32 v14, v11;
	v21 =	vperm.xlane v16, v3;
	[tilespmem:$0x1FD00] =	vst v17;
	v17 =	vperm.xlane v27, v4  }
0x206: {  	v46 =	vimm.f32 $0.0e+00;
	v50 =	vimm.f32 $0.0e+00;
	v22 =	vperm.xlane v0, v1  }
0x207: {  	v15 =	vadd.f32 v25, v15;
	[tilespmem:$0x1FD10] =	vst v17;
	v17 =	vadd.f32 v21, v16;
	v16 =	vperm.xlane v30, v1  }
0x208: {  	v59 =	vimm.f32 $0.0e+00;
	v0 =	vadd.f32 v22, v0;
	v21 =	vperm.xlane v13, v1  }
0x209: {  	v52 =	vimm.f32 $0.0e+00;
	v22 =	vperm.xlane v12, v1;
	v16 =	vadd.f32 v16, v30  }
0x20a: {  	v26 =	vperm.xlane v15, v2;
	v25 =	vperm.xlane v0, v2;
	v13 =	vadd.f32 v21, v13  }
0x20b: {  	v12 =	vadd.f32 v22, v12;
	v22 =	vperm.xlane v10, v1;
	v21 =	vperm.xlane v16, v2  }
0x20c: {  	v15 =	vadd.f32 v26, v15;
	v0 =	vadd.f32 v25, v0;
	v25 =	vperm.xlane v13, v2  }
0x20d: {  	v53 =	vimm.f32 $0.0e+00;
	v10 =	vadd.f32 v22, v10;
	v16 =	vadd.f32 v21, v16  }
0x20e: {  	v22 =	vperm.xlane v0, v3;
	v21 =	vperm.xlane v12, v2;
	v13 =	vadd.f32 v25, v13  }
0x20f: {  	v58 =	vimm.f32 $0.0e+00;
	v26 =	vperm.xlane v15, v3;
	v25 =	vperm.xlane v16, v3  }
0x210: {  	v48 =	vadd.f32 v22, v0;
	v12 =	vadd.f32 v21, v12;
	v0 =	vperm.xlane v13, v3  }
0x211: {  	v36 =	vimm.f32 $0.0e+00;
	v21 =	vperm.xlane v10, v2;
	v45 =	vadd.f32 v25, v16  }
0x212: {  	v49 =	vadd.f32 v26, v15;
	v15 =	vperm.xlane v12, v3;
	v43 =	vadd.f32 v0, v13  }
0x213: {  	v33 =	vimm.f32 $0.0e+00;
	v10 =	vadd.f32 v21, v10;
	v0 =	vperm.xlane v45, v4  }
0x214: {  	v61 =	vimm.f32 $0.0e+00;
	[tilespmem:$0x1FD20] =	vst v17;
	v41 =	vadd.f32 v15, v12;
	v12 =	vperm.xlane v43, v4  }
0x215: {  	v63 =	vimm.f32 $0.0e+00;
	v16 =	vperm.xlane v48, v4;
	[tilespmem:$0x1FD60] =	vst v0;
	v0 =	vperm.xlane v10, v3  }
0x216: {  	v17 =	vperm.xlane v17, v4;
	v21 =	vimm.f32 $0.0e+00;
	[tilespmem:$0x1FD70] =	vst v12;
	v12 =	vperm.xlane v9, v1  }
0x217: {  	[tilespmem:$0x1FD40] =	vst v16;
	v16 =	vperm.xlane v49, v4;
	v42 =	vadd.f32 v0, v10;
	v0 =	vperm.xlane v6, v1  }
0x218: {  	v13 =	vperm.xlane v41, v4;
	v9 =	vadd.f32 v12, v9;
	v10 =	vperm.xlane v7, v1  }
0x219: {  	v12 =	vperm.xlane v24, v1;
	v0 =	vadd.f32 v0, v6;
	v6 =	vperm.xlane v8, v1  }
0x21a: {  	s21 =	simm.s32 $0x0;
	[tilespmem:$0x1FD80] =	vst v13;
	v13 =	vperm.xlane v11, v1;
	v14 =	vperm.xlane v9, v2;
	v7 =	vadd.f32 v10, v7  }
0x21b: {  	s22 =	sand.u32 $0x70, s21;
	s21 =	sand.u32 $0x7C00, s21;
	v10 =	vadd.f32 v12, v24;
	v12 =	vperm.xlane v0, v2;
	v6 =	vadd.f32 v6, v8  }
0x21c: {  	s21 =	sor.u32 s22, s21;
	v8 =	vadd.f32 v13, v11;
	v9 =	vadd.f32 v14, v9;
	v11 =	vperm.xlane v7, v2  }
0x21d: {  	[tilespmem:$0x1FD50] =	vst v16;
	v16 =	vld [tilespmem:s21+$0x10200];
	v13 =	vperm.xlane v10, v2;
	v0 =	vadd.f32 v12, v0;
	v12 =	vperm.xlane v6, v2  }
0x21e: {  	v14 =	vperm.xlane v8, v2;
	v15 =	vperm.xlane v9, v3;
	v7 =	vadd.f32 v11, v7;
	v11 =	vld [tilespmem:s21+$0x10380]  }
0x21f: {  	v10 =	vadd.f32 v13, v10;
	v13 =	vperm.xlane v0, v3;
	v6 =	vadd.f32 v12, v6;
	v12 =	vld [tilespmem:s21+$0x10300]  }
0x220: {  	v8 =	vadd.f32 v14, v8;
	v55 =	vadd.f32 v15, v9;
	v9 =	vperm.xlane v7, v3;
	v15 =	vld [tilespmem:s21+$0x10280]  }
0x221: {  	v14 =	vperm.xlane v10, v3;
	v57 =	vadd.f32 v13, v0;
	v0 =	vperm.xlane v6, v3  }
0x222: {  	[tilespmem:$0x1FD30] =	vst v17;
	v17 =	vperm.xlane v42, v4;
	v13 =	vperm.xlane v8, v3;
	v56 =	vadd.f32 v9, v7  }
0x223: {  	v54 =	vadd.f32 v14, v10;
	v7 =	vperm.xlane v55, v4;
	v51 =	vadd.f32 v0, v6  }
0x224: {  	v24 =	vld [tilespmem:s21+$0x0];
	v47 =	vadd.f32 v13, v8;
	v6 =	vshrl.u32 v11, $0x10;
	v8 =	vshrl.u32 v16, $0x10  }
0x225: {  	[tilespmem:$0x1FDA0] =	vst v7;
	v13 =	vld [tilespmem:s21+$0x100];
	v0 =	vshrl.u32 v12, $0x10;
	v7 =	vshrl.u32 v15, $0x10;
	v6 =	vand.u32 $0x1, v6  }
0x226: {  	v22 =	vld [tilespmem:s21+$0x280];
	v8 =	vand.u32 $0x1, v8;
	v0 =	vand.u32 $0x1, v0;
	v7 =	vand.u32 $0x1, v7  }
0x227: {  	v44 =	vld [tilespmem:s21+$0x200];
	v6 =	vadd.s32 v6, v11;
	v7 =	vadd.s32 v7, v15;
	v0 =	vadd.s32 v0, v12  }
0x228: {  	v6 =	vadd.s32 $0x7FFF, v6;
	v7 =	vadd.s32 $0x7FFF, v7;
	v0 =	vadd.s32 $0x7FFF, v0  }
0x229: {  	v25 =	vand.u32 $0xFFFF0000, v6;
	v38 =	vand.u32 $0xFFFF0000, v7;
	v30 =	vand.u32 $0xFFFF0000, v0  }
0x22a: {  	v7 =	vadd.s32 v8, v16;
	v10 =	vmul.f32 v25, v24;
	v14 =	vmul.f32 v38, v13  }
0x22b: {  	v29 =	vld [tilespmem:s21+$0x80];
	v8 =	vmul.f32 v25, v13;
	v6 =	vadd.s32 $0x7FFF, v7;
	v7 =	vmul.f32 v30, v22  }
0x22c: {  	v0 =	vld [tilespmem:s21+$0x180];
	v11 =	vmul.f32 v30, v44;
	v35 =	vadd.f32 v14, v21;
	v14 =	vperm.xlane v56, v4  }
0x22d: {  	[tilespmem:$0x1FC50] =	vst v19;
	v62 =	vand.u32 $0xFFFF0000, v6;
	v6 =	vmul.f32 v25, v44;
	v8 =	vadd.f32 v8, v21  }
0x22e: {  	v9 =	vadd.f32 v7, v21;
	v15 =	vmul.f32 v62, v13;
	[tilespmem:$0x1FDC0] =	vst v14;
	v14 =	vperm.xlane v54, v4  }
0x22f: {  	[tilespmem:$0x1FC70] =	vst v18;
	v7 =	vadd.f32 v6, v21;
	v6 =	vmul.f32 v30, v13;
	v13 =	vperm.xlane v57, v4  }
0x230: {  	v10 =	vadd.f32 v10, v21;
	v12 =	vmul.f32 v62, v29;
	[tilespmem:$0x1FDD0] =	vst v14;
	v14 =	vperm.xlane v51, v4  }
0x231: {  	v11 =	vadd.f32 v11, v21;
	v16 =	vmul.f32 v30, v0;
	v26 =	vmul.f32 v38, v0;
	[tilespmem:$0x1FDB0] =	vst v13  }
0x232: {  	v60 =	vadd.f32 v12, v21;
	v13 =	vmul.f32 v30, v24;
	[tilespmem:$0x1FDE0] =	vst v14;
	v14 =	vperm.xlane v47, v4  }
0x233: {  	[tilespmem:$0x1FD90] =	vst v17;
	v12 =	vadd.f32 v16, v21;
	v34 =	vadd.f32 v26, v21;
	v16 =	vmul.f32 v38, v22  }
0x234: {  	s23 =	simm.s32 $0x10;
	s21 =	simm.s32 $0x80;
	v26 =	vimm.f32 $0.0e+00;
	v13 =	vadd.f32 v13, v21;
	[tilespmem:$0x1FDF0] =	vst v14;
	v14 =	vmul.f32 v62, v44  }
.LBB2_11:
0x235: {  	s22 =	smov.u32 s23  }
0x236: {  	s24 =	sand.u32 $0x70, s23;
	s25 =	sand.u32 $0x7C00, s21;
	v17 =	vmul.f32 v62, v0;
	v21 =	vadd.f32 v16, v21;
	v0 =	vmul.f32 v25, v0;
	s22 =	sadd.s32 $0x10, s23  }
0x237: {  	p1 =	sne.s32 s23, $0xFF0;
	v16 =	vmul.f32 v62, v24;
	s24 =	sor.u32 s24, s25;
	v46 =	vadd.f32 v15, v46;
	v15 =	vmul.f32 v25, v29  }
0x238: {  	v40 =	vadd.f32 v14, v40;
	v14 =	vmul.f32 v62, v22;
	v63 =	vadd.f32 v0, v63;
	v18 =	vld [tilespmem:s24+$0x10380]  }
0x239: {  	v58 =	vadd.f32 v17, v58;
	v17 =	vmul.f32 v38, v24;
	v24 =	vmul.f32 v38, v44;
	v0 =	vld [tilespmem:s24+$0x10300]  }
0x23a: {  	v61 =	vadd.f32 v6, v61;
	v59 =	vadd.f32 v16, v59;
	v16 =	vmul.f32 v38, v29;
	v62 =	vld [tilespmem:s24+$0x10280]  }
0x23b: {  	v52 =	vadd.f32 v14, v52;
	v14 =	vmul.f32 v30, v29;
	v53 =	vadd.f32 v24, v53;
	v6 =	vld [tilespmem:s24+$0x10200]  }
0x23c: {  	v33 =	vadd.f32 v15, v33;
	v15 =	vmul.f32 v25, v22;
	v50 =	vadd.f32 v17, v50  }
0x23d: {  	v39 =	vadd.f32 v16, v39;
	v36 =	vadd.f32 v14, v36  }
0x23e: {  	v26 =	vadd.f32 v15, v26;
	v16 =	vshrl.u32 v18, $0x10;
	v22 =	vld [tilespmem:s24+$0x280];
	v14 =	vshrl.u32 v0, $0x10  }
0x23f: {  	v16 =	vand.u32 $0x1, v16;
	v24 =	vld [tilespmem:s24+$0x0];
	v15 =	vshrl.u32 v62, $0x10;
	v14 =	vand.u32 $0x1, v14  }
0x240: {  	v16 =	vadd.s32 v16, v18;
	v17 =	vld [tilespmem:s24+$0x100];
	v25 =	vshrl.u32 v6, $0x10;
	v15 =	vand.u32 $0x1, v15  }
0x241: {  	v0 =	vadd.s32 v14, v0;
	v44 =	vld [tilespmem:s24+$0x200];
	v18 =	vand.u32 $0x1, v25;
	v15 =	vadd.s32 v15, v62  }
0x242: {  	v0 =	vadd.s32 $0x7FFF, v0;
	v29 =	vld [tilespmem:s24+$0x80];
	v14 =	vadd.s32 $0x7FFF, v15;
	v15 =	vadd.s32 $0x7FFF, v16  }
0x243: {  	v30 =	vand.u32 $0xFFFF0000, v0;
	v38 =	vand.u32 $0xFFFF0000, v14;
	v25 =	vand.u32 $0xFFFF0000, v15  }
0x244: {  	v6 =	vadd.s32 v18, v6;
	v0 =	vld [tilespmem:s24+$0x180];
	v18 =	vmul.f32 v30, v24;
	v15 =	vmul.f32 v25, v24  }
0x245: {  	v6 =	vadd.s32 $0x7FFF, v6;
	v14 =	vmul.f32 v30, v22;
	v16 =	vmul.f32 v25, v17  }
0x246: {  	v62 =	vand.u32 $0xFFFF0000, v6;
	v19 =	vmul.f32 v30, v44;
	v6 =	vmul.f32 v25, v44  }
0x247: {  	v9 =	vadd.f32 v14, v9;
	v20 =	vmul.f32 v62, v29;
	v8 =	vadd.f32 v16, v8  }
.Ltmp6:
0x248: {  	v14 =	vmul.f32 v62, v44;
	v10 =	vadd.f32 v15, v10;
	v7 =	vadd.f32 v6, v7;
	(pc) =	sbr.rel @p1 .LBB2_11-.Ltmp6, $4  }
0x249: {  	v15 =	vmul.f32 v38, v17;
	v60 =	vadd.f32 v20, v60;
	v20 =	vmul.f32 v30, v0  }
0x24a: {  	v6 =	vmul.f32 v30, v17;
	v11 =	vadd.f32 v19, v11;
	v23 =	vmul.f32 v38, v0  }
0x24b: {  	v16 =	vmul.f32 v38, v22;
	v35 =	vadd.f32 v15, v35;
	v12 =	vadd.f32 v20, v12  }
0x24c: {  	s21 =	sadd.s32 $0x80, s21;
	s23 =	smov.u32 s22;
	v13 =	vadd.f32 v18, v13;
	v15 =	vmul.f32 v62, v17;
	v34 =	vadd.f32 v23, v34  }
0x24d: {  	v23 =	vmul.f32 v25, v0;
	v17 =	vmul.f32 v62, v24  }
0x24e: {  	v18 =	vld [tilespmem:$0x1FC40];
	v15 =	vadd.f32 v15, v46;
	v46 =	vadd.f32 v14, v40  }
0x24f: {  	v0 =	vmul.f32 v62, v0;
	v40 =	vadd.f32 v23, v63;
	v23 =	vadd.f32 v17, v59;
	v59 =	vld [tilespmem:$0x1FC10]  }
0x250: {  	v63 =	vadd.f32 v6, v61;
	v6 =	vmul.f32 v62, v22;
	v62 =	vld [tilespmem:$0x1FC30]  }
0x251: {  	v0 =	vadd.f32 v0, v58;
	v61 =	vld [tilespmem:$0x1FC20]  }
0x252: {  	v58 =	vmul.f32 v38, v44;
	v44 =	vadd.f32 v6, v52;
	v6 =	vmul.f32 v38, v24;
	v24 =	vld [tilespmem:$0x1FC50]  }
0x253: {  	v52 =	vld [tilespmem:$0x1FC60];
	_ =	sdelay $0x1  }
0x254: {  	v17 =	vadd.f32 v18, v62;
	v18 =	vadd.f32 v58, v53;
	v58 =	vld [tilespmem:$0x1FC70]  }
0x255: {  	v21 =	vadd.f32 v16, v21;
	v16 =	vadd.f32 v61, v59;
	v59 =	vld [tilespmem:$0x1FC80]  }
0x256: {  	v61 =	vmul.f32 v38, v29;
	v62 =	vmul.f32 v30, v29;
	v30 =	vld [tilespmem:$0x1FC90]  }
0x257: {  	v38 =	vld [tilespmem:$0x1FCA0];
	vm0 =	vgt.f32 v16, $0.0e+00;
	vm1 =	vgt.f32 v17, $0.0e+00;
	v14 =	vadd.f32 v52, v24  }
0x258: {  	v52 =	vld [tilespmem:$0x1FCD0];
	v53 =	vsel vm0, $0x42000000, v5;
	v17 =	vsel vm1, $0x41800000, v5  }
0x259: {  	v19 =	vadd.f32 v6, v50;
	v6 =	vadd.f32 v17, v53;
	vm10 =	vgt.f32 v14, $0.0e+00;
	v53 =	vld [tilespmem:$0x1FCE0]  }
0x25a: {  	v17 =	vadd.f32 v62, v36;
	v62 =	vld [tilespmem:$0x1FCC0];
	v14 =	vadd.f32 v59, v58;
	v20 =	vsel vm10, $0x41000000, v5  }
0x25b: {  	v36 =	vld [tilespmem:$0x1FD00];
	v6 =	vadd.f32 v20, v6  }
0x25c: {  	v20 =	vadd.f32 v61, v39;
	v61 =	vld [tilespmem:$0x1FCB0];
	vm11 =	vgt.f32 v14, $0.0e+00;
	v14 =	vadd.f32 v38, v30  }
0x25d: {  	v29 =	vmul.f32 v25, v29  }
0x25e: {  	v50 =	vsel vm11, $0x40800000, v5;
	vm12 =	vgt.f32 v14, $0.0e+00;
	v14 =	vadd.f32 v52, v31;
	v31 =	vld [tilespmem:$0x1FCF0]  }
0x25f: {  	v16 =	vadd.f32 v29, v33;
	v30 =	vperm.xlane v18, v1;
	v6 =	vadd.f32 v50, v6  }
0x260: {  	v59 =	vmul.f32 v25, v22;
	v24 =	vadd.f32 v53, v37;
	v37 =	vadd.f32 v36, v28  }
0x261: {  	v53 =	vld [tilespmem:$0x1FD50];
	v18 =	vadd.f32 v30, v18;
	v58 =	vsel vm12, $0x40000000, v5;
	v25 =	vadd.f32 v62, v61  }
0x262: {  	v52 =	vld [tilespmem:$0x1FD40];
	vm12 =	vmmov $0xff;
	v6 =	vadd.f32 v58, v6;
	vm13 =	vgt.f32 v14, $0.0e+00  }
0x263: {  	v36 =	vld [tilespmem:$0x1FD30];
	vm14 =	vgt.f32 v24, $0.0e+00;
	vm15 =	vgt.f32 v25, $0.0e+00;
	v14 =	vadd.f32 v31, v32  }
0x264: {  	v61 =	vld [tilespmem:$0x1FD60];
	v33 =	vsel vm14, $0x41800000, v5;
	v32 =	vsel vm13, $0x42000000, v5;
	v38 =	vsel vm15, $0x3F800000, v5  }
0x265: {  	v24 =	vadd.f32 v33, v32;
	vm4 =	vgt.f32 v14, $0.0e+00;
	v14 =	vadd.f32 v59, v26;
	v59 =	vld [tilespmem:$0x1FD10]  }
0x266: {  	v25 =	vadd.f32 v53, v49;
	v6 =	vadd.f32 v38, v6;
	v33 =	vld [tilespmem:$0x1FD20];
	v39 =	vsel vm4, $0x41000000, v5  }
0x267: {  	vm5 =	vgt.f32 v37, $0.0e+00;
	v38 =	vld [tilespmem:$0x1FD70];
	v50 =	vadd.f32 v39, v24;
	v24 =	vadd.f32 v52, v48  }
0x268: {  	v58 =	vsel vm5, $0x40800000, v5;
	v49 =	vld [tilespmem:$0x1FD90];
	vm15 =	vmmov $0x1ff;
	vm7 =	vgt.f32 v25, $0.0e+00  }
0x269: {  	v32 =	vsel vm7, $0x41800000, v5;
	v52 =	vld [tilespmem:$0x1FE00];
	v22 =	vadd.f32 v58, v50;
	vm6 =	vgt.f32 v24, $0.0e+00  }
0x26a: {  	v24 =	vadd.f32 v61, v45;
	v26 =	vadd.f32 v59, v27;
	v62 =	vsel vm6, $0x42000000, v5  }
0x26b: {  	vm7 =	vmmov $0x3ff;
	v45 =	vld [tilespmem:$0x1FD80];
	v27 =	vadd.f32 v36, v33;
	v25 =	vadd.f32 v32, v62  }
0x26c: {  	v58 =	vld [tilespmem:$0x1FDB0];
	vm9 =	vgt.f32 v24, $0.0e+00;
	vm8 =	vgt.f32 v26, $0.0e+00;
	v26 =	vadd.f32 v38, v43  }
0x26d: {  	v39 =	vsel vm9, $0x41000000, v5;
	vm10 =	vgt.f32 v27, $0.0e+00;
	v27 =	vadd.f32 v49, v42  }
0x26e: {  	v6 =	vsel vm12, v52, v6;
	v42 =	vperm.xlane v60, v1;
	v49 =	vperm.xlane v15, v1  }
0x26f: {  	v53 =	vld [tilespmem:$0x1FDA0];
	v37 =	vsel vm8, $0x40000000, v5;
	v43 =	vadd.f32 v39, v25;
	v48 =	vsel vm10, $0x3F800000, v5  }
0x270: {  	v22 =	vadd.f32 v37, v22;
	vm11 =	vgt.f32 v26, $0.0e+00;
	v25 =	vadd.f32 v45, v41  }
0x271: {  	vm14 =	vgt.f32 v27, $0.0e+00;
	v26 =	vadd.f32 v58, v57;
	v37 =	vperm.xlane v23, v1  }
0x272: {  	v15 =	vadd.f32 v49, v15;
	v49 =	vperm.xlane v20, v1;
	v27 =	vperm.xlane v10, v1  }
0x273: {  	v50 =	vsel vm11, $0x40800000, v5;
	v62 =	vsel vm14, $0x3F800000, v5;
	v22 =	vadd.f32 v48, v22  }
0x274: {  	v32 =	vld [tilespmem:$0x1FDC0];
	v24 =	vadd.f32 v50, v43;
	vm13 =	vgt.f32 v25, $0.0e+00;
	v25 =	vadd.f32 v53, v55  }
0x275: {  	vm5 =	vgt.f32 v26, $0.0e+00;
	v23 =	vadd.f32 v37, v23;
	v53 =	vperm.xlane v0, v1  }
0x276: {  	v26 =	vadd.f32 v42, v60;
	v55 =	vperm.xlane v15, v2;
	v60 =	vperm.xlane v46, v1  }
0x277: {  	v39 =	vld [tilespmem:$0x1FDD0];
	v10 =	vadd.f32 v27, v10;
	v59 =	vsel vm13, $0x40000000, v5;
	v36 =	vsel vm5, $0x41800000, v5  }
0x278: {  	vm5 =	vmmov $0x7ff;
	v6 =	vsel vm15, v6, v22;
	v61 =	vadd.f32 v59, v24  }
0x279: {  	vm4 =	vgt.f32 v25, $0.0e+00;
	v25 =	vadd.f32 v32, v56;
	v43 =	vperm.xlane v23, v2  }
0x27a: {  	v45 =	vld [tilespmem:$0x1FDE0];
	v0 =	vadd.f32 v53, v0;
	v15 =	vadd.f32 v55, v15;
	v32 =	vperm.xlane v44, v1  }
0x27b: {  	v55 =	vperm.xlane v34, v1;
	v33 =	vsel vm4, $0x42000000, v5;
	v22 =	vadd.f32 v62, v61  }
0x27c: {  	v38 =	vadd.f32 v36, v33;
	vm6 =	vgt.f32 v25, $0.0e+00;
	v25 =	vadd.f32 v39, v54  }
0x27d: {  	v50 =	vld [tilespmem:$0x1FDF0];
	v23 =	vadd.f32 v43, v23;
	v58 =	vperm.xlane v0, v2;
	v61 =	vperm.xlane v15, v3  }
0x27e: {  	v37 =	vadd.f32 v32, v44;
	v41 =	vsel vm6, $0x41000000, v5;
	v6 =	vsel vm7, v6, v22  }
0x27f: {  	v22 =	vadd.f32 v41, v38;
	vm8 =	vgt.f32 v25, $0.0e+00;
	v25 =	vadd.f32 v45, v51  }
0x280: {  	v51 =	vperm.xlane v26, v2;
	v52 =	vperm.xlane v23, v3;
	v0 =	vadd.f32 v58, v0  }
0x281: {  	v15 =	vadd.f32 v61, v15;
	v42 =	vperm.xlane v37, v2;
	v48 =	vsel vm8, $0x40800000, v5  }
0x282: {  	v22 =	vadd.f32 v48, v22;
	vm9 =	vgt.f32 v25, $0.0e+00;
	v25 =	vadd.f32 v50, v47  }
0x283: {  	v26 =	vadd.f32 v51, v26;
	v23 =	vadd.f32 v52, v23;
	v33 =	vperm.xlane v0, v3  }
0x284: {  	v39 =	vperm.xlane v15, v4;
	v54 =	vsel vm9, $0x40000000, v5;
	vm10 =	vgt.f32 v25, $0.0e+00  }
0x285: {  	v22 =	vadd.f32 v54, v22;
	v57 =	vperm.xlane v26, v3;
	v28 =	vperm.xlane v23, v4  }
0x286: {  	v25 =	vadd.f32 v60, v46;
	v0 =	vadd.f32 v33, v0;
	v56 =	vsel vm10, $0x3F800000, v5  }
0x287: {  	v52 =	vperm.xlane v35, v1;
	v15 =	vadd.f32 v39, v15;
	v22 =	vadd.f32 v56, v22  }
0x288: {  	v46 =	vperm.xlane v19, v1;
	v59 =	vadd.f32 v57, v26;
	v23 =	vadd.f32 v28, v23  }
0x289: {  	v36 =	vperm.xlane v25, v2;
	v44 =	vperm.xlane v0, v4;
	vm13 =	vgt.f32 v15, $0.0e+00  }
0x28a: {  	v15 =	vadd.f32 v46, v19;
	v19 =	vadd.f32 v49, v20;
	v46 =	vperm.xlane v17, v1  }
0x28b: {  	v47 =	vsel vm13, $0x41000000, v5;
	v62 =	vperm.xlane v59, v4;
	v41 =	vadd.f32 v36, v25  }
0x28c: {  	vm11 =	vgt.f32 v23, $0.0e+00;
	v25 =	vadd.f32 v42, v37;
	v0 =	vadd.f32 v44, v0  }
0x28d: {  	v51 =	vperm.xlane v15, v2;
	v54 =	vperm.xlane v19, v2;
	v6 =	vsel vm5, v6, v22  }
0x28e: {  	v17 =	vadd.f32 v46, v17;
	v38 =	vsel vm11, $0x42000000, v5;
	v24 =	vadd.f32 v62, v59  }
0x28f: {  	v45 =	vperm.xlane v41, v3;
	v48 =	vperm.xlane v25, v3;
	vm14 =	vgt.f32 v0, $0.0e+00  }
0x290: {  	v15 =	vadd.f32 v51, v15;
	v19 =	vadd.f32 v54, v19;
	v51 =	vperm.xlane v12, v1  }
0x291: {  	v50 =	vsel vm14, $0x40800000, v5;
	vm12 =	vgt.f32 v24, $0.0e+00;
	v24 =	vadd.f32 v45, v41  }
0x292: {  	v25 =	vadd.f32 v48, v25;
	v56 =	vperm.xlane v15, v3;
	v59 =	vperm.xlane v19, v3  }
0x293: {  	v48 =	vperm.xlane v63, v1;
	v12 =	vadd.f32 v51, v12;
	v43 =	vsel vm12, $0x41800000, v5  }
0x294: {  	vm12 =	vmmov $0xfff;
	v26 =	vadd.f32 v43, v38;
	v0 =	vperm.xlane v24, v4  }
0x295: {  	v53 =	vperm.xlane v25, v4;
	v15 =	vadd.f32 v56, v15;
	v19 =	vadd.f32 v59, v19  }
0x296: {  	v43 =	vperm.xlane v13, v1;
	v23 =	vadd.f32 v47, v26;
	v0 =	vadd.f32 v0, v24  }
0x297: {  	v25 =	vadd.f32 v53, v25;
	v24 =	vadd.f32 v55, v34;
	v62 =	vperm.xlane v15, v4  }
0x298: {  	v29 =	vperm.xlane v19, v4;
	v34 =	vperm.xlane v21, v1;
	v13 =	vadd.f32 v43, v13  }
0x299: {  	v53 =	vperm.xlane v17, v2;
	v26 =	vperm.xlane v9, v1;
	v23 =	vadd.f32 v50, v23  }
0x29a: {  	vm15 =	vgt.f32 v0, $0.0e+00;
	v0 =	vadd.f32 v52, v35;
	vm4 =	vgt.f32 v25, $0.0e+00  }
0x29b: {  	v60 =	vperm.xlane v24, v2;
	v15 =	vadd.f32 v62, v15;
	v19 =	vadd.f32 v29, v19  }
0x29c: {  	v35 =	vperm.xlane v18, v2;
	v21 =	vadd.f32 v34, v21;
	v49 =	vperm.xlane v13, v2  }
0x29d: {  	v50 =	vadd.f32 v48, v63;
	v17 =	vadd.f32 v53, v17;
	v63 =	vperm.xlane v11, v1  }
0x29e: {  	v9 =	vadd.f32 v26, v9;
	v34 =	vperm.xlane v8, v1;
	v57 =	vsel vm15, $0x40000000, v5  }
0x29f: {  	v61 =	vsel vm4, $0x3F800000, v5;
	v58 =	vperm.xlane v0, v2;
	v20 =	vadd.f32 v57, v23  }
0x2a0: {  	v24 =	vadd.f32 v60, v24;
	vm6 =	vgt.f32 v15, $0.0e+00;
	vm7 =	vgt.f32 v19, $0.0e+00  }
0x2a1: {  	v15 =	vadd.f32 v35, v18;
	v39 =	vperm.xlane v21, v2;
	v13 =	vadd.f32 v49, v13  }
0x2a2: {  	v54 =	vperm.xlane v50, v2;
	v57 =	vperm.xlane v12, v2;
	v11 =	vadd.f32 v63, v11  }
0x2a3: {  	v8 =	vadd.f32 v34, v8;
	v37 =	vsel vm6, $0x42000000, v5;
	v38 =	vsel vm7, $0x41800000, v5  }
0x2a4: {  	v0 =	vadd.f32 v58, v0;
	v20 =	vadd.f32 v61, v20;
	v31 =	vperm.xlane v24, v3  }
0x2a5: {  	v18 =	vadd.f32 v38, v37;
	v42 =	vperm.xlane v15, v3;
	v55 =	vperm.xlane v13, v3  }
0x2a6: {  	v58 =	vperm.xlane v17, v3;
	v12 =	vadd.f32 v57, v12;
	v25 =	vperm.xlane v11, v2  }
0x2a7: {  	v37 =	vperm.xlane v40, v1;
	v33 =	vadd.f32 v31, v24;
	v15 =	vadd.f32 v42, v15  }
0x2a8: {  	v28 =	vperm.xlane v0, v3;
	v13 =	vadd.f32 v55, v13;
	v17 =	vadd.f32 v58, v17  }
0x2a9: {  	v61 =	vperm.xlane v12, v3;
	v6 =	vsel vm12, v6, v20;
	v11 =	vadd.f32 v25, v11  }
0x2aa: {  	v31 =	vperm.xlane v16, v1;
	v0 =	vadd.f32 v28, v0;
	v47 =	vperm.xlane v15, v4  }
0x2ab: {  	v60 =	vperm.xlane v13, v4;
	v62 =	vperm.xlane v17, v4;
	v12 =	vadd.f32 v61, v12  }
0x2ac: {  	v29 =	vperm.xlane v11, v3;
	v32 =	vperm.xlane v0, v4;
	v15 =	vadd.f32 v47, v15  }
0x2ad: {  	v36 =	vperm.xlane v33, v4;
	v13 =	vadd.f32 v60, v13;
	v17 =	vadd.f32 v62, v17  }
0x2ae: {  	v23 =	vperm.xlane v12, v4;
	v11 =	vadd.f32 v29, v11;
	v0 =	vadd.f32 v32, v0  }
0x2af: {  	vm10 =	vgt.f32 v15, $0.0e+00;
	v15 =	vadd.f32 v54, v50;
	vm13 =	vgt.f32 v13, $0.0e+00  }
0x2b0: {  	vm14 =	vgt.f32 v17, $0.0e+00;
	v12 =	vadd.f32 v23, v12;
	v32 =	vperm.xlane v9, v2  }
0x2b1: {  	v17 =	vperm.xlane v10, v2;
	vm8 =	vgt.f32 v0, $0.0e+00;
	v0 =	vadd.f32 v36, v33  }
0x2b2: {  	v35 =	vperm.xlane v11, v4;
	v56 =	vsel vm10, $0x40000000, v5;
	v24 =	vsel vm13, $0x42000000, v5  }
0x2b3: {  	v33 =	vadd.f32 v31, v16;
	vm9 =	vgt.f32 v0, $0.0e+00;
	v0 =	vadd.f32 v39, v21  }
0x2b4: {  	vm4 =	vgt.f32 v12, $0.0e+00;
	v9 =	vadd.f32 v32, v9;
	v10 =	vadd.f32 v17, v10  }
0x2b5: {  	v11 =	vadd.f32 v35, v11;
	v41 =	vsel vm8, $0x41000000, v5;
	v45 =	vperm.xlane v0, v3  }
0x2b6: {  	v18 =	vadd.f32 v41, v18;
	v36 =	vperm.xlane v33, v2;
	v38 =	vperm.xlane v9, v3  }
0x2b7: {  	v17 =	vperm.xlane v10, v3;
	v44 =	vsel vm9, $0x40800000, v5;
	v0 =	vadd.f32 v45, v0  }
0x2b8: {  	v39 =	vperm.xlane v8, v2;
	v41 =	vperm.xlane v7, v1;
	v18 =	vadd.f32 v44, v18  }
0x2b9: {  	v12 =	vadd.f32 v36, v33;
	v9 =	vadd.f32 v38, v9;
	v52 =	vperm.xlane v0, v4  }
0x2ba: {  	v30 =	vsel vm4, $0x40800000, v5;
	v10 =	vadd.f32 v17, v10;
	v8 =	vadd.f32 v39, v8  }
0x2bb: {  	vm9 =	vgt.f32 v11, $0.0e+00;
	v7 =	vadd.f32 v41, v7;
	v0 =	vadd.f32 v52, v0  }
0x2bc: {  	v62 =	vsel vm9, $0x40000000, v5;
	v18 =	vadd.f32 v56, v18;
	v42 =	vperm.xlane v12, v3  }
0x2bd: {  	v44 =	vperm.xlane v10, v4;
	vm11 =	vgt.f32 v0, $0.0e+00;
	v0 =	vperm.xlane v15, v3  }
0x2be: {  	v45 =	vperm.xlane v14, v1;
	v46 =	vperm.xlane v8, v3;
	v12 =	vadd.f32 v42, v12  }
0x2bf: {  	v47 =	vperm.xlane v7, v2;
	v0 =	vadd.f32 v0, v15;
	v15 =	vadd.f32 v37, v40  }
0x2c0: {  	v60 =	vperm.xlane v9, v4;
	v14 =	vadd.f32 v45, v14;
	v8 =	vadd.f32 v46, v8  }
0x2c1: {  	v10 =	vadd.f32 v44, v10;
	v48 =	vperm.xlane v12, v4;
	v43 =	vperm.xlane v15, v2  }
0x2c2: {  	v7 =	vadd.f32 v47, v7;
	v50 =	vperm.xlane v14, v2;
	v51 =	vperm.xlane v8, v4  }
0x2c3: {  	vm5 =	vgt.f32 v10, $0.0e+00;
	v12 =	vadd.f32 v48, v12;
	v13 =	vadd.f32 v43, v15  }
0x2c4: {  	v53 =	vperm.xlane v7, v3;
	v10 =	vadd.f32 v50, v14;
	v8 =	vadd.f32 v51, v8  }
0x2c5: {  	v59 =	vsel vm11, $0x3F800000, v5;
	v22 =	vperm.xlane v0, v4;
	v49 =	vperm.xlane v13, v3  }
0x2c6: {  	v52 =	vsel vm5, $0x42000000, v5;
	v7 =	vadd.f32 v53, v7;
	v18 =	vadd.f32 v59, v18  }
0x2c7: {  	vm6 =	vgt.f32 v12, $0.0e+00;
	v0 =	vadd.f32 v22, v0;
	v13 =	vadd.f32 v49, v13  }
0x2c8: {  	v56 =	vperm.xlane v10, v3;
	vm7 =	vgt.f32 v8, $0.0e+00;
	v59 =	vperm.xlane v7, v4  }
0x2c9: {  	vm15 =	vgt.f32 v0, $0.0e+00;
	v0 =	vsel vm14, $0x41800000, v5;
	v54 =	vperm.xlane v13, v4  }
0x2ca: {  	v55 =	vsel vm6, $0x41800000, v5;
	v10 =	vadd.f32 v56, v10;
	v0 =	vadd.f32 v0, v24  }
0x2cb: {  	v15 =	vadd.f32 v55, v52;
	v28 =	vsel vm15, $0x41000000, v5;
	v57 =	vadd.f32 v54, v13  }
0x2cc: {  	v58 =	vsel vm7, $0x41000000, v5;
	v7 =	vadd.f32 v59, v7;
	v0 =	vadd.f32 v28, v0  }
0x2cd: {  	v61 =	vperm.xlane v10, v4;
	v12 =	vadd.f32 v58, v15;
	vm8 =	vgt.f32 v57, $0.0e+00  }
0x2ce: {  	v9 =	vadd.f32 v60, v9;
	v0 =	vadd.f32 v30, v0;
	v8 =	vsel vm8, $0x40800000, v5  }
0x2cf: {  	vm10 =	vgt.f32 v7, $0.0e+00;
	v7 =	vadd.f32 v61, v10;
	v8 =	vadd.f32 v8, v12  }
0x2d0: {  	vm11 =	vgt.f32 v9, $0.0e+00;
	v63 =	vsel vm10, $0x40000000, v5;
	v0 =	vadd.f32 v62, v0  }
.Ltmp7:
0x2d1: {  	vm12 =	vgt.f32 v7, $0.0e+00;
	v7 =	vsel vm11, $0x3F800000, v5;
	v8 =	vadd.f32 v63, v8;
	(pc) =	sbr.rel @!p0 .LBB2_14-.Ltmp7, $4  }
0x2d2: {  	vm13 =	vmmov $0x1fff;
	v0 =	vadd.f32 v7, v0;
	v7 =	vsel vm12, $0x3F800000, v5  }
0x2d3: {  	v6 =	vsel vm13, v6, v18;
	vm14 =	vmmov $0x3fff;
	v7 =	vadd.f32 v7, v8  }
0x2d4: {  	vm15 =	vmmov $0x7fff;
	v0 =	vsel vm14, v6, v0  }
0x2d5: {  	s20 =	sshra.s32 s20, $0x2;
	v0 =	vsel vm15, v0, v7  }
.Ltmp8:
0x2d6: {  	(pc) =	sbr.rel .LBB2_4-.Ltmp8, $3  }
0x2d7: {  	_ =	sdelay $0x1  }
0x2d8: {  	[tilespmem:s13], [sflag:$0x2] =	stream.linear.gather [hbm4b:s7+s2], $0x8000, $0x38;
	[tilespmem:$0x18100] =	vst v63  }
0x2d9: {  	p0 =	por $0x0, $0x0;
	[tilespmem:s20+$0x18000] =	vst v0;
	s20 =	simm.s32 $0x40  }
.LBB2_15:
0x2da: {  	_ =	sfence.sel $0x180000  }
0x2db: {  	[bflag:$0x0] =	sbarrier.arrive $0xFFFF  }
0x2dc: {  	p0 =	sne.s32 s3, $0x0;
	_ =	strace $0x90000047  }
0x2dd: {  	s0 =	sadd.s32 @!p0 $0x100000, s1;
	[bflag:$0x2] =	sbarrier.arrive $0xFFFF  }
0x2de: {  	[sflag:s0] =	ssyncadd.tile.s32 @!p0 $0x1;
	_ =	shalt  }
.Lfunc_end2:
_tile_overlayer_lowered:
.L_overlay_start_2:
0x2df: {  	(tag) =	ssettag $0x2  }
0x2e0: {  	s0 =	rddreg [dreg:$0x0];
	s2 =	stileid.u32  }
0x2e1: {  	s1 =	rddreg [dreg:$0x1];
	p0 =	sne.s32 s2, $0x0  }
0x2e2: {  	s3 =	rddreg [dreg:$0x2];
	[bflag:$0x3] =	sbarrier.arrive $0xFFFF;
	s2 =	simm.s32 @!p0 $0x1C03  }
0x2e3: {  	[timem:s3], [sflag:s2] =	dma.local @!p0 [hbm:s0], s1  }
0x2e4: {  	s0 =	simm.s32 @!p0 $0x3  }
0x2e5: {  	_ =	swait.ge @!p0 [sflag:s0], s1  }
0x2e6: {  	s1 =	ssub.s32 @!p0 $0x0, s1;
	[sflag:s0] =	ssyncset.done @!p0 $0x0  }
0x2e7: {  	[sflag:s0] =	ssyncadd.s32 @!p0 s1  }
0x2e8: {  	[bflag:$0x3] =	sbarrier.arrive $0xFFFF  }
0x2e9: {  	_ =	shalt  }

</sc_bundles>
